<compile_context>
chip_gen: v7x
topology: tpu7x:2x2x1
jax: 0.10.2.dev20260603
libtpu: 0.0.44.dev20260713+nightly
codegen_flags: <defaults>
</compile_context>

<pallas_src>
import jax
import jax.numpy as jnp
from jax import lax
from jax.experimental import pallas as pl
from jax.experimental.pallas import tpu as pltpu
from jax.experimental.pallas import tpu_sc as plsc

_N = 100000
_E = 6400000
_NP = 100352
_ROWS = _NP // 128
_CHUNK = 2048
_CROWS = _CHUNK // 128
_NCHUNKS = _E // _CHUNK
_NW = 32
_SL = 6400


def _sc_body(nf_hbm, ei_hbm, ef_hbm, w_hbm, z_hbm, agg_hbm,
             nf_v, src_v, dst_v, ef_v, d2d_v, msg_v, w_v,
             agg_sh, sem_in, sem_sc):
    c = lax.axis_index("c")
    s = lax.axis_index("s")
    wid = s * 2 + c

    def _in_copies(i, buf):
        off = (wid + _NW * i) * _CHUNK
        boff = buf * _CHUNK
        return (
            pltpu.make_async_copy(ei_hbm.at[0, pl.ds(off, _CHUNK)],
                                  src_v.at[pl.ds(boff, _CHUNK)], sem_in),
            pltpu.make_async_copy(ei_hbm.at[1, pl.ds(off, _CHUNK)],
                                  dst_v.at[pl.ds(boff, _CHUNK)], sem_in),
            pltpu.make_async_copy(ef_hbm.at[pl.ds(off, _CHUNK)],
                                  ef_v.at[pl.ds(boff, _CHUNK)], sem_in),
        )

    def _scat_copies(buf):
        return [pltpu.make_async_copy(msg_v.at[buf, j],
                                      agg_sh.at[d2d_v.at[buf, j]],
                                      sem_sc.at[buf]) for j in range(_CROWS)]

    @pl.when(s < 15)
    def _():
        pltpu.sync_copy(z_hbm.at[pl.ds(s * _SL, _SL)],
                        agg_sh.at[pl.ds(s * _SL, _SL)])

    @pl.when(s == 15)
    def _():
        pltpu.sync_copy(z_hbm.at[pl.ds(15 * _SL, _NP - 15 * _SL)],
                        agg_sh.at[pl.ds(15 * _SL, _NP - 15 * _SL)])

    pltpu.sync_copy(nf_hbm, nf_v)
    pltpu.sync_copy(w_hbm, w_v)

    n_chunks = jnp.where(wid < _NCHUNKS % _NW, _NCHUNKS // _NW + 1,
                         _NCHUNKS // _NW)

    for cp in _in_copies(jnp.int32(0), jnp.int32(0)):
        cp.start()
    plsc.subcore_barrier()

    w0 = w_v[0]
    w1 = w_v[1]
    w2 = w_v[2]
    bm = w_v[3]

    def _chunk(i, carry):
        b = lax.rem(i, 2)
        boff = b * _CHUNK
        for cp in _in_copies(i, b):
            cp.wait()

        @pl.when(i + 1 < n_chunks)
        def _():
            for cp in _in_copies(i + 1, 1 - b):
                cp.start()

        @pl.when(i >= 2)
        def _():
            for cp in _scat_copies(b):
                cp.wait()

        @plsc.parallel_loop(0, _CROWS, 1, unroll=4)
        def _(j):
            for p in range(8):
                i16 = boff + j * 128 + p * 16
                si = src_v[pl.ds(i16, 16)]
                di = dst_v[pl.ds(i16, 16)]
                a = plsc.load_gather(nf_v, [si])
                bb = plsc.load_gather(nf_v, [di])
                e = ef_v[pl.ds(i16, 16)]
                m = jnp.maximum(a * w0 + bb * w1 + e * w2 + bm, 0.0)
                d2d_v[b, j, pl.ds(p * 16, 16)] = di
                msg_v[b, j, pl.ds(p * 16, 16)] = m

        for cp in _scat_copies(b):
            cp.start(add=True)
        return carry

    lax.fori_loop(0, n_chunks, _chunk, 0)

    for bb in range(2):
        for cp in _scat_copies(jnp.int32(bb)):
            cp.wait()
    plsc.subcore_barrier()

    @pl.when(s < 15)
    def _():
        pltpu.sync_copy(agg_sh.at[pl.ds(s * _SL, _SL)],
                        agg_hbm.at[c, pl.ds(s * _SL, _SL)])

    @pl.when(s == 15)
    def _():
        pltpu.sync_copy(agg_sh.at[pl.ds(15 * _SL, _NP - 15 * _SL)],
                        agg_hbm.at[c, pl.ds(15 * _SL, _NP - 15 * _SL)])


def _tc_body(agg_ref, nf_ref, w_ref, out_ref):
    a = agg_ref[0] + agg_ref[1]
    u0 = w_ref[0, 0]
    u1 = w_ref[1, 0]
    bu = w_ref[2, 0]
    o0 = w_ref[3, 0]
    bo = w_ref[4, 0]
    unf = jnp.maximum(nf_ref[...] * u0 + a * u1 + bu, 0.0)
    x = unf * o0 + bo
    h = 1.0 / (1.0 + jnp.exp(-x))
    rows = lax.broadcasted_iota(jnp.int32, (_ROWS, 128), 0)
    cols = lax.broadcasted_iota(jnp.int32, (_ROWS, 128), 1)
    valid = rows * 128 + cols < _N
    rd = jnp.sum(jnp.where(valid, h, 0.0))
    out_ref[0, 0] = 1.0 / (1.0 + jnp.exp(-rd))


def _sc_agg(nf_flat, edge_index, ef_flat, wsc):
    mesh = plsc.VectorSubcoreMesh(core_axis_name="c", subcore_axis_name="s")
    return pl.kernel(
        _sc_body,
        out_type=jax.ShapeDtypeStruct((2, _NP), jnp.float32),
        mesh=mesh,
        compiler_params=pltpu.CompilerParams(needs_layout_passes=False),
        scratch_types=[
            pltpu.VMEM((_N,), jnp.float32),
            pltpu.VMEM((2 * _CHUNK,), jnp.int32),
            pltpu.VMEM((2 * _CHUNK,), jnp.int32),
            pltpu.VMEM((2 * _CHUNK,), jnp.float32),
            pltpu.VMEM((2, _CROWS, 128), jnp.int32),
            pltpu.VMEM((2, _CROWS, 128), jnp.float32),
            pltpu.VMEM((4, 16), jnp.float32),
            pltpu.VMEM_SHARED((_NP,), jnp.float32),
            pltpu.SemaphoreType.DMA,
            pltpu.SemaphoreType.DMA((2,)),
        ],
    )(nf_flat, edge_index, ef_flat, wsc, jnp.zeros((_NP,), jnp.float32))


def kernel(nf, ef, edge_index, W_msg, b_msg, W_upd, b_upd, W_out, b_out):
    nf_flat = nf.reshape(_N)
    ef_flat = ef.reshape(_E)
    wsc = jnp.broadcast_to(
        jnp.stack([W_msg[0, 0], W_msg[1, 0], W_msg[2, 0],
                   b_msg[0]]).reshape(4, 1), (4, 16))

    agg2 = _sc_agg(nf_flat, edge_index, ef_flat, wsc)

    aggr = agg2.reshape(2, _ROWS, 128)
    nfp = jnp.zeros((_NP,), jnp.float32).at[:_N].set(nf_flat).reshape(
        _ROWS, 128)
    wtc = jnp.broadcast_to(
        jnp.stack([W_upd[0, 0], W_upd[1, 0], b_upd[0], W_out[0, 0], b_out[0],
                   jnp.float32(0.0), jnp.float32(0.0),
                   jnp.float32(0.0)]).reshape(8, 1), (8, 128))

    out = pl.pallas_call(
        _tc_body,
        out_shape=jax.ShapeDtypeStruct((1, 1), jnp.float32),
        out_specs=pl.BlockSpec(memory_space=pltpu.SMEM),
    )(aggr, nfp, wtc)
    return out.reshape(1)

# --- scband reference (transcript-rebuilt; emitter-appended) ---
"""Pipeline reference for scband-gmodule-841813590082 (READ-ONLY COPY).

The authoritative reference and input builder live on the scoring server;
editing this copy changes nothing except your own understanding.
"""

import jax, jax.numpy as jnp
import numpy as np

N = 100000
E = 6400000


def setup_inputs(seed: int = 0) -> dict:
    key = jax.random.key(seed)
    ks = jax.random.split(key, 10)
    nf = jax.random.normal(ks[0], (N, 1), dtype=jnp.float32)
    ef = jax.random.normal(ks[1], (E, 1), dtype=jnp.float32)
    edge_index = jax.random.randint(ks[2], (2, E), 0, N)
    # MPNN edge/message MLP: input [nf_src, nf_dst, ef] -> hidden dim 1
    W_msg = jax.random.normal(ks[3], (3, 1), dtype=jnp.float32) * 0.5
    b_msg = jnp.zeros((1,), dtype=jnp.float32)
    # Node update MLP: input [nf, agg] -> out dim 1
    W_upd = jax.random.normal(ks[4], (2, 1), dtype=jnp.float32) * 0.5
    b_upd = jnp.zeros((1,), dtype=jnp.float32)
    # Readout MLP(1,1) with Sigmoid output activation
    W_out = jax.random.normal(ks[5], (1, 1), dtype=jnp.float32) * 0.5
    b_out = jnp.zeros((1,), dtype=jnp.float32)
    return {"nf": nf, "ef": ef, "edge_index": edge_index,
            "W_msg": W_msg, "b_msg": b_msg,
            "W_upd": W_upd, "b_upd": b_upd,
            "W_out": W_out, "b_out": b_out}


def reference(nf, ef, edge_index, W_msg, b_msg, W_upd, b_upd, W_out, b_out):
    src = edge_index[0]
    dst = edge_index[1]
    # MPNNLayer: message = MLP([h_src, h_dst, e]); aggregate = sum over incoming edges
    m_in = jnp.concatenate([jnp.take(nf, src, axis=0),
                            jnp.take(nf, dst, axis=0),
                            ef], axis=1)
    msg = jax.nn.relu(m_in @ W_msg + b_msg)
    agg = jax.ops.segment_sum(msg, dst, num_segments=N)
    # node update: unf = MLP([nf, agg])
    unf = jax.nn.relu(jnp.concatenate([nf, agg], axis=1) @ W_upd + b_upd)
    # MLP(1, 1, out_act='Sigmoid')
    h = jax.nn.sigmoid(unf @ W_out + b_out)
    # BasicReadout('sum'): sum over all nodes (single graph in batch)
    rd = jnp.sum(h, axis=0)
    return jax.nn.sigmoid(rd)

if __name__ == "__main__":
    import jax
    _d = setup_inputs()
    print(jax.jit(kernel)(*tuple(_d.values())))

</pallas_src>

<mosaic_0001>
#map = affine_map<(d0, d1) -> (0)>
#map1 = affine_map<(d0, d1) -> (0, 0)>
module attributes {stable_mosaic.version = 14 : i64} {
  func.func @_sc_body(%arg0: i32, %arg1: i32, %arg2: memref<100000xf32, #tpu.memory_space<hbm>>, %arg3: memref<2x6400000xi32, #tpu.memory_space<hbm>>, %arg4: memref<6400000xf32, #tpu.memory_space<hbm>>, %arg5: memref<4x16xf32, #tpu.memory_space<hbm>>, %arg6: memref<100352xf32, #tpu.memory_space<hbm>>, %arg7: memref<2x100352xf32, #tpu.memory_space<hbm>>, %arg8: memref<100000xf32, #tpu.memory_space<vmem>>, %arg9: memref<4096xi32, #tpu.memory_space<vmem>>, %arg10: memref<4096xi32, #tpu.memory_space<vmem>>, %arg11: memref<4096xf32, #tpu.memory_space<vmem>>, %arg12: memref<2x16x128xi32, #tpu.memory_space<vmem>>, %arg13: memref<2x16x128xf32, #tpu.memory_space<vmem>>, %arg14: memref<4x16xf32, #tpu.memory_space<vmem>>, %arg15: memref<100352xf32, #tpu.memory_space<vmem_shared>>, %arg16: memref<!tpu.dma_semaphore, #tpu.memory_space<semaphore_mem>>, %arg17: memref<2x!tpu.dma_semaphore, #tpu.memory_space<semaphore_mem>>) attributes {dimension_semantics = [#tpu.dimension_semantics<core_parallel>, #tpu.dimension_semantics<subcore_parallel>], iteration_bounds = array<i64: 2, 16>, scalar_prefetch = 0 : i64, scratch_operands = 10 : i64, tpu.core_type = #tpu.core_type<sc_vector_subcore>, window_params = [{transform_indices = #map}, {transform_indices = #map1}, {transform_indices = #map}, {transform_indices = #map1}, {transform_indices = #map}, {transform_indices = #map1}]} {
    %mul3A = arith.constant 2 : i32
    %mul3A_0 = arith.muli %arg1, %mul3A : i32
    %add3A = arith.addi %mul3A_0, %arg0 : i32
    %lt3A = arith.constant 15 : i32
    %lt3A_1 = arith.cmpi slt, %arg1, %lt3A : i32
    %convert_element_type3A = arith.extui %lt3A_1 : i1 to i32
    %cond3A = arith.constant 0 : i32
    %cond3A_2 = arith.cmpi ne, %convert_element_type3A, %cond3A : i32
    scf.if %cond3A_2 {
      %mul3A_550 = arith.constant 6400 : i32
      %mul3A_551 = arith.muli %arg1, %mul3A_550 : i32
      %mul3A_552 = arith.constant 6400 : i32
      %mul3A_553 = arith.muli %arg1, %mul3A_552 : i32
      "tpu.region"() ({
        %run_scoped3A = tpu.sem_alloc : memref<!tpu.dma_semaphore, #tpu.memory_space<semaphore_mem>>
        %dma_start3A_554 = tpu.memref_slice %arg15[%mul3A_553] : memref<100352xf32, #tpu.memory_space<vmem_shared>> -> memref<6400xf32, #tpu.memory_space<vmem_shared>>
        %dma_start3A_555 = tpu.memref_slice %arg6[%mul3A_551] : memref<100352xf32, #tpu.memory_space<hbm>> -> memref<6400xf32, #tpu.memory_space<hbm>>
        tpu.enqueue_dma source(%dma_start3A_555 : memref<6400xf32, #tpu.memory_space<hbm>>) target(%dma_start3A_554 : memref<6400xf32, #tpu.memory_space<vmem_shared>>) target_semaphore(%run_scoped3A : memref<!tpu.dma_semaphore, #tpu.memory_space<semaphore_mem>>)
        %dma_wait3A_556 = tpu.memref_slice %arg15[%mul3A_553] : memref<100352xf32, #tpu.memory_space<vmem_shared>> -> memref<6400xf32, #tpu.memory_space<vmem_shared>>
        %dma_wait3A_557 = tpu.memref_slice %arg6[%mul3A_551] : memref<100352xf32, #tpu.memory_space<hbm>> -> memref<6400xf32, #tpu.memory_space<hbm>>
        tpu.wait_dma2 semaphore(%run_scoped3A : memref<!tpu.dma_semaphore, #tpu.memory_space<semaphore_mem>>) src(%dma_wait3A_557 : memref<6400xf32, #tpu.memory_space<hbm>>) dst(%dma_wait3A_556 : memref<6400xf32, #tpu.memory_space<vmem_shared>>)
        tpu.yield
      }) : () -> ()
    } else {
    }
    %eq3A = arith.constant 15 : i32
    %eq3A_3 = arith.cmpi eq, %arg1, %eq3A : i32
    %convert_element_type3A_4 = arith.extui %eq3A_3 : i1 to i32
    %cond3A_5 = arith.constant 0 : i32
    %cond3A_6 = arith.cmpi ne, %convert_element_type3A_4, %cond3A_5 : i32
    scf.if %cond3A_6 {
      "tpu.region"() ({
        %run_scoped3A = tpu.sem_alloc : memref<!tpu.dma_semaphore, #tpu.memory_space<semaphore_mem>>
        %dma_start3A_550 = arith.constant 96000 : i32
        %dma_start3A_551 = tpu.memref_slice %arg15[%dma_start3A_550] : memref<100352xf32, #tpu.memory_space<vmem_shared>> -> memref<4352xf32, #tpu.memory_space<vmem_shared>>
        %dma_start3A_552 = arith.constant 96000 : i32
        %dma_start3A_553 = tpu.memref_slice %arg6[%dma_start3A_552] : memref<100352xf32, #tpu.memory_space<hbm>> -> memref<4352xf32, #tpu.memory_space<hbm>>
        tpu.enqueue_dma source(%dma_start3A_553 : memref<4352xf32, #tpu.memory_space<hbm>>) target(%dma_start3A_551 : memref<4352xf32, #tpu.memory_space<vmem_shared>>) target_semaphore(%run_scoped3A : memref<!tpu.dma_semaphore, #tpu.memory_space<semaphore_mem>>)
        %dma_wait3A_554 = arith.constant 96000 : i32
        %dma_wait3A_555 = tpu.memref_slice %arg15[%dma_wait3A_554] : memref<100352xf32, #tpu.memory_space<vmem_shared>> -> memref<4352xf32, #tpu.memory_space<vmem_shared>>
        %dma_wait3A_556 = arith.constant 96000 : i32
        %dma_wait3A_557 = tpu.memref_slice %arg6[%dma_wait3A_556] : memref<100352xf32, #tpu.memory_space<hbm>> -> memref<4352xf32, #tpu.memory_space<hbm>>
        tpu.wait_dma2 semaphore(%run_scoped3A : memref<!tpu.dma_semaphore, #tpu.memory_space<semaphore_mem>>) src(%dma_wait3A_557 : memref<4352xf32, #tpu.memory_space<hbm>>) dst(%dma_wait3A_555 : memref<4352xf32, #tpu.memory_space<vmem_shared>>)
        tpu.yield
      }) : () -> ()
    } else {
    }
    "tpu.region"() ({
      %run_scoped3A = tpu.sem_alloc : memref<!tpu.dma_semaphore, #tpu.memory_space<semaphore_mem>>
      tpu.enqueue_dma source(%arg2 : memref<100000xf32, #tpu.memory_space<hbm>>) target(%arg8 : memref<100000xf32, #tpu.memory_space<vmem>>) target_semaphore(%run_scoped3A : memref<!tpu.dma_semaphore, #tpu.memory_space<semaphore_mem>>)
      tpu.wait_dma2 semaphore(%run_scoped3A : memref<!tpu.dma_semaphore, #tpu.memory_space<semaphore_mem>>) src(%arg2 : memref<100000xf32, #tpu.memory_space<hbm>>) dst(%arg8 : memref<100000xf32, #tpu.memory_space<vmem>>)
      tpu.yield
    }) : () -> ()
    "tpu.region"() ({
      %run_scoped3A = tpu.sem_alloc : memref<!tpu.dma_semaphore, #tpu.memory_space<semaphore_mem>>
      tpu.enqueue_dma source(%arg5 : memref<4x16xf32, #tpu.memory_space<hbm>>) target(%arg14 : memref<4x16xf32, #tpu.memory_space<vmem>>) target_semaphore(%run_scoped3A : memref<!tpu.dma_semaphore, #tpu.memory_space<semaphore_mem>>)
      tpu.wait_dma2 semaphore(%run_scoped3A : memref<!tpu.dma_semaphore, #tpu.memory_space<semaphore_mem>>) src(%arg5 : memref<4x16xf32, #tpu.memory_space<hbm>>) dst(%arg14 : memref<4x16xf32, #tpu.memory_space<vmem>>)
      tpu.yield
    }) : () -> ()
    %lt3A_7 = arith.constant 21 : i32
    %lt3A_8 = arith.cmpi slt, %add3A, %lt3A_7 : i32
    %jit3A = arith.constant 98 : i32
    %jit3A_9 = arith.constant 97 : i32
    %select_n3A = arith.select %lt3A_8, %jit3A, %jit3A_9 : i32
    %mul3A_10 = arith.constant 32 : i32
    %mul3A_11 = arith.constant 0 : i32
    %mul3A_12 = arith.muli %mul3A_10, %mul3A_11 : i32
    %add3A_13 = arith.addi %add3A, %mul3A_12 : i32
    %mul3A_14 = arith.constant 2048 : i32
    %mul3A_15 = arith.muli %add3A_13, %mul3A_14 : i32
    %mul3A_16 = arith.constant 0 : i32
    %mul3A_17 = arith.constant 2048 : i32
    %mul3A_18 = arith.muli %mul3A_16, %mul3A_17 : i32
    %dma_start3A = arith.constant 0 : i32
    %dma_start3A_19 = tpu.memref_slice %arg9[%mul3A_18] : memref<4096xi32, #tpu.memory_space<vmem>> -> memref<2048xi32, #tpu.memory_space<vmem>>
    %dma_start3A_20 = tpu.memref_slice %arg3[%dma_start3A, %mul3A_15] : memref<2x6400000xi32, #tpu.memory_space<hbm>> -> memref<1x2048xi32, #tpu.memory_space<hbm>>
    %dma_start3A_21 = tpu.memref_squeeze %dma_start3A_20 : memref<1x2048xi32, #tpu.memory_space<hbm>> -> memref<2048xi32, #tpu.memory_space<hbm>>
    %dma_start3A_22 = tpu.memref_slice %arg9[%mul3A_18] : memref<4096xi32, #tpu.memory_space<vmem>> -> memref<2048xi32, #tpu.memory_space<vmem>>
    %dma_start3A_23 = tpu.memref_slice %arg3[%dma_start3A, %mul3A_15] : memref<2x6400000xi32, #tpu.memory_space<hbm>> -> memref<1x2048xi32, #tpu.memory_space<hbm>>
    %dma_start3A_24 = tpu.memref_squeeze %dma_start3A_23 : memref<1x2048xi32, #tpu.memory_space<hbm>> -> memref<2048xi32, #tpu.memory_space<hbm>>
    tpu.enqueue_dma source(%dma_start3A_24 : memref<2048xi32, #tpu.memory_space<hbm>>) target(%dma_start3A_22 : memref<2048xi32, #tpu.memory_space<vmem>>) target_semaphore(%arg16 : memref<!tpu.dma_semaphore, #tpu.memory_space<semaphore_mem>>)
    %dma_start3A_25 = arith.constant 1 : i32
    %dma_start3A_26 = tpu.memref_slice %arg10[%mul3A_18] : memref<4096xi32, #tpu.memory_space<vmem>> -> memref<2048xi32, #tpu.memory_space<vmem>>
    %dma_start3A_27 = tpu.memref_slice %arg3[%dma_start3A_25, %mul3A_15] : memref<2x6400000xi32, #tpu.memory_space<hbm>> -> memref<1x2048xi32, #tpu.memory_space<hbm>>
    %dma_start3A_28 = tpu.memref_squeeze %dma_start3A_27 : memref<1x2048xi32, #tpu.memory_space<hbm>> -> memref<2048xi32, #tpu.memory_space<hbm>>
    %dma_start3A_29 = tpu.memref_slice %arg10[%mul3A_18] : memref<4096xi32, #tpu.memory_space<vmem>> -> memref<2048xi32, #tpu.memory_space<vmem>>
    %dma_start3A_30 = tpu.memref_slice %arg3[%dma_start3A_25, %mul3A_15] : memref<2x6400000xi32, #tpu.memory_space<hbm>> -> memref<1x2048xi32, #tpu.memory_space<hbm>>
    %dma_start3A_31 = tpu.memref_squeeze %dma_start3A_30 : memref<1x2048xi32, #tpu.memory_space<hbm>> -> memref<2048xi32, #tpu.memory_space<hbm>>
    tpu.enqueue_dma source(%dma_start3A_31 : memref<2048xi32, #tpu.memory_space<hbm>>) target(%dma_start3A_29 : memref<2048xi32, #tpu.memory_space<vmem>>) target_semaphore(%arg16 : memref<!tpu.dma_semaphore, #tpu.memory_space<semaphore_mem>>)
    %dma_start3A_32 = tpu.memref_slice %arg11[%mul3A_18] : memref<4096xf32, #tpu.memory_space<vmem>> -> memref<2048xf32, #tpu.memory_space<vmem>>
    %dma_start3A_33 = tpu.memref_slice %arg4[%mul3A_15] : memref<6400000xf32, #tpu.memory_space<hbm>> -> memref<2048xf32, #tpu.memory_space<hbm>>
    %dma_start3A_34 = tpu.memref_slice %arg11[%mul3A_18] : memref<4096xf32, #tpu.memory_space<vmem>> -> memref<2048xf32, #tpu.memory_space<vmem>>
    %dma_start3A_35 = tpu.memref_slice %arg4[%mul3A_15] : memref<6400000xf32, #tpu.memory_space<hbm>> -> memref<2048xf32, #tpu.memory_space<hbm>>
    tpu.enqueue_dma source(%dma_start3A_35 : memref<2048xf32, #tpu.memory_space<hbm>>) target(%dma_start3A_34 : memref<2048xf32, #tpu.memory_space<vmem>>) target_semaphore(%arg16 : memref<!tpu.dma_semaphore, #tpu.memory_space<semaphore_mem>>)
    %barrier3A = arith.constant 0 : index
    tpu.barrier barrier_id(%barrier3A)
    %get3A = arith.constant 0 : i32
    %get3A_36 = arith.index_cast %get3A : i32 to index
    %get3A_37 = arith.constant 0 : index
    %get3A_38 = tpu.vector_load %arg14[%get3A_36, %get3A_37] {strides = array<i32>} : memref<4x16xf32, #tpu.memory_space<vmem>>, vector<16xf32>,
    %get3A_39 = arith.constant 1 : i32
    %get3A_40 = arith.index_cast %get3A_39 : i32 to index
    %get3A_41 = arith.constant 0 : index
    %get3A_42 = tpu.vector_load %arg14[%get3A_40, %get3A_41] {strides = array<i32>} : memref<4x16xf32, #tpu.memory_space<vmem>>, vector<16xf32>,
    %get3A_43 = arith.constant 2 : i32
    %get3A_44 = arith.index_cast %get3A_43 : i32 to index
    %get3A_45 = arith.constant 0 : index
    %get3A_46 = tpu.vector_load %arg14[%get3A_44, %get3A_45] {strides = array<i32>} : memref<4x16xf32, #tpu.memory_space<vmem>>, vector<16xf32>,
    %get3A_47 = arith.constant 3 : i32
    %get3A_48 = arith.index_cast %get3A_47 : i32 to index
    %get3A_49 = arith.constant 0 : index
    %get3A_50 = tpu.vector_load %arg14[%get3A_48, %get3A_49] {strides = array<i32>} : memref<4x16xf32, #tpu.memory_space<vmem>>, vector<16xf32>,
    %while3A = arith.constant 0 : i32
    %while3A_51 = arith.constant 0 : i32
    %while3A_52 = arith.subi %select_n3A, %while3A_51 : i32
    %while3A_53 = arith.addi %while3A_51, %while3A_52 : i32
    %while3A_54 = arith.constant 1 : i32
    %while3A_55 = arith.divsi %while3A_52, %while3A_54 : i32
    %while3A_56 = arith.muli %while3A_55, %while3A_54 : i32
    %while3A_57 = arith.addi %while3A_51, %while3A_56 : i32
    %while3A_58 = arith.constant 1 : i32
    scf.for %while3A_550 = %while3A_51 to %while3A_57 step %while3A_58  : i32 {
      %rem3A = arith.constant 2 : i32
      %rem3A_551 = arith.remsi %while3A_550, %rem3A : i32
      %mul3A_552 = arith.constant 2048 : i32
      %mul3A_553 = arith.muli %rem3A_551, %mul3A_552 : i32
      %mul3A_554 = arith.constant 32 : i32
      %mul3A_555 = arith.muli %mul3A_554, %while3A_550 : i32
      %add3A_556 = arith.addi %add3A, %mul3A_555 : i32
      %mul3A_557 = arith.constant 2048 : i32
      %mul3A_558 = arith.muli %add3A_556, %mul3A_557 : i32
      %mul3A_559 = arith.constant 2048 : i32
      %mul3A_560 = arith.muli %rem3A_551, %mul3A_559 : i32
      %dma_wait3A_561 = arith.constant 0 : i32
      %dma_wait3A_562 = tpu.memref_slice %arg9[%mul3A_560] : memref<4096xi32, #tpu.memory_space<vmem>> -> memref<2048xi32, #tpu.memory_space<vmem>>
      %dma_wait3A_563 = tpu.memref_slice %arg3[%dma_wait3A_561, %mul3A_558] : memref<2x6400000xi32, #tpu.memory_space<hbm>> -> memref<1x2048xi32, #tpu.memory_space<hbm>>
      %dma_wait3A_564 = tpu.memref_squeeze %dma_wait3A_563 : memref<1x2048xi32, #tpu.memory_space<hbm>> -> memref<2048xi32, #tpu.memory_space<hbm>>
      %dma_wait3A_565 = tpu.memref_slice %arg9[%mul3A_560] : memref<4096xi32, #tpu.memory_space<vmem>> -> memref<2048xi32, #tpu.memory_space<vmem>>
      %dma_wait3A_566 = tpu.memref_slice %arg3[%dma_wait3A_561, %mul3A_558] : memref<2x6400000xi32, #tpu.memory_space<hbm>> -> memref<1x2048xi32, #tpu.memory_space<hbm>>
      %dma_wait3A_567 = tpu.memref_squeeze %dma_wait3A_566 : memref<1x2048xi32, #tpu.memory_space<hbm>> -> memref<2048xi32, #tpu.memory_space<hbm>>
      tpu.wait_dma2 semaphore(%arg16 : memref<!tpu.dma_semaphore, #tpu.memory_space<semaphore_mem>>) src(%dma_wait3A_567 : memref<2048xi32, #tpu.memory_space<hbm>>) dst(%dma_wait3A_565 : memref<2048xi32, #tpu.memory_space<vmem>>)
      %dma_wait3A_568 = arith.constant 1 : i32
      %dma_wait3A_569 = tpu.memref_slice %arg10[%mul3A_560] : memref<4096xi32, #tpu.memory_space<vmem>> -> memref<2048xi32, #tpu.memory_space<vmem>>
      %dma_wait3A_570 = tpu.memref_slice %arg3[%dma_wait3A_568, %mul3A_558] : memref<2x6400000xi32, #tpu.memory_space<hbm>> -> memref<1x2048xi32, #tpu.memory_space<hbm>>
      %dma_wait3A_571 = tpu.memref_squeeze %dma_wait3A_570 : memref<1x2048xi32, #tpu.memory_space<hbm>> -> memref<2048xi32, #tpu.memory_space<hbm>>
      %dma_wait3A_572 = tpu.memref_slice %arg10[%mul3A_560] : memref<4096xi32, #tpu.memory_space<vmem>> -> memref<2048xi32, #tpu.memory_space<vmem>>
      %dma_wait3A_573 = tpu.memref_slice %arg3[%dma_wait3A_568, %mul3A_558] : memref<2x6400000xi32, #tpu.memory_space<hbm>> -> memref<1x2048xi32, #tpu.memory_space<hbm>>
      %dma_wait3A_574 = tpu.memref_squeeze %dma_wait3A_573 : memref<1x2048xi32, #tpu.memory_space<hbm>> -> memref<2048xi32, #tpu.memory_space<hbm>>
      tpu.wait_dma2 semaphore(%arg16 : memref<!tpu.dma_semaphore, #tpu.memory_space<semaphore_mem>>) src(%dma_wait3A_574 : memref<2048xi32, #tpu.memory_space<hbm>>) dst(%dma_wait3A_572 : memref<2048xi32, #tpu.memory_space<vmem>>)
      %dma_wait3A_575 = tpu.memref_slice %arg11[%mul3A_560] : memref<4096xf32, #tpu.memory_space<vmem>> -> memref<2048xf32, #tpu.memory_space<vmem>>
      %dma_wait3A_576 = tpu.memref_slice %arg4[%mul3A_558] : memref<6400000xf32, #tpu.memory_space<hbm>> -> memref<2048xf32, #tpu.memory_space<hbm>>
      %dma_wait3A_577 = tpu.memref_slice %arg11[%mul3A_560] : memref<4096xf32, #tpu.memory_space<vmem>> -> memref<2048xf32, #tpu.memory_space<vmem>>
      %dma_wait3A_578 = tpu.memref_slice %arg4[%mul3A_558] : memref<6400000xf32, #tpu.memory_space<hbm>> -> memref<2048xf32, #tpu.memory_space<hbm>>
      tpu.wait_dma2 semaphore(%arg16 : memref<!tpu.dma_semaphore, #tpu.memory_space<semaphore_mem>>) src(%dma_wait3A_578 : memref<2048xf32, #tpu.memory_space<hbm>>) dst(%dma_wait3A_577 : memref<2048xf32, #tpu.memory_space<vmem>>)
      %add3A_579 = arith.constant 1 : i32
      %add3A_580 = arith.addi %while3A_550, %add3A_579 : i32
      %lt3A_581 = arith.cmpi slt, %add3A_580, %select_n3A : i32
      %convert_element_type3A_582 = arith.extui %lt3A_581 : i1 to i32
      %cond3A_583 = arith.constant 0 : i32
      %cond3A_584 = arith.cmpi ne, %convert_element_type3A_582, %cond3A_583 : i32
      scf.if %cond3A_584 {
        %add3A_783 = arith.constant 1 : i32
        %add3A_784 = arith.addi %while3A_550, %add3A_783 : i32
        %sub3A = arith.constant 1 : i32
        %sub3A_785 = arith.subi %sub3A, %rem3A_551 : i32
        %mul3A_786 = arith.constant 32 : i32
        %mul3A_787 = arith.muli %mul3A_786, %add3A_784 : i32
        %add3A_788 = arith.addi %add3A, %mul3A_787 : i32
        %mul3A_789 = arith.constant 2048 : i32
        %mul3A_790 = arith.muli %add3A_788, %mul3A_789 : i32
        %mul3A_791 = arith.constant 2048 : i32
        %mul3A_792 = arith.muli %sub3A_785, %mul3A_791 : i32
        %dma_start3A_793 = arith.constant 0 : i32
        %dma_start3A_794 = tpu.memref_slice %arg9[%mul3A_792] : memref<4096xi32, #tpu.memory_space<vmem>> -> memref<2048xi32, #tpu.memory_space<vmem>>
        %dma_start3A_795 = tpu.memref_slice %arg3[%dma_start3A_793, %mul3A_790] : memref<2x6400000xi32, #tpu.memory_space<hbm>> -> memref<1x2048xi32, #tpu.memory_space<hbm>>
        %dma_start3A_796 = tpu.memref_squeeze %dma_start3A_795 : memref<1x2048xi32, #tpu.memory_space<hbm>> -> memref<2048xi32, #tpu.memory_space<hbm>>
        %dma_start3A_797 = tpu.memref_slice %arg9[%mul3A_792] : memref<4096xi32, #tpu.memory_space<vmem>> -> memref<2048xi32, #tpu.memory_space<vmem>>
        %dma_start3A_798 = tpu.memref_slice %arg3[%dma_start3A_793, %mul3A_790] : memref<2x6400000xi32, #tpu.memory_space<hbm>> -> memref<1x2048xi32, #tpu.memory_space<hbm>>
        %dma_start3A_799 = tpu.memref_squeeze %dma_start3A_798 : memref<1x2048xi32, #tpu.memory_space<hbm>> -> memref<2048xi32, #tpu.memory_space<hbm>>
        tpu.enqueue_dma source(%dma_start3A_799 : memref<2048xi32, #tpu.memory_space<hbm>>) target(%dma_start3A_797 : memref<2048xi32, #tpu.memory_space<vmem>>) target_semaphore(%arg16 : memref<!tpu.dma_semaphore, #tpu.memory_space<semaphore_mem>>)
        %dma_start3A_800 = arith.constant 1 : i32
        %dma_start3A_801 = tpu.memref_slice %arg10[%mul3A_792] : memref<4096xi32, #tpu.memory_space<vmem>> -> memref<2048xi32, #tpu.memory_space<vmem>>
        %dma_start3A_802 = tpu.memref_slice %arg3[%dma_start3A_800, %mul3A_790] : memref<2x6400000xi32, #tpu.memory_space<hbm>> -> memref<1x2048xi32, #tpu.memory_space<hbm>>
        %dma_start3A_803 = tpu.memref_squeeze %dma_start3A_802 : memref<1x2048xi32, #tpu.memory_space<hbm>> -> memref<2048xi32, #tpu.memory_space<hbm>>
        %dma_start3A_804 = tpu.memref_slice %arg10[%mul3A_792] : memref<4096xi32, #tpu.memory_space<vmem>> -> memref<2048xi32, #tpu.memory_space<vmem>>
        %dma_start3A_805 = tpu.memref_slice %arg3[%dma_start3A_800, %mul3A_790] : memref<2x6400000xi32, #tpu.memory_space<hbm>> -> memref<1x2048xi32, #tpu.memory_space<hbm>>
        %dma_start3A_806 = tpu.memref_squeeze %dma_start3A_805 : memref<1x2048xi32, #tpu.memory_space<hbm>> -> memref<2048xi32, #tpu.memory_space<hbm>>
        tpu.enqueue_dma source(%dma_start3A_806 : memref<2048xi32, #tpu.memory_space<hbm>>) target(%dma_start3A_804 : memref<2048xi32, #tpu.memory_space<vmem>>) target_semaphore(%arg16 : memref<!tpu.dma_semaphore, #tpu.memory_space<semaphore_mem>>)
        %dma_start3A_807 = tpu.memref_slice %arg11[%mul3A_792] : memref<4096xf32, #tpu.memory_space<vmem>> -> memref<2048xf32, #tpu.memory_space<vmem>>
        %dma_start3A_808 = tpu.memref_slice %arg4[%mul3A_790] : memref<6400000xf32, #tpu.memory_space<hbm>> -> memref<2048xf32, #tpu.memory_space<hbm>>
        %dma_start3A_809 = tpu.memref_slice %arg11[%mul3A_792] : memref<4096xf32, #tpu.memory_space<vmem>> -> memref<2048xf32, #tpu.memory_space<vmem>>
        %dma_start3A_810 = tpu.memref_slice %arg4[%mul3A_790] : memref<6400000xf32, #tpu.memory_space<hbm>> -> memref<2048xf32, #tpu.memory_space<hbm>>
        tpu.enqueue_dma source(%dma_start3A_810 : memref<2048xf32, #tpu.memory_space<hbm>>) target(%dma_start3A_809 : memref<2048xf32, #tpu.memory_space<vmem>>) target_semaphore(%arg16 : memref<!tpu.dma_semaphore, #tpu.memory_space<semaphore_mem>>)
      } else {
      }
      %ge3A = arith.constant 2 : i32
      %ge3A_585 = arith.cmpi sge, %while3A_550, %ge3A : i32
      %convert_element_type3A_586 = arith.extui %ge3A_585 : i1 to i32
      %cond3A_587 = arith.constant 0 : i32
      %cond3A_588 = arith.cmpi ne, %convert_element_type3A_586, %cond3A_587 : i32
      scf.if %cond3A_588 {
        %dma_wait3A_783 = arith.constant 0 : i32
        %dma_wait3A_784 = arith.constant 0 : i32
        %dma_wait3A_785 = arith.constant 0 : i32
        %dma_wait3A_786 = tpu.memref_slice %arg13[%rem3A_551, %dma_wait3A_783, %dma_wait3A_785] : memref<2x16x128xf32, #tpu.memory_space<vmem>> -> memref<1x1x128xf32, #tpu.memory_space<vmem>>
        %dma_wait3A_787 = tpu.memref_squeeze %dma_wait3A_786 : memref<1x1x128xf32, #tpu.memory_space<vmem>> -> memref<128xf32, #tpu.memory_space<vmem>>
        %dma_wait3A_788 = arith.constant 0 : i32
        %dma_wait3A_789 = tpu.memref_slice %arg12[%rem3A_551, %dma_wait3A_784, %dma_wait3A_788] : memref<2x16x128xi32, #tpu.memory_space<vmem>> -> memref<1x1x128xi32, #tpu.memory_space<vmem>>
        %dma_wait3A_790 = tpu.memref_squeeze %dma_wait3A_789 : memref<1x1x128xi32, #tpu.memory_space<vmem>> -> memref<128xi32, #tpu.memory_space<vmem>>
        %dma_wait3A_791 = arith.constant 0 : i32
        %dma_wait3A_792 = tpu.memref_slice %arg15[%dma_wait3A_791] : memref<100352xf32, #tpu.memory_space<vmem_shared>> -> memref<100352xf32, #tpu.memory_space<vmem_shared>>
        %dma_wait3A_793 = tpu.memref_slice %arg17[%rem3A_551] : memref<2x!tpu.dma_semaphore, #tpu.memory_space<semaphore_mem>> -> memref<1x!tpu.dma_semaphore, #tpu.memory_space<semaphore_mem>>
        %dma_wait3A_794 = tpu.memref_squeeze %dma_wait3A_793 : memref<1x!tpu.dma_semaphore, #tpu.memory_space<semaphore_mem>> -> memref<!tpu.dma_semaphore, #tpu.memory_space<semaphore_mem>>
        tpu.wait_indirect_dma semaphore(%dma_wait3A_794 : memref<!tpu.dma_semaphore, #tpu.memory_space<semaphore_mem>>) src(%dma_wait3A_787 : memref<128xf32, #tpu.memory_space<vmem>>) dst(%dma_wait3A_792 : memref<100352xf32, #tpu.memory_space<vmem_shared>>)
        %dma_wait3A_795 = arith.constant 1 : i32
        %dma_wait3A_796 = arith.constant 1 : i32
        %dma_wait3A_797 = arith.constant 0 : i32
        %dma_wait3A_798 = tpu.memref_slice %arg13[%rem3A_551, %dma_wait3A_795, %dma_wait3A_797] : memref<2x16x128xf32, #tpu.memory_space<vmem>> -> memref<1x1x128xf32, #tpu.memory_space<vmem>>
        %dma_wait3A_799 = tpu.memref_squeeze %dma_wait3A_798 : memref<1x1x128xf32, #tpu.memory_space<vmem>> -> memref<128xf32, #tpu.memory_space<vmem>>
        %dma_wait3A_800 = arith.constant 0 : i32
        %dma_wait3A_801 = tpu.memref_slice %arg12[%rem3A_551, %dma_wait3A_796, %dma_wait3A_800] : memref<2x16x128xi32, #tpu.memory_space<vmem>> -> memref<1x1x128xi32, #tpu.memory_space<vmem>>
        %dma_wait3A_802 = tpu.memref_squeeze %dma_wait3A_801 : memref<1x1x128xi32, #tpu.memory_space<vmem>> -> memref<128xi32, #tpu.memory_space<vmem>>
        %dma_wait3A_803 = arith.constant 0 : i32
        %dma_wait3A_804 = tpu.memref_slice %arg15[%dma_wait3A_803] : memref<100352xf32, #tpu.memory_space<vmem_shared>> -> memref<100352xf32, #tpu.memory_space<vmem_shared>>
        %dma_wait3A_805 = tpu.memref_slice %arg17[%rem3A_551] : memref<2x!tpu.dma_semaphore, #tpu.memory_space<semaphore_mem>> -> memref<1x!tpu.dma_semaphore, #tpu.memory_space<semaphore_mem>>
        %dma_wait3A_806 = tpu.memref_squeeze %dma_wait3A_805 : memref<1x!tpu.dma_semaphore, #tpu.memory_space<semaphore_mem>> -> memref<!tpu.dma_semaphore, #tpu.memory_space<semaphore_mem>>
        tpu.wait_indirect_dma semaphore(%dma_wait3A_806 : memref<!tpu.dma_semaphore, #tpu.memory_space<semaphore_mem>>) src(%dma_wait3A_799 : memref<128xf32, #tpu.memory_space<vmem>>) dst(%dma_wait3A_804 : memref<100352xf32, #tpu.memory_space<vmem_shared>>)
        %dma_wait3A_807 = arith.constant 2 : i32
        %dma_wait3A_808 = arith.constant 2 : i32
        %dma_wait3A_809 = arith.constant 0 : i32
        %dma_wait3A_810 = tpu.memref_slice %arg13[%rem3A_551, %dma_wait3A_807, %dma_wait3A_809] : memref<2x16x128xf32, #tpu.memory_space<vmem>> -> memref<1x1x128xf32, #tpu.memory_space<vmem>>
        %dma_wait3A_811 = tpu.memref_squeeze %dma_wait3A_810 : memref<1x1x128xf32, #tpu.memory_space<vmem>> -> memref<128xf32, #tpu.memory_space<vmem>>
        %dma_wait3A_812 = arith.constant 0 : i32
        %dma_wait3A_813 = tpu.memref_slice %arg12[%rem3A_551, %dma_wait3A_808, %dma_wait3A_812] : memref<2x16x128xi32, #tpu.memory_space<vmem>> -> memref<1x1x128xi32, #tpu.memory_space<vmem>>
        %dma_wait3A_814 = tpu.memref_squeeze %dma_wait3A_813 : memref<1x1x128xi32, #tpu.memory_space<vmem>> -> memref<128xi32, #tpu.memory_space<vmem>>
        %dma_wait3A_815 = arith.constant 0 : i32
        %dma_wait3A_816 = tpu.memref_slice %arg15[%dma_wait3A_815] : memref<100352xf32, #tpu.memory_space<vmem_shared>> -> memref<100352xf32, #tpu.memory_space<vmem_shared>>
        %dma_wait3A_817 = tpu.memref_slice %arg17[%rem3A_551] : memref<2x!tpu.dma_semaphore, #tpu.memory_space<semaphore_mem>> -> memref<1x!tpu.dma_semaphore, #tpu.memory_space<semaphore_mem>>
        %dma_wait3A_818 = tpu.memref_squeeze %dma_wait3A_817 : memref<1x!tpu.dma_semaphore, #tpu.memory_space<semaphore_mem>> -> memref<!tpu.dma_semaphore, #tpu.memory_space<semaphore_mem>>
        tpu.wait_indirect_dma semaphore(%dma_wait3A_818 : memref<!tpu.dma_semaphore, #tpu.memory_space<semaphore_mem>>) src(%dma_wait3A_811 : memref<128xf32, #tpu.memory_space<vmem>>) dst(%dma_wait3A_816 : memref<100352xf32, #tpu.memory_space<vmem_shared>>)
        %dma_wait3A_819 = arith.constant 3 : i32
        %dma_wait3A_820 = arith.constant 3 : i32
        %dma_wait3A_821 = arith.constant 0 : i32
        %dma_wait3A_822 = tpu.memref_slice %arg13[%rem3A_551, %dma_wait3A_819, %dma_wait3A_821] : memref<2x16x128xf32, #tpu.memory_space<vmem>> -> memref<1x1x128xf32, #tpu.memory_space<vmem>>
        %dma_wait3A_823 = tpu.memref_squeeze %dma_wait3A_822 : memref<1x1x128xf32, #tpu.memory_space<vmem>> -> memref<128xf32, #tpu.memory_space<vmem>>
        %dma_wait3A_824 = arith.constant 0 : i32
        %dma_wait3A_825 = tpu.memref_slice %arg12[%rem3A_551, %dma_wait3A_820, %dma_wait3A_824] : memref<2x16x128xi32, #tpu.memory_space<vmem>> -> memref<1x1x128xi32, #tpu.memory_space<vmem>>
        %dma_wait3A_826 = tpu.memref_squeeze %dma_wait3A_825 : memref<1x1x128xi32, #tpu.memory_space<vmem>> -> memref<128xi32, #tpu.memory_space<vmem>>
        %dma_wait3A_827 = arith.constant 0 : i32
        %dma_wait3A_828 = tpu.memref_slice %arg15[%dma_wait3A_827] : memref<100352xf32, #tpu.memory_space<vmem_shared>> -> memref<100352xf32, #tpu.memory_space<vmem_shared>>
        %dma_wait3A_829 = tpu.memref_slice %arg17[%rem3A_551] : memref<2x!tpu.dma_semaphore, #tpu.memory_space<semaphore_mem>> -> memref<1x!tpu.dma_semaphore, #tpu.memory_space<semaphore_mem>>
        %dma_wait3A_830 = tpu.memref_squeeze %dma_wait3A_829 : memref<1x!tpu.dma_semaphore, #tpu.memory_space<semaphore_mem>> -> memref<!tpu.dma_semaphore, #tpu.memory_space<semaphore_mem>>
        tpu.wait_indirect_dma semaphore(%dma_wait3A_830 : memref<!tpu.dma_semaphore, #tpu.memory_space<semaphore_mem>>) src(%dma_wait3A_823 : memref<128xf32, #tpu.memory_space<vmem>>) dst(%dma_wait3A_828 : memref<100352xf32, #tpu.memory_space<vmem_shared>>)
        %dma_wait3A_831 = arith.constant 4 : i32
        %dma_wait3A_832 = arith.constant 4 : i32
        %dma_wait3A_833 = arith.constant 0 : i32
        %dma_wait3A_834 = tpu.memref_slice %arg13[%rem3A_551, %dma_wait3A_831, %dma_wait3A_833] : memref<2x16x128xf32, #tpu.memory_space<vmem>> -> memref<1x1x128xf32, #tpu.memory_space<vmem>>
        %dma_wait3A_835 = tpu.memref_squeeze %dma_wait3A_834 : memref<1x1x128xf32, #tpu.memory_space<vmem>> -> memref<128xf32, #tpu.memory_space<vmem>>
        %dma_wait3A_836 = arith.constant 0 : i32
        %dma_wait3A_837 = tpu.memref_slice %arg12[%rem3A_551, %dma_wait3A_832, %dma_wait3A_836] : memref<2x16x128xi32, #tpu.memory_space<vmem>> -> memref<1x1x128xi32, #tpu.memory_space<vmem>>
        %dma_wait3A_838 = tpu.memref_squeeze %dma_wait3A_837 : memref<1x1x128xi32, #tpu.memory_space<vmem>> -> memref<128xi32, #tpu.memory_space<vmem>>
        %dma_wait3A_839 = arith.constant 0 : i32
        %dma_wait3A_840 = tpu.memref_slice %arg15[%dma_wait3A_839] : memref<100352xf32, #tpu.memory_space<vmem_shared>> -> memref<100352xf32, #tpu.memory_space<vmem_shared>>
        %dma_wait3A_841 = tpu.memref_slice %arg17[%rem3A_551] : memref<2x!tpu.dma_semaphore, #tpu.memory_space<semaphore_mem>> -> memref<1x!tpu.dma_semaphore, #tpu.memory_space<semaphore_mem>>
        %dma_wait3A_842 = tpu.memref_squeeze %dma_wait3A_841 : memref<1x!tpu.dma_semaphore, #tpu.memory_space<semaphore_mem>> -> memref<!tpu.dma_semaphore, #tpu.memory_space<semaphore_mem>>
        tpu.wait_indirect_dma semaphore(%dma_wait3A_842 : memref<!tpu.dma_semaphore, #tpu.memory_space<semaphore_mem>>) src(%dma_wait3A_835 : memref<128xf32, #tpu.memory_space<vmem>>) dst(%dma_wait3A_840 : memref<100352xf32, #tpu.memory_space<vmem_shared>>)
        %dma_wait3A_843 = arith.constant 5 : i32
        %dma_wait3A_844 = arith.constant 5 : i32
        %dma_wait3A_845 = arith.constant 0 : i32
        %dma_wait3A_846 = tpu.memref_slice %arg13[%rem3A_551, %dma_wait3A_843, %dma_wait3A_845] : memref<2x16x128xf32, #tpu.memory_space<vmem>> -> memref<1x1x128xf32, #tpu.memory_space<vmem>>
        %dma_wait3A_847 = tpu.memref_squeeze %dma_wait3A_846 : memref<1x1x128xf32, #tpu.memory_space<vmem>> -> memref<128xf32, #tpu.memory_space<vmem>>
        %dma_wait3A_848 = arith.constant 0 : i32
        %dma_wait3A_849 = tpu.memref_slice %arg12[%rem3A_551, %dma_wait3A_844, %dma_wait3A_848] : memref<2x16x128xi32, #tpu.memory_space<vmem>> -> memref<1x1x128xi32, #tpu.memory_space<vmem>>
        %dma_wait3A_850 = tpu.memref_squeeze %dma_wait3A_849 : memref<1x1x128xi32, #tpu.memory_space<vmem>> -> memref<128xi32, #tpu.memory_space<vmem>>
        %dma_wait3A_851 = arith.constant 0 : i32
        %dma_wait3A_852 = tpu.memref_slice %arg15[%dma_wait3A_851] : memref<100352xf32, #tpu.memory_space<vmem_shared>> -> memref<100352xf32, #tpu.memory_space<vmem_shared>>
        %dma_wait3A_853 = tpu.memref_slice %arg17[%rem3A_551] : memref<2x!tpu.dma_semaphore, #tpu.memory_space<semaphore_mem>> -> memref<1x!tpu.dma_semaphore, #tpu.memory_space<semaphore_mem>>
        %dma_wait3A_854 = tpu.memref_squeeze %dma_wait3A_853 : memref<1x!tpu.dma_semaphore, #tpu.memory_space<semaphore_mem>> -> memref<!tpu.dma_semaphore, #tpu.memory_space<semaphore_mem>>
        tpu.wait_indirect_dma semaphore(%dma_wait3A_854 : memref<!tpu.dma_semaphore, #tpu.memory_space<semaphore_mem>>) src(%dma_wait3A_847 : memref<128xf32, #tpu.memory_space<vmem>>) dst(%dma_wait3A_852 : memref<100352xf32, #tpu.memory_space<vmem_shared>>)
        %dma_wait3A_855 = arith.constant 6 : i32
        %dma_wait3A_856 = arith.constant 6 : i32
        %dma_wait3A_857 = arith.constant 0 : i32
        %dma_wait3A_858 = tpu.memref_slice %arg13[%rem3A_551, %dma_wait3A_855, %dma_wait3A_857] : memref<2x16x128xf32, #tpu.memory_space<vmem>> -> memref<1x1x128xf32, #tpu.memory_space<vmem>>
        %dma_wait3A_859 = tpu.memref_squeeze %dma_wait3A_858 : memref<1x1x128xf32, #tpu.memory_space<vmem>> -> memref<128xf32, #tpu.memory_space<vmem>>
        %dma_wait3A_860 = arith.constant 0 : i32
        %dma_wait3A_861 = tpu.memref_slice %arg12[%rem3A_551, %dma_wait3A_856, %dma_wait3A_860] : memref<2x16x128xi32, #tpu.memory_space<vmem>> -> memref<1x1x128xi32, #tpu.memory_space<vmem>>
        %dma_wait3A_862 = tpu.memref_squeeze %dma_wait3A_861 : memref<1x1x128xi32, #tpu.memory_space<vmem>> -> memref<128xi32, #tpu.memory_space<vmem>>
        %dma_wait3A_863 = arith.constant 0 : i32
        %dma_wait3A_864 = tpu.memref_slice %arg15[%dma_wait3A_863] : memref<100352xf32, #tpu.memory_space<vmem_shared>> -> memref<100352xf32, #tpu.memory_space<vmem_shared>>
        %dma_wait3A_865 = tpu.memref_slice %arg17[%rem3A_551] : memref<2x!tpu.dma_semaphore, #tpu.memory_space<semaphore_mem>> -> memref<1x!tpu.dma_semaphore, #tpu.memory_space<semaphore_mem>>
        %dma_wait3A_866 = tpu.memref_squeeze %dma_wait3A_865 : memref<1x!tpu.dma_semaphore, #tpu.memory_space<semaphore_mem>> -> memref<!tpu.dma_semaphore, #tpu.memory_space<semaphore_mem>>
        tpu.wait_indirect_dma semaphore(%dma_wait3A_866 : memref<!tpu.dma_semaphore, #tpu.memory_space<semaphore_mem>>) src(%dma_wait3A_859 : memref<128xf32, #tpu.memory_space<vmem>>) dst(%dma_wait3A_864 : memref<100352xf32, #tpu.memory_space<vmem_shared>>)
        %dma_wait3A_867 = arith.constant 7 : i32
        %dma_wait3A_868 = arith.constant 7 : i32
        %dma_wait3A_869 = arith.constant 0 : i32
        %dma_wait3A_870 = tpu.memref_slice %arg13[%rem3A_551, %dma_wait3A_867, %dma_wait3A_869] : memref<2x16x128xf32, #tpu.memory_space<vmem>> -> memref<1x1x128xf32, #tpu.memory_space<vmem>>
        %dma_wait3A_871 = tpu.memref_squeeze %dma_wait3A_870 : memref<1x1x128xf32, #tpu.memory_space<vmem>> -> memref<128xf32, #tpu.memory_space<vmem>>
        %dma_wait3A_872 = arith.constant 0 : i32
        %dma_wait3A_873 = tpu.memref_slice %arg12[%rem3A_551, %dma_wait3A_868, %dma_wait3A_872] : memref<2x16x128xi32, #tpu.memory_space<vmem>> -> memref<1x1x128xi32, #tpu.memory_space<vmem>>
        %dma_wait3A_874 = tpu.memref_squeeze %dma_wait3A_873 : memref<1x1x128xi32, #tpu.memory_space<vmem>> -> memref<128xi32, #tpu.memory_space<vmem>>
        %dma_wait3A_875 = arith.constant 0 : i32
        %dma_wait3A_876 = tpu.memref_slice %arg15[%dma_wait3A_875] : memref<100352xf32, #tpu.memory_space<vmem_shared>> -> memref<100352xf32, #tpu.memory_space<vmem_shared>>
        %dma_wait3A_877 = tpu.memref_slice %arg17[%rem3A_551] : memref<2x!tpu.dma_semaphore, #tpu.memory_space<semaphore_mem>> -> memref<1x!tpu.dma_semaphore, #tpu.memory_space<semaphore_mem>>
        %dma_wait3A_878 = tpu.memref_squeeze %dma_wait3A_877 : memref<1x!tpu.dma_semaphore, #tpu.memory_space<semaphore_mem>> -> memref<!tpu.dma_semaphore, #tpu.memory_space<semaphore_mem>>
        tpu.wait_indirect_dma semaphore(%dma_wait3A_878 : memref<!tpu.dma_semaphore, #tpu.memory_space<semaphore_mem>>) src(%dma_wait3A_871 : memref<128xf32, #tpu.memory_space<vmem>>) dst(%dma_wait3A_876 : memref<100352xf32, #tpu.memory_space<vmem_shared>>)
        %dma_wait3A_879 = arith.constant 8 : i32
        %dma_wait3A_880 = arith.constant 8 : i32
        %dma_wait3A_881 = arith.constant 0 : i32
        %dma_wait3A_882 = tpu.memref_slice %arg13[%rem3A_551, %dma_wait3A_879, %dma_wait3A_881] : memref<2x16x128xf32, #tpu.memory_space<vmem>> -> memref<1x1x128xf32, #tpu.memory_space<vmem>>
        %dma_wait3A_883 = tpu.memref_squeeze %dma_wait3A_882 : memref<1x1x128xf32, #tpu.memory_space<vmem>> -> memref<128xf32, #tpu.memory_space<vmem>>
        %dma_wait3A_884 = arith.constant 0 : i32
        %dma_wait3A_885 = tpu.memref_slice %arg12[%rem3A_551, %dma_wait3A_880, %dma_wait3A_884] : memref<2x16x128xi32, #tpu.memory_space<vmem>> -> memref<1x1x128xi32, #tpu.memory_space<vmem>>
        %dma_wait3A_886 = tpu.memref_squeeze %dma_wait3A_885 : memref<1x1x128xi32, #tpu.memory_space<vmem>> -> memref<128xi32, #tpu.memory_space<vmem>>
        %dma_wait3A_887 = arith.constant 0 : i32
        %dma_wait3A_888 = tpu.memref_slice %arg15[%dma_wait3A_887] : memref<100352xf32, #tpu.memory_space<vmem_shared>> -> memref<100352xf32, #tpu.memory_space<vmem_shared>>
        %dma_wait3A_889 = tpu.memref_slice %arg17[%rem3A_551] : memref<2x!tpu.dma_semaphore, #tpu.memory_space<semaphore_mem>> -> memref<1x!tpu.dma_semaphore, #tpu.memory_space<semaphore_mem>>
        %dma_wait3A_890 = tpu.memref_squeeze %dma_wait3A_889 : memref<1x!tpu.dma_semaphore, #tpu.memory_space<semaphore_mem>> -> memref<!tpu.dma_semaphore, #tpu.memory_space<semaphore_mem>>
        tpu.wait_indirect_dma semaphore(%dma_wait3A_890 : memref<!tpu.dma_semaphore, #tpu.memory_space<semaphore_mem>>) src(%dma_wait3A_883 : memref<128xf32, #tpu.memory_space<vmem>>) dst(%dma_wait3A_888 : memref<100352xf32, #tpu.memory_space<vmem_shared>>)
        %dma_wait3A_891 = arith.constant 9 : i32
        %dma_wait3A_892 = arith.constant 9 : i32
        %dma_wait3A_893 = arith.constant 0 : i32
        %dma_wait3A_894 = tpu.memref_slice %arg13[%rem3A_551, %dma_wait3A_891, %dma_wait3A_893] : memref<2x16x128xf32, #tpu.memory_space<vmem>> -> memref<1x1x128xf32, #tpu.memory_space<vmem>>
        %dma_wait3A_895 = tpu.memref_squeeze %dma_wait3A_894 : memref<1x1x128xf32, #tpu.memory_space<vmem>> -> memref<128xf32, #tpu.memory_space<vmem>>
        %dma_wait3A_896 = arith.constant 0 : i32
        %dma_wait3A_897 = tpu.memref_slice %arg12[%rem3A_551, %dma_wait3A_892, %dma_wait3A_896] : memref<2x16x128xi32, #tpu.memory_space<vmem>> -> memref<1x1x128xi32, #tpu.memory_space<vmem>>
        %dma_wait3A_898 = tpu.memref_squeeze %dma_wait3A_897 : memref<1x1x128xi32, #tpu.memory_space<vmem>> -> memref<128xi32, #tpu.memory_space<vmem>>
        %dma_wait3A_899 = arith.constant 0 : i32
        %dma_wait3A_900 = tpu.memref_slice %arg15[%dma_wait3A_899] : memref<100352xf32, #tpu.memory_space<vmem_shared>> -> memref<100352xf32, #tpu.memory_space<vmem_shared>>
        %dma_wait3A_901 = tpu.memref_slice %arg17[%rem3A_551] : memref<2x!tpu.dma_semaphore, #tpu.memory_space<semaphore_mem>> -> memref<1x!tpu.dma_semaphore, #tpu.memory_space<semaphore_mem>>
        %dma_wait3A_902 = tpu.memref_squeeze %dma_wait3A_901 : memref<1x!tpu.dma_semaphore, #tpu.memory_space<semaphore_mem>> -> memref<!tpu.dma_semaphore, #tpu.memory_space<semaphore_mem>>
        tpu.wait_indirect_dma semaphore(%dma_wait3A_902 : memref<!tpu.dma_semaphore, #tpu.memory_space<semaphore_mem>>) src(%dma_wait3A_895 : memref<128xf32, #tpu.memory_space<vmem>>) dst(%dma_wait3A_900 : memref<100352xf32, #tpu.memory_space<vmem_shared>>)
        %dma_wait3A_903 = arith.constant 10 : i32
        %dma_wait3A_904 = arith.constant 10 : i32
        %dma_wait3A_905 = arith.constant 0 : i32
        %dma_wait3A_906 = tpu.memref_slice %arg13[%rem3A_551, %dma_wait3A_903, %dma_wait3A_905] : memref<2x16x128xf32, #tpu.memory_space<vmem>> -> memref<1x1x128xf32, #tpu.memory_space<vmem>>
        %dma_wait3A_907 = tpu.memref_squeeze %dma_wait3A_906 : memref<1x1x128xf32, #tpu.memory_space<vmem>> -> memref<128xf32, #tpu.memory_space<vmem>>
        %dma_wait3A_908 = arith.constant 0 : i32
        %dma_wait3A_909 = tpu.memref_slice %arg12[%rem3A_551, %dma_wait3A_904, %dma_wait3A_908] : memref<2x16x128xi32, #tpu.memory_space<vmem>> -> memref<1x1x128xi32, #tpu.memory_space<vmem>>
        %dma_wait3A_910 = tpu.memref_squeeze %dma_wait3A_909 : memref<1x1x128xi32, #tpu.memory_space<vmem>> -> memref<128xi32, #tpu.memory_space<vmem>>
        %dma_wait3A_911 = arith.constant 0 : i32
        %dma_wait3A_912 = tpu.memref_slice %arg15[%dma_wait3A_911] : memref<100352xf32, #tpu.memory_space<vmem_shared>> -> memref<100352xf32, #tpu.memory_space<vmem_shared>>
        %dma_wait3A_913 = tpu.memref_slice %arg17[%rem3A_551] : memref<2x!tpu.dma_semaphore, #tpu.memory_space<semaphore_mem>> -> memref<1x!tpu.dma_semaphore, #tpu.memory_space<semaphore_mem>>
        %dma_wait3A_914 = tpu.memref_squeeze %dma_wait3A_913 : memref<1x!tpu.dma_semaphore, #tpu.memory_space<semaphore_mem>> -> memref<!tpu.dma_semaphore, #tpu.memory_space<semaphore_mem>>
        tpu.wait_indirect_dma semaphore(%dma_wait3A_914 : memref<!tpu.dma_semaphore, #tpu.memory_space<semaphore_mem>>) src(%dma_wait3A_907 : memref<128xf32, #tpu.memory_space<vmem>>) dst(%dma_wait3A_912 : memref<100352xf32, #tpu.memory_space<vmem_shared>>)
        %dma_wait3A_915 = arith.constant 11 : i32
        %dma_wait3A_916 = arith.constant 11 : i32
        %dma_wait3A_917 = arith.constant 0 : i32
        %dma_wait3A_918 = tpu.memref_slice %arg13[%rem3A_551, %dma_wait3A_915, %dma_wait3A_917] : memref<2x16x128xf32, #tpu.memory_space<vmem>> -> memref<1x1x128xf32, #tpu.memory_space<vmem>>
        %dma_wait3A_919 = tpu.memref_squeeze %dma_wait3A_918 : memref<1x1x128xf32, #tpu.memory_space<vmem>> -> memref<128xf32, #tpu.memory_space<vmem>>
        %dma_wait3A_920 = arith.constant 0 : i32
        %dma_wait3A_921 = tpu.memref_slice %arg12[%rem3A_551, %dma_wait3A_916, %dma_wait3A_920] : memref<2x16x128xi32, #tpu.memory_space<vmem>> -> memref<1x1x128xi32, #tpu.memory_space<vmem>>
        %dma_wait3A_922 = tpu.memref_squeeze %dma_wait3A_921 : memref<1x1x128xi32, #tpu.memory_space<vmem>> -> memref<128xi32, #tpu.memory_space<vmem>>
        %dma_wait3A_923 = arith.constant 0 : i32
        %dma_wait3A_924 = tpu.memref_slice %arg15[%dma_wait3A_923] : memref<100352xf32, #tpu.memory_space<vmem_shared>> -> memref<100352xf32, #tpu.memory_space<vmem_shared>>
        %dma_wait3A_925 = tpu.memref_slice %arg17[%rem3A_551] : memref<2x!tpu.dma_semaphore, #tpu.memory_space<semaphore_mem>> -> memref<1x!tpu.dma_semaphore, #tpu.memory_space<semaphore_mem>>
        %dma_wait3A_926 = tpu.memref_squeeze %dma_wait3A_925 : memref<1x!tpu.dma_semaphore, #tpu.memory_space<semaphore_mem>> -> memref<!tpu.dma_semaphore, #tpu.memory_space<semaphore_mem>>
        tpu.wait_indirect_dma semaphore(%dma_wait3A_926 : memref<!tpu.dma_semaphore, #tpu.memory_space<semaphore_mem>>) src(%dma_wait3A_919 : memref<128xf32, #tpu.memory_space<vmem>>) dst(%dma_wait3A_924 : memref<100352xf32, #tpu.memory_space<vmem_shared>>)
        %dma_wait3A_927 = arith.constant 12 : i32
        %dma_wait3A_928 = arith.constant 12 : i32
        %dma_wait3A_929 = arith.constant 0 : i32
        %dma_wait3A_930 = tpu.memref_slice %arg13[%rem3A_551, %dma_wait3A_927, %dma_wait3A_929] : memref<2x16x128xf32, #tpu.memory_space<vmem>> -> memref<1x1x128xf32, #tpu.memory_space<vmem>>
        %dma_wait3A_931 = tpu.memref_squeeze %dma_wait3A_930 : memref<1x1x128xf32, #tpu.memory_space<vmem>> -> memref<128xf32, #tpu.memory_space<vmem>>
        %dma_wait3A_932 = arith.constant 0 : i32
        %dma_wait3A_933 = tpu.memref_slice %arg12[%rem3A_551, %dma_wait3A_928, %dma_wait3A_932] : memref<2x16x128xi32, #tpu.memory_space<vmem>> -> memref<1x1x128xi32, #tpu.memory_space<vmem>>
        %dma_wait3A_934 = tpu.memref_squeeze %dma_wait3A_933 : memref<1x1x128xi32, #tpu.memory_space<vmem>> -> memref<128xi32, #tpu.memory_space<vmem>>
        %dma_wait3A_935 = arith.constant 0 : i32
        %dma_wait3A_936 = tpu.memref_slice %arg15[%dma_wait3A_935] : memref<100352xf32, #tpu.memory_space<vmem_shared>> -> memref<100352xf32, #tpu.memory_space<vmem_shared>>
        %dma_wait3A_937 = tpu.memref_slice %arg17[%rem3A_551] : memref<2x!tpu.dma_semaphore, #tpu.memory_space<semaphore_mem>> -> memref<1x!tpu.dma_semaphore, #tpu.memory_space<semaphore_mem>>
        %dma_wait3A_938 = tpu.memref_squeeze %dma_wait3A_937 : memref<1x!tpu.dma_semaphore, #tpu.memory_space<semaphore_mem>> -> memref<!tpu.dma_semaphore, #tpu.memory_space<semaphore_mem>>
        tpu.wait_indirect_dma semaphore(%dma_wait3A_938 : memref<!tpu.dma_semaphore, #tpu.memory_space<semaphore_mem>>) src(%dma_wait3A_931 : memref<128xf32, #tpu.memory_space<vmem>>) dst(%dma_wait3A_936 : memref<100352xf32, #tpu.memory_space<vmem_shared>>)
        %dma_wait3A_939 = arith.constant 13 : i32
        %dma_wait3A_940 = arith.constant 13 : i32
        %dma_wait3A_941 = arith.constant 0 : i32
        %dma_wait3A_942 = tpu.memref_slice %arg13[%rem3A_551, %dma_wait3A_939, %dma_wait3A_941] : memref<2x16x128xf32, #tpu.memory_space<vmem>> -> memref<1x1x128xf32, #tpu.memory_space<vmem>>
        %dma_wait3A_943 = tpu.memref_squeeze %dma_wait3A_942 : memref<1x1x128xf32, #tpu.memory_space<vmem>> -> memref<128xf32, #tpu.memory_space<vmem>>
        %dma_wait3A_944 = arith.constant 0 : i32
        %dma_wait3A_945 = tpu.memref_slice %arg12[%rem3A_551, %dma_wait3A_940, %dma_wait3A_944] : memref<2x16x128xi32, #tpu.memory_space<vmem>> -> memref<1x1x128xi32, #tpu.memory_space<vmem>>
        %dma_wait3A_946 = tpu.memref_squeeze %dma_wait3A_945 : memref<1x1x128xi32, #tpu.memory_space<vmem>> -> memref<128xi32, #tpu.memory_space<vmem>>
        %dma_wait3A_947 = arith.constant 0 : i32
        %dma_wait3A_948 = tpu.memref_slice %arg15[%dma_wait3A_947] : memref<100352xf32, #tpu.memory_space<vmem_shared>> -> memref<100352xf32, #tpu.memory_space<vmem_shared>>
        %dma_wait3A_949 = tpu.memref_slice %arg17[%rem3A_551] : memref<2x!tpu.dma_semaphore, #tpu.memory_space<semaphore_mem>> -> memref<1x!tpu.dma_semaphore, #tpu.memory_space<semaphore_mem>>
        %dma_wait3A_950 = tpu.memref_squeeze %dma_wait3A_949 : memref<1x!tpu.dma_semaphore, #tpu.memory_space<semaphore_mem>> -> memref<!tpu.dma_semaphore, #tpu.memory_space<semaphore_mem>>
        tpu.wait_indirect_dma semaphore(%dma_wait3A_950 : memref<!tpu.dma_semaphore, #tpu.memory_space<semaphore_mem>>) src(%dma_wait3A_943 : memref<128xf32, #tpu.memory_space<vmem>>) dst(%dma_wait3A_948 : memref<100352xf32, #tpu.memory_space<vmem_shared>>)
        %dma_wait3A_951 = arith.constant 14 : i32
        %dma_wait3A_952 = arith.constant 14 : i32
        %dma_wait3A_953 = arith.constant 0 : i32
        %dma_wait3A_954 = tpu.memref_slice %arg13[%rem3A_551, %dma_wait3A_951, %dma_wait3A_953] : memref<2x16x128xf32, #tpu.memory_space<vmem>> -> memref<1x1x128xf32, #tpu.memory_space<vmem>>
        %dma_wait3A_955 = tpu.memref_squeeze %dma_wait3A_954 : memref<1x1x128xf32, #tpu.memory_space<vmem>> -> memref<128xf32, #tpu.memory_space<vmem>>
        %dma_wait3A_956 = arith.constant 0 : i32
        %dma_wait3A_957 = tpu.memref_slice %arg12[%rem3A_551, %dma_wait3A_952, %dma_wait3A_956] : memref<2x16x128xi32, #tpu.memory_space<vmem>> -> memref<1x1x128xi32, #tpu.memory_space<vmem>>
        %dma_wait3A_958 = tpu.memref_squeeze %dma_wait3A_957 : memref<1x1x128xi32, #tpu.memory_space<vmem>> -> memref<128xi32, #tpu.memory_space<vmem>>
        %dma_wait3A_959 = arith.constant 0 : i32
        %dma_wait3A_960 = tpu.memref_slice %arg15[%dma_wait3A_959] : memref<100352xf32, #tpu.memory_space<vmem_shared>> -> memref<100352xf32, #tpu.memory_space<vmem_shared>>
        %dma_wait3A_961 = tpu.memref_slice %arg17[%rem3A_551] : memref<2x!tpu.dma_semaphore, #tpu.memory_space<semaphore_mem>> -> memref<1x!tpu.dma_semaphore, #tpu.memory_space<semaphore_mem>>
        %dma_wait3A_962 = tpu.memref_squeeze %dma_wait3A_961 : memref<1x!tpu.dma_semaphore, #tpu.memory_space<semaphore_mem>> -> memref<!tpu.dma_semaphore, #tpu.memory_space<semaphore_mem>>
        tpu.wait_indirect_dma semaphore(%dma_wait3A_962 : memref<!tpu.dma_semaphore, #tpu.memory_space<semaphore_mem>>) src(%dma_wait3A_955 : memref<128xf32, #tpu.memory_space<vmem>>) dst(%dma_wait3A_960 : memref<100352xf32, #tpu.memory_space<vmem_shared>>)
        %dma_wait3A_963 = arith.constant 15 : i32
        %dma_wait3A_964 = arith.constant 15 : i32
        %dma_wait3A_965 = arith.constant 0 : i32
        %dma_wait3A_966 = tpu.memref_slice %arg13[%rem3A_551, %dma_wait3A_963, %dma_wait3A_965] : memref<2x16x128xf32, #tpu.memory_space<vmem>> -> memref<1x1x128xf32, #tpu.memory_space<vmem>>
        %dma_wait3A_967 = tpu.memref_squeeze %dma_wait3A_966 : memref<1x1x128xf32, #tpu.memory_space<vmem>> -> memref<128xf32, #tpu.memory_space<vmem>>
        %dma_wait3A_968 = arith.constant 0 : i32
        %dma_wait3A_969 = tpu.memref_slice %arg12[%rem3A_551, %dma_wait3A_964, %dma_wait3A_968] : memref<2x16x128xi32, #tpu.memory_space<vmem>> -> memref<1x1x128xi32, #tpu.memory_space<vmem>>
        %dma_wait3A_970 = tpu.memref_squeeze %dma_wait3A_969 : memref<1x1x128xi32, #tpu.memory_space<vmem>> -> memref<128xi32, #tpu.memory_space<vmem>>
        %dma_wait3A_971 = arith.constant 0 : i32
        %dma_wait3A_972 = tpu.memref_slice %arg15[%dma_wait3A_971] : memref<100352xf32, #tpu.memory_space<vmem_shared>> -> memref<100352xf32, #tpu.memory_space<vmem_shared>>
        %dma_wait3A_973 = tpu.memref_slice %arg17[%rem3A_551] : memref<2x!tpu.dma_semaphore, #tpu.memory_space<semaphore_mem>> -> memref<1x!tpu.dma_semaphore, #tpu.memory_space<semaphore_mem>>
        %dma_wait3A_974 = tpu.memref_squeeze %dma_wait3A_973 : memref<1x!tpu.dma_semaphore, #tpu.memory_space<semaphore_mem>> -> memref<!tpu.dma_semaphore, #tpu.memory_space<semaphore_mem>>
        tpu.wait_indirect_dma semaphore(%dma_wait3A_974 : memref<!tpu.dma_semaphore, #tpu.memory_space<semaphore_mem>>) src(%dma_wait3A_967 : memref<128xf32, #tpu.memory_space<vmem>>) dst(%dma_wait3A_972 : memref<100352xf32, #tpu.memory_space<vmem_shared>>)
      } else {
      }
      %parallel_loop3A = arith.constant 0 : i32
      %parallel_loop3A_589 = arith.constant 16 : i32
      %parallel_loop3A_590 = arith.constant 1 : i32
      scf.for %parallel_loop3A_783 = %parallel_loop3A to %parallel_loop3A_589 step %parallel_loop3A_590  : i32 {
        %parallel_loop3A_784 = arith.constant 128 : i32
        %parallel_loop3A_785 = arith.muli %parallel_loop3A_783, %parallel_loop3A_784 : i32
        %parallel_loop3A_786 = arith.addi %mul3A_553, %parallel_loop3A_785 : i32
        %parallel_loop3A_787 = arith.constant 0 : i32
        %parallel_loop3A_788 = arith.addi %parallel_loop3A_786, %parallel_loop3A_787 : i32
        %parallel_loop3A_789 = arith.index_cast %parallel_loop3A_788 : i32 to index
        %parallel_loop3A_790 = tpu.vector_load %arg9[%parallel_loop3A_789] {strides = array<i32>} : memref<4096xi32, #tpu.memory_space<vmem>>, vector<16xi32>,
        %parallel_loop3A_791 = arith.index_cast %parallel_loop3A_788 : i32 to index
        %parallel_loop3A_792 = tpu.vector_load %arg10[%parallel_loop3A_791] {strides = array<i32>} : memref<4096xi32, #tpu.memory_space<vmem>>, vector<16xi32>,
        %parallel_loop3A_793 = tpu.vector_load_idx %arg8[%parallel_loop3A_790] : memref<100000xf32, #tpu.memory_space<vmem>>[vector<16xi32>], vector<16xf32>,
        %parallel_loop3A_794 = tpu.vector_load_idx %arg8[%parallel_loop3A_792] : memref<100000xf32, #tpu.memory_space<vmem>>[vector<16xi32>], vector<16xf32>,
        %parallel_loop3A_795 = arith.index_cast %parallel_loop3A_788 : i32 to index
        %parallel_loop3A_796 = tpu.vector_load %arg11[%parallel_loop3A_795] {strides = array<i32>} : memref<4096xf32, #tpu.memory_space<vmem>>, vector<16xf32>,
        %parallel_loop3A_797 = arith.mulf %parallel_loop3A_793, %get3A_38 : vector<16xf32>
        %parallel_loop3A_798 = arith.mulf %parallel_loop3A_794, %get3A_42 : vector<16xf32>
        %parallel_loop3A_799 = arith.addf %parallel_loop3A_797, %parallel_loop3A_798 : vector<16xf32>
        %parallel_loop3A_800 = arith.mulf %parallel_loop3A_796, %get3A_46 : vector<16xf32>
        %parallel_loop3A_801 = arith.addf %parallel_loop3A_799, %parallel_loop3A_800 : vector<16xf32>
        %parallel_loop3A_802 = arith.addf %parallel_loop3A_801, %get3A_50 : vector<16xf32>
        %parallel_loop3A_803 = arith.constant 0.000000e+00 : f32
        %parallel_loop3A_804 = vector.broadcast %parallel_loop3A_803 : f32 to vector<16xf32>
        %parallel_loop3A_805 = arith.maximumf %parallel_loop3A_802, %parallel_loop3A_804 : vector<16xf32>
        %parallel_loop3A_806 = arith.index_cast %rem3A_551 : i32 to index
        %parallel_loop3A_807 = arith.index_cast %parallel_loop3A_783 : i32 to index
        %parallel_loop3A_808 = arith.constant 0 : index
        %parallel_loop3A_809 = tpu.vector_load %arg12[%parallel_loop3A_806, %parallel_loop3A_807, %parallel_loop3A_808] {strides = array<i32>} : memref<2x16x128xi32, #tpu.memory_space<vmem>>, vector<16xi32>,
        tpu.vector_store %arg12[%parallel_loop3A_806, %parallel_loop3A_807, %parallel_loop3A_808], %parallel_loop3A_792 {strides = array<i32>} : memref<2x16x128xi32, #tpu.memory_space<vmem>>, vector<16xi32>,
        %parallel_loop3A_810 = arith.index_cast %rem3A_551 : i32 to index
        %parallel_loop3A_811 = arith.index_cast %parallel_loop3A_783 : i32 to index
        %parallel_loop3A_812 = arith.constant 0 : index
        %parallel_loop3A_813 = tpu.vector_load %arg13[%parallel_loop3A_810, %parallel_loop3A_811, %parallel_loop3A_812] {strides = array<i32>} : memref<2x16x128xf32, #tpu.memory_space<vmem>>, vector<16xf32>,
        tpu.vector_store %arg13[%parallel_loop3A_810, %parallel_loop3A_811, %parallel_loop3A_812], %parallel_loop3A_805 {strides = array<i32>} : memref<2x16x128xf32, #tpu.memory_space<vmem>>, vector<16xf32>,
        %parallel_loop3A_814 = arith.constant 128 : i32
        %parallel_loop3A_815 = arith.muli %parallel_loop3A_783, %parallel_loop3A_814 : i32
        %parallel_loop3A_816 = arith.addi %mul3A_553, %parallel_loop3A_815 : i32
        %parallel_loop3A_817 = arith.constant 16 : i32
        %parallel_loop3A_818 = arith.addi %parallel_loop3A_816, %parallel_loop3A_817 : i32
        %parallel_loop3A_819 = arith.index_cast %parallel_loop3A_818 : i32 to index
        %parallel_loop3A_820 = tpu.vector_load %arg9[%parallel_loop3A_819] {strides = array<i32>} : memref<4096xi32, #tpu.memory_space<vmem>>, vector<16xi32>,
        %parallel_loop3A_821 = arith.index_cast %parallel_loop3A_818 : i32 to index
        %parallel_loop3A_822 = tpu.vector_load %arg10[%parallel_loop3A_821] {strides = array<i32>} : memref<4096xi32, #tpu.memory_space<vmem>>, vector<16xi32>,
        %parallel_loop3A_823 = tpu.vector_load_idx %arg8[%parallel_loop3A_820] : memref<100000xf32, #tpu.memory_space<vmem>>[vector<16xi32>], vector<16xf32>,
        %parallel_loop3A_824 = tpu.vector_load_idx %arg8[%parallel_loop3A_822] : memref<100000xf32, #tpu.memory_space<vmem>>[vector<16xi32>], vector<16xf32>,
        %parallel_loop3A_825 = arith.index_cast %parallel_loop3A_818 : i32 to index
        %parallel_loop3A_826 = tpu.vector_load %arg11[%parallel_loop3A_825] {strides = array<i32>} : memref<4096xf32, #tpu.memory_space<vmem>>, vector<16xf32>,
        %parallel_loop3A_827 = arith.mulf %parallel_loop3A_823, %get3A_38 : vector<16xf32>
        %parallel_loop3A_828 = arith.mulf %parallel_loop3A_824, %get3A_42 : vector<16xf32>
        %parallel_loop3A_829 = arith.addf %parallel_loop3A_827, %parallel_loop3A_828 : vector<16xf32>
        %parallel_loop3A_830 = arith.mulf %parallel_loop3A_826, %get3A_46 : vector<16xf32>
        %parallel_loop3A_831 = arith.addf %parallel_loop3A_829, %parallel_loop3A_830 : vector<16xf32>
        %parallel_loop3A_832 = arith.addf %parallel_loop3A_831, %get3A_50 : vector<16xf32>
        %parallel_loop3A_833 = arith.constant 0.000000e+00 : f32
        %parallel_loop3A_834 = vector.broadcast %parallel_loop3A_833 : f32 to vector<16xf32>
        %parallel_loop3A_835 = arith.maximumf %parallel_loop3A_832, %parallel_loop3A_834 : vector<16xf32>
        %parallel_loop3A_836 = arith.index_cast %rem3A_551 : i32 to index
        %parallel_loop3A_837 = arith.index_cast %parallel_loop3A_783 : i32 to index
        %parallel_loop3A_838 = arith.constant 16 : index
        %parallel_loop3A_839 = tpu.vector_load %arg12[%parallel_loop3A_836, %parallel_loop3A_837, %parallel_loop3A_838] {strides = array<i32>} : memref<2x16x128xi32, #tpu.memory_space<vmem>>, vector<16xi32>,
        tpu.vector_store %arg12[%parallel_loop3A_836, %parallel_loop3A_837, %parallel_loop3A_838], %parallel_loop3A_822 {strides = array<i32>} : memref<2x16x128xi32, #tpu.memory_space<vmem>>, vector<16xi32>,
        %parallel_loop3A_840 = arith.index_cast %rem3A_551 : i32 to index
        %parallel_loop3A_841 = arith.index_cast %parallel_loop3A_783 : i32 to index
        %parallel_loop3A_842 = arith.constant 16 : index
        %parallel_loop3A_843 = tpu.vector_load %arg13[%parallel_loop3A_840, %parallel_loop3A_841, %parallel_loop3A_842] {strides = array<i32>} : memref<2x16x128xf32, #tpu.memory_space<vmem>>, vector<16xf32>,
        tpu.vector_store %arg13[%parallel_loop3A_840, %parallel_loop3A_841, %parallel_loop3A_842], %parallel_loop3A_835 {strides = array<i32>} : memref<2x16x128xf32, #tpu.memory_space<vmem>>, vector<16xf32>,
        %parallel_loop3A_844 = arith.constant 128 : i32
        %parallel_loop3A_845 = arith.muli %parallel_loop3A_783, %parallel_loop3A_844 : i32
        %parallel_loop3A_846 = arith.addi %mul3A_553, %parallel_loop3A_845 : i32
        %parallel_loop3A_847 = arith.constant 32 : i32
        %parallel_loop3A_848 = arith.addi %parallel_loop3A_846, %parallel_loop3A_847 : i32
        %parallel_loop3A_849 = arith.index_cast %parallel_loop3A_848 : i32 to index
        %parallel_loop3A_850 = tpu.vector_load %arg9[%parallel_loop3A_849] {strides = array<i32>} : memref<4096xi32, #tpu.memory_space<vmem>>, vector<16xi32>,
        %parallel_loop3A_851 = arith.index_cast %parallel_loop3A_848 : i32 to index
        %parallel_loop3A_852 = tpu.vector_load %arg10[%parallel_loop3A_851] {strides = array<i32>} : memref<4096xi32, #tpu.memory_space<vmem>>, vector<16xi32>,
        %parallel_loop3A_853 = tpu.vector_load_idx %arg8[%parallel_loop3A_850] : memref<100000xf32, #tpu.memory_space<vmem>>[vector<16xi32>], vector<16xf32>,
        %parallel_loop3A_854 = tpu.vector_load_idx %arg8[%parallel_loop3A_852] : memref<100000xf32, #tpu.memory_space<vmem>>[vector<16xi32>], vector<16xf32>,
        %parallel_loop3A_855 = arith.index_cast %parallel_loop3A_848 : i32 to index
        %parallel_loop3A_856 = tpu.vector_load %arg11[%parallel_loop3A_855] {strides = array<i32>} : memref<4096xf32, #tpu.memory_space<vmem>>, vector<16xf32>,
        %parallel_loop3A_857 = arith.mulf %parallel_loop3A_853, %get3A_38 : vector<16xf32>
        %parallel_loop3A_858 = arith.mulf %parallel_loop3A_854, %get3A_42 : vector<16xf32>
        %parallel_loop3A_859 = arith.addf %parallel_loop3A_857, %parallel_loop3A_858 : vector<16xf32>
        %parallel_loop3A_860 = arith.mulf %parallel_loop3A_856, %get3A_46 : vector<16xf32>
        %parallel_loop3A_861 = arith.addf %parallel_loop3A_859, %parallel_loop3A_860 : vector<16xf32>
        %parallel_loop3A_862 = arith.addf %parallel_loop3A_861, %get3A_50 : vector<16xf32>
        %parallel_loop3A_863 = arith.constant 0.000000e+00 : f32
        %parallel_loop3A_864 = vector.broadcast %parallel_loop3A_863 : f32 to vector<16xf32>
        %parallel_loop3A_865 = arith.maximumf %parallel_loop3A_862, %parallel_loop3A_864 : vector<16xf32>
        %parallel_loop3A_866 = arith.index_cast %rem3A_551 : i32 to index
        %parallel_loop3A_867 = arith.index_cast %parallel_loop3A_783 : i32 to index
        %parallel_loop3A_868 = arith.constant 32 : index
        %parallel_loop3A_869 = tpu.vector_load %arg12[%parallel_loop3A_866, %parallel_loop3A_867, %parallel_loop3A_868] {strides = array<i32>} : memref<2x16x128xi32, #tpu.memory_space<vmem>>, vector<16xi32>,
        tpu.vector_store %arg12[%parallel_loop3A_866, %parallel_loop3A_867, %parallel_loop3A_868], %parallel_loop3A_852 {strides = array<i32>} : memref<2x16x128xi32, #tpu.memory_space<vmem>>, vector<16xi32>,
        %parallel_loop3A_870 = arith.index_cast %rem3A_551 : i32 to index
        %parallel_loop3A_871 = arith.index_cast %parallel_loop3A_783 : i32 to index
        %parallel_loop3A_872 = arith.constant 32 : index
        %parallel_loop3A_873 = tpu.vector_load %arg13[%parallel_loop3A_870, %parallel_loop3A_871, %parallel_loop3A_872] {strides = array<i32>} : memref<2x16x128xf32, #tpu.memory_space<vmem>>, vector<16xf32>,
        tpu.vector_store %arg13[%parallel_loop3A_870, %parallel_loop3A_871, %parallel_loop3A_872], %parallel_loop3A_865 {strides = array<i32>} : memref<2x16x128xf32, #tpu.memory_space<vmem>>, vector<16xf32>,
        %parallel_loop3A_874 = arith.constant 128 : i32
        %parallel_loop3A_875 = arith.muli %parallel_loop3A_783, %parallel_loop3A_874 : i32
        %parallel_loop3A_876 = arith.addi %mul3A_553, %parallel_loop3A_875 : i32
        %parallel_loop3A_877 = arith.constant 48 : i32
        %parallel_loop3A_878 = arith.addi %parallel_loop3A_876, %parallel_loop3A_877 : i32
        %parallel_loop3A_879 = arith.index_cast %parallel_loop3A_878 : i32 to index
        %parallel_loop3A_880 = tpu.vector_load %arg9[%parallel_loop3A_879] {strides = array<i32>} : memref<4096xi32, #tpu.memory_space<vmem>>, vector<16xi32>,
        %parallel_loop3A_881 = arith.index_cast %parallel_loop3A_878 : i32 to index
        %parallel_loop3A_882 = tpu.vector_load %arg10[%parallel_loop3A_881] {strides = array<i32>} : memref<4096xi32, #tpu.memory_space<vmem>>, vector<16xi32>,
        %parallel_loop3A_883 = tpu.vector_load_idx %arg8[%parallel_loop3A_880] : memref<100000xf32, #tpu.memory_space<vmem>>[vector<16xi32>], vector<16xf32>,
        %parallel_loop3A_884 = tpu.vector_load_idx %arg8[%parallel_loop3A_882] : memref<100000xf32, #tpu.memory_space<vmem>>[vector<16xi32>], vector<16xf32>,
        %parallel_loop3A_885 = arith.index_cast %parallel_loop3A_878 : i32 to index
        %parallel_loop3A_886 = tpu.vector_load %arg11[%parallel_loop3A_885] {strides = array<i32>} : memref<4096xf32, #tpu.memory_space<vmem>>, vector<16xf32>,
        %parallel_loop3A_887 = arith.mulf %parallel_loop3A_883, %get3A_38 : vector<16xf32>
        %parallel_loop3A_888 = arith.mulf %parallel_loop3A_884, %get3A_42 : vector<16xf32>
        %parallel_loop3A_889 = arith.addf %parallel_loop3A_887, %parallel_loop3A_888 : vector<16xf32>
        %parallel_loop3A_890 = arith.mulf %parallel_loop3A_886, %get3A_46 : vector<16xf32>
        %parallel_loop3A_891 = arith.addf %parallel_loop3A_889, %parallel_loop3A_890 : vector<16xf32>
        %parallel_loop3A_892 = arith.addf %parallel_loop3A_891, %get3A_50 : vector<16xf32>
        %parallel_loop3A_893 = arith.constant 0.000000e+00 : f32
        %parallel_loop3A_894 = vector.broadcast %parallel_loop3A_893 : f32 to vector<16xf32>
        %parallel_loop3A_895 = arith.maximumf %parallel_loop3A_892, %parallel_loop3A_894 : vector<16xf32>
        %parallel_loop3A_896 = arith.index_cast %rem3A_551 : i32 to index
        %parallel_loop3A_897 = arith.index_cast %parallel_loop3A_783 : i32 to index
        %parallel_loop3A_898 = arith.constant 48 : index
        %parallel_loop3A_899 = tpu.vector_load %arg12[%parallel_loop3A_896, %parallel_loop3A_897, %parallel_loop3A_898] {strides = array<i32>} : memref<2x16x128xi32, #tpu.memory_space<vmem>>, vector<16xi32>,
        tpu.vector_store %arg12[%parallel_loop3A_896, %parallel_loop3A_897, %parallel_loop3A_898], %parallel_loop3A_882 {strides = array<i32>} : memref<2x16x128xi32, #tpu.memory_space<vmem>>, vector<16xi32>,
        %parallel_loop3A_900 = arith.index_cast %rem3A_551 : i32 to index
        %parallel_loop3A_901 = arith.index_cast %parallel_loop3A_783 : i32 to index
        %parallel_loop3A_902 = arith.constant 48 : index
        %parallel_loop3A_903 = tpu.vector_load %arg13[%parallel_loop3A_900, %parallel_loop3A_901, %parallel_loop3A_902] {strides = array<i32>} : memref<2x16x128xf32, #tpu.memory_space<vmem>>, vector<16xf32>,
        tpu.vector_store %arg13[%parallel_loop3A_900, %parallel_loop3A_901, %parallel_loop3A_902], %parallel_loop3A_895 {strides = array<i32>} : memref<2x16x128xf32, #tpu.memory_space<vmem>>, vector<16xf32>,
        %parallel_loop3A_904 = arith.constant 128 : i32
        %parallel_loop3A_905 = arith.muli %parallel_loop3A_783, %parallel_loop3A_904 : i32
        %parallel_loop3A_906 = arith.addi %mul3A_553, %parallel_loop3A_905 : i32
        %parallel_loop3A_907 = arith.constant 64 : i32
        %parallel_loop3A_908 = arith.addi %parallel_loop3A_906, %parallel_loop3A_907 : i32
        %parallel_loop3A_909 = arith.index_cast %parallel_loop3A_908 : i32 to index
        %parallel_loop3A_910 = tpu.vector_load %arg9[%parallel_loop3A_909] {strides = array<i32>} : memref<4096xi32, #tpu.memory_space<vmem>>, vector<16xi32>,
        %parallel_loop3A_911 = arith.index_cast %parallel_loop3A_908 : i32 to index
        %parallel_loop3A_912 = tpu.vector_load %arg10[%parallel_loop3A_911] {strides = array<i32>} : memref<4096xi32, #tpu.memory_space<vmem>>, vector<16xi32>,
        %parallel_loop3A_913 = tpu.vector_load_idx %arg8[%parallel_loop3A_910] : memref<100000xf32, #tpu.memory_space<vmem>>[vector<16xi32>], vector<16xf32>,
        %parallel_loop3A_914 = tpu.vector_load_idx %arg8[%parallel_loop3A_912] : memref<100000xf32, #tpu.memory_space<vmem>>[vector<16xi32>], vector<16xf32>,
        %parallel_loop3A_915 = arith.index_cast %parallel_loop3A_908 : i32 to index
        %parallel_loop3A_916 = tpu.vector_load %arg11[%parallel_loop3A_915] {strides = array<i32>} : memref<4096xf32, #tpu.memory_space<vmem>>, vector<16xf32>,
        %parallel_loop3A_917 = arith.mulf %parallel_loop3A_913, %get3A_38 : vector<16xf32>
        %parallel_loop3A_918 = arith.mulf %parallel_loop3A_914, %get3A_42 : vector<16xf32>
        %parallel_loop3A_919 = arith.addf %parallel_loop3A_917, %parallel_loop3A_918 : vector<16xf32>
        %parallel_loop3A_920 = arith.mulf %parallel_loop3A_916, %get3A_46 : vector<16xf32>
        %parallel_loop3A_921 = arith.addf %parallel_loop3A_919, %parallel_loop3A_920 : vector<16xf32>
        %parallel_loop3A_922 = arith.addf %parallel_loop3A_921, %get3A_50 : vector<16xf32>
        %parallel_loop3A_923 = arith.constant 0.000000e+00 : f32
        %parallel_loop3A_924 = vector.broadcast %parallel_loop3A_923 : f32 to vector<16xf32>
        %parallel_loop3A_925 = arith.maximumf %parallel_loop3A_922, %parallel_loop3A_924 : vector<16xf32>
        %parallel_loop3A_926 = arith.index_cast %rem3A_551 : i32 to index
        %parallel_loop3A_927 = arith.index_cast %parallel_loop3A_783 : i32 to index
        %parallel_loop3A_928 = arith.constant 64 : index
        %parallel_loop3A_929 = tpu.vector_load %arg12[%parallel_loop3A_926, %parallel_loop3A_927, %parallel_loop3A_928] {strides = array<i32>} : memref<2x16x128xi32, #tpu.memory_space<vmem>>, vector<16xi32>,
        tpu.vector_store %arg12[%parallel_loop3A_926, %parallel_loop3A_927, %parallel_loop3A_928], %parallel_loop3A_912 {strides = array<i32>} : memref<2x16x128xi32, #tpu.memory_space<vmem>>, vector<16xi32>,
        %parallel_loop3A_930 = arith.index_cast %rem3A_551 : i32 to index
        %parallel_loop3A_931 = arith.index_cast %parallel_loop3A_783 : i32 to index
        %parallel_loop3A_932 = arith.constant 64 : index
        %parallel_loop3A_933 = tpu.vector_load %arg13[%parallel_loop3A_930, %parallel_loop3A_931, %parallel_loop3A_932] {strides = array<i32>} : memref<2x16x128xf32, #tpu.memory_space<vmem>>, vector<16xf32>,
        tpu.vector_store %arg13[%parallel_loop3A_930, %parallel_loop3A_931, %parallel_loop3A_932], %parallel_loop3A_925 {strides = array<i32>} : memref<2x16x128xf32, #tpu.memory_space<vmem>>, vector<16xf32>,
        %parallel_loop3A_934 = arith.constant 128 : i32
        %parallel_loop3A_935 = arith.muli %parallel_loop3A_783, %parallel_loop3A_934 : i32
        %parallel_loop3A_936 = arith.addi %mul3A_553, %parallel_loop3A_935 : i32
        %parallel_loop3A_937 = arith.constant 80 : i32
        %parallel_loop3A_938 = arith.addi %parallel_loop3A_936, %parallel_loop3A_937 : i32
        %parallel_loop3A_939 = arith.index_cast %parallel_loop3A_938 : i32 to index
        %parallel_loop3A_940 = tpu.vector_load %arg9[%parallel_loop3A_939] {strides = array<i32>} : memref<4096xi32, #tpu.memory_space<vmem>>, vector<16xi32>,
        %parallel_loop3A_941 = arith.index_cast %parallel_loop3A_938 : i32 to index
        %parallel_loop3A_942 = tpu.vector_load %arg10[%parallel_loop3A_941] {strides = array<i32>} : memref<4096xi32, #tpu.memory_space<vmem>>, vector<16xi32>,
        %parallel_loop3A_943 = tpu.vector_load_idx %arg8[%parallel_loop3A_940] : memref<100000xf32, #tpu.memory_space<vmem>>[vector<16xi32>], vector<16xf32>,
        %parallel_loop3A_944 = tpu.vector_load_idx %arg8[%parallel_loop3A_942] : memref<100000xf32, #tpu.memory_space<vmem>>[vector<16xi32>], vector<16xf32>,
        %parallel_loop3A_945 = arith.index_cast %parallel_loop3A_938 : i32 to index
        %parallel_loop3A_946 = tpu.vector_load %arg11[%parallel_loop3A_945] {strides = array<i32>} : memref<4096xf32, #tpu.memory_space<vmem>>, vector<16xf32>,
        %parallel_loop3A_947 = arith.mulf %parallel_loop3A_943, %get3A_38 : vector<16xf32>
        %parallel_loop3A_948 = arith.mulf %parallel_loop3A_944, %get3A_42 : vector<16xf32>
        %parallel_loop3A_949 = arith.addf %parallel_loop3A_947, %parallel_loop3A_948 : vector<16xf32>
        %parallel_loop3A_950 = arith.mulf %parallel_loop3A_946, %get3A_46 : vector<16xf32>
        %parallel_loop3A_951 = arith.addf %parallel_loop3A_949, %parallel_loop3A_950 : vector<16xf32>
        %parallel_loop3A_952 = arith.addf %parallel_loop3A_951, %get3A_50 : vector<16xf32>
        %parallel_loop3A_953 = arith.constant 0.000000e+00 : f32
        %parallel_loop3A_954 = vector.broadcast %parallel_loop3A_953 : f32 to vector<16xf32>
        %parallel_loop3A_955 = arith.maximumf %parallel_loop3A_952, %parallel_loop3A_954 : vector<16xf32>
        %parallel_loop3A_956 = arith.index_cast %rem3A_551 : i32 to index
        %parallel_loop3A_957 = arith.index_cast %parallel_loop3A_783 : i32 to index
        %parallel_loop3A_958 = arith.constant 80 : index
        %parallel_loop3A_959 = tpu.vector_load %arg12[%parallel_loop3A_956, %parallel_loop3A_957, %parallel_loop3A_958] {strides = array<i32>} : memref<2x16x128xi32, #tpu.memory_space<vmem>>, vector<16xi32>,
        tpu.vector_store %arg12[%parallel_loop3A_956, %parallel_loop3A_957, %parallel_loop3A_958], %parallel_loop3A_942 {strides = array<i32>} : memref<2x16x128xi32, #tpu.memory_space<vmem>>, vector<16xi32>,
        %parallel_loop3A_960 = arith.index_cast %rem3A_551 : i32 to index
        %parallel_loop3A_961 = arith.index_cast %parallel_loop3A_783 : i32 to index
        %parallel_loop3A_962 = arith.constant 80 : index
        %parallel_loop3A_963 = tpu.vector_load %arg13[%parallel_loop3A_960, %parallel_loop3A_961, %parallel_loop3A_962] {strides = array<i32>} : memref<2x16x128xf32, #tpu.memory_space<vmem>>, vector<16xf32>,
        tpu.vector_store %arg13[%parallel_loop3A_960, %parallel_loop3A_961, %parallel_loop3A_962], %parallel_loop3A_955 {strides = array<i32>} : memref<2x16x128xf32, #tpu.memory_space<vmem>>, vector<16xf32>,
        %parallel_loop3A_964 = arith.constant 128 : i32
        %parallel_loop3A_965 = arith.muli %parallel_loop3A_783, %parallel_loop3A_964 : i32
        %parallel_loop3A_966 = arith.addi %mul3A_553, %parallel_loop3A_965 : i32
        %parallel_loop3A_967 = arith.constant 96 : i32
        %parallel_loop3A_968 = arith.addi %parallel_loop3A_966, %parallel_loop3A_967 : i32
        %parallel_loop3A_969 = arith.index_cast %parallel_loop3A_968 : i32 to index
        %parallel_loop3A_970 = tpu.vector_load %arg9[%parallel_loop3A_969] {strides = array<i32>} : memref<4096xi32, #tpu.memory_space<vmem>>, vector<16xi32>,
        %parallel_loop3A_971 = arith.index_cast %parallel_loop3A_968 : i32 to index
        %parallel_loop3A_972 = tpu.vector_load %arg10[%parallel_loop3A_971] {strides = array<i32>} : memref<4096xi32, #tpu.memory_space<vmem>>, vector<16xi32>,
        %parallel_loop3A_973 = tpu.vector_load_idx %arg8[%parallel_loop3A_970] : memref<100000xf32, #tpu.memory_space<vmem>>[vector<16xi32>], vector<16xf32>,
        %parallel_loop3A_974 = tpu.vector_load_idx %arg8[%parallel_loop3A_972] : memref<100000xf32, #tpu.memory_space<vmem>>[vector<16xi32>], vector<16xf32>,
        %parallel_loop3A_975 = arith.index_cast %parallel_loop3A_968 : i32 to index
        %parallel_loop3A_976 = tpu.vector_load %arg11[%parallel_loop3A_975] {strides = array<i32>} : memref<4096xf32, #tpu.memory_space<vmem>>, vector<16xf32>,
        %parallel_loop3A_977 = arith.mulf %parallel_loop3A_973, %get3A_38 : vector<16xf32>
        %parallel_loop3A_978 = arith.mulf %parallel_loop3A_974, %get3A_42 : vector<16xf32>
        %parallel_loop3A_979 = arith.addf %parallel_loop3A_977, %parallel_loop3A_978 : vector<16xf32>
        %parallel_loop3A_980 = arith.mulf %parallel_loop3A_976, %get3A_46 : vector<16xf32>
        %parallel_loop3A_981 = arith.addf %parallel_loop3A_979, %parallel_loop3A_980 : vector<16xf32>
        %parallel_loop3A_982 = arith.addf %parallel_loop3A_981, %get3A_50 : vector<16xf32>
        %parallel_loop3A_983 = arith.constant 0.000000e+00 : f32
        %parallel_loop3A_984 = vector.broadcast %parallel_loop3A_983 : f32 to vector<16xf32>
        %parallel_loop3A_985 = arith.maximumf %parallel_loop3A_982, %parallel_loop3A_984 : vector<16xf32>
        %parallel_loop3A_986 = arith.index_cast %rem3A_551 : i32 to index
        %parallel_loop3A_987 = arith.index_cast %parallel_loop3A_783 : i32 to index
        %parallel_loop3A_988 = arith.constant 96 : index
        %parallel_loop3A_989 = tpu.vector_load %arg12[%parallel_loop3A_986, %parallel_loop3A_987, %parallel_loop3A_988] {strides = array<i32>} : memref<2x16x128xi32, #tpu.memory_space<vmem>>, vector<16xi32>,
        tpu.vector_store %arg12[%parallel_loop3A_986, %parallel_loop3A_987, %parallel_loop3A_988], %parallel_loop3A_972 {strides = array<i32>} : memref<2x16x128xi32, #tpu.memory_space<vmem>>, vector<16xi32>,
        %parallel_loop3A_990 = arith.index_cast %rem3A_551 : i32 to index
        %parallel_loop3A_991 = arith.index_cast %parallel_loop3A_783 : i32 to index
        %parallel_loop3A_992 = arith.constant 96 : index
        %parallel_loop3A_993 = tpu.vector_load %arg13[%parallel_loop3A_990, %parallel_loop3A_991, %parallel_loop3A_992] {strides = array<i32>} : memref<2x16x128xf32, #tpu.memory_space<vmem>>, vector<16xf32>,
        tpu.vector_store %arg13[%parallel_loop3A_990, %parallel_loop3A_991, %parallel_loop3A_992], %parallel_loop3A_985 {strides = array<i32>} : memref<2x16x128xf32, #tpu.memory_space<vmem>>, vector<16xf32>,
        %parallel_loop3A_994 = arith.constant 128 : i32
        %parallel_loop3A_995 = arith.muli %parallel_loop3A_783, %parallel_loop3A_994 : i32
        %parallel_loop3A_996 = arith.addi %mul3A_553, %parallel_loop3A_995 : i32
        %parallel_loop3A_997 = arith.constant 112 : i32
        %parallel_loop3A_998 = arith.addi %parallel_loop3A_996, %parallel_loop3A_997 : i32
        %parallel_loop3A_999 = arith.index_cast %parallel_loop3A_998 : i32 to index
        %parallel_loop3A_1000 = tpu.vector_load %arg9[%parallel_loop3A_999] {strides = array<i32>} : memref<4096xi32, #tpu.memory_space<vmem>>, vector<16xi32>,
        %parallel_loop3A_1001 = arith.index_cast %parallel_loop3A_998 : i32 to index
        %parallel_loop3A_1002 = tpu.vector_load %arg10[%parallel_loop3A_1001] {strides = array<i32>} : memref<4096xi32, #tpu.memory_space<vmem>>, vector<16xi32>,
        %parallel_loop3A_1003 = tpu.vector_load_idx %arg8[%parallel_loop3A_1000] : memref<100000xf32, #tpu.memory_space<vmem>>[vector<16xi32>], vector<16xf32>,
        %parallel_loop3A_1004 = tpu.vector_load_idx %arg8[%parallel_loop3A_1002] : memref<100000xf32, #tpu.memory_space<vmem>>[vector<16xi32>], vector<16xf32>,
        %parallel_loop3A_1005 = arith.index_cast %parallel_loop3A_998 : i32 to index
        %parallel_loop3A_1006 = tpu.vector_load %arg11[%parallel_loop3A_1005] {strides = array<i32>} : memref<4096xf32, #tpu.memory_space<vmem>>, vector<16xf32>,
        %parallel_loop3A_1007 = arith.mulf %parallel_loop3A_1003, %get3A_38 : vector<16xf32>
        %parallel_loop3A_1008 = arith.mulf %parallel_loop3A_1004, %get3A_42 : vector<16xf32>
        %parallel_loop3A_1009 = arith.addf %parallel_loop3A_1007, %parallel_loop3A_1008 : vector<16xf32>
        %parallel_loop3A_1010 = arith.mulf %parallel_loop3A_1006, %get3A_46 : vector<16xf32>
        %parallel_loop3A_1011 = arith.addf %parallel_loop3A_1009, %parallel_loop3A_1010 : vector<16xf32>
        %parallel_loop3A_1012 = arith.addf %parallel_loop3A_1011, %get3A_50 : vector<16xf32>
        %parallel_loop3A_1013 = arith.constant 0.000000e+00 : f32
        %parallel_loop3A_1014 = vector.broadcast %parallel_loop3A_1013 : f32 to vector<16xf32>
        %parallel_loop3A_1015 = arith.maximumf %parallel_loop3A_1012, %parallel_loop3A_1014 : vector<16xf32>
        %parallel_loop3A_1016 = arith.index_cast %rem3A_551 : i32 to index
        %parallel_loop3A_1017 = arith.index_cast %parallel_loop3A_783 : i32 to index
        %parallel_loop3A_1018 = arith.constant 112 : index
        %parallel_loop3A_1019 = tpu.vector_load %arg12[%parallel_loop3A_1016, %parallel_loop3A_1017, %parallel_loop3A_1018] {strides = array<i32>} : memref<2x16x128xi32, #tpu.memory_space<vmem>>, vector<16xi32>,
        tpu.vector_store %arg12[%parallel_loop3A_1016, %parallel_loop3A_1017, %parallel_loop3A_1018], %parallel_loop3A_1002 {strides = array<i32>} : memref<2x16x128xi32, #tpu.memory_space<vmem>>, vector<16xi32>,
        %parallel_loop3A_1020 = arith.index_cast %rem3A_551 : i32 to index
        %parallel_loop3A_1021 = arith.index_cast %parallel_loop3A_783 : i32 to index
        %parallel_loop3A_1022 = arith.constant 112 : index
        %parallel_loop3A_1023 = tpu.vector_load %arg13[%parallel_loop3A_1020, %parallel_loop3A_1021, %parallel_loop3A_1022] {strides = array<i32>} : memref<2x16x128xf32, #tpu.memory_space<vmem>>, vector<16xf32>,
        tpu.vector_store %arg13[%parallel_loop3A_1020, %parallel_loop3A_1021, %parallel_loop3A_1022], %parallel_loop3A_1015 {strides = array<i32>} : memref<2x16x128xf32, #tpu.memory_space<vmem>>, vector<16xf32>,
      } {sc.loop_unroll_factor = 4 : i64, sc.parallel_access}
      %dma_start3A_591 = arith.constant 0 : i32
      %dma_start3A_592 = arith.constant 0 : i32
      %dma_start3A_593 = arith.constant 0 : i32
      %dma_start3A_594 = tpu.memref_slice %arg13[%rem3A_551, %dma_start3A_591, %dma_start3A_593] : memref<2x16x128xf32, #tpu.memory_space<vmem>> -> memref<1x1x128xf32, #tpu.memory_space<vmem>>
      %dma_start3A_595 = tpu.memref_squeeze %dma_start3A_594 : memref<1x1x128xf32, #tpu.memory_space<vmem>> -> memref<128xf32, #tpu.memory_space<vmem>>
      %dma_start3A_596 = arith.constant 0 : i32
      %dma_start3A_597 = tpu.memref_slice %arg12[%rem3A_551, %dma_start3A_592, %dma_start3A_596] : memref<2x16x128xi32, #tpu.memory_space<vmem>> -> memref<1x1x128xi32, #tpu.memory_space<vmem>>
      %dma_start3A_598 = tpu.memref_squeeze %dma_start3A_597 : memref<1x1x128xi32, #tpu.memory_space<vmem>> -> memref<128xi32, #tpu.memory_space<vmem>>
      %dma_start3A_599 = arith.constant 0 : i32
      %dma_start3A_600 = tpu.memref_slice %arg15[%dma_start3A_599] : memref<100352xf32, #tpu.memory_space<vmem_shared>> -> memref<100352xf32, #tpu.memory_space<vmem_shared>>
      %dma_start3A_601 = tpu.memref_slice %arg17[%rem3A_551] : memref<2x!tpu.dma_semaphore, #tpu.memory_space<semaphore_mem>> -> memref<1x!tpu.dma_semaphore, #tpu.memory_space<semaphore_mem>>
      %dma_start3A_602 = tpu.memref_squeeze %dma_start3A_601 : memref<1x!tpu.dma_semaphore, #tpu.memory_space<semaphore_mem>> -> memref<!tpu.dma_semaphore, #tpu.memory_space<semaphore_mem>>
      tpu.enqueue_indirect_dma source(%dma_start3A_595 : memref<128xf32, #tpu.memory_space<vmem>>) target(%dma_start3A_600 : memref<100352xf32, #tpu.memory_space<vmem_shared>>) offsets(%dma_start3A_598 : memref<128xi32, #tpu.memory_space<vmem>>) semaphore(%dma_start3A_602 : memref<!tpu.dma_semaphore, #tpu.memory_space<semaphore_mem>>) {add = true}
      %dma_start3A_603 = arith.constant 1 : i32
      %dma_start3A_604 = arith.constant 1 : i32
      %dma_start3A_605 = arith.constant 0 : i32
      %dma_start3A_606 = tpu.memref_slice %arg13[%rem3A_551, %dma_start3A_603, %dma_start3A_605] : memref<2x16x128xf32, #tpu.memory_space<vmem>> -> memref<1x1x128xf32, #tpu.memory_space<vmem>>
      %dma_start3A_607 = tpu.memref_squeeze %dma_start3A_606 : memref<1x1x128xf32, #tpu.memory_space<vmem>> -> memref<128xf32, #tpu.memory_space<vmem>>
      %dma_start3A_608 = arith.constant 0 : i32
      %dma_start3A_609 = tpu.memref_slice %arg12[%rem3A_551, %dma_start3A_604, %dma_start3A_608] : memref<2x16x128xi32, #tpu.memory_space<vmem>> -> memref<1x1x128xi32, #tpu.memory_space<vmem>>
      %dma_start3A_610 = tpu.memref_squeeze %dma_start3A_609 : memref<1x1x128xi32, #tpu.memory_space<vmem>> -> memref<128xi32, #tpu.memory_space<vmem>>
      %dma_start3A_611 = arith.constant 0 : i32
      %dma_start3A_612 = tpu.memref_slice %arg15[%dma_start3A_611] : memref<100352xf32, #tpu.memory_space<vmem_shared>> -> memref<100352xf32, #tpu.memory_space<vmem_shared>>
      %dma_start3A_613 = tpu.memref_slice %arg17[%rem3A_551] : memref<2x!tpu.dma_semaphore, #tpu.memory_space<semaphore_mem>> -> memref<1x!tpu.dma_semaphore, #tpu.memory_space<semaphore_mem>>
      %dma_start3A_614 = tpu.memref_squeeze %dma_start3A_613 : memref<1x!tpu.dma_semaphore, #tpu.memory_space<semaphore_mem>> -> memref<!tpu.dma_semaphore, #tpu.memory_space<semaphore_mem>>
      tpu.enqueue_indirect_dma source(%dma_start3A_607 : memref<128xf32, #tpu.memory_space<vmem>>) target(%dma_start3A_612 : memref<100352xf32, #tpu.memory_space<vmem_shared>>) offsets(%dma_start3A_610 : memref<128xi32, #tpu.memory_space<vmem>>) semaphore(%dma_start3A_614 : memref<!tpu.dma_semaphore, #tpu.memory_space<semaphore_mem>>) {add = true}
      %dma_start3A_615 = arith.constant 2 : i32
      %dma_start3A_616 = arith.constant 2 : i32
      %dma_start3A_617 = arith.constant 0 : i32
      %dma_start3A_618 = tpu.memref_slice %arg13[%rem3A_551, %dma_start3A_615, %dma_start3A_617] : memref<2x16x128xf32, #tpu.memory_space<vmem>> -> memref<1x1x128xf32, #tpu.memory_space<vmem>>
      %dma_start3A_619 = tpu.memref_squeeze %dma_start3A_618 : memref<1x1x128xf32, #tpu.memory_space<vmem>> -> memref<128xf32, #tpu.memory_space<vmem>>
      %dma_start3A_620 = arith.constant 0 : i32
      %dma_start3A_621 = tpu.memref_slice %arg12[%rem3A_551, %dma_start3A_616, %dma_start3A_620] : memref<2x16x128xi32, #tpu.memory_space<vmem>> -> memref<1x1x128xi32, #tpu.memory_space<vmem>>
      %dma_start3A_622 = tpu.memref_squeeze %dma_start3A_621 : memref<1x1x128xi32, #tpu.memory_space<vmem>> -> memref<128xi32, #tpu.memory_space<vmem>>
      %dma_start3A_623 = arith.constant 0 : i32
      %dma_start3A_624 = tpu.memref_slice %arg15[%dma_start3A_623] : memref<100352xf32, #tpu.memory_space<vmem_shared>> -> memref<100352xf32, #tpu.memory_space<vmem_shared>>
      %dma_start3A_625 = tpu.memref_slice %arg17[%rem3A_551] : memref<2x!tpu.dma_semaphore, #tpu.memory_space<semaphore_mem>> -> memref<1x!tpu.dma_semaphore, #tpu.memory_space<semaphore_mem>>
      %dma_start3A_626 = tpu.memref_squeeze %dma_start3A_625 : memref<1x!tpu.dma_semaphore, #tpu.memory_space<semaphore_mem>> -> memref<!tpu.dma_semaphore, #tpu.memory_space<semaphore_mem>>
      tpu.enqueue_indirect_dma source(%dma_start3A_619 : memref<128xf32, #tpu.memory_space<vmem>>) target(%dma_start3A_624 : memref<100352xf32, #tpu.memory_space<vmem_shared>>) offsets(%dma_start3A_622 : memref<128xi32, #tpu.memory_space<vmem>>) semaphore(%dma_start3A_626 : memref<!tpu.dma_semaphore, #tpu.memory_space<semaphore_mem>>) {add = true}
      %dma_start3A_627 = arith.constant 3 : i32
      %dma_start3A_628 = arith.constant 3 : i32
      %dma_start3A_629 = arith.constant 0 : i32
      %dma_start3A_630 = tpu.memref_slice %arg13[%rem3A_551, %dma_start3A_627, %dma_start3A_629] : memref<2x16x128xf32, #tpu.memory_space<vmem>> -> memref<1x1x128xf32, #tpu.memory_space<vmem>>
      %dma_start3A_631 = tpu.memref_squeeze %dma_start3A_630 : memref<1x1x128xf32, #tpu.memory_space<vmem>> -> memref<128xf32, #tpu.memory_space<vmem>>
      %dma_start3A_632 = arith.constant 0 : i32
      %dma_start3A_633 = tpu.memref_slice %arg12[%rem3A_551, %dma_start3A_628, %dma_start3A_632] : memref<2x16x128xi32, #tpu.memory_space<vmem>> -> memref<1x1x128xi32, #tpu.memory_space<vmem>>
      %dma_start3A_634 = tpu.memref_squeeze %dma_start3A_633 : memref<1x1x128xi32, #tpu.memory_space<vmem>> -> memref<128xi32, #tpu.memory_space<vmem>>
      %dma_start3A_635 = arith.constant 0 : i32
      %dma_start3A_636 = tpu.memref_slice %arg15[%dma_start3A_635] : memref<100352xf32, #tpu.memory_space<vmem_shared>> -> memref<100352xf32, #tpu.memory_space<vmem_shared>>
      %dma_start3A_637 = tpu.memref_slice %arg17[%rem3A_551] : memref<2x!tpu.dma_semaphore, #tpu.memory_space<semaphore_mem>> -> memref<1x!tpu.dma_semaphore, #tpu.memory_space<semaphore_mem>>
      %dma_start3A_638 = tpu.memref_squeeze %dma_start3A_637 : memref<1x!tpu.dma_semaphore, #tpu.memory_space<semaphore_mem>> -> memref<!tpu.dma_semaphore, #tpu.memory_space<semaphore_mem>>
      tpu.enqueue_indirect_dma source(%dma_start3A_631 : memref<128xf32, #tpu.memory_space<vmem>>) target(%dma_start3A_636 : memref<100352xf32, #tpu.memory_space<vmem_shared>>) offsets(%dma_start3A_634 : memref<128xi32, #tpu.memory_space<vmem>>) semaphore(%dma_start3A_638 : memref<!tpu.dma_semaphore, #tpu.memory_space<semaphore_mem>>) {add = true}
      %dma_start3A_639 = arith.constant 4 : i32
      %dma_start3A_640 = arith.constant 4 : i32
      %dma_start3A_641 = arith.constant 0 : i32
      %dma_start3A_642 = tpu.memref_slice %arg13[%rem3A_551, %dma_start3A_639, %dma_start3A_641] : memref<2x16x128xf32, #tpu.memory_space<vmem>> -> memref<1x1x128xf32, #tpu.memory_space<vmem>>
      %dma_start3A_643 = tpu.memref_squeeze %dma_start3A_642 : memref<1x1x128xf32, #tpu.memory_space<vmem>> -> memref<128xf32, #tpu.memory_space<vmem>>
      %dma_start3A_644 = arith.constant 0 : i32
      %dma_start3A_645 = tpu.memref_slice %arg12[%rem3A_551, %dma_start3A_640, %dma_start3A_644] : memref<2x16x128xi32, #tpu.memory_space<vmem>> -> memref<1x1x128xi32, #tpu.memory_space<vmem>>
      %dma_start3A_646 = tpu.memref_squeeze %dma_start3A_645 : memref<1x1x128xi32, #tpu.memory_space<vmem>> -> memref<128xi32, #tpu.memory_space<vmem>>
      %dma_start3A_647 = arith.constant 0 : i32
      %dma_start3A_648 = tpu.memref_slice %arg15[%dma_start3A_647] : memref<100352xf32, #tpu.memory_space<vmem_shared>> -> memref<100352xf32, #tpu.memory_space<vmem_shared>>
      %dma_start3A_649 = tpu.memref_slice %arg17[%rem3A_551] : memref<2x!tpu.dma_semaphore, #tpu.memory_space<semaphore_mem>> -> memref<1x!tpu.dma_semaphore, #tpu.memory_space<semaphore_mem>>
      %dma_start3A_650 = tpu.memref_squeeze %dma_start3A_649 : memref<1x!tpu.dma_semaphore, #tpu.memory_space<semaphore_mem>> -> memref<!tpu.dma_semaphore, #tpu.memory_space<semaphore_mem>>
      tpu.enqueue_indirect_dma source(%dma_start3A_643 : memref<128xf32, #tpu.memory_space<vmem>>) target(%dma_start3A_648 : memref<100352xf32, #tpu.memory_space<vmem_shared>>) offsets(%dma_start3A_646 : memref<128xi32, #tpu.memory_space<vmem>>) semaphore(%dma_start3A_650 : memref<!tpu.dma_semaphore, #tpu.memory_space<semaphore_mem>>) {add = true}
      %dma_start3A_651 = arith.constant 5 : i32
      %dma_start3A_652 = arith.constant 5 : i32
      %dma_start3A_653 = arith.constant 0 : i32
      %dma_start3A_654 = tpu.memref_slice %arg13[%rem3A_551, %dma_start3A_651, %dma_start3A_653] : memref<2x16x128xf32, #tpu.memory_space<vmem>> -> memref<1x1x128xf32, #tpu.memory_space<vmem>>
      %dma_start3A_655 = tpu.memref_squeeze %dma_start3A_654 : memref<1x1x128xf32, #tpu.memory_space<vmem>> -> memref<128xf32, #tpu.memory_space<vmem>>
      %dma_start3A_656 = arith.constant 0 : i32
      %dma_start3A_657 = tpu.memref_slice %arg12[%rem3A_551, %dma_start3A_652, %dma_start3A_656] : memref<2x16x128xi32, #tpu.memory_space<vmem>> -> memref<1x1x128xi32, #tpu.memory_space<vmem>>
      %dma_start3A_658 = tpu.memref_squeeze %dma_start3A_657 : memref<1x1x128xi32, #tpu.memory_space<vmem>> -> memref<128xi32, #tpu.memory_space<vmem>>
      %dma_start3A_659 = arith.constant 0 : i32
      %dma_start3A_660 = tpu.memref_slice %arg15[%dma_start3A_659] : memref<100352xf32, #tpu.memory_space<vmem_shared>> -> memref<100352xf32, #tpu.memory_space<vmem_shared>>
      %dma_start3A_661 = tpu.memref_slice %arg17[%rem3A_551] : memref<2x!tpu.dma_semaphore, #tpu.memory_space<semaphore_mem>> -> memref<1x!tpu.dma_semaphore, #tpu.memory_space<semaphore_mem>>
      %dma_start3A_662 = tpu.memref_squeeze %dma_start3A_661 : memref<1x!tpu.dma_semaphore, #tpu.memory_space<semaphore_mem>> -> memref<!tpu.dma_semaphore, #tpu.memory_space<semaphore_mem>>
      tpu.enqueue_indirect_dma source(%dma_start3A_655 : memref<128xf32, #tpu.memory_space<vmem>>) target(%dma_start3A_660 : memref<100352xf32, #tpu.memory_space<vmem_shared>>) offsets(%dma_start3A_658 : memref<128xi32, #tpu.memory_space<vmem>>) semaphore(%dma_start3A_662 : memref<!tpu.dma_semaphore, #tpu.memory_space<semaphore_mem>>) {add = true}
      %dma_start3A_663 = arith.constant 6 : i32
      %dma_start3A_664 = arith.constant 6 : i32
      %dma_start3A_665 = arith.constant 0 : i32
      %dma_start3A_666 = tpu.memref_slice %arg13[%rem3A_551, %dma_start3A_663, %dma_start3A_665] : memref<2x16x128xf32, #tpu.memory_space<vmem>> -> memref<1x1x128xf32, #tpu.memory_space<vmem>>
      %dma_start3A_667 = tpu.memref_squeeze %dma_start3A_666 : memref<1x1x128xf32, #tpu.memory_space<vmem>> -> memref<128xf32, #tpu.memory_space<vmem>>
      %dma_start3A_668 = arith.constant 0 : i32
      %dma_start3A_669 = tpu.memref_slice %arg12[%rem3A_551, %dma_start3A_664, %dma_start3A_668] : memref<2x16x128xi32, #tpu.memory_space<vmem>> -> memref<1x1x128xi32, #tpu.memory_space<vmem>>
      %dma_start3A_670 = tpu.memref_squeeze %dma_start3A_669 : memref<1x1x128xi32, #tpu.memory_space<vmem>> -> memref<128xi32, #tpu.memory_space<vmem>>
      %dma_start3A_671 = arith.constant 0 : i32
      %dma_start3A_672 = tpu.memref_slice %arg15[%dma_start3A_671] : memref<100352xf32, #tpu.memory_space<vmem_shared>> -> memref<100352xf32, #tpu.memory_space<vmem_shared>>
      %dma_start3A_673 = tpu.memref_slice %arg17[%rem3A_551] : memref<2x!tpu.dma_semaphore, #tpu.memory_space<semaphore_mem>> -> memref<1x!tpu.dma_semaphore, #tpu.memory_space<semaphore_mem>>
      %dma_start3A_674 = tpu.memref_squeeze %dma_start3A_673 : memref<1x!tpu.dma_semaphore, #tpu.memory_space<semaphore_mem>> -> memref<!tpu.dma_semaphore, #tpu.memory_space<semaphore_mem>>
      tpu.enqueue_indirect_dma source(%dma_start3A_667 : memref<128xf32, #tpu.memory_space<vmem>>) target(%dma_start3A_672 : memref<100352xf32, #tpu.memory_space<vmem_shared>>) offsets(%dma_start3A_670 : memref<128xi32, #tpu.memory_space<vmem>>) semaphore(%dma_start3A_674 : memref<!tpu.dma_semaphore, #tpu.memory_space<semaphore_mem>>) {add = true}
      %dma_start3A_675 = arith.constant 7 : i32
      %dma_start3A_676 = arith.constant 7 : i32
      %dma_start3A_677 = arith.constant 0 : i32
      %dma_start3A_678 = tpu.memref_slice %arg13[%rem3A_551, %dma_start3A_675, %dma_start3A_677] : memref<2x16x128xf32, #tpu.memory_space<vmem>> -> memref<1x1x128xf32, #tpu.memory_space<vmem>>
      %dma_start3A_679 = tpu.memref_squeeze %dma_start3A_678 : memref<1x1x128xf32, #tpu.memory_space<vmem>> -> memref<128xf32, #tpu.memory_space<vmem>>
      %dma_start3A_680 = arith.constant 0 : i32
      %dma_start3A_681 = tpu.memref_slice %arg12[%rem3A_551, %dma_start3A_676, %dma_start3A_680] : memref<2x16x128xi32, #tpu.memory_space<vmem>> -> memref<1x1x128xi32, #tpu.memory_space<vmem>>
      %dma_start3A_682 = tpu.memref_squeeze %dma_start3A_681 : memref<1x1x128xi32, #tpu.memory_space<vmem>> -> memref<128xi32, #tpu.memory_space<vmem>>
      %dma_start3A_683 = arith.constant 0 : i32
      %dma_start3A_684 = tpu.memref_slice %arg15[%dma_start3A_683] : memref<100352xf32, #tpu.memory_space<vmem_shared>> -> memref<100352xf32, #tpu.memory_space<vmem_shared>>
      %dma_start3A_685 = tpu.memref_slice %arg17[%rem3A_551] : memref<2x!tpu.dma_semaphore, #tpu.memory_space<semaphore_mem>> -> memref<1x!tpu.dma_semaphore, #tpu.memory_space<semaphore_mem>>
      %dma_start3A_686 = tpu.memref_squeeze %dma_start3A_685 : memref<1x!tpu.dma_semaphore, #tpu.memory_space<semaphore_mem>> -> memref<!tpu.dma_semaphore, #tpu.memory_space<semaphore_mem>>
      tpu.enqueue_indirect_dma source(%dma_start3A_679 : memref<128xf32, #tpu.memory_space<vmem>>) target(%dma_start3A_684 : memref<100352xf32, #tpu.memory_space<vmem_shared>>) offsets(%dma_start3A_682 : memref<128xi32, #tpu.memory_space<vmem>>) semaphore(%dma_start3A_686 : memref<!tpu.dma_semaphore, #tpu.memory_space<semaphore_mem>>) {add = true}
      %dma_start3A_687 = arith.constant 8 : i32
      %dma_start3A_688 = arith.constant 8 : i32
      %dma_start3A_689 = arith.constant 0 : i32
      %dma_start3A_690 = tpu.memref_slice %arg13[%rem3A_551, %dma_start3A_687, %dma_start3A_689] : memref<2x16x128xf32, #tpu.memory_space<vmem>> -> memref<1x1x128xf32, #tpu.memory_space<vmem>>
      %dma_start3A_691 = tpu.memref_squeeze %dma_start3A_690 : memref<1x1x128xf32, #tpu.memory_space<vmem>> -> memref<128xf32, #tpu.memory_space<vmem>>
      %dma_start3A_692 = arith.constant 0 : i32
      %dma_start3A_693 = tpu.memref_slice %arg12[%rem3A_551, %dma_start3A_688, %dma_start3A_692] : memref<2x16x128xi32, #tpu.memory_space<vmem>> -> memref<1x1x128xi32, #tpu.memory_space<vmem>>
      %dma_start3A_694 = tpu.memref_squeeze %dma_start3A_693 : memref<1x1x128xi32, #tpu.memory_space<vmem>> -> memref<128xi32, #tpu.memory_space<vmem>>
      %dma_start3A_695 = arith.constant 0 : i32
      %dma_start3A_696 = tpu.memref_slice %arg15[%dma_start3A_695] : memref<100352xf32, #tpu.memory_space<vmem_shared>> -> memref<100352xf32, #tpu.memory_space<vmem_shared>>
      %dma_start3A_697 = tpu.memref_slice %arg17[%rem3A_551] : memref<2x!tpu.dma_semaphore, #tpu.memory_space<semaphore_mem>> -> memref<1x!tpu.dma_semaphore, #tpu.memory_space<semaphore_mem>>
      %dma_start3A_698 = tpu.memref_squeeze %dma_start3A_697 : memref<1x!tpu.dma_semaphore, #tpu.memory_space<semaphore_mem>> -> memref<!tpu.dma_semaphore, #tpu.memory_space<semaphore_mem>>
      tpu.enqueue_indirect_dma source(%dma_start3A_691 : memref<128xf32, #tpu.memory_space<vmem>>) target(%dma_start3A_696 : memref<100352xf32, #tpu.memory_space<vmem_shared>>) offsets(%dma_start3A_694 : memref<128xi32, #tpu.memory_space<vmem>>) semaphore(%dma_start3A_698 : memref<!tpu.dma_semaphore, #tpu.memory_space<semaphore_mem>>) {add = true}
      %dma_start3A_699 = arith.constant 9 : i32
      %dma_start3A_700 = arith.constant 9 : i32
      %dma_start3A_701 = arith.constant 0 : i32
      %dma_start3A_702 = tpu.memref_slice %arg13[%rem3A_551, %dma_start3A_699, %dma_start3A_701] : memref<2x16x128xf32, #tpu.memory_space<vmem>> -> memref<1x1x128xf32, #tpu.memory_space<vmem>>
      %dma_start3A_703 = tpu.memref_squeeze %dma_start3A_702 : memref<1x1x128xf32, #tpu.memory_space<vmem>> -> memref<128xf32, #tpu.memory_space<vmem>>
      %dma_start3A_704 = arith.constant 0 : i32
      %dma_start3A_705 = tpu.memref_slice %arg12[%rem3A_551, %dma_start3A_700, %dma_start3A_704] : memref<2x16x128xi32, #tpu.memory_space<vmem>> -> memref<1x1x128xi32, #tpu.memory_space<vmem>>
      %dma_start3A_706 = tpu.memref_squeeze %dma_start3A_705 : memref<1x1x128xi32, #tpu.memory_space<vmem>> -> memref<128xi32, #tpu.memory_space<vmem>>
      %dma_start3A_707 = arith.constant 0 : i32
      %dma_start3A_708 = tpu.memref_slice %arg15[%dma_start3A_707] : memref<100352xf32, #tpu.memory_space<vmem_shared>> -> memref<100352xf32, #tpu.memory_space<vmem_shared>>
      %dma_start3A_709 = tpu.memref_slice %arg17[%rem3A_551] : memref<2x!tpu.dma_semaphore, #tpu.memory_space<semaphore_mem>> -> memref<1x!tpu.dma_semaphore, #tpu.memory_space<semaphore_mem>>
      %dma_start3A_710 = tpu.memref_squeeze %dma_start3A_709 : memref<1x!tpu.dma_semaphore, #tpu.memory_space<semaphore_mem>> -> memref<!tpu.dma_semaphore, #tpu.memory_space<semaphore_mem>>
      tpu.enqueue_indirect_dma source(%dma_start3A_703 : memref<128xf32, #tpu.memory_space<vmem>>) target(%dma_start3A_708 : memref<100352xf32, #tpu.memory_space<vmem_shared>>) offsets(%dma_start3A_706 : memref<128xi32, #tpu.memory_space<vmem>>) semaphore(%dma_start3A_710 : memref<!tpu.dma_semaphore, #tpu.memory_space<semaphore_mem>>) {add = true}
      %dma_start3A_711 = arith.constant 10 : i32
      %dma_start3A_712 = arith.constant 10 : i32
      %dma_start3A_713 = arith.constant 0 : i32
      %dma_start3A_714 = tpu.memref_slice %arg13[%rem3A_551, %dma_start3A_711, %dma_start3A_713] : memref<2x16x128xf32, #tpu.memory_space<vmem>> -> memref<1x1x128xf32, #tpu.memory_space<vmem>>
      %dma_start3A_715 = tpu.memref_squeeze %dma_start3A_714 : memref<1x1x128xf32, #tpu.memory_space<vmem>> -> memref<128xf32, #tpu.memory_space<vmem>>
      %dma_start3A_716 = arith.constant 0 : i32
      %dma_start3A_717 = tpu.memref_slice %arg12[%rem3A_551, %dma_start3A_712, %dma_start3A_716] : memref<2x16x128xi32, #tpu.memory_space<vmem>> -> memref<1x1x128xi32, #tpu.memory_space<vmem>>
      %dma_start3A_718 = tpu.memref_squeeze %dma_start3A_717 : memref<1x1x128xi32, #tpu.memory_space<vmem>> -> memref<128xi32, #tpu.memory_space<vmem>>
      %dma_start3A_719 = arith.constant 0 : i32
      %dma_start3A_720 = tpu.memref_slice %arg15[%dma_start3A_719] : memref<100352xf32, #tpu.memory_space<vmem_shared>> -> memref<100352xf32, #tpu.memory_space<vmem_shared>>
      %dma_start3A_721 = tpu.memref_slice %arg17[%rem3A_551] : memref<2x!tpu.dma_semaphore, #tpu.memory_space<semaphore_mem>> -> memref<1x!tpu.dma_semaphore, #tpu.memory_space<semaphore_mem>>
      %dma_start3A_722 = tpu.memref_squeeze %dma_start3A_721 : memref<1x!tpu.dma_semaphore, #tpu.memory_space<semaphore_mem>> -> memref<!tpu.dma_semaphore, #tpu.memory_space<semaphore_mem>>
      tpu.enqueue_indirect_dma source(%dma_start3A_715 : memref<128xf32, #tpu.memory_space<vmem>>) target(%dma_start3A_720 : memref<100352xf32, #tpu.memory_space<vmem_shared>>) offsets(%dma_start3A_718 : memref<128xi32, #tpu.memory_space<vmem>>) semaphore(%dma_start3A_722 : memref<!tpu.dma_semaphore, #tpu.memory_space<semaphore_mem>>) {add = true}
      %dma_start3A_723 = arith.constant 11 : i32
      %dma_start3A_724 = arith.constant 11 : i32
      %dma_start3A_725 = arith.constant 0 : i32
      %dma_start3A_726 = tpu.memref_slice %arg13[%rem3A_551, %dma_start3A_723, %dma_start3A_725] : memref<2x16x128xf32, #tpu.memory_space<vmem>> -> memref<1x1x128xf32, #tpu.memory_space<vmem>>
      %dma_start3A_727 = tpu.memref_squeeze %dma_start3A_726 : memref<1x1x128xf32, #tpu.memory_space<vmem>> -> memref<128xf32, #tpu.memory_space<vmem>>
      %dma_start3A_728 = arith.constant 0 : i32
      %dma_start3A_729 = tpu.memref_slice %arg12[%rem3A_551, %dma_start3A_724, %dma_start3A_728] : memref<2x16x128xi32, #tpu.memory_space<vmem>> -> memref<1x1x128xi32, #tpu.memory_space<vmem>>
      %dma_start3A_730 = tpu.memref_squeeze %dma_start3A_729 : memref<1x1x128xi32, #tpu.memory_space<vmem>> -> memref<128xi32, #tpu.memory_space<vmem>>
      %dma_start3A_731 = arith.constant 0 : i32
      %dma_start3A_732 = tpu.memref_slice %arg15[%dma_start3A_731] : memref<100352xf32, #tpu.memory_space<vmem_shared>> -> memref<100352xf32, #tpu.memory_space<vmem_shared>>
      %dma_start3A_733 = tpu.memref_slice %arg17[%rem3A_551] : memref<2x!tpu.dma_semaphore, #tpu.memory_space<semaphore_mem>> -> memref<1x!tpu.dma_semaphore, #tpu.memory_space<semaphore_mem>>
      %dma_start3A_734 = tpu.memref_squeeze %dma_start3A_733 : memref<1x!tpu.dma_semaphore, #tpu.memory_space<semaphore_mem>> -> memref<!tpu.dma_semaphore, #tpu.memory_space<semaphore_mem>>
      tpu.enqueue_indirect_dma source(%dma_start3A_727 : memref<128xf32, #tpu.memory_space<vmem>>) target(%dma_start3A_732 : memref<100352xf32, #tpu.memory_space<vmem_shared>>) offsets(%dma_start3A_730 : memref<128xi32, #tpu.memory_space<vmem>>) semaphore(%dma_start3A_734 : memref<!tpu.dma_semaphore, #tpu.memory_space<semaphore_mem>>) {add = true}
      %dma_start3A_735 = arith.constant 12 : i32
      %dma_start3A_736 = arith.constant 12 : i32
      %dma_start3A_737 = arith.constant 0 : i32
      %dma_start3A_738 = tpu.memref_slice %arg13[%rem3A_551, %dma_start3A_735, %dma_start3A_737] : memref<2x16x128xf32, #tpu.memory_space<vmem>> -> memref<1x1x128xf32, #tpu.memory_space<vmem>>
      %dma_start3A_739 = tpu.memref_squeeze %dma_start3A_738 : memref<1x1x128xf32, #tpu.memory_space<vmem>> -> memref<128xf32, #tpu.memory_space<vmem>>
      %dma_start3A_740 = arith.constant 0 : i32
      %dma_start3A_741 = tpu.memref_slice %arg12[%rem3A_551, %dma_start3A_736, %dma_start3A_740] : memref<2x16x128xi32, #tpu.memory_space<vmem>> -> memref<1x1x128xi32, #tpu.memory_space<vmem>>
      %dma_start3A_742 = tpu.memref_squeeze %dma_start3A_741 : memref<1x1x128xi32, #tpu.memory_space<vmem>> -> memref<128xi32, #tpu.memory_space<vmem>>
      %dma_start3A_743 = arith.constant 0 : i32
      %dma_start3A_744 = tpu.memref_slice %arg15[%dma_start3A_743] : memref<100352xf32, #tpu.memory_space<vmem_shared>> -> memref<100352xf32, #tpu.memory_space<vmem_shared>>
      %dma_start3A_745 = tpu.memref_slice %arg17[%rem3A_551] : memref<2x!tpu.dma_semaphore, #tpu.memory_space<semaphore_mem>> -> memref<1x!tpu.dma_semaphore, #tpu.memory_space<semaphore_mem>>
      %dma_start3A_746 = tpu.memref_squeeze %dma_start3A_745 : memref<1x!tpu.dma_semaphore, #tpu.memory_space<semaphore_mem>> -> memref<!tpu.dma_semaphore, #tpu.memory_space<semaphore_mem>>
      tpu.enqueue_indirect_dma source(%dma_start3A_739 : memref<128xf32, #tpu.memory_space<vmem>>) target(%dma_start3A_744 : memref<100352xf32, #tpu.memory_space<vmem_shared>>) offsets(%dma_start3A_742 : memref<128xi32, #tpu.memory_space<vmem>>) semaphore(%dma_start3A_746 : memref<!tpu.dma_semaphore, #tpu.memory_space<semaphore_mem>>) {add = true}
      %dma_start3A_747 = arith.constant 13 : i32
      %dma_start3A_748 = arith.constant 13 : i32
      %dma_start3A_749 = arith.constant 0 : i32
      %dma_start3A_750 = tpu.memref_slice %arg13[%rem3A_551, %dma_start3A_747, %dma_start3A_749] : memref<2x16x128xf32, #tpu.memory_space<vmem>> -> memref<1x1x128xf32, #tpu.memory_space<vmem>>
      %dma_start3A_751 = tpu.memref_squeeze %dma_start3A_750 : memref<1x1x128xf32, #tpu.memory_space<vmem>> -> memref<128xf32, #tpu.memory_space<vmem>>
      %dma_start3A_752 = arith.constant 0 : i32
      %dma_start3A_753 = tpu.memref_slice %arg12[%rem3A_551, %dma_start3A_748, %dma_start3A_752] : memref<2x16x128xi32, #tpu.memory_space<vmem>> -> memref<1x1x128xi32, #tpu.memory_space<vmem>>
      %dma_start3A_754 = tpu.memref_squeeze %dma_start3A_753 : memref<1x1x128xi32, #tpu.memory_space<vmem>> -> memref<128xi32, #tpu.memory_space<vmem>>
      %dma_start3A_755 = arith.constant 0 : i32
      %dma_start3A_756 = tpu.memref_slice %arg15[%dma_start3A_755] : memref<100352xf32, #tpu.memory_space<vmem_shared>> -> memref<100352xf32, #tpu.memory_space<vmem_shared>>
      %dma_start3A_757 = tpu.memref_slice %arg17[%rem3A_551] : memref<2x!tpu.dma_semaphore, #tpu.memory_space<semaphore_mem>> -> memref<1x!tpu.dma_semaphore, #tpu.memory_space<semaphore_mem>>
      %dma_start3A_758 = tpu.memref_squeeze %dma_start3A_757 : memref<1x!tpu.dma_semaphore, #tpu.memory_space<semaphore_mem>> -> memref<!tpu.dma_semaphore, #tpu.memory_space<semaphore_mem>>
      tpu.enqueue_indirect_dma source(%dma_start3A_751 : memref<128xf32, #tpu.memory_space<vmem>>) target(%dma_start3A_756 : memref<100352xf32, #tpu.memory_space<vmem_shared>>) offsets(%dma_start3A_754 : memref<128xi32, #tpu.memory_space<vmem>>) semaphore(%dma_start3A_758 : memref<!tpu.dma_semaphore, #tpu.memory_space<semaphore_mem>>) {add = true}
      %dma_start3A_759 = arith.constant 14 : i32
      %dma_start3A_760 = arith.constant 14 : i32
      %dma_start3A_761 = arith.constant 0 : i32
      %dma_start3A_762 = tpu.memref_slice %arg13[%rem3A_551, %dma_start3A_759, %dma_start3A_761] : memref<2x16x128xf32, #tpu.memory_space<vmem>> -> memref<1x1x128xf32, #tpu.memory_space<vmem>>
      %dma_start3A_763 = tpu.memref_squeeze %dma_start3A_762 : memref<1x1x128xf32, #tpu.memory_space<vmem>> -> memref<128xf32, #tpu.memory_space<vmem>>
      %dma_start3A_764 = arith.constant 0 : i32
      %dma_start3A_765 = tpu.memref_slice %arg12[%rem3A_551, %dma_start3A_760, %dma_start3A_764] : memref<2x16x128xi32, #tpu.memory_space<vmem>> -> memref<1x1x128xi32, #tpu.memory_space<vmem>>
      %dma_start3A_766 = tpu.memref_squeeze %dma_start3A_765 : memref<1x1x128xi32, #tpu.memory_space<vmem>> -> memref<128xi32, #tpu.memory_space<vmem>>
      %dma_start3A_767 = arith.constant 0 : i32
      %dma_start3A_768 = tpu.memref_slice %arg15[%dma_start3A_767] : memref<100352xf32, #tpu.memory_space<vmem_shared>> -> memref<100352xf32, #tpu.memory_space<vmem_shared>>
      %dma_start3A_769 = tpu.memref_slice %arg17[%rem3A_551] : memref<2x!tpu.dma_semaphore, #tpu.memory_space<semaphore_mem>> -> memref<1x!tpu.dma_semaphore, #tpu.memory_space<semaphore_mem>>
      %dma_start3A_770 = tpu.memref_squeeze %dma_start3A_769 : memref<1x!tpu.dma_semaphore, #tpu.memory_space<semaphore_mem>> -> memref<!tpu.dma_semaphore, #tpu.memory_space<semaphore_mem>>
      tpu.enqueue_indirect_dma source(%dma_start3A_763 : memref<128xf32, #tpu.memory_space<vmem>>) target(%dma_start3A_768 : memref<100352xf32, #tpu.memory_space<vmem_shared>>) offsets(%dma_start3A_766 : memref<128xi32, #tpu.memory_space<vmem>>) semaphore(%dma_start3A_770 : memref<!tpu.dma_semaphore, #tpu.memory_space<semaphore_mem>>) {add = true}
      %dma_start3A_771 = arith.constant 15 : i32
      %dma_start3A_772 = arith.constant 15 : i32
      %dma_start3A_773 = arith.constant 0 : i32
      %dma_start3A_774 = tpu.memref_slice %arg13[%rem3A_551, %dma_start3A_771, %dma_start3A_773] : memref<2x16x128xf32, #tpu.memory_space<vmem>> -> memref<1x1x128xf32, #tpu.memory_space<vmem>>
      %dma_start3A_775 = tpu.memref_squeeze %dma_start3A_774 : memref<1x1x128xf32, #tpu.memory_space<vmem>> -> memref<128xf32, #tpu.memory_space<vmem>>
      %dma_start3A_776 = arith.constant 0 : i32
      %dma_start3A_777 = tpu.memref_slice %arg12[%rem3A_551, %dma_start3A_772, %dma_start3A_776] : memref<2x16x128xi32, #tpu.memory_space<vmem>> -> memref<1x1x128xi32, #tpu.memory_space<vmem>>
      %dma_start3A_778 = tpu.memref_squeeze %dma_start3A_777 : memref<1x1x128xi32, #tpu.memory_space<vmem>> -> memref<128xi32, #tpu.memory_space<vmem>>
      %dma_start3A_779 = arith.constant 0 : i32
      %dma_start3A_780 = tpu.memref_slice %arg15[%dma_start3A_779] : memref<100352xf32, #tpu.memory_space<vmem_shared>> -> memref<100352xf32, #tpu.memory_space<vmem_shared>>
      %dma_start3A_781 = tpu.memref_slice %arg17[%rem3A_551] : memref<2x!tpu.dma_semaphore, #tpu.memory_space<semaphore_mem>> -> memref<1x!tpu.dma_semaphore, #tpu.memory_space<semaphore_mem>>
      %dma_start3A_782 = tpu.memref_squeeze %dma_start3A_781 : memref<1x!tpu.dma_semaphore, #tpu.memory_space<semaphore_mem>> -> memref<!tpu.dma_semaphore, #tpu.memory_space<semaphore_mem>>
      tpu.enqueue_indirect_dma source(%dma_start3A_775 : memref<128xf32, #tpu.memory_space<vmem>>) target(%dma_start3A_780 : memref<100352xf32, #tpu.memory_space<vmem_shared>>) offsets(%dma_start3A_778 : memref<128xi32, #tpu.memory_space<vmem>>) semaphore(%dma_start3A_782 : memref<!tpu.dma_semaphore, #tpu.memory_space<semaphore_mem>>) {add = true}
    }
    %while3A_59 = arith.constant 1 : i32
    scf.for %while3A_550 = %while3A_57 to %while3A_53 step %while3A_59  : i32 {
      %rem3A = arith.constant 2 : i32
      %rem3A_551 = arith.remsi %while3A_550, %rem3A : i32
      %mul3A_552 = arith.constant 2048 : i32
      %mul3A_553 = arith.muli %rem3A_551, %mul3A_552 : i32
      %mul3A_554 = arith.constant 32 : i32
      %mul3A_555 = arith.muli %mul3A_554, %while3A_550 : i32
      %add3A_556 = arith.addi %add3A, %mul3A_555 : i32
      %mul3A_557 = arith.constant 2048 : i32
      %mul3A_558 = arith.muli %add3A_556, %mul3A_557 : i32
      %mul3A_559 = arith.constant 2048 : i32
      %mul3A_560 = arith.muli %rem3A_551, %mul3A_559 : i32
      %dma_wait3A_561 = arith.constant 0 : i32
      %dma_wait3A_562 = tpu.memref_slice %arg9[%mul3A_560] : memref<4096xi32, #tpu.memory_space<vmem>> -> memref<2048xi32, #tpu.memory_space<vmem>>
      %dma_wait3A_563 = tpu.memref_slice %arg3[%dma_wait3A_561, %mul3A_558] : memref<2x6400000xi32, #tpu.memory_space<hbm>> -> memref<1x2048xi32, #tpu.memory_space<hbm>>
      %dma_wait3A_564 = tpu.memref_squeeze %dma_wait3A_563 : memref<1x2048xi32, #tpu.memory_space<hbm>> -> memref<2048xi32, #tpu.memory_space<hbm>>
      %dma_wait3A_565 = tpu.memref_slice %arg9[%mul3A_560] : memref<4096xi32, #tpu.memory_space<vmem>> -> memref<2048xi32, #tpu.memory_space<vmem>>
      %dma_wait3A_566 = tpu.memref_slice %arg3[%dma_wait3A_561, %mul3A_558] : memref<2x6400000xi32, #tpu.memory_space<hbm>> -> memref<1x2048xi32, #tpu.memory_space<hbm>>
      %dma_wait3A_567 = tpu.memref_squeeze %dma_wait3A_566 : memref<1x2048xi32, #tpu.memory_space<hbm>> -> memref<2048xi32, #tpu.memory_space<hbm>>
      tpu.wait_dma2 semaphore(%arg16 : memref<!tpu.dma_semaphore, #tpu.memory_space<semaphore_mem>>) src(%dma_wait3A_567 : memref<2048xi32, #tpu.memory_space<hbm>>) dst(%dma_wait3A_565 : memref<2048xi32, #tpu.memory_space<vmem>>)
      %dma_wait3A_568 = arith.constant 1 : i32
      %dma_wait3A_569 = tpu.memref_slice %arg10[%mul3A_560] : memref<4096xi32, #tpu.memory_space<vmem>> -> memref<2048xi32, #tpu.memory_space<vmem>>
      %dma_wait3A_570 = tpu.memref_slice %arg3[%dma_wait3A_568, %mul3A_558] : memref<2x6400000xi32, #tpu.memory_space<hbm>> -> memref<1x2048xi32, #tpu.memory_space<hbm>>
      %dma_wait3A_571 = tpu.memref_squeeze %dma_wait3A_570 : memref<1x2048xi32, #tpu.memory_space<hbm>> -> memref<2048xi32, #tpu.memory_space<hbm>>
      %dma_wait3A_572 = tpu.memref_slice %arg10[%mul3A_560] : memref<4096xi32, #tpu.memory_space<vmem>> -> memref<2048xi32, #tpu.memory_space<vmem>>
      %dma_wait3A_573 = tpu.memref_slice %arg3[%dma_wait3A_568, %mul3A_558] : memref<2x6400000xi32, #tpu.memory_space<hbm>> -> memref<1x2048xi32, #tpu.memory_space<hbm>>
      %dma_wait3A_574 = tpu.memref_squeeze %dma_wait3A_573 : memref<1x2048xi32, #tpu.memory_space<hbm>> -> memref<2048xi32, #tpu.memory_space<hbm>>
      tpu.wait_dma2 semaphore(%arg16 : memref<!tpu.dma_semaphore, #tpu.memory_space<semaphore_mem>>) src(%dma_wait3A_574 : memref<2048xi32, #tpu.memory_space<hbm>>) dst(%dma_wait3A_572 : memref<2048xi32, #tpu.memory_space<vmem>>)
      %dma_wait3A_575 = tpu.memref_slice %arg11[%mul3A_560] : memref<4096xf32, #tpu.memory_space<vmem>> -> memref<2048xf32, #tpu.memory_space<vmem>>
      %dma_wait3A_576 = tpu.memref_slice %arg4[%mul3A_558] : memref<6400000xf32, #tpu.memory_space<hbm>> -> memref<2048xf32, #tpu.memory_space<hbm>>
      %dma_wait3A_577 = tpu.memref_slice %arg11[%mul3A_560] : memref<4096xf32, #tpu.memory_space<vmem>> -> memref<2048xf32, #tpu.memory_space<vmem>>
      %dma_wait3A_578 = tpu.memref_slice %arg4[%mul3A_558] : memref<6400000xf32, #tpu.memory_space<hbm>> -> memref<2048xf32, #tpu.memory_space<hbm>>
      tpu.wait_dma2 semaphore(%arg16 : memref<!tpu.dma_semaphore, #tpu.memory_space<semaphore_mem>>) src(%dma_wait3A_578 : memref<2048xf32, #tpu.memory_space<hbm>>) dst(%dma_wait3A_577 : memref<2048xf32, #tpu.memory_space<vmem>>)
      %add3A_579 = arith.constant 1 : i32
      %add3A_580 = arith.addi %while3A_550, %add3A_579 : i32
      %lt3A_581 = arith.cmpi slt, %add3A_580, %select_n3A : i32
      %convert_element_type3A_582 = arith.extui %lt3A_581 : i1 to i32
      %cond3A_583 = arith.constant 0 : i32
      %cond3A_584 = arith.cmpi ne, %convert_element_type3A_582, %cond3A_583 : i32
      scf.if %cond3A_584 {
        %add3A_783 = arith.constant 1 : i32
        %add3A_784 = arith.addi %while3A_550, %add3A_783 : i32
        %sub3A = arith.constant 1 : i32
        %sub3A_785 = arith.subi %sub3A, %rem3A_551 : i32
        %mul3A_786 = arith.constant 32 : i32
        %mul3A_787 = arith.muli %mul3A_786, %add3A_784 : i32
        %add3A_788 = arith.addi %add3A, %mul3A_787 : i32
        %mul3A_789 = arith.constant 2048 : i32
        %mul3A_790 = arith.muli %add3A_788, %mul3A_789 : i32
        %mul3A_791 = arith.constant 2048 : i32
        %mul3A_792 = arith.muli %sub3A_785, %mul3A_791 : i32
        %dma_start3A_793 = arith.constant 0 : i32
        %dma_start3A_794 = tpu.memref_slice %arg9[%mul3A_792] : memref<4096xi32, #tpu.memory_space<vmem>> -> memref<2048xi32, #tpu.memory_space<vmem>>
        %dma_start3A_795 = tpu.memref_slice %arg3[%dma_start3A_793, %mul3A_790] : memref<2x6400000xi32, #tpu.memory_space<hbm>> -> memref<1x2048xi32, #tpu.memory_space<hbm>>
        %dma_start3A_796 = tpu.memref_squeeze %dma_start3A_795 : memref<1x2048xi32, #tpu.memory_space<hbm>> -> memref<2048xi32, #tpu.memory_space<hbm>>
        %dma_start3A_797 = tpu.memref_slice %arg9[%mul3A_792] : memref<4096xi32, #tpu.memory_space<vmem>> -> memref<2048xi32, #tpu.memory_space<vmem>>
        %dma_start3A_798 = tpu.memref_slice %arg3[%dma_start3A_793, %mul3A_790] : memref<2x6400000xi32, #tpu.memory_space<hbm>> -> memref<1x2048xi32, #tpu.memory_space<hbm>>
        %dma_start3A_799 = tpu.memref_squeeze %dma_start3A_798 : memref<1x2048xi32, #tpu.memory_space<hbm>> -> memref<2048xi32, #tpu.memory_space<hbm>>
        tpu.enqueue_dma source(%dma_start3A_799 : memref<2048xi32, #tpu.memory_space<hbm>>) target(%dma_start3A_797 : memref<2048xi32, #tpu.memory_space<vmem>>) target_semaphore(%arg16 : memref<!tpu.dma_semaphore, #tpu.memory_space<semaphore_mem>>)
        %dma_start3A_800 = arith.constant 1 : i32
        %dma_start3A_801 = tpu.memref_slice %arg10[%mul3A_792] : memref<4096xi32, #tpu.memory_space<vmem>> -> memref<2048xi32, #tpu.memory_space<vmem>>
        %dma_start3A_802 = tpu.memref_slice %arg3[%dma_start3A_800, %mul3A_790] : memref<2x6400000xi32, #tpu.memory_space<hbm>> -> memref<1x2048xi32, #tpu.memory_space<hbm>>
        %dma_start3A_803 = tpu.memref_squeeze %dma_start3A_802 : memref<1x2048xi32, #tpu.memory_space<hbm>> -> memref<2048xi32, #tpu.memory_space<hbm>>
        %dma_start3A_804 = tpu.memref_slice %arg10[%mul3A_792] : memref<4096xi32, #tpu.memory_space<vmem>> -> memref<2048xi32, #tpu.memory_space<vmem>>
        %dma_start3A_805 = tpu.memref_slice %arg3[%dma_start3A_800, %mul3A_790] : memref<2x6400000xi32, #tpu.memory_space<hbm>> -> memref<1x2048xi32, #tpu.memory_space<hbm>>
        %dma_start3A_806 = tpu.memref_squeeze %dma_start3A_805 : memref<1x2048xi32, #tpu.memory_space<hbm>> -> memref<2048xi32, #tpu.memory_space<hbm>>
        tpu.enqueue_dma source(%dma_start3A_806 : memref<2048xi32, #tpu.memory_space<hbm>>) target(%dma_start3A_804 : memref<2048xi32, #tpu.memory_space<vmem>>) target_semaphore(%arg16 : memref<!tpu.dma_semaphore, #tpu.memory_space<semaphore_mem>>)
        %dma_start3A_807 = tpu.memref_slice %arg11[%mul3A_792] : memref<4096xf32, #tpu.memory_space<vmem>> -> memref<2048xf32, #tpu.memory_space<vmem>>
        %dma_start3A_808 = tpu.memref_slice %arg4[%mul3A_790] : memref<6400000xf32, #tpu.memory_space<hbm>> -> memref<2048xf32, #tpu.memory_space<hbm>>
        %dma_start3A_809 = tpu.memref_slice %arg11[%mul3A_792] : memref<4096xf32, #tpu.memory_space<vmem>> -> memref<2048xf32, #tpu.memory_space<vmem>>
        %dma_start3A_810 = tpu.memref_slice %arg4[%mul3A_790] : memref<6400000xf32, #tpu.memory_space<hbm>> -> memref<2048xf32, #tpu.memory_space<hbm>>
        tpu.enqueue_dma source(%dma_start3A_810 : memref<2048xf32, #tpu.memory_space<hbm>>) target(%dma_start3A_809 : memref<2048xf32, #tpu.memory_space<vmem>>) target_semaphore(%arg16 : memref<!tpu.dma_semaphore, #tpu.memory_space<semaphore_mem>>)
      } else {
      }
      %ge3A = arith.constant 2 : i32
      %ge3A_585 = arith.cmpi sge, %while3A_550, %ge3A : i32
      %convert_element_type3A_586 = arith.extui %ge3A_585 : i1 to i32
      %cond3A_587 = arith.constant 0 : i32
      %cond3A_588 = arith.cmpi ne, %convert_element_type3A_586, %cond3A_587 : i32
      scf.if %cond3A_588 {
        %dma_wait3A_783 = arith.constant 0 : i32
        %dma_wait3A_784 = arith.constant 0 : i32
        %dma_wait3A_785 = arith.constant 0 : i32
        %dma_wait3A_786 = tpu.memref_slice %arg13[%rem3A_551, %dma_wait3A_783, %dma_wait3A_785] : memref<2x16x128xf32, #tpu.memory_space<vmem>> -> memref<1x1x128xf32, #tpu.memory_space<vmem>>
        %dma_wait3A_787 = tpu.memref_squeeze %dma_wait3A_786 : memref<1x1x128xf32, #tpu.memory_space<vmem>> -> memref<128xf32, #tpu.memory_space<vmem>>
        %dma_wait3A_788 = arith.constant 0 : i32
        %dma_wait3A_789 = tpu.memref_slice %arg12[%rem3A_551, %dma_wait3A_784, %dma_wait3A_788] : memref<2x16x128xi32, #tpu.memory_space<vmem>> -> memref<1x1x128xi32, #tpu.memory_space<vmem>>
        %dma_wait3A_790 = tpu.memref_squeeze %dma_wait3A_789 : memref<1x1x128xi32, #tpu.memory_space<vmem>> -> memref<128xi32, #tpu.memory_space<vmem>>
        %dma_wait3A_791 = arith.constant 0 : i32
        %dma_wait3A_792 = tpu.memref_slice %arg15[%dma_wait3A_791] : memref<100352xf32, #tpu.memory_space<vmem_shared>> -> memref<100352xf32, #tpu.memory_space<vmem_shared>>
        %dma_wait3A_793 = tpu.memref_slice %arg17[%rem3A_551] : memref<2x!tpu.dma_semaphore, #tpu.memory_space<semaphore_mem>> -> memref<1x!tpu.dma_semaphore, #tpu.memory_space<semaphore_mem>>
        %dma_wait3A_794 = tpu.memref_squeeze %dma_wait3A_793 : memref<1x!tpu.dma_semaphore, #tpu.memory_space<semaphore_mem>> -> memref<!tpu.dma_semaphore, #tpu.memory_space<semaphore_mem>>
        tpu.wait_indirect_dma semaphore(%dma_wait3A_794 : memref<!tpu.dma_semaphore, #tpu.memory_space<semaphore_mem>>) src(%dma_wait3A_787 : memref<128xf32, #tpu.memory_space<vmem>>) dst(%dma_wait3A_792 : memref<100352xf32, #tpu.memory_space<vmem_shared>>)
        %dma_wait3A_795 = arith.constant 1 : i32
        %dma_wait3A_796 = arith.constant 1 : i32
        %dma_wait3A_797 = arith.constant 0 : i32
        %dma_wait3A_798 = tpu.memref_slice %arg13[%rem3A_551, %dma_wait3A_795, %dma_wait3A_797] : memref<2x16x128xf32, #tpu.memory_space<vmem>> -> memref<1x1x128xf32, #tpu.memory_space<vmem>>
        %dma_wait3A_799 = tpu.memref_squeeze %dma_wait3A_798 : memref<1x1x128xf32, #tpu.memory_space<vmem>> -> memref<128xf32, #tpu.memory_space<vmem>>
        %dma_wait3A_800 = arith.constant 0 : i32
        %dma_wait3A_801 = tpu.memref_slice %arg12[%rem3A_551, %dma_wait3A_796, %dma_wait3A_800] : memref<2x16x128xi32, #tpu.memory_space<vmem>> -> memref<1x1x128xi32, #tpu.memory_space<vmem>>
        %dma_wait3A_802 = tpu.memref_squeeze %dma_wait3A_801 : memref<1x1x128xi32, #tpu.memory_space<vmem>> -> memref<128xi32, #tpu.memory_space<vmem>>
        %dma_wait3A_803 = arith.constant 0 : i32
        %dma_wait3A_804 = tpu.memref_slice %arg15[%dma_wait3A_803] : memref<100352xf32, #tpu.memory_space<vmem_shared>> -> memref<100352xf32, #tpu.memory_space<vmem_shared>>
        %dma_wait3A_805 = tpu.memref_slice %arg17[%rem3A_551] : memref<2x!tpu.dma_semaphore, #tpu.memory_space<semaphore_mem>> -> memref<1x!tpu.dma_semaphore, #tpu.memory_space<semaphore_mem>>
        %dma_wait3A_806 = tpu.memref_squeeze %dma_wait3A_805 : memref<1x!tpu.dma_semaphore, #tpu.memory_space<semaphore_mem>> -> memref<!tpu.dma_semaphore, #tpu.memory_space<semaphore_mem>>
        tpu.wait_indirect_dma semaphore(%dma_wait3A_806 : memref<!tpu.dma_semaphore, #tpu.memory_space<semaphore_mem>>) src(%dma_wait3A_799 : memref<128xf32, #tpu.memory_space<vmem>>) dst(%dma_wait3A_804 : memref<100352xf32, #tpu.memory_space<vmem_shared>>)
        %dma_wait3A_807 = arith.constant 2 : i32
        %dma_wait3A_808 = arith.constant 2 : i32
        %dma_wait3A_809 = arith.constant 0 : i32
        %dma_wait3A_810 = tpu.memref_slice %arg13[%rem3A_551, %dma_wait3A_807, %dma_wait3A_809] : memref<2x16x128xf32, #tpu.memory_space<vmem>> -> memref<1x1x128xf32, #tpu.memory_space<vmem>>
        %dma_wait3A_811 = tpu.memref_squeeze %dma_wait3A_810 : memref<1x1x128xf32, #tpu.memory_space<vmem>> -> memref<128xf32, #tpu.memory_space<vmem>>
        %dma_wait3A_812 = arith.constant 0 : i32
        %dma_wait3A_813 = tpu.memref_slice %arg12[%rem3A_551, %dma_wait3A_808, %dma_wait3A_812] : memref<2x16x128xi32, #tpu.memory_space<vmem>> -> memref<1x1x128xi32, #tpu.memory_space<vmem>>
        %dma_wait3A_814 = tpu.memref_squeeze %dma_wait3A_813 : memref<1x1x128xi32, #tpu.memory_space<vmem>> -> memref<128xi32, #tpu.memory_space<vmem>>
        %dma_wait3A_815 = arith.constant 0 : i32
        %dma_wait3A_816 = tpu.memref_slice %arg15[%dma_wait3A_815] : memref<100352xf32, #tpu.memory_space<vmem_shared>> -> memref<100352xf32, #tpu.memory_space<vmem_shared>>
        %dma_wait3A_817 = tpu.memref_slice %arg17[%rem3A_551] : memref<2x!tpu.dma_semaphore, #tpu.memory_space<semaphore_mem>> -> memref<1x!tpu.dma_semaphore, #tpu.memory_space<semaphore_mem>>
        %dma_wait3A_818 = tpu.memref_squeeze %dma_wait3A_817 : memref<1x!tpu.dma_semaphore, #tpu.memory_space<semaphore_mem>> -> memref<!tpu.dma_semaphore, #tpu.memory_space<semaphore_mem>>
        tpu.wait_indirect_dma semaphore(%dma_wait3A_818 : memref<!tpu.dma_semaphore, #tpu.memory_space<semaphore_mem>>) src(%dma_wait3A_811 : memref<128xf32, #tpu.memory_space<vmem>>) dst(%dma_wait3A_816 : memref<100352xf32, #tpu.memory_space<vmem_shared>>)
        %dma_wait3A_819 = arith.constant 3 : i32
        %dma_wait3A_820 = arith.constant 3 : i32
        %dma_wait3A_821 = arith.constant 0 : i32
        %dma_wait3A_822 = tpu.memref_slice %arg13[%rem3A_551, %dma_wait3A_819, %dma_wait3A_821] : memref<2x16x128xf32, #tpu.memory_space<vmem>> -> memref<1x1x128xf32, #tpu.memory_space<vmem>>
        %dma_wait3A_823 = tpu.memref_squeeze %dma_wait3A_822 : memref<1x1x128xf32, #tpu.memory_space<vmem>> -> memref<128xf32, #tpu.memory_space<vmem>>
        %dma_wait3A_824 = arith.constant 0 : i32
        %dma_wait3A_825 = tpu.memref_slice %arg12[%rem3A_551, %dma_wait3A_820, %dma_wait3A_824] : memref<2x16x128xi32, #tpu.memory_space<vmem>> -> memref<1x1x128xi32, #tpu.memory_space<vmem>>
        %dma_wait3A_826 = tpu.memref_squeeze %dma_wait3A_825 : memref<1x1x128xi32, #tpu.memory_space<vmem>> -> memref<128xi32, #tpu.memory_space<vmem>>
        %dma_wait3A_827 = arith.constant 0 : i32
        %dma_wait3A_828 = tpu.memref_slice %arg15[%dma_wait3A_827] : memref<100352xf32, #tpu.memory_space<vmem_shared>> -> memref<100352xf32, #tpu.memory_space<vmem_shared>>
        %dma_wait3A_829 = tpu.memref_slice %arg17[%rem3A_551] : memref<2x!tpu.dma_semaphore, #tpu.memory_space<semaphore_mem>> -> memref<1x!tpu.dma_semaphore, #tpu.memory_space<semaphore_mem>>
        %dma_wait3A_830 = tpu.memref_squeeze %dma_wait3A_829 : memref<1x!tpu.dma_semaphore, #tpu.memory_space<semaphore_mem>> -> memref<!tpu.dma_semaphore, #tpu.memory_space<semaphore_mem>>
        tpu.wait_indirect_dma semaphore(%dma_wait3A_830 : memref<!tpu.dma_semaphore, #tpu.memory_space<semaphore_mem>>) src(%dma_wait3A_823 : memref<128xf32, #tpu.memory_space<vmem>>) dst(%dma_wait3A_828 : memref<100352xf32, #tpu.memory_space<vmem_shared>>)
        %dma_wait3A_831 = arith.constant 4 : i32
        %dma_wait3A_832 = arith.constant 4 : i32
        %dma_wait3A_833 = arith.constant 0 : i32
        %dma_wait3A_834 = tpu.memref_slice %arg13[%rem3A_551, %dma_wait3A_831, %dma_wait3A_833] : memref<2x16x128xf32, #tpu.memory_space<vmem>> -> memref<1x1x128xf32, #tpu.memory_space<vmem>>
        %dma_wait3A_835 = tpu.memref_squeeze %dma_wait3A_834 : memref<1x1x128xf32, #tpu.memory_space<vmem>> -> memref<128xf32, #tpu.memory_space<vmem>>
        %dma_wait3A_836 = arith.constant 0 : i32
        %dma_wait3A_837 = tpu.memref_slice %arg12[%rem3A_551, %dma_wait3A_832, %dma_wait3A_836] : memref<2x16x128xi32, #tpu.memory_space<vmem>> -> memref<1x1x128xi32, #tpu.memory_space<vmem>>
        %dma_wait3A_838 = tpu.memref_squeeze %dma_wait3A_837 : memref<1x1x128xi32, #tpu.memory_space<vmem>> -> memref<128xi32, #tpu.memory_space<vmem>>
        %dma_wait3A_839 = arith.constant 0 : i32
        %dma_wait3A_840 = tpu.memref_slice %arg15[%dma_wait3A_839] : memref<100352xf32, #tpu.memory_space<vmem_shared>> -> memref<100352xf32, #tpu.memory_space<vmem_shared>>
        %dma_wait3A_841 = tpu.memref_slice %arg17[%rem3A_551] : memref<2x!tpu.dma_semaphore, #tpu.memory_space<semaphore_mem>> -> memref<1x!tpu.dma_semaphore, #tpu.memory_space<semaphore_mem>>
        %dma_wait3A_842 = tpu.memref_squeeze %dma_wait3A_841 : memref<1x!tpu.dma_semaphore, #tpu.memory_space<semaphore_mem>> -> memref<!tpu.dma_semaphore, #tpu.memory_space<semaphore_mem>>
        tpu.wait_indirect_dma semaphore(%dma_wait3A_842 : memref<!tpu.dma_semaphore, #tpu.memory_space<semaphore_mem>>) src(%dma_wait3A_835 : memref<128xf32, #tpu.memory_space<vmem>>) dst(%dma_wait3A_840 : memref<100352xf32, #tpu.memory_space<vmem_shared>>)
        %dma_wait3A_843 = arith.constant 5 : i32
        %dma_wait3A_844 = arith.constant 5 : i32
        %dma_wait3A_845 = arith.constant 0 : i32
        %dma_wait3A_846 = tpu.memref_slice %arg13[%rem3A_551, %dma_wait3A_843, %dma_wait3A_845] : memref<2x16x128xf32, #tpu.memory_space<vmem>> -> memref<1x1x128xf32, #tpu.memory_space<vmem>>
        %dma_wait3A_847 = tpu.memref_squeeze %dma_wait3A_846 : memref<1x1x128xf32, #tpu.memory_space<vmem>> -> memref<128xf32, #tpu.memory_space<vmem>>
        %dma_wait3A_848 = arith.constant 0 : i32
        %dma_wait3A_849 = tpu.memref_slice %arg12[%rem3A_551, %dma_wait3A_844, %dma_wait3A_848] : memref<2x16x128xi32, #tpu.memory_space<vmem>> -> memref<1x1x128xi32, #tpu.memory_space<vmem>>
        %dma_wait3A_850 = tpu.memref_squeeze %dma_wait3A_849 : memref<1x1x128xi32, #tpu.memory_space<vmem>> -> memref<128xi32, #tpu.memory_space<vmem>>
        %dma_wait3A_851 = arith.constant 0 : i32
        %dma_wait3A_852 = tpu.memref_slice %arg15[%dma_wait3A_851] : memref<100352xf32, #tpu.memory_space<vmem_shared>> -> memref<100352xf32, #tpu.memory_space<vmem_shared>>
        %dma_wait3A_853 = tpu.memref_slice %arg17[%rem3A_551] : memref<2x!tpu.dma_semaphore, #tpu.memory_space<semaphore_mem>> -> memref<1x!tpu.dma_semaphore, #tpu.memory_space<semaphore_mem>>
        %dma_wait3A_854 = tpu.memref_squeeze %dma_wait3A_853 : memref<1x!tpu.dma_semaphore, #tpu.memory_space<semaphore_mem>> -> memref<!tpu.dma_semaphore, #tpu.memory_space<semaphore_mem>>
        tpu.wait_indirect_dma semaphore(%dma_wait3A_854 : memref<!tpu.dma_semaphore, #tpu.memory_space<semaphore_mem>>) src(%dma_wait3A_847 : memref<128xf32, #tpu.memory_space<vmem>>) dst(%dma_wait3A_852 : memref<100352xf32, #tpu.memory_space<vmem_shared>>)
        %dma_wait3A_855 = arith.constant 6 : i32
        %dma_wait3A_856 = arith.constant 6 : i32
        %dma_wait3A_857 = arith.constant 0 : i32
        %dma_wait3A_858 = tpu.memref_slice %arg13[%rem3A_551, %dma_wait3A_855, %dma_wait3A_857] : memref<2x16x128xf32, #tpu.memory_space<vmem>> -> memref<1x1x128xf32, #tpu.memory_space<vmem>>
        %dma_wait3A_859 = tpu.memref_squeeze %dma_wait3A_858 : memref<1x1x128xf32, #tpu.memory_space<vmem>> -> memref<128xf32, #tpu.memory_space<vmem>>
        %dma_wait3A_860 = arith.constant 0 : i32
        %dma_wait3A_861 = tpu.memref_slice %arg12[%rem3A_551, %dma_wait3A_856, %dma_wait3A_860] : memref<2x16x128xi32, #tpu.memory_space<vmem>> -> memref<1x1x128xi32, #tpu.memory_space<vmem>>
        %dma_wait3A_862 = tpu.memref_squeeze %dma_wait3A_861 : memref<1x1x128xi32, #tpu.memory_space<vmem>> -> memref<128xi32, #tpu.memory_space<vmem>>
        %dma_wait3A_863 = arith.constant 0 : i32
        %dma_wait3A_864 = tpu.memref_slice %arg15[%dma_wait3A_863] : memref<100352xf32, #tpu.memory_space<vmem_shared>> -> memref<100352xf32, #tpu.memory_space<vmem_shared>>
        %dma_wait3A_865 = tpu.memref_slice %arg17[%rem3A_551] : memref<2x!tpu.dma_semaphore, #tpu.memory_space<semaphore_mem>> -> memref<1x!tpu.dma_semaphore, #tpu.memory_space<semaphore_mem>>
        %dma_wait3A_866 = tpu.memref_squeeze %dma_wait3A_865 : memref<1x!tpu.dma_semaphore, #tpu.memory_space<semaphore_mem>> -> memref<!tpu.dma_semaphore, #tpu.memory_space<semaphore_mem>>
        tpu.wait_indirect_dma semaphore(%dma_wait3A_866 : memref<!tpu.dma_semaphore, #tpu.memory_space<semaphore_mem>>) src(%dma_wait3A_859 : memref<128xf32, #tpu.memory_space<vmem>>) dst(%dma_wait3A_864 : memref<100352xf32, #tpu.memory_space<vmem_shared>>)
        %dma_wait3A_867 = arith.constant 7 : i32
        %dma_wait3A_868 = arith.constant 7 : i32
        %dma_wait3A_869 = arith.constant 0 : i32
        %dma_wait3A_870 = tpu.memref_slice %arg13[%rem3A_551, %dma_wait3A_867, %dma_wait3A_869] : memref<2x16x128xf32, #tpu.memory_space<vmem>> -> memref<1x1x128xf32, #tpu.memory_space<vmem>>
        %dma_wait3A_871 = tpu.memref_squeeze %dma_wait3A_870 : memref<1x1x128xf32, #tpu.memory_space<vmem>> -> memref<128xf32, #tpu.memory_space<vmem>>
        %dma_wait3A_872 = arith.constant 0 : i32
        %dma_wait3A_873 = tpu.memref_slice %arg12[%rem3A_551, %dma_wait3A_868, %dma_wait3A_872] : memref<2x16x128xi32, #tpu.memory_space<vmem>> -> memref<1x1x128xi32, #tpu.memory_space<vmem>>
        %dma_wait3A_874 = tpu.memref_squeeze %dma_wait3A_873 : memref<1x1x128xi32, #tpu.memory_space<vmem>> -> memref<128xi32, #tpu.memory_space<vmem>>
        %dma_wait3A_875 = arith.constant 0 : i32
        %dma_wait3A_876 = tpu.memref_slice %arg15[%dma_wait3A_875] : memref<100352xf32, #tpu.memory_space<vmem_shared>> -> memref<100352xf32, #tpu.memory_space<vmem_shared>>
        %dma_wait3A_877 = tpu.memref_slice %arg17[%rem3A_551] : memref<2x!tpu.dma_semaphore, #tpu.memory_space<semaphore_mem>> -> memref<1x!tpu.dma_semaphore, #tpu.memory_space<semaphore_mem>>
        %dma_wait3A_878 = tpu.memref_squeeze %dma_wait3A_877 : memref<1x!tpu.dma_semaphore, #tpu.memory_space<semaphore_mem>> -> memref<!tpu.dma_semaphore, #tpu.memory_space<semaphore_mem>>
        tpu.wait_indirect_dma semaphore(%dma_wait3A_878 : memref<!tpu.dma_semaphore, #tpu.memory_space<semaphore_mem>>) src(%dma_wait3A_871 : memref<128xf32, #tpu.memory_space<vmem>>) dst(%dma_wait3A_876 : memref<100352xf32, #tpu.memory_space<vmem_shared>>)
        %dma_wait3A_879 = arith.constant 8 : i32
        %dma_wait3A_880 = arith.constant 8 : i32
        %dma_wait3A_881 = arith.constant 0 : i32
        %dma_wait3A_882 = tpu.memref_slice %arg13[%rem3A_551, %dma_wait3A_879, %dma_wait3A_881] : memref<2x16x128xf32, #tpu.memory_space<vmem>> -> memref<1x1x128xf32, #tpu.memory_space<vmem>>
        %dma_wait3A_883 = tpu.memref_squeeze %dma_wait3A_882 : memref<1x1x128xf32, #tpu.memory_space<vmem>> -> memref<128xf32, #tpu.memory_space<vmem>>
        %dma_wait3A_884 = arith.constant 0 : i32
        %dma_wait3A_885 = tpu.memref_slice %arg12[%rem3A_551, %dma_wait3A_880, %dma_wait3A_884] : memref<2x16x128xi32, #tpu.memory_space<vmem>> -> memref<1x1x128xi32, #tpu.memory_space<vmem>>
        %dma_wait3A_886 = tpu.memref_squeeze %dma_wait3A_885 : memref<1x1x128xi32, #tpu.memory_space<vmem>> -> memref<128xi32, #tpu.memory_space<vmem>>
        %dma_wait3A_887 = arith.constant 0 : i32
        %dma_wait3A_888 = tpu.memref_slice %arg15[%dma_wait3A_887] : memref<100352xf32, #tpu.memory_space<vmem_shared>> -> memref<100352xf32, #tpu.memory_space<vmem_shared>>
        %dma_wait3A_889 = tpu.memref_slice %arg17[%rem3A_551] : memref<2x!tpu.dma_semaphore, #tpu.memory_space<semaphore_mem>> -> memref<1x!tpu.dma_semaphore, #tpu.memory_space<semaphore_mem>>
        %dma_wait3A_890 = tpu.memref_squeeze %dma_wait3A_889 : memref<1x!tpu.dma_semaphore, #tpu.memory_space<semaphore_mem>> -> memref<!tpu.dma_semaphore, #tpu.memory_space<semaphore_mem>>
        tpu.wait_indirect_dma semaphore(%dma_wait3A_890 : memref<!tpu.dma_semaphore, #tpu.memory_space<semaphore_mem>>) src(%dma_wait3A_883 : memref<128xf32, #tpu.memory_space<vmem>>) dst(%dma_wait3A_888 : memref<100352xf32, #tpu.memory_space<vmem_shared>>)
        %dma_wait3A_891 = arith.constant 9 : i32
        %dma_wait3A_892 = arith.constant 9 : i32
        %dma_wait3A_893 = arith.constant 0 : i32
        %dma_wait3A_894 = tpu.memref_slice %arg13[%rem3A_551, %dma_wait3A_891, %dma_wait3A_893] : memref<2x16x128xf32, #tpu.memory_space<vmem>> -> memref<1x1x128xf32, #tpu.memory_space<vmem>>
        %dma_wait3A_895 = tpu.memref_squeeze %dma_wait3A_894 : memref<1x1x128xf32, #tpu.memory_space<vmem>> -> memref<128xf32, #tpu.memory_space<vmem>>
        %dma_wait3A_896 = arith.constant 0 : i32
        %dma_wait3A_897 = tpu.memref_slice %arg12[%rem3A_551, %dma_wait3A_892, %dma_wait3A_896] : memref<2x16x128xi32, #tpu.memory_space<vmem>> -> memref<1x1x128xi32, #tpu.memory_space<vmem>>
        %dma_wait3A_898 = tpu.memref_squeeze %dma_wait3A_897 : memref<1x1x128xi32, #tpu.memory_space<vmem>> -> memref<128xi32, #tpu.memory_space<vmem>>
        %dma_wait3A_899 = arith.constant 0 : i32
        %dma_wait3A_900 = tpu.memref_slice %arg15[%dma_wait3A_899] : memref<100352xf32, #tpu.memory_space<vmem_shared>> -> memref<100352xf32, #tpu.memory_space<vmem_shared>>
        %dma_wait3A_901 = tpu.memref_slice %arg17[%rem3A_551] : memref<2x!tpu.dma_semaphore, #tpu.memory_space<semaphore_mem>> -> memref<1x!tpu.dma_semaphore, #tpu.memory_space<semaphore_mem>>
        %dma_wait3A_902 = tpu.memref_squeeze %dma_wait3A_901 : memref<1x!tpu.dma_semaphore, #tpu.memory_space<semaphore_mem>> -> memref<!tpu.dma_semaphore, #tpu.memory_space<semaphore_mem>>
        tpu.wait_indirect_dma semaphore(%dma_wait3A_902 : memref<!tpu.dma_semaphore, #tpu.memory_space<semaphore_mem>>) src(%dma_wait3A_895 : memref<128xf32, #tpu.memory_space<vmem>>) dst(%dma_wait3A_900 : memref<100352xf32, #tpu.memory_space<vmem_shared>>)
        %dma_wait3A_903 = arith.constant 10 : i32
        %dma_wait3A_904 = arith.constant 10 : i32
        %dma_wait3A_905 = arith.constant 0 : i32
        %dma_wait3A_906 = tpu.memref_slice %arg13[%rem3A_551, %dma_wait3A_903, %dma_wait3A_905] : memref<2x16x128xf32, #tpu.memory_space<vmem>> -> memref<1x1x128xf32, #tpu.memory_space<vmem>>
        %dma_wait3A_907 = tpu.memref_squeeze %dma_wait3A_906 : memref<1x1x128xf32, #tpu.memory_space<vmem>> -> memref<128xf32, #tpu.memory_space<vmem>>
        %dma_wait3A_908 = arith.constant 0 : i32
        %dma_wait3A_909 = tpu.memref_slice %arg12[%rem3A_551, %dma_wait3A_904, %dma_wait3A_908] : memref<2x16x128xi32, #tpu.memory_space<vmem>> -> memref<1x1x128xi32, #tpu.memory_space<vmem>>
        %dma_wait3A_910 = tpu.memref_squeeze %dma_wait3A_909 : memref<1x1x128xi32, #tpu.memory_space<vmem>> -> memref<128xi32, #tpu.memory_space<vmem>>
        %dma_wait3A_911 = arith.constant 0 : i32
        %dma_wait3A_912 = tpu.memref_slice %arg15[%dma_wait3A_911] : memref<100352xf32, #tpu.memory_space<vmem_shared>> -> memref<100352xf32, #tpu.memory_space<vmem_shared>>
        %dma_wait3A_913 = tpu.memref_slice %arg17[%rem3A_551] : memref<2x!tpu.dma_semaphore, #tpu.memory_space<semaphore_mem>> -> memref<1x!tpu.dma_semaphore, #tpu.memory_space<semaphore_mem>>
        %dma_wait3A_914 = tpu.memref_squeeze %dma_wait3A_913 : memref<1x!tpu.dma_semaphore, #tpu.memory_space<semaphore_mem>> -> memref<!tpu.dma_semaphore, #tpu.memory_space<semaphore_mem>>
        tpu.wait_indirect_dma semaphore(%dma_wait3A_914 : memref<!tpu.dma_semaphore, #tpu.memory_space<semaphore_mem>>) src(%dma_wait3A_907 : memref<128xf32, #tpu.memory_space<vmem>>) dst(%dma_wait3A_912 : memref<100352xf32, #tpu.memory_space<vmem_shared>>)
        %dma_wait3A_915 = arith.constant 11 : i32
        %dma_wait3A_916 = arith.constant 11 : i32
        %dma_wait3A_917 = arith.constant 0 : i32
        %dma_wait3A_918 = tpu.memref_slice %arg13[%rem3A_551, %dma_wait3A_915, %dma_wait3A_917] : memref<2x16x128xf32, #tpu.memory_space<vmem>> -> memref<1x1x128xf32, #tpu.memory_space<vmem>>
        %dma_wait3A_919 = tpu.memref_squeeze %dma_wait3A_918 : memref<1x1x128xf32, #tpu.memory_space<vmem>> -> memref<128xf32, #tpu.memory_space<vmem>>
        %dma_wait3A_920 = arith.constant 0 : i32
        %dma_wait3A_921 = tpu.memref_slice %arg12[%rem3A_551, %dma_wait3A_916, %dma_wait3A_920] : memref<2x16x128xi32, #tpu.memory_space<vmem>> -> memref<1x1x128xi32, #tpu.memory_space<vmem>>
        %dma_wait3A_922 = tpu.memref_squeeze %dma_wait3A_921 : memref<1x1x128xi32, #tpu.memory_space<vmem>> -> memref<128xi32, #tpu.memory_space<vmem>>
        %dma_wait3A_923 = arith.constant 0 : i32
        %dma_wait3A_924 = tpu.memref_slice %arg15[%dma_wait3A_923] : memref<100352xf32, #tpu.memory_space<vmem_shared>> -> memref<100352xf32, #tpu.memory_space<vmem_shared>>
        %dma_wait3A_925 = tpu.memref_slice %arg17[%rem3A_551] : memref<2x!tpu.dma_semaphore, #tpu.memory_space<semaphore_mem>> -> memref<1x!tpu.dma_semaphore, #tpu.memory_space<semaphore_mem>>
        %dma_wait3A_926 = tpu.memref_squeeze %dma_wait3A_925 : memref<1x!tpu.dma_semaphore, #tpu.memory_space<semaphore_mem>> -> memref<!tpu.dma_semaphore, #tpu.memory_space<semaphore_mem>>
        tpu.wait_indirect_dma semaphore(%dma_wait3A_926 : memref<!tpu.dma_semaphore, #tpu.memory_space<semaphore_mem>>) src(%dma_wait3A_919 : memref<128xf32, #tpu.memory_space<vmem>>) dst(%dma_wait3A_924 : memref<100352xf32, #tpu.memory_space<vmem_shared>>)
        %dma_wait3A_927 = arith.constant 12 : i32
        %dma_wait3A_928 = arith.constant 12 : i32
        %dma_wait3A_929 = arith.constant 0 : i32
        %dma_wait3A_930 = tpu.memref_slice %arg13[%rem3A_551, %dma_wait3A_927, %dma_wait3A_929] : memref<2x16x128xf32, #tpu.memory_space<vmem>> -> memref<1x1x128xf32, #tpu.memory_space<vmem>>
        %dma_wait3A_931 = tpu.memref_squeeze %dma_wait3A_930 : memref<1x1x128xf32, #tpu.memory_space<vmem>> -> memref<128xf32, #tpu.memory_space<vmem>>
        %dma_wait3A_932 = arith.constant 0 : i32
        %dma_wait3A_933 = tpu.memref_slice %arg12[%rem3A_551, %dma_wait3A_928, %dma_wait3A_932] : memref<2x16x128xi32, #tpu.memory_space<vmem>> -> memref<1x1x128xi32, #tpu.memory_space<vmem>>
        %dma_wait3A_934 = tpu.memref_squeeze %dma_wait3A_933 : memref<1x1x128xi32, #tpu.memory_space<vmem>> -> memref<128xi32, #tpu.memory_space<vmem>>
        %dma_wait3A_935 = arith.constant 0 : i32
        %dma_wait3A_936 = tpu.memref_slice %arg15[%dma_wait3A_935] : memref<100352xf32, #tpu.memory_space<vmem_shared>> -> memref<100352xf32, #tpu.memory_space<vmem_shared>>
        %dma_wait3A_937 = tpu.memref_slice %arg17[%rem3A_551] : memref<2x!tpu.dma_semaphore, #tpu.memory_space<semaphore_mem>> -> memref<1x!tpu.dma_semaphore, #tpu.memory_space<semaphore_mem>>
        %dma_wait3A_938 = tpu.memref_squeeze %dma_wait3A_937 : memref<1x!tpu.dma_semaphore, #tpu.memory_space<semaphore_mem>> -> memref<!tpu.dma_semaphore, #tpu.memory_space<semaphore_mem>>
        tpu.wait_indirect_dma semaphore(%dma_wait3A_938 : memref<!tpu.dma_semaphore, #tpu.memory_space<semaphore_mem>>) src(%dma_wait3A_931 : memref<128xf32, #tpu.memory_space<vmem>>) dst(%dma_wait3A_936 : memref<100352xf32, #tpu.memory_space<vmem_shared>>)
        %dma_wait3A_939 = arith.constant 13 : i32
        %dma_wait3A_940 = arith.constant 13 : i32
        %dma_wait3A_941 = arith.constant 0 : i32
        %dma_wait3A_942 = tpu.memref_slice %arg13[%rem3A_551, %dma_wait3A_939, %dma_wait3A_941] : memref<2x16x128xf32, #tpu.memory_space<vmem>> -> memref<1x1x128xf32, #tpu.memory_space<vmem>>
        %dma_wait3A_943 = tpu.memref_squeeze %dma_wait3A_942 : memref<1x1x128xf32, #tpu.memory_space<vmem>> -> memref<128xf32, #tpu.memory_space<vmem>>
        %dma_wait3A_944 = arith.constant 0 : i32
        %dma_wait3A_945 = tpu.memref_slice %arg12[%rem3A_551, %dma_wait3A_940, %dma_wait3A_944] : memref<2x16x128xi32, #tpu.memory_space<vmem>> -> memref<1x1x128xi32, #tpu.memory_space<vmem>>
        %dma_wait3A_946 = tpu.memref_squeeze %dma_wait3A_945 : memref<1x1x128xi32, #tpu.memory_space<vmem>> -> memref<128xi32, #tpu.memory_space<vmem>>
        %dma_wait3A_947 = arith.constant 0 : i32
        %dma_wait3A_948 = tpu.memref_slice %arg15[%dma_wait3A_947] : memref<100352xf32, #tpu.memory_space<vmem_shared>> -> memref<100352xf32, #tpu.memory_space<vmem_shared>>
        %dma_wait3A_949 = tpu.memref_slice %arg17[%rem3A_551] : memref<2x!tpu.dma_semaphore, #tpu.memory_space<semaphore_mem>> -> memref<1x!tpu.dma_semaphore, #tpu.memory_space<semaphore_mem>>
        %dma_wait3A_950 = tpu.memref_squeeze %dma_wait3A_949 : memref<1x!tpu.dma_semaphore, #tpu.memory_space<semaphore_mem>> -> memref<!tpu.dma_semaphore, #tpu.memory_space<semaphore_mem>>
        tpu.wait_indirect_dma semaphore(%dma_wait3A_950 : memref<!tpu.dma_semaphore, #tpu.memory_space<semaphore_mem>>) src(%dma_wait3A_943 : memref<128xf32, #tpu.memory_space<vmem>>) dst(%dma_wait3A_948 : memref<100352xf32, #tpu.memory_space<vmem_shared>>)
        %dma_wait3A_951 = arith.constant 14 : i32
        %dma_wait3A_952 = arith.constant 14 : i32
        %dma_wait3A_953 = arith.constant 0 : i32
        %dma_wait3A_954 = tpu.memref_slice %arg13[%rem3A_551, %dma_wait3A_951, %dma_wait3A_953] : memref<2x16x128xf32, #tpu.memory_space<vmem>> -> memref<1x1x128xf32, #tpu.memory_space<vmem>>
        %dma_wait3A_955 = tpu.memref_squeeze %dma_wait3A_954 : memref<1x1x128xf32, #tpu.memory_space<vmem>> -> memref<128xf32, #tpu.memory_space<vmem>>
        %dma_wait3A_956 = arith.constant 0 : i32
        %dma_wait3A_957 = tpu.memref_slice %arg12[%rem3A_551, %dma_wait3A_952, %dma_wait3A_956] : memref<2x16x128xi32, #tpu.memory_space<vmem>> -> memref<1x1x128xi32, #tpu.memory_space<vmem>>
        %dma_wait3A_958 = tpu.memref_squeeze %dma_wait3A_957 : memref<1x1x128xi32, #tpu.memory_space<vmem>> -> memref<128xi32, #tpu.memory_space<vmem>>
        %dma_wait3A_959 = arith.constant 0 : i32
        %dma_wait3A_960 = tpu.memref_slice %arg15[%dma_wait3A_959] : memref<100352xf32, #tpu.memory_space<vmem_shared>> -> memref<100352xf32, #tpu.memory_space<vmem_shared>>
        %dma_wait3A_961 = tpu.memref_slice %arg17[%rem3A_551] : memref<2x!tpu.dma_semaphore, #tpu.memory_space<semaphore_mem>> -> memref<1x!tpu.dma_semaphore, #tpu.memory_space<semaphore_mem>>
        %dma_wait3A_962 = tpu.memref_squeeze %dma_wait3A_961 : memref<1x!tpu.dma_semaphore, #tpu.memory_space<semaphore_mem>> -> memref<!tpu.dma_semaphore, #tpu.memory_space<semaphore_mem>>
        tpu.wait_indirect_dma semaphore(%dma_wait3A_962 : memref<!tpu.dma_semaphore, #tpu.memory_space<semaphore_mem>>) src(%dma_wait3A_955 : memref<128xf32, #tpu.memory_space<vmem>>) dst(%dma_wait3A_960 : memref<100352xf32, #tpu.memory_space<vmem_shared>>)
        %dma_wait3A_963 = arith.constant 15 : i32
        %dma_wait3A_964 = arith.constant 15 : i32
        %dma_wait3A_965 = arith.constant 0 : i32
        %dma_wait3A_966 = tpu.memref_slice %arg13[%rem3A_551, %dma_wait3A_963, %dma_wait3A_965] : memref<2x16x128xf32, #tpu.memory_space<vmem>> -> memref<1x1x128xf32, #tpu.memory_space<vmem>>
        %dma_wait3A_967 = tpu.memref_squeeze %dma_wait3A_966 : memref<1x1x128xf32, #tpu.memory_space<vmem>> -> memref<128xf32, #tpu.memory_space<vmem>>
        %dma_wait3A_968 = arith.constant 0 : i32
        %dma_wait3A_969 = tpu.memref_slice %arg12[%rem3A_551, %dma_wait3A_964, %dma_wait3A_968] : memref<2x16x128xi32, #tpu.memory_space<vmem>> -> memref<1x1x128xi32, #tpu.memory_space<vmem>>
        %dma_wait3A_970 = tpu.memref_squeeze %dma_wait3A_969 : memref<1x1x128xi32, #tpu.memory_space<vmem>> -> memref<128xi32, #tpu.memory_space<vmem>>
        %dma_wait3A_971 = arith.constant 0 : i32
        %dma_wait3A_972 = tpu.memref_slice %arg15[%dma_wait3A_971] : memref<100352xf32, #tpu.memory_space<vmem_shared>> -> memref<100352xf32, #tpu.memory_space<vmem_shared>>
        %dma_wait3A_973 = tpu.memref_slice %arg17[%rem3A_551] : memref<2x!tpu.dma_semaphore, #tpu.memory_space<semaphore_mem>> -> memref<1x!tpu.dma_semaphore, #tpu.memory_space<semaphore_mem>>
        %dma_wait3A_974 = tpu.memref_squeeze %dma_wait3A_973 : memref<1x!tpu.dma_semaphore, #tpu.memory_space<semaphore_mem>> -> memref<!tpu.dma_semaphore, #tpu.memory_space<semaphore_mem>>
        tpu.wait_indirect_dma semaphore(%dma_wait3A_974 : memref<!tpu.dma_semaphore, #tpu.memory_space<semaphore_mem>>) src(%dma_wait3A_967 : memref<128xf32, #tpu.memory_space<vmem>>) dst(%dma_wait3A_972 : memref<100352xf32, #tpu.memory_space<vmem_shared>>)
      } else {
      }
      %parallel_loop3A = arith.constant 0 : i32
      %parallel_loop3A_589 = arith.constant 16 : i32
      %parallel_loop3A_590 = arith.constant 1 : i32
      scf.for %parallel_loop3A_783 = %parallel_loop3A to %parallel_loop3A_589 step %parallel_loop3A_590  : i32 {
        %parallel_loop3A_784 = arith.constant 128 : i32
        %parallel_loop3A_785 = arith.muli %parallel_loop3A_783, %parallel_loop3A_784 : i32
        %parallel_loop3A_786 = arith.addi %mul3A_553, %parallel_loop3A_785 : i32
        %parallel_loop3A_787 = arith.constant 0 : i32
        %parallel_loop3A_788 = arith.addi %parallel_loop3A_786, %parallel_loop3A_787 : i32
        %parallel_loop3A_789 = arith.index_cast %parallel_loop3A_788 : i32 to index
        %parallel_loop3A_790 = tpu.vector_load %arg9[%parallel_loop3A_789] {strides = array<i32>} : memref<4096xi32, #tpu.memory_space<vmem>>, vector<16xi32>,
        %parallel_loop3A_791 = arith.index_cast %parallel_loop3A_788 : i32 to index
        %parallel_loop3A_792 = tpu.vector_load %arg10[%parallel_loop3A_791] {strides = array<i32>} : memref<4096xi32, #tpu.memory_space<vmem>>, vector<16xi32>,
        %parallel_loop3A_793 = tpu.vector_load_idx %arg8[%parallel_loop3A_790] : memref<100000xf32, #tpu.memory_space<vmem>>[vector<16xi32>], vector<16xf32>,
        %parallel_loop3A_794 = tpu.vector_load_idx %arg8[%parallel_loop3A_792] : memref<100000xf32, #tpu.memory_space<vmem>>[vector<16xi32>], vector<16xf32>,
        %parallel_loop3A_795 = arith.index_cast %parallel_loop3A_788 : i32 to index
        %parallel_loop3A_796 = tpu.vector_load %arg11[%parallel_loop3A_795] {strides = array<i32>} : memref<4096xf32, #tpu.memory_space<vmem>>, vector<16xf32>,
        %parallel_loop3A_797 = arith.mulf %parallel_loop3A_793, %get3A_38 : vector<16xf32>
        %parallel_loop3A_798 = arith.mulf %parallel_loop3A_794, %get3A_42 : vector<16xf32>
        %parallel_loop3A_799 = arith.addf %parallel_loop3A_797, %parallel_loop3A_798 : vector<16xf32>
        %parallel_loop3A_800 = arith.mulf %parallel_loop3A_796, %get3A_46 : vector<16xf32>
        %parallel_loop3A_801 = arith.addf %parallel_loop3A_799, %parallel_loop3A_800 : vector<16xf32>
        %parallel_loop3A_802 = arith.addf %parallel_loop3A_801, %get3A_50 : vector<16xf32>
        %parallel_loop3A_803 = arith.constant 0.000000e+00 : f32
        %parallel_loop3A_804 = vector.broadcast %parallel_loop3A_803 : f32 to vector<16xf32>
        %parallel_loop3A_805 = arith.maximumf %parallel_loop3A_802, %parallel_loop3A_804 : vector<16xf32>
        %parallel_loop3A_806 = arith.index_cast %rem3A_551 : i32 to index
        %parallel_loop3A_807 = arith.index_cast %parallel_loop3A_783 : i32 to index
        %parallel_loop3A_808 = arith.constant 0 : index
        %parallel_loop3A_809 = tpu.vector_load %arg12[%parallel_loop3A_806, %parallel_loop3A_807, %parallel_loop3A_808] {strides = array<i32>} : memref<2x16x128xi32, #tpu.memory_space<vmem>>, vector<16xi32>,
        tpu.vector_store %arg12[%parallel_loop3A_806, %parallel_loop3A_807, %parallel_loop3A_808], %parallel_loop3A_792 {strides = array<i32>} : memref<2x16x128xi32, #tpu.memory_space<vmem>>, vector<16xi32>,
        %parallel_loop3A_810 = arith.index_cast %rem3A_551 : i32 to index
        %parallel_loop3A_811 = arith.index_cast %parallel_loop3A_783 : i32 to index
        %parallel_loop3A_812 = arith.constant 0 : index
        %parallel_loop3A_813 = tpu.vector_load %arg13[%parallel_loop3A_810, %parallel_loop3A_811, %parallel_loop3A_812] {strides = array<i32>} : memref<2x16x128xf32, #tpu.memory_space<vmem>>, vector<16xf32>,
        tpu.vector_store %arg13[%parallel_loop3A_810, %parallel_loop3A_811, %parallel_loop3A_812], %parallel_loop3A_805 {strides = array<i32>} : memref<2x16x128xf32, #tpu.memory_space<vmem>>, vector<16xf32>,
        %parallel_loop3A_814 = arith.constant 128 : i32
        %parallel_loop3A_815 = arith.muli %parallel_loop3A_783, %parallel_loop3A_814 : i32
        %parallel_loop3A_816 = arith.addi %mul3A_553, %parallel_loop3A_815 : i32
        %parallel_loop3A_817 = arith.constant 16 : i32
        %parallel_loop3A_818 = arith.addi %parallel_loop3A_816, %parallel_loop3A_817 : i32
        %parallel_loop3A_819 = arith.index_cast %parallel_loop3A_818 : i32 to index
        %parallel_loop3A_820 = tpu.vector_load %arg9[%parallel_loop3A_819] {strides = array<i32>} : memref<4096xi32, #tpu.memory_space<vmem>>, vector<16xi32>,
        %parallel_loop3A_821 = arith.index_cast %parallel_loop3A_818 : i32 to index
        %parallel_loop3A_822 = tpu.vector_load %arg10[%parallel_loop3A_821] {strides = array<i32>} : memref<4096xi32, #tpu.memory_space<vmem>>, vector<16xi32>,
        %parallel_loop3A_823 = tpu.vector_load_idx %arg8[%parallel_loop3A_820] : memref<100000xf32, #tpu.memory_space<vmem>>[vector<16xi32>], vector<16xf32>,
        %parallel_loop3A_824 = tpu.vector_load_idx %arg8[%parallel_loop3A_822] : memref<100000xf32, #tpu.memory_space<vmem>>[vector<16xi32>], vector<16xf32>,
        %parallel_loop3A_825 = arith.index_cast %parallel_loop3A_818 : i32 to index
        %parallel_loop3A_826 = tpu.vector_load %arg11[%parallel_loop3A_825] {strides = array<i32>} : memref<4096xf32, #tpu.memory_space<vmem>>, vector<16xf32>,
        %parallel_loop3A_827 = arith.mulf %parallel_loop3A_823, %get3A_38 : vector<16xf32>
        %parallel_loop3A_828 = arith.mulf %parallel_loop3A_824, %get3A_42 : vector<16xf32>
        %parallel_loop3A_829 = arith.addf %parallel_loop3A_827, %parallel_loop3A_828 : vector<16xf32>
        %parallel_loop3A_830 = arith.mulf %parallel_loop3A_826, %get3A_46 : vector<16xf32>
        %parallel_loop3A_831 = arith.addf %parallel_loop3A_829, %parallel_loop3A_830 : vector<16xf32>
        %parallel_loop3A_832 = arith.addf %parallel_loop3A_831, %get3A_50 : vector<16xf32>
        %parallel_loop3A_833 = arith.constant 0.000000e+00 : f32
        %parallel_loop3A_834 = vector.broadcast %parallel_loop3A_833 : f32 to vector<16xf32>
        %parallel_loop3A_835 = arith.maximumf %parallel_loop3A_832, %parallel_loop3A_834 : vector<16xf32>
        %parallel_loop3A_836 = arith.index_cast %rem3A_551 : i32 to index
        %parallel_loop3A_837 = arith.index_cast %parallel_loop3A_783 : i32 to index
        %parallel_loop3A_838 = arith.constant 16 : index
        %parallel_loop3A_839 = tpu.vector_load %arg12[%parallel_loop3A_836, %parallel_loop3A_837, %parallel_loop3A_838] {strides = array<i32>} : memref<2x16x128xi32, #tpu.memory_space<vmem>>, vector<16xi32>,
        tpu.vector_store %arg12[%parallel_loop3A_836, %parallel_loop3A_837, %parallel_loop3A_838], %parallel_loop3A_822 {strides = array<i32>} : memref<2x16x128xi32, #tpu.memory_space<vmem>>, vector<16xi32>,
        %parallel_loop3A_840 = arith.index_cast %rem3A_551 : i32 to index
        %parallel_loop3A_841 = arith.index_cast %parallel_loop3A_783 : i32 to index
        %parallel_loop3A_842 = arith.constant 16 : index
        %parallel_loop3A_843 = tpu.vector_load %arg13[%parallel_loop3A_840, %parallel_loop3A_841, %parallel_loop3A_842] {strides = array<i32>} : memref<2x16x128xf32, #tpu.memory_space<vmem>>, vector<16xf32>,
        tpu.vector_store %arg13[%parallel_loop3A_840, %parallel_loop3A_841, %parallel_loop3A_842], %parallel_loop3A_835 {strides = array<i32>} : memref<2x16x128xf32, #tpu.memory_space<vmem>>, vector<16xf32>,
        %parallel_loop3A_844 = arith.constant 128 : i32
        %parallel_loop3A_845 = arith.muli %parallel_loop3A_783, %parallel_loop3A_844 : i32
        %parallel_loop3A_846 = arith.addi %mul3A_553, %parallel_loop3A_845 : i32
        %parallel_loop3A_847 = arith.constant 32 : i32
        %parallel_loop3A_848 = arith.addi %parallel_loop3A_846, %parallel_loop3A_847 : i32
        %parallel_loop3A_849 = arith.index_cast %parallel_loop3A_848 : i32 to index
        %parallel_loop3A_850 = tpu.vector_load %arg9[%parallel_loop3A_849] {strides = array<i32>} : memref<4096xi32, #tpu.memory_space<vmem>>, vector<16xi32>,
        %parallel_loop3A_851 = arith.index_cast %parallel_loop3A_848 : i32 to index
        %parallel_loop3A_852 = tpu.vector_load %arg10[%parallel_loop3A_851] {strides = array<i32>} : memref<4096xi32, #tpu.memory_space<vmem>>, vector<16xi32>,
        %parallel_loop3A_853 = tpu.vector_load_idx %arg8[%parallel_loop3A_850] : memref<100000xf32, #tpu.memory_space<vmem>>[vector<16xi32>], vector<16xf32>,
        %parallel_loop3A_854 = tpu.vector_load_idx %arg8[%parallel_loop3A_852] : memref<100000xf32, #tpu.memory_space<vmem>>[vector<16xi32>], vector<16xf32>,
        %parallel_loop3A_855 = arith.index_cast %parallel_loop3A_848 : i32 to index
        %parallel_loop3A_856 = tpu.vector_load %arg11[%parallel_loop3A_855] {strides = array<i32>} : memref<4096xf32, #tpu.memory_space<vmem>>, vector<16xf32>,
        %parallel_loop3A_857 = arith.mulf %parallel_loop3A_853, %get3A_38 : vector<16xf32>
        %parallel_loop3A_858 = arith.mulf %parallel_loop3A_854, %get3A_42 : vector<16xf32>
        %parallel_loop3A_859 = arith.addf %parallel_loop3A_857, %parallel_loop3A_858 : vector<16xf32>
        %parallel_loop3A_860 = arith.mulf %parallel_loop3A_856, %get3A_46 : vector<16xf32>
        %parallel_loop3A_861 = arith.addf %parallel_loop3A_859, %parallel_loop3A_860 : vector<16xf32>
        %parallel_loop3A_862 = arith.addf %parallel_loop3A_861, %get3A_50 : vector<16xf32>
        %parallel_loop3A_863 = arith.constant 0.000000e+00 : f32
        %parallel_loop3A_864 = vector.broadcast %parallel_loop3A_863 : f32 to vector<16xf32>
        %parallel_loop3A_865 = arith.maximumf %parallel_loop3A_862, %parallel_loop3A_864 : vector<16xf32>
        %parallel_loop3A_866 = arith.index_cast %rem3A_551 : i32 to index
        %parallel_loop3A_867 = arith.index_cast %parallel_loop3A_783 : i32 to index
        %parallel_loop3A_868 = arith.constant 32 : index
        %parallel_loop3A_869 = tpu.vector_load %arg12[%parallel_loop3A_866, %parallel_loop3A_867, %parallel_loop3A_868] {strides = array<i32>} : memref<2x16x128xi32, #tpu.memory_space<vmem>>, vector<16xi32>,
        tpu.vector_store %arg12[%parallel_loop3A_866, %parallel_loop3A_867, %parallel_loop3A_868], %parallel_loop3A_852 {strides = array<i32>} : memref<2x16x128xi32, #tpu.memory_space<vmem>>, vector<16xi32>,
        %parallel_loop3A_870 = arith.index_cast %rem3A_551 : i32 to index
        %parallel_loop3A_871 = arith.index_cast %parallel_loop3A_783 : i32 to index
        %parallel_loop3A_872 = arith.constant 32 : index
        %parallel_loop3A_873 = tpu.vector_load %arg13[%parallel_loop3A_870, %parallel_loop3A_871, %parallel_loop3A_872] {strides = array<i32>} : memref<2x16x128xf32, #tpu.memory_space<vmem>>, vector<16xf32>,
        tpu.vector_store %arg13[%parallel_loop3A_870, %parallel_loop3A_871, %parallel_loop3A_872], %parallel_loop3A_865 {strides = array<i32>} : memref<2x16x128xf32, #tpu.memory_space<vmem>>, vector<16xf32>,
        %parallel_loop3A_874 = arith.constant 128 : i32
        %parallel_loop3A_875 = arith.muli %parallel_loop3A_783, %parallel_loop3A_874 : i32
        %parallel_loop3A_876 = arith.addi %mul3A_553, %parallel_loop3A_875 : i32
        %parallel_loop3A_877 = arith.constant 48 : i32
        %parallel_loop3A_878 = arith.addi %parallel_loop3A_876, %parallel_loop3A_877 : i32
        %parallel_loop3A_879 = arith.index_cast %parallel_loop3A_878 : i32 to index
        %parallel_loop3A_880 = tpu.vector_load %arg9[%parallel_loop3A_879] {strides = array<i32>} : memref<4096xi32, #tpu.memory_space<vmem>>, vector<16xi32>,
        %parallel_loop3A_881 = arith.index_cast %parallel_loop3A_878 : i32 to index
        %parallel_loop3A_882 = tpu.vector_load %arg10[%parallel_loop3A_881] {strides = array<i32>} : memref<4096xi32, #tpu.memory_space<vmem>>, vector<16xi32>,
        %parallel_loop3A_883 = tpu.vector_load_idx %arg8[%parallel_loop3A_880] : memref<100000xf32, #tpu.memory_space<vmem>>[vector<16xi32>], vector<16xf32>,
        %parallel_loop3A_884 = tpu.vector_load_idx %arg8[%parallel_loop3A_882] : memref<100000xf32, #tpu.memory_space<vmem>>[vector<16xi32>], vector<16xf32>,
        %parallel_loop3A_885 = arith.index_cast %parallel_loop3A_878 : i32 to index
        %parallel_loop3A_886 = tpu.vector_load %arg11[%parallel_loop3A_885] {strides = array<i32>} : memref<4096xf32, #tpu.memory_space<vmem>>, vector<16xf32>,
        %parallel_loop3A_887 = arith.mulf %parallel_loop3A_883, %get3A_38 : vector<16xf32>
        %parallel_loop3A_888 = arith.mulf %parallel_loop3A_884, %get3A_42 : vector<16xf32>
        %parallel_loop3A_889 = arith.addf %parallel_loop3A_887, %parallel_loop3A_888 : vector<16xf32>
        %parallel_loop3A_890 = arith.mulf %parallel_loop3A_886, %get3A_46 : vector<16xf32>
        %parallel_loop3A_891 = arith.addf %parallel_loop3A_889, %parallel_loop3A_890 : vector<16xf32>
        %parallel_loop3A_892 = arith.addf %parallel_loop3A_891, %get3A_50 : vector<16xf32>
        %parallel_loop3A_893 = arith.constant 0.000000e+00 : f32
        %parallel_loop3A_894 = vector.broadcast %parallel_loop3A_893 : f32 to vector<16xf32>
        %parallel_loop3A_895 = arith.maximumf %parallel_loop3A_892, %parallel_loop3A_894 : vector<16xf32>
        %parallel_loop3A_896 = arith.index_cast %rem3A_551 : i32 to index
        %parallel_loop3A_897 = arith.index_cast %parallel_loop3A_783 : i32 to index
        %parallel_loop3A_898 = arith.constant 48 : index
        %parallel_loop3A_899 = tpu.vector_load %arg12[%parallel_loop3A_896, %parallel_loop3A_897, %parallel_loop3A_898] {strides = array<i32>} : memref<2x16x128xi32, #tpu.memory_space<vmem>>, vector<16xi32>,
        tpu.vector_store %arg12[%parallel_loop3A_896, %parallel_loop3A_897, %parallel_loop3A_898], %parallel_loop3A_882 {strides = array<i32>} : memref<2x16x128xi32, #tpu.memory_space<vmem>>, vector<16xi32>,
        %parallel_loop3A_900 = arith.index_cast %rem3A_551 : i32 to index
        %parallel_loop3A_901 = arith.index_cast %parallel_loop3A_783 : i32 to index
        %parallel_loop3A_902 = arith.constant 48 : index
        %parallel_loop3A_903 = tpu.vector_load %arg13[%parallel_loop3A_900, %parallel_loop3A_901, %parallel_loop3A_902] {strides = array<i32>} : memref<2x16x128xf32, #tpu.memory_space<vmem>>, vector<16xf32>,
        tpu.vector_store %arg13[%parallel_loop3A_900, %parallel_loop3A_901, %parallel_loop3A_902], %parallel_loop3A_895 {strides = array<i32>} : memref<2x16x128xf32, #tpu.memory_space<vmem>>, vector<16xf32>,
        %parallel_loop3A_904 = arith.constant 128 : i32
        %parallel_loop3A_905 = arith.muli %parallel_loop3A_783, %parallel_loop3A_904 : i32
        %parallel_loop3A_906 = arith.addi %mul3A_553, %parallel_loop3A_905 : i32
        %parallel_loop3A_907 = arith.constant 64 : i32
        %parallel_loop3A_908 = arith.addi %parallel_loop3A_906, %parallel_loop3A_907 : i32
        %parallel_loop3A_909 = arith.index_cast %parallel_loop3A_908 : i32 to index
        %parallel_loop3A_910 = tpu.vector_load %arg9[%parallel_loop3A_909] {strides = array<i32>} : memref<4096xi32, #tpu.memory_space<vmem>>, vector<16xi32>,
        %parallel_loop3A_911 = arith.index_cast %parallel_loop3A_908 : i32 to index
        %parallel_loop3A_912 = tpu.vector_load %arg10[%parallel_loop3A_911] {strides = array<i32>} : memref<4096xi32, #tpu.memory_space<vmem>>, vector<16xi32>,
        %parallel_loop3A_913 = tpu.vector_load_idx %arg8[%parallel_loop3A_910] : memref<100000xf32, #tpu.memory_space<vmem>>[vector<16xi32>], vector<16xf32>,
        %parallel_loop3A_914 = tpu.vector_load_idx %arg8[%parallel_loop3A_912] : memref<100000xf32, #tpu.memory_space<vmem>>[vector<16xi32>], vector<16xf32>,
        %parallel_loop3A_915 = arith.index_cast %parallel_loop3A_908 : i32 to index
        %parallel_loop3A_916 = tpu.vector_load %arg11[%parallel_loop3A_915] {strides = array<i32>} : memref<4096xf32, #tpu.memory_space<vmem>>, vector<16xf32>,
        %parallel_loop3A_917 = arith.mulf %parallel_loop3A_913, %get3A_38 : vector<16xf32>
        %parallel_loop3A_918 = arith.mulf %parallel_loop3A_914, %get3A_42 : vector<16xf32>
        %parallel_loop3A_919 = arith.addf %parallel_loop3A_917, %parallel_loop3A_918 : vector<16xf32>
        %parallel_loop3A_920 = arith.mulf %parallel_loop3A_916, %get3A_46 : vector<16xf32>
        %parallel_loop3A_921 = arith.addf %parallel_loop3A_919, %parallel_loop3A_920 : vector<16xf32>
        %parallel_loop3A_922 = arith.addf %parallel_loop3A_921, %get3A_50 : vector<16xf32>
        %parallel_loop3A_923 = arith.constant 0.000000e+00 : f32
        %parallel_loop3A_924 = vector.broadcast %parallel_loop3A_923 : f32 to vector<16xf32>
        %parallel_loop3A_925 = arith.maximumf %parallel_loop3A_922, %parallel_loop3A_924 : vector<16xf32>
        %parallel_loop3A_926 = arith.index_cast %rem3A_551 : i32 to index
        %parallel_loop3A_927 = arith.index_cast %parallel_loop3A_783 : i32 to index
        %parallel_loop3A_928 = arith.constant 64 : index
        %parallel_loop3A_929 = tpu.vector_load %arg12[%parallel_loop3A_926, %parallel_loop3A_927, %parallel_loop3A_928] {strides = array<i32>} : memref<2x16x128xi32, #tpu.memory_space<vmem>>, vector<16xi32>,
        tpu.vector_store %arg12[%parallel_loop3A_926, %parallel_loop3A_927, %parallel_loop3A_928], %parallel_loop3A_912 {strides = array<i32>} : memref<2x16x128xi32, #tpu.memory_space<vmem>>, vector<16xi32>,
        %parallel_loop3A_930 = arith.index_cast %rem3A_551 : i32 to index
        %parallel_loop3A_931 = arith.index_cast %parallel_loop3A_783 : i32 to index
        %parallel_loop3A_932 = arith.constant 64 : index
        %parallel_loop3A_933 = tpu.vector_load %arg13[%parallel_loop3A_930, %parallel_loop3A_931, %parallel_loop3A_932] {strides = array<i32>} : memref<2x16x128xf32, #tpu.memory_space<vmem>>, vector<16xf32>,
        tpu.vector_store %arg13[%parallel_loop3A_930, %parallel_loop3A_931, %parallel_loop3A_932], %parallel_loop3A_925 {strides = array<i32>} : memref<2x16x128xf32, #tpu.memory_space<vmem>>, vector<16xf32>,
        %parallel_loop3A_934 = arith.constant 128 : i32
        %parallel_loop3A_935 = arith.muli %parallel_loop3A_783, %parallel_loop3A_934 : i32
        %parallel_loop3A_936 = arith.addi %mul3A_553, %parallel_loop3A_935 : i32
        %parallel_loop3A_937 = arith.constant 80 : i32
        %parallel_loop3A_938 = arith.addi %parallel_loop3A_936, %parallel_loop3A_937 : i32
        %parallel_loop3A_939 = arith.index_cast %parallel_loop3A_938 : i32 to index
        %parallel_loop3A_940 = tpu.vector_load %arg9[%parallel_loop3A_939] {strides = array<i32>} : memref<4096xi32, #tpu.memory_space<vmem>>, vector<16xi32>,
        %parallel_loop3A_941 = arith.index_cast %parallel_loop3A_938 : i32 to index
        %parallel_loop3A_942 = tpu.vector_load %arg10[%parallel_loop3A_941] {strides = array<i32>} : memref<4096xi32, #tpu.memory_space<vmem>>, vector<16xi32>,
        %parallel_loop3A_943 = tpu.vector_load_idx %arg8[%parallel_loop3A_940] : memref<100000xf32, #tpu.memory_space<vmem>>[vector<16xi32>], vector<16xf32>,
        %parallel_loop3A_944 = tpu.vector_load_idx %arg8[%parallel_loop3A_942] : memref<100000xf32, #tpu.memory_space<vmem>>[vector<16xi32>], vector<16xf32>,
        %parallel_loop3A_945 = arith.index_cast %parallel_loop3A_938 : i32 to index
        %parallel_loop3A_946 = tpu.vector_load %arg11[%parallel_loop3A_945] {strides = array<i32>} : memref<4096xf32, #tpu.memory_space<vmem>>, vector<16xf32>,
        %parallel_loop3A_947 = arith.mulf %parallel_loop3A_943, %get3A_38 : vector<16xf32>
        %parallel_loop3A_948 = arith.mulf %parallel_loop3A_944, %get3A_42 : vector<16xf32>
        %parallel_loop3A_949 = arith.addf %parallel_loop3A_947, %parallel_loop3A_948 : vector<16xf32>
        %parallel_loop3A_950 = arith.mulf %parallel_loop3A_946, %get3A_46 : vector<16xf32>
        %parallel_loop3A_951 = arith.addf %parallel_loop3A_949, %parallel_loop3A_950 : vector<16xf32>
        %parallel_loop3A_952 = arith.addf %parallel_loop3A_951, %get3A_50 : vector<16xf32>
        %parallel_loop3A_953 = arith.constant 0.000000e+00 : f32
        %parallel_loop3A_954 = vector.broadcast %parallel_loop3A_953 : f32 to vector<16xf32>
        %parallel_loop3A_955 = arith.maximumf %parallel_loop3A_952, %parallel_loop3A_954 : vector<16xf32>
        %parallel_loop3A_956 = arith.index_cast %rem3A_551 : i32 to index
        %parallel_loop3A_957 = arith.index_cast %parallel_loop3A_783 : i32 to index
        %parallel_loop3A_958 = arith.constant 80 : index
        %parallel_loop3A_959 = tpu.vector_load %arg12[%parallel_loop3A_956, %parallel_loop3A_957, %parallel_loop3A_958] {strides = array<i32>} : memref<2x16x128xi32, #tpu.memory_space<vmem>>, vector<16xi32>,
        tpu.vector_store %arg12[%parallel_loop3A_956, %parallel_loop3A_957, %parallel_loop3A_958], %parallel_loop3A_942 {strides = array<i32>} : memref<2x16x128xi32, #tpu.memory_space<vmem>>, vector<16xi32>,
        %parallel_loop3A_960 = arith.index_cast %rem3A_551 : i32 to index
        %parallel_loop3A_961 = arith.index_cast %parallel_loop3A_783 : i32 to index
        %parallel_loop3A_962 = arith.constant 80 : index
        %parallel_loop3A_963 = tpu.vector_load %arg13[%parallel_loop3A_960, %parallel_loop3A_961, %parallel_loop3A_962] {strides = array<i32>} : memref<2x16x128xf32, #tpu.memory_space<vmem>>, vector<16xf32>,
        tpu.vector_store %arg13[%parallel_loop3A_960, %parallel_loop3A_961, %parallel_loop3A_962], %parallel_loop3A_955 {strides = array<i32>} : memref<2x16x128xf32, #tpu.memory_space<vmem>>, vector<16xf32>,
        %parallel_loop3A_964 = arith.constant 128 : i32
        %parallel_loop3A_965 = arith.muli %parallel_loop3A_783, %parallel_loop3A_964 : i32
        %parallel_loop3A_966 = arith.addi %mul3A_553, %parallel_loop3A_965 : i32
        %parallel_loop3A_967 = arith.constant 96 : i32
        %parallel_loop3A_968 = arith.addi %parallel_loop3A_966, %parallel_loop3A_967 : i32
        %parallel_loop3A_969 = arith.index_cast %parallel_loop3A_968 : i32 to index
        %parallel_loop3A_970 = tpu.vector_load %arg9[%parallel_loop3A_969] {strides = array<i32>} : memref<4096xi32, #tpu.memory_space<vmem>>, vector<16xi32>,
        %parallel_loop3A_971 = arith.index_cast %parallel_loop3A_968 : i32 to index
        %parallel_loop3A_972 = tpu.vector_load %arg10[%parallel_loop3A_971] {strides = array<i32>} : memref<4096xi32, #tpu.memory_space<vmem>>, vector<16xi32>,
        %parallel_loop3A_973 = tpu.vector_load_idx %arg8[%parallel_loop3A_970] : memref<100000xf32, #tpu.memory_space<vmem>>[vector<16xi32>], vector<16xf32>,
        %parallel_loop3A_974 = tpu.vector_load_idx %arg8[%parallel_loop3A_972] : memref<100000xf32, #tpu.memory_space<vmem>>[vector<16xi32>], vector<16xf32>,
        %parallel_loop3A_975 = arith.index_cast %parallel_loop3A_968 : i32 to index
        %parallel_loop3A_976 = tpu.vector_load %arg11[%parallel_loop3A_975] {strides = array<i32>} : memref<4096xf32, #tpu.memory_space<vmem>>, vector<16xf32>,
        %parallel_loop3A_977 = arith.mulf %parallel_loop3A_973, %get3A_38 : vector<16xf32>
        %parallel_loop3A_978 = arith.mulf %parallel_loop3A_974, %get3A_42 : vector<16xf32>
        %parallel_loop3A_979 = arith.addf %parallel_loop3A_977, %parallel_loop3A_978 : vector<16xf32>
        %parallel_loop3A_980 = arith.mulf %parallel_loop3A_976, %get3A_46 : vector<16xf32>
        %parallel_loop3A_981 = arith.addf %parallel_loop3A_979, %parallel_loop3A_980 : vector<16xf32>
        %parallel_loop3A_982 = arith.addf %parallel_loop3A_981, %get3A_50 : vector<16xf32>
        %parallel_loop3A_983 = arith.constant 0.000000e+00 : f32
        %parallel_loop3A_984 = vector.broadcast %parallel_loop3A_983 : f32 to vector<16xf32>
        %parallel_loop3A_985 = arith.maximumf %parallel_loop3A_982, %parallel_loop3A_984 : vector<16xf32>
        %parallel_loop3A_986 = arith.index_cast %rem3A_551 : i32 to index
        %parallel_loop3A_987 = arith.index_cast %parallel_loop3A_783 : i32 to index
        %parallel_loop3A_988 = arith.constant 96 : index
        %parallel_loop3A_989 = tpu.vector_load %arg12[%parallel_loop3A_986, %parallel_loop3A_987, %parallel_loop3A_988] {strides = array<i32>} : memref<2x16x128xi32, #tpu.memory_space<vmem>>, vector<16xi32>,
        tpu.vector_store %arg12[%parallel_loop3A_986, %parallel_loop3A_987, %parallel_loop3A_988], %parallel_loop3A_972 {strides = array<i32>} : memref<2x16x128xi32, #tpu.memory_space<vmem>>, vector<16xi32>,
        %parallel_loop3A_990 = arith.index_cast %rem3A_551 : i32 to index
        %parallel_loop3A_991 = arith.index_cast %parallel_loop3A_783 : i32 to index
        %parallel_loop3A_992 = arith.constant 96 : index
        %parallel_loop3A_993 = tpu.vector_load %arg13[%parallel_loop3A_990, %parallel_loop3A_991, %parallel_loop3A_992] {strides = array<i32>} : memref<2x16x128xf32, #tpu.memory_space<vmem>>, vector<16xf32>,
        tpu.vector_store %arg13[%parallel_loop3A_990, %parallel_loop3A_991, %parallel_loop3A_992], %parallel_loop3A_985 {strides = array<i32>} : memref<2x16x128xf32, #tpu.memory_space<vmem>>, vector<16xf32>,
        %parallel_loop3A_994 = arith.constant 128 : i32
        %parallel_loop3A_995 = arith.muli %parallel_loop3A_783, %parallel_loop3A_994 : i32
        %parallel_loop3A_996 = arith.addi %mul3A_553, %parallel_loop3A_995 : i32
        %parallel_loop3A_997 = arith.constant 112 : i32
        %parallel_loop3A_998 = arith.addi %parallel_loop3A_996, %parallel_loop3A_997 : i32
        %parallel_loop3A_999 = arith.index_cast %parallel_loop3A_998 : i32 to index
        %parallel_loop3A_1000 = tpu.vector_load %arg9[%parallel_loop3A_999] {strides = array<i32>} : memref<4096xi32, #tpu.memory_space<vmem>>, vector<16xi32>,
        %parallel_loop3A_1001 = arith.index_cast %parallel_loop3A_998 : i32 to index
        %parallel_loop3A_1002 = tpu.vector_load %arg10[%parallel_loop3A_1001] {strides = array<i32>} : memref<4096xi32, #tpu.memory_space<vmem>>, vector<16xi32>,
        %parallel_loop3A_1003 = tpu.vector_load_idx %arg8[%parallel_loop3A_1000] : memref<100000xf32, #tpu.memory_space<vmem>>[vector<16xi32>], vector<16xf32>,
        %parallel_loop3A_1004 = tpu.vector_load_idx %arg8[%parallel_loop3A_1002] : memref<100000xf32, #tpu.memory_space<vmem>>[vector<16xi32>], vector<16xf32>,
        %parallel_loop3A_1005 = arith.index_cast %parallel_loop3A_998 : i32 to index
        %parallel_loop3A_1006 = tpu.vector_load %arg11[%parallel_loop3A_1005] {strides = array<i32>} : memref<4096xf32, #tpu.memory_space<vmem>>, vector<16xf32>,
        %parallel_loop3A_1007 = arith.mulf %parallel_loop3A_1003, %get3A_38 : vector<16xf32>
        %parallel_loop3A_1008 = arith.mulf %parallel_loop3A_1004, %get3A_42 : vector<16xf32>
        %parallel_loop3A_1009 = arith.addf %parallel_loop3A_1007, %parallel_loop3A_1008 : vector<16xf32>
        %parallel_loop3A_1010 = arith.mulf %parallel_loop3A_1006, %get3A_46 : vector<16xf32>
        %parallel_loop3A_1011 = arith.addf %parallel_loop3A_1009, %parallel_loop3A_1010 : vector<16xf32>
        %parallel_loop3A_1012 = arith.addf %parallel_loop3A_1011, %get3A_50 : vector<16xf32>
        %parallel_loop3A_1013 = arith.constant 0.000000e+00 : f32
        %parallel_loop3A_1014 = vector.broadcast %parallel_loop3A_1013 : f32 to vector<16xf32>
        %parallel_loop3A_1015 = arith.maximumf %parallel_loop3A_1012, %parallel_loop3A_1014 : vector<16xf32>
        %parallel_loop3A_1016 = arith.index_cast %rem3A_551 : i32 to index
        %parallel_loop3A_1017 = arith.index_cast %parallel_loop3A_783 : i32 to index
        %parallel_loop3A_1018 = arith.constant 112 : index
        %parallel_loop3A_1019 = tpu.vector_load %arg12[%parallel_loop3A_1016, %parallel_loop3A_1017, %parallel_loop3A_1018] {strides = array<i32>} : memref<2x16x128xi32, #tpu.memory_space<vmem>>, vector<16xi32>,
        tpu.vector_store %arg12[%parallel_loop3A_1016, %parallel_loop3A_1017, %parallel_loop3A_1018], %parallel_loop3A_1002 {strides = array<i32>} : memref<2x16x128xi32, #tpu.memory_space<vmem>>, vector<16xi32>,
        %parallel_loop3A_1020 = arith.index_cast %rem3A_551 : i32 to index
        %parallel_loop3A_1021 = arith.index_cast %parallel_loop3A_783 : i32 to index
        %parallel_loop3A_1022 = arith.constant 112 : index
        %parallel_loop3A_1023 = tpu.vector_load %arg13[%parallel_loop3A_1020, %parallel_loop3A_1021, %parallel_loop3A_1022] {strides = array<i32>} : memref<2x16x128xf32, #tpu.memory_space<vmem>>, vector<16xf32>,
        tpu.vector_store %arg13[%parallel_loop3A_1020, %parallel_loop3A_1021, %parallel_loop3A_1022], %parallel_loop3A_1015 {strides = array<i32>} : memref<2x16x128xf32, #tpu.memory_space<vmem>>, vector<16xf32>,
      } {sc.loop_unroll_factor = 4 : i64, sc.parallel_access}
      %dma_start3A_591 = arith.constant 0 : i32
      %dma_start3A_592 = arith.constant 0 : i32
      %dma_start3A_593 = arith.constant 0 : i32
      %dma_start3A_594 = tpu.memref_slice %arg13[%rem3A_551, %dma_start3A_591, %dma_start3A_593] : memref<2x16x128xf32, #tpu.memory_space<vmem>> -> memref<1x1x128xf32, #tpu.memory_space<vmem>>
      %dma_start3A_595 = tpu.memref_squeeze %dma_start3A_594 : memref<1x1x128xf32, #tpu.memory_space<vmem>> -> memref<128xf32, #tpu.memory_space<vmem>>
      %dma_start3A_596 = arith.constant 0 : i32
      %dma_start3A_597 = tpu.memref_slice %arg12[%rem3A_551, %dma_start3A_592, %dma_start3A_596] : memref<2x16x128xi32, #tpu.memory_space<vmem>> -> memref<1x1x128xi32, #tpu.memory_space<vmem>>
      %dma_start3A_598 = tpu.memref_squeeze %dma_start3A_597 : memref<1x1x128xi32, #tpu.memory_space<vmem>> -> memref<128xi32, #tpu.memory_space<vmem>>
      %dma_start3A_599 = arith.constant 0 : i32
      %dma_start3A_600 = tpu.memref_slice %arg15[%dma_start3A_599] : memref<100352xf32, #tpu.memory_space<vmem_shared>> -> memref<100352xf32, #tpu.memory_space<vmem_shared>>
      %dma_start3A_601 = tpu.memref_slice %arg17[%rem3A_551] : memref<2x!tpu.dma_semaphore, #tpu.memory_space<semaphore_mem>> -> memref<1x!tpu.dma_semaphore, #tpu.memory_space<semaphore_mem>>
      %dma_start3A_602 = tpu.memref_squeeze %dma_start3A_601 : memref<1x!tpu.dma_semaphore, #tpu.memory_space<semaphore_mem>> -> memref<!tpu.dma_semaphore, #tpu.memory_space<semaphore_mem>>
      tpu.enqueue_indirect_dma source(%dma_start3A_595 : memref<128xf32, #tpu.memory_space<vmem>>) target(%dma_start3A_600 : memref<100352xf32, #tpu.memory_space<vmem_shared>>) offsets(%dma_start3A_598 : memref<128xi32, #tpu.memory_space<vmem>>) semaphore(%dma_start3A_602 : memref<!tpu.dma_semaphore, #tpu.memory_space<semaphore_mem>>) {add = true}
      %dma_start3A_603 = arith.constant 1 : i32
      %dma_start3A_604 = arith.constant 1 : i32
      %dma_start3A_605 = arith.constant 0 : i32
      %dma_start3A_606 = tpu.memref_slice %arg13[%rem3A_551, %dma_start3A_603, %dma_start3A_605] : memref<2x16x128xf32, #tpu.memory_space<vmem>> -> memref<1x1x128xf32, #tpu.memory_space<vmem>>
      %dma_start3A_607 = tpu.memref_squeeze %dma_start3A_606 : memref<1x1x128xf32, #tpu.memory_space<vmem>> -> memref<128xf32, #tpu.memory_space<vmem>>
      %dma_start3A_608 = arith.constant 0 : i32
      %dma_start3A_609 = tpu.memref_slice %arg12[%rem3A_551, %dma_start3A_604, %dma_start3A_608] : memref<2x16x128xi32, #tpu.memory_space<vmem>> -> memref<1x1x128xi32, #tpu.memory_space<vmem>>
      %dma_start3A_610 = tpu.memref_squeeze %dma_start3A_609 : memref<1x1x128xi32, #tpu.memory_space<vmem>> -> memref<128xi32, #tpu.memory_space<vmem>>
      %dma_start3A_611 = arith.constant 0 : i32
      %dma_start3A_612 = tpu.memref_slice %arg15[%dma_start3A_611] : memref<100352xf32, #tpu.memory_space<vmem_shared>> -> memref<100352xf32, #tpu.memory_space<vmem_shared>>
      %dma_start3A_613 = tpu.memref_slice %arg17[%rem3A_551] : memref<2x!tpu.dma_semaphore, #tpu.memory_space<semaphore_mem>> -> memref<1x!tpu.dma_semaphore, #tpu.memory_space<semaphore_mem>>
      %dma_start3A_614 = tpu.memref_squeeze %dma_start3A_613 : memref<1x!tpu.dma_semaphore, #tpu.memory_space<semaphore_mem>> -> memref<!tpu.dma_semaphore, #tpu.memory_space<semaphore_mem>>
      tpu.enqueue_indirect_dma source(%dma_start3A_607 : memref<128xf32, #tpu.memory_space<vmem>>) target(%dma_start3A_612 : memref<100352xf32, #tpu.memory_space<vmem_shared>>) offsets(%dma_start3A_610 : memref<128xi32, #tpu.memory_space<vmem>>) semaphore(%dma_start3A_614 : memref<!tpu.dma_semaphore, #tpu.memory_space<semaphore_mem>>) {add = true}
      %dma_start3A_615 = arith.constant 2 : i32
      %dma_start3A_616 = arith.constant 2 : i32
      %dma_start3A_617 = arith.constant 0 : i32
      %dma_start3A_618 = tpu.memref_slice %arg13[%rem3A_551, %dma_start3A_615, %dma_start3A_617] : memref<2x16x128xf32, #tpu.memory_space<vmem>> -> memref<1x1x128xf32, #tpu.memory_space<vmem>>
      %dma_start3A_619 = tpu.memref_squeeze %dma_start3A_618 : memref<1x1x128xf32, #tpu.memory_space<vmem>> -> memref<128xf32, #tpu.memory_space<vmem>>
      %dma_start3A_620 = arith.constant 0 : i32
      %dma_start3A_621 = tpu.memref_slice %arg12[%rem3A_551, %dma_start3A_616, %dma_start3A_620] : memref<2x16x128xi32, #tpu.memory_space<vmem>> -> memref<1x1x128xi32, #tpu.memory_space<vmem>>
      %dma_start3A_622 = tpu.memref_squeeze %dma_start3A_621 : memref<1x1x128xi32, #tpu.memory_space<vmem>> -> memref<128xi32, #tpu.memory_space<vmem>>
      %dma_start3A_623 = arith.constant 0 : i32
      %dma_start3A_624 = tpu.memref_slice %arg15[%dma_start3A_623] : memref<100352xf32, #tpu.memory_space<vmem_shared>> -> memref<100352xf32, #tpu.memory_space<vmem_shared>>
      %dma_start3A_625 = tpu.memref_slice %arg17[%rem3A_551] : memref<2x!tpu.dma_semaphore, #tpu.memory_space<semaphore_mem>> -> memref<1x!tpu.dma_semaphore, #tpu.memory_space<semaphore_mem>>
      %dma_start3A_626 = tpu.memref_squeeze %dma_start3A_625 : memref<1x!tpu.dma_semaphore, #tpu.memory_space<semaphore_mem>> -> memref<!tpu.dma_semaphore, #tpu.memory_space<semaphore_mem>>
      tpu.enqueue_indirect_dma source(%dma_start3A_619 : memref<128xf32, #tpu.memory_space<vmem>>) target(%dma_start3A_624 : memref<100352xf32, #tpu.memory_space<vmem_shared>>) offsets(%dma_start3A_622 : memref<128xi32, #tpu.memory_space<vmem>>) semaphore(%dma_start3A_626 : memref<!tpu.dma_semaphore, #tpu.memory_space<semaphore_mem>>) {add = true}
      %dma_start3A_627 = arith.constant 3 : i32
      %dma_start3A_628 = arith.constant 3 : i32
      %dma_start3A_629 = arith.constant 0 : i32
      %dma_start3A_630 = tpu.memref_slice %arg13[%rem3A_551, %dma_start3A_627, %dma_start3A_629] : memref<2x16x128xf32, #tpu.memory_space<vmem>> -> memref<1x1x128xf32, #tpu.memory_space<vmem>>
      %dma_start3A_631 = tpu.memref_squeeze %dma_start3A_630 : memref<1x1x128xf32, #tpu.memory_space<vmem>> -> memref<128xf32, #tpu.memory_space<vmem>>
      %dma_start3A_632 = arith.constant 0 : i32
      %dma_start3A_633 = tpu.memref_slice %arg12[%rem3A_551, %dma_start3A_628, %dma_start3A_632] : memref<2x16x128xi32, #tpu.memory_space<vmem>> -> memref<1x1x128xi32, #tpu.memory_space<vmem>>
      %dma_start3A_634 = tpu.memref_squeeze %dma_start3A_633 : memref<1x1x128xi32, #tpu.memory_space<vmem>> -> memref<128xi32, #tpu.memory_space<vmem>>
      %dma_start3A_635 = arith.constant 0 : i32
      %dma_start3A_636 = tpu.memref_slice %arg15[%dma_start3A_635] : memref<100352xf32, #tpu.memory_space<vmem_shared>> -> memref<100352xf32, #tpu.memory_space<vmem_shared>>
      %dma_start3A_637 = tpu.memref_slice %arg17[%rem3A_551] : memref<2x!tpu.dma_semaphore, #tpu.memory_space<semaphore_mem>> -> memref<1x!tpu.dma_semaphore, #tpu.memory_space<semaphore_mem>>
      %dma_start3A_638 = tpu.memref_squeeze %dma_start3A_637 : memref<1x!tpu.dma_semaphore, #tpu.memory_space<semaphore_mem>> -> memref<!tpu.dma_semaphore, #tpu.memory_space<semaphore_mem>>
      tpu.enqueue_indirect_dma source(%dma_start3A_631 : memref<128xf32, #tpu.memory_space<vmem>>) target(%dma_start3A_636 : memref<100352xf32, #tpu.memory_space<vmem_shared>>) offsets(%dma_start3A_634 : memref<128xi32, #tpu.memory_space<vmem>>) semaphore(%dma_start3A_638 : memref<!tpu.dma_semaphore, #tpu.memory_space<semaphore_mem>>) {add = true}
      %dma_start3A_639 = arith.constant 4 : i32
      %dma_start3A_640 = arith.constant 4 : i32
      %dma_start3A_641 = arith.constant 0 : i32
      %dma_start3A_642 = tpu.memref_slice %arg13[%rem3A_551, %dma_start3A_639, %dma_start3A_641] : memref<2x16x128xf32, #tpu.memory_space<vmem>> -> memref<1x1x128xf32, #tpu.memory_space<vmem>>
      %dma_start3A_643 = tpu.memref_squeeze %dma_start3A_642 : memref<1x1x128xf32, #tpu.memory_space<vmem>> -> memref<128xf32, #tpu.memory_space<vmem>>
      %dma_start3A_644 = arith.constant 0 : i32
      %dma_start3A_645 = tpu.memref_slice %arg12[%rem3A_551, %dma_start3A_640, %dma_start3A_644] : memref<2x16x128xi32, #tpu.memory_space<vmem>> -> memref<1x1x128xi32, #tpu.memory_space<vmem>>
      %dma_start3A_646 = tpu.memref_squeeze %dma_start3A_645 : memref<1x1x128xi32, #tpu.memory_space<vmem>> -> memref<128xi32, #tpu.memory_space<vmem>>
      %dma_start3A_647 = arith.constant 0 : i32
      %dma_start3A_648 = tpu.memref_slice %arg15[%dma_start3A_647] : memref<100352xf32, #tpu.memory_space<vmem_shared>> -> memref<100352xf32, #tpu.memory_space<vmem_shared>>
      %dma_start3A_649 = tpu.memref_slice %arg17[%rem3A_551] : memref<2x!tpu.dma_semaphore, #tpu.memory_space<semaphore_mem>> -> memref<1x!tpu.dma_semaphore, #tpu.memory_space<semaphore_mem>>
      %dma_start3A_650 = tpu.memref_squeeze %dma_start3A_649 : memref<1x!tpu.dma_semaphore, #tpu.memory_space<semaphore_mem>> -> memref<!tpu.dma_semaphore, #tpu.memory_space<semaphore_mem>>
      tpu.enqueue_indirect_dma source(%dma_start3A_643 : memref<128xf32, #tpu.memory_space<vmem>>) target(%dma_start3A_648 : memref<100352xf32, #tpu.memory_space<vmem_shared>>) offsets(%dma_start3A_646 : memref<128xi32, #tpu.memory_space<vmem>>) semaphore(%dma_start3A_650 : memref<!tpu.dma_semaphore, #tpu.memory_space<semaphore_mem>>) {add = true}
      %dma_start3A_651 = arith.constant 5 : i32
      %dma_start3A_652 = arith.constant 5 : i32
      %dma_start3A_653 = arith.constant 0 : i32
      %dma_start3A_654 = tpu.memref_slice %arg13[%rem3A_551, %dma_start3A_651, %dma_start3A_653] : memref<2x16x128xf32, #tpu.memory_space<vmem>> -> memref<1x1x128xf32, #tpu.memory_space<vmem>>
      %dma_start3A_655 = tpu.memref_squeeze %dma_start3A_654 : memref<1x1x128xf32, #tpu.memory_space<vmem>> -> memref<128xf32, #tpu.memory_space<vmem>>
      %dma_start3A_656 = arith.constant 0 : i32
      %dma_start3A_657 = tpu.memref_slice %arg12[%rem3A_551, %dma_start3A_652, %dma_start3A_656] : memref<2x16x128xi32, #tpu.memory_space<vmem>> -> memref<1x1x128xi32, #tpu.memory_space<vmem>>
      %dma_start3A_658 = tpu.memref_squeeze %dma_start3A_657 : memref<1x1x128xi32, #tpu.memory_space<vmem>> -> memref<128xi32, #tpu.memory_space<vmem>>
      %dma_start3A_659 = arith.constant 0 : i32
      %dma_start3A_660 = tpu.memref_slice %arg15[%dma_start3A_659] : memref<100352xf32, #tpu.memory_space<vmem_shared>> -> memref<100352xf32, #tpu.memory_space<vmem_shared>>
      %dma_start3A_661 = tpu.memref_slice %arg17[%rem3A_551] : memref<2x!tpu.dma_semaphore, #tpu.memory_space<semaphore_mem>> -> memref<1x!tpu.dma_semaphore, #tpu.memory_space<semaphore_mem>>
      %dma_start3A_662 = tpu.memref_squeeze %dma_start3A_661 : memref<1x!tpu.dma_semaphore, #tpu.memory_space<semaphore_mem>> -> memref<!tpu.dma_semaphore, #tpu.memory_space<semaphore_mem>>
      tpu.enqueue_indirect_dma source(%dma_start3A_655 : memref<128xf32, #tpu.memory_space<vmem>>) target(%dma_start3A_660 : memref<100352xf32, #tpu.memory_space<vmem_shared>>) offsets(%dma_start3A_658 : memref<128xi32, #tpu.memory_space<vmem>>) semaphore(%dma_start3A_662 : memref<!tpu.dma_semaphore, #tpu.memory_space<semaphore_mem>>) {add = true}
      %dma_start3A_663 = arith.constant 6 : i32
      %dma_start3A_664 = arith.constant 6 : i32
      %dma_start3A_665 = arith.constant 0 : i32
      %dma_start3A_666 = tpu.memref_slice %arg13[%rem3A_551, %dma_start3A_663, %dma_start3A_665] : memref<2x16x128xf32, #tpu.memory_space<vmem>> -> memref<1x1x128xf32, #tpu.memory_space<vmem>>
      %dma_start3A_667 = tpu.memref_squeeze %dma_start3A_666 : memref<1x1x128xf32, #tpu.memory_space<vmem>> -> memref<128xf32, #tpu.memory_space<vmem>>
      %dma_start3A_668 = arith.constant 0 : i32
      %dma_start3A_669 = tpu.memref_slice %arg12[%rem3A_551, %dma_start3A_664, %dma_start3A_668] : memref<2x16x128xi32, #tpu.memory_space<vmem>> -> memref<1x1x128xi32, #tpu.memory_space<vmem>>
      %dma_start3A_670 = tpu.memref_squeeze %dma_start3A_669 : memref<1x1x128xi32, #tpu.memory_space<vmem>> -> memref<128xi32, #tpu.memory_space<vmem>>
      %dma_start3A_671 = arith.constant 0 : i32
      %dma_start3A_672 = tpu.memref_slice %arg15[%dma_start3A_671] : memref<100352xf32, #tpu.memory_space<vmem_shared>> -> memref<100352xf32, #tpu.memory_space<vmem_shared>>
      %dma_start3A_673 = tpu.memref_slice %arg17[%rem3A_551] : memref<2x!tpu.dma_semaphore, #tpu.memory_space<semaphore_mem>> -> memref<1x!tpu.dma_semaphore, #tpu.memory_space<semaphore_mem>>
      %dma_start3A_674 = tpu.memref_squeeze %dma_start3A_673 : memref<1x!tpu.dma_semaphore, #tpu.memory_space<semaphore_mem>> -> memref<!tpu.dma_semaphore, #tpu.memory_space<semaphore_mem>>
      tpu.enqueue_indirect_dma source(%dma_start3A_667 : memref<128xf32, #tpu.memory_space<vmem>>) target(%dma_start3A_672 : memref<100352xf32, #tpu.memory_space<vmem_shared>>) offsets(%dma_start3A_670 : memref<128xi32, #tpu.memory_space<vmem>>) semaphore(%dma_start3A_674 : memref<!tpu.dma_semaphore, #tpu.memory_space<semaphore_mem>>) {add = true}
      %dma_start3A_675 = arith.constant 7 : i32
      %dma_start3A_676 = arith.constant 7 : i32
      %dma_start3A_677 = arith.constant 0 : i32
      %dma_start3A_678 = tpu.memref_slice %arg13[%rem3A_551, %dma_start3A_675, %dma_start3A_677] : memref<2x16x128xf32, #tpu.memory_space<vmem>> -> memref<1x1x128xf32, #tpu.memory_space<vmem>>
      %dma_start3A_679 = tpu.memref_squeeze %dma_start3A_678 : memref<1x1x128xf32, #tpu.memory_space<vmem>> -> memref<128xf32, #tpu.memory_space<vmem>>
      %dma_start3A_680 = arith.constant 0 : i32
      %dma_start3A_681 = tpu.memref_slice %arg12[%rem3A_551, %dma_start3A_676, %dma_start3A_680] : memref<2x16x128xi32, #tpu.memory_space<vmem>> -> memref<1x1x128xi32, #tpu.memory_space<vmem>>
      %dma_start3A_682 = tpu.memref_squeeze %dma_start3A_681 : memref<1x1x128xi32, #tpu.memory_space<vmem>> -> memref<128xi32, #tpu.memory_space<vmem>>
      %dma_start3A_683 = arith.constant 0 : i32
      %dma_start3A_684 = tpu.memref_slice %arg15[%dma_start3A_683] : memref<100352xf32, #tpu.memory_space<vmem_shared>> -> memref<100352xf32, #tpu.memory_space<vmem_shared>>
      %dma_start3A_685 = tpu.memref_slice %arg17[%rem3A_551] : memref<2x!tpu.dma_semaphore, #tpu.memory_space<semaphore_mem>> -> memref<1x!tpu.dma_semaphore, #tpu.memory_space<semaphore_mem>>
      %dma_start3A_686 = tpu.memref_squeeze %dma_start3A_685 : memref<1x!tpu.dma_semaphore, #tpu.memory_space<semaphore_mem>> -> memref<!tpu.dma_semaphore, #tpu.memory_space<semaphore_mem>>
      tpu.enqueue_indirect_dma source(%dma_start3A_679 : memref<128xf32, #tpu.memory_space<vmem>>) target(%dma_start3A_684 : memref<100352xf32, #tpu.memory_space<vmem_shared>>) offsets(%dma_start3A_682 : memref<128xi32, #tpu.memory_space<vmem>>) semaphore(%dma_start3A_686 : memref<!tpu.dma_semaphore, #tpu.memory_space<semaphore_mem>>) {add = true}
      %dma_start3A_687 = arith.constant 8 : i32
      %dma_start3A_688 = arith.constant 8 : i32
      %dma_start3A_689 = arith.constant 0 : i32
      %dma_start3A_690 = tpu.memref_slice %arg13[%rem3A_551, %dma_start3A_687, %dma_start3A_689] : memref<2x16x128xf32, #tpu.memory_space<vmem>> -> memref<1x1x128xf32, #tpu.memory_space<vmem>>
      %dma_start3A_691 = tpu.memref_squeeze %dma_start3A_690 : memref<1x1x128xf32, #tpu.memory_space<vmem>> -> memref<128xf32, #tpu.memory_space<vmem>>
      %dma_start3A_692 = arith.constant 0 : i32
      %dma_start3A_693 = tpu.memref_slice %arg12[%rem3A_551, %dma_start3A_688, %dma_start3A_692] : memref<2x16x128xi32, #tpu.memory_space<vmem>> -> memref<1x1x128xi32, #tpu.memory_space<vmem>>
      %dma_start3A_694 = tpu.memref_squeeze %dma_start3A_693 : memref<1x1x128xi32, #tpu.memory_space<vmem>> -> memref<128xi32, #tpu.memory_space<vmem>>
      %dma_start3A_695 = arith.constant 0 : i32
      %dma_start3A_696 = tpu.memref_slice %arg15[%dma_start3A_695] : memref<100352xf32, #tpu.memory_space<vmem_shared>> -> memref<100352xf32, #tpu.memory_space<vmem_shared>>
      %dma_start3A_697 = tpu.memref_slice %arg17[%rem3A_551] : memref<2x!tpu.dma_semaphore, #tpu.memory_space<semaphore_mem>> -> memref<1x!tpu.dma_semaphore, #tpu.memory_space<semaphore_mem>>
      %dma_start3A_698 = tpu.memref_squeeze %dma_start3A_697 : memref<1x!tpu.dma_semaphore, #tpu.memory_space<semaphore_mem>> -> memref<!tpu.dma_semaphore, #tpu.memory_space<semaphore_mem>>
      tpu.enqueue_indirect_dma source(%dma_start3A_691 : memref<128xf32, #tpu.memory_space<vmem>>) target(%dma_start3A_696 : memref<100352xf32, #tpu.memory_space<vmem_shared>>) offsets(%dma_start3A_694 : memref<128xi32, #tpu.memory_space<vmem>>) semaphore(%dma_start3A_698 : memref<!tpu.dma_semaphore, #tpu.memory_space<semaphore_mem>>) {add = true}
      %dma_start3A_699 = arith.constant 9 : i32
      %dma_start3A_700 = arith.constant 9 : i32
      %dma_start3A_701 = arith.constant 0 : i32
      %dma_start3A_702 = tpu.memref_slice %arg13[%rem3A_551, %dma_start3A_699, %dma_start3A_701] : memref<2x16x128xf32, #tpu.memory_space<vmem>> -> memref<1x1x128xf32, #tpu.memory_space<vmem>>
      %dma_start3A_703 = tpu.memref_squeeze %dma_start3A_702 : memref<1x1x128xf32, #tpu.memory_space<vmem>> -> memref<128xf32, #tpu.memory_space<vmem>>
      %dma_start3A_704 = arith.constant 0 : i32
      %dma_start3A_705 = tpu.memref_slice %arg12[%rem3A_551, %dma_start3A_700, %dma_start3A_704] : memref<2x16x128xi32, #tpu.memory_space<vmem>> -> memref<1x1x128xi32, #tpu.memory_space<vmem>>
      %dma_start3A_706 = tpu.memref_squeeze %dma_start3A_705 : memref<1x1x128xi32, #tpu.memory_space<vmem>> -> memref<128xi32, #tpu.memory_space<vmem>>
      %dma_start3A_707 = arith.constant 0 : i32
      %dma_start3A_708 = tpu.memref_slice %arg15[%dma_start3A_707] : memref<100352xf32, #tpu.memory_space<vmem_shared>> -> memref<100352xf32, #tpu.memory_space<vmem_shared>>
      %dma_start3A_709 = tpu.memref_slice %arg17[%rem3A_551] : memref<2x!tpu.dma_semaphore, #tpu.memory_space<semaphore_mem>> -> memref<1x!tpu.dma_semaphore, #tpu.memory_space<semaphore_mem>>
      %dma_start3A_710 = tpu.memref_squeeze %dma_start3A_709 : memref<1x!tpu.dma_semaphore, #tpu.memory_space<semaphore_mem>> -> memref<!tpu.dma_semaphore, #tpu.memory_space<semaphore_mem>>
      tpu.enqueue_indirect_dma source(%dma_start3A_703 : memref<128xf32, #tpu.memory_space<vmem>>) target(%dma_start3A_708 : memref<100352xf32, #tpu.memory_space<vmem_shared>>) offsets(%dma_start3A_706 : memref<128xi32, #tpu.memory_space<vmem>>) semaphore(%dma_start3A_710 : memref<!tpu.dma_semaphore, #tpu.memory_space<semaphore_mem>>) {add = true}
      %dma_start3A_711 = arith.constant 10 : i32
      %dma_start3A_712 = arith.constant 10 : i32
      %dma_start3A_713 = arith.constant 0 : i32
      %dma_start3A_714 = tpu.memref_slice %arg13[%rem3A_551, %dma_start3A_711, %dma_start3A_713] : memref<2x16x128xf32, #tpu.memory_space<vmem>> -> memref<1x1x128xf32, #tpu.memory_space<vmem>>
      %dma_start3A_715 = tpu.memref_squeeze %dma_start3A_714 : memref<1x1x128xf32, #tpu.memory_space<vmem>> -> memref<128xf32, #tpu.memory_space<vmem>>
      %dma_start3A_716 = arith.constant 0 : i32
      %dma_start3A_717 = tpu.memref_slice %arg12[%rem3A_551, %dma_start3A_712, %dma_start3A_716] : memref<2x16x128xi32, #tpu.memory_space<vmem>> -> memref<1x1x128xi32, #tpu.memory_space<vmem>>
      %dma_start3A_718 = tpu.memref_squeeze %dma_start3A_717 : memref<1x1x128xi32, #tpu.memory_space<vmem>> -> memref<128xi32, #tpu.memory_space<vmem>>
      %dma_start3A_719 = arith.constant 0 : i32
      %dma_start3A_720 = tpu.memref_slice %arg15[%dma_start3A_719] : memref<100352xf32, #tpu.memory_space<vmem_shared>> -> memref<100352xf32, #tpu.memory_space<vmem_shared>>
      %dma_start3A_721 = tpu.memref_slice %arg17[%rem3A_551] : memref<2x!tpu.dma_semaphore, #tpu.memory_space<semaphore_mem>> -> memref<1x!tpu.dma_semaphore, #tpu.memory_space<semaphore_mem>>
      %dma_start3A_722 = tpu.memref_squeeze %dma_start3A_721 : memref<1x!tpu.dma_semaphore, #tpu.memory_space<semaphore_mem>> -> memref<!tpu.dma_semaphore, #tpu.memory_space<semaphore_mem>>
      tpu.enqueue_indirect_dma source(%dma_start3A_715 : memref<128xf32, #tpu.memory_space<vmem>>) target(%dma_start3A_720 : memref<100352xf32, #tpu.memory_space<vmem_shared>>) offsets(%dma_start3A_718 : memref<128xi32, #tpu.memory_space<vmem>>) semaphore(%dma_start3A_722 : memref<!tpu.dma_semaphore, #tpu.memory_space<semaphore_mem>>) {add = true}
      %dma_start3A_723 = arith.constant 11 : i32
      %dma_start3A_724 = arith.constant 11 : i32
      %dma_start3A_725 = arith.constant 0 : i32
      %dma_start3A_726 = tpu.memref_slice %arg13[%rem3A_551, %dma_start3A_723, %dma_start3A_725] : memref<2x16x128xf32, #tpu.memory_space<vmem>> -> memref<1x1x128xf32, #tpu.memory_space<vmem>>
      %dma_start3A_727 = tpu.memref_squeeze %dma_start3A_726 : memref<1x1x128xf32, #tpu.memory_space<vmem>> -> memref<128xf32, #tpu.memory_space<vmem>>
      %dma_start3A_728 = arith.constant 0 : i32
      %dma_start3A_729 = tpu.memref_slice %arg12[%rem3A_551, %dma_start3A_724, %dma_start3A_728] : memref<2x16x128xi32, #tpu.memory_space<vmem>> -> memref<1x1x128xi32, #tpu.memory_space<vmem>>
      %dma_start3A_730 = tpu.memref_squeeze %dma_start3A_729 : memref<1x1x128xi32, #tpu.memory_space<vmem>> -> memref<128xi32, #tpu.memory_space<vmem>>
      %dma_start3A_731 = arith.constant 0 : i32
      %dma_start3A_732 = tpu.memref_slice %arg15[%dma_start3A_731] : memref<100352xf32, #tpu.memory_space<vmem_shared>> -> memref<100352xf32, #tpu.memory_space<vmem_shared>>
      %dma_start3A_733 = tpu.memref_slice %arg17[%rem3A_551] : memref<2x!tpu.dma_semaphore, #tpu.memory_space<semaphore_mem>> -> memref<1x!tpu.dma_semaphore, #tpu.memory_space<semaphore_mem>>
      %dma_start3A_734 = tpu.memref_squeeze %dma_start3A_733 : memref<1x!tpu.dma_semaphore, #tpu.memory_space<semaphore_mem>> -> memref<!tpu.dma_semaphore, #tpu.memory_space<semaphore_mem>>
      tpu.enqueue_indirect_dma source(%dma_start3A_727 : memref<128xf32, #tpu.memory_space<vmem>>) target(%dma_start3A_732 : memref<100352xf32, #tpu.memory_space<vmem_shared>>) offsets(%dma_start3A_730 : memref<128xi32, #tpu.memory_space<vmem>>) semaphore(%dma_start3A_734 : memref<!tpu.dma_semaphore, #tpu.memory_space<semaphore_mem>>) {add = true}
      %dma_start3A_735 = arith.constant 12 : i32
      %dma_start3A_736 = arith.constant 12 : i32
      %dma_start3A_737 = arith.constant 0 : i32
      %dma_start3A_738 = tpu.memref_slice %arg13[%rem3A_551, %dma_start3A_735, %dma_start3A_737] : memref<2x16x128xf32, #tpu.memory_space<vmem>> -> memref<1x1x128xf32, #tpu.memory_space<vmem>>
      %dma_start3A_739 = tpu.memref_squeeze %dma_start3A_738 : memref<1x1x128xf32, #tpu.memory_space<vmem>> -> memref<128xf32, #tpu.memory_space<vmem>>
      %dma_start3A_740 = arith.constant 0 : i32
      %dma_start3A_741 = tpu.memref_slice %arg12[%rem3A_551, %dma_start3A_736, %dma_start3A_740] : memref<2x16x128xi32, #tpu.memory_space<vmem>> -> memref<1x1x128xi32, #tpu.memory_space<vmem>>
      %dma_start3A_742 = tpu.memref_squeeze %dma_start3A_741 : memref<1x1x128xi32, #tpu.memory_space<vmem>> -> memref<128xi32, #tpu.memory_space<vmem>>
      %dma_start3A_743 = arith.constant 0 : i32
      %dma_start3A_744 = tpu.memref_slice %arg15[%dma_start3A_743] : memref<100352xf32, #tpu.memory_space<vmem_shared>> -> memref<100352xf32, #tpu.memory_space<vmem_shared>>
      %dma_start3A_745 = tpu.memref_slice %arg17[%rem3A_551] : memref<2x!tpu.dma_semaphore, #tpu.memory_space<semaphore_mem>> -> memref<1x!tpu.dma_semaphore, #tpu.memory_space<semaphore_mem>>
      %dma_start3A_746 = tpu.memref_squeeze %dma_start3A_745 : memref<1x!tpu.dma_semaphore, #tpu.memory_space<semaphore_mem>> -> memref<!tpu.dma_semaphore, #tpu.memory_space<semaphore_mem>>
      tpu.enqueue_indirect_dma source(%dma_start3A_739 : memref<128xf32, #tpu.memory_space<vmem>>) target(%dma_start3A_744 : memref<100352xf32, #tpu.memory_space<vmem_shared>>) offsets(%dma_start3A_742 : memref<128xi32, #tpu.memory_space<vmem>>) semaphore(%dma_start3A_746 : memref<!tpu.dma_semaphore, #tpu.memory_space<semaphore_mem>>) {add = true}
      %dma_start3A_747 = arith.constant 13 : i32
      %dma_start3A_748 = arith.constant 13 : i32
      %dma_start3A_749 = arith.constant 0 : i32
      %dma_start3A_750 = tpu.memref_slice %arg13[%rem3A_551, %dma_start3A_747, %dma_start3A_749] : memref<2x16x128xf32, #tpu.memory_space<vmem>> -> memref<1x1x128xf32, #tpu.memory_space<vmem>>
      %dma_start3A_751 = tpu.memref_squeeze %dma_start3A_750 : memref<1x1x128xf32, #tpu.memory_space<vmem>> -> memref<128xf32, #tpu.memory_space<vmem>>
      %dma_start3A_752 = arith.constant 0 : i32
      %dma_start3A_753 = tpu.memref_slice %arg12[%rem3A_551, %dma_start3A_748, %dma_start3A_752] : memref<2x16x128xi32, #tpu.memory_space<vmem>> -> memref<1x1x128xi32, #tpu.memory_space<vmem>>
      %dma_start3A_754 = tpu.memref_squeeze %dma_start3A_753 : memref<1x1x128xi32, #tpu.memory_space<vmem>> -> memref<128xi32, #tpu.memory_space<vmem>>
      %dma_start3A_755 = arith.constant 0 : i32
      %dma_start3A_756 = tpu.memref_slice %arg15[%dma_start3A_755] : memref<100352xf32, #tpu.memory_space<vmem_shared>> -> memref<100352xf32, #tpu.memory_space<vmem_shared>>
      %dma_start3A_757 = tpu.memref_slice %arg17[%rem3A_551] : memref<2x!tpu.dma_semaphore, #tpu.memory_space<semaphore_mem>> -> memref<1x!tpu.dma_semaphore, #tpu.memory_space<semaphore_mem>>
      %dma_start3A_758 = tpu.memref_squeeze %dma_start3A_757 : memref<1x!tpu.dma_semaphore, #tpu.memory_space<semaphore_mem>> -> memref<!tpu.dma_semaphore, #tpu.memory_space<semaphore_mem>>
      tpu.enqueue_indirect_dma source(%dma_start3A_751 : memref<128xf32, #tpu.memory_space<vmem>>) target(%dma_start3A_756 : memref<100352xf32, #tpu.memory_space<vmem_shared>>) offsets(%dma_start3A_754 : memref<128xi32, #tpu.memory_space<vmem>>) semaphore(%dma_start3A_758 : memref<!tpu.dma_semaphore, #tpu.memory_space<semaphore_mem>>) {add = true}
      %dma_start3A_759 = arith.constant 14 : i32
      %dma_start3A_760 = arith.constant 14 : i32
      %dma_start3A_761 = arith.constant 0 : i32
      %dma_start3A_762 = tpu.memref_slice %arg13[%rem3A_551, %dma_start3A_759, %dma_start3A_761] : memref<2x16x128xf32, #tpu.memory_space<vmem>> -> memref<1x1x128xf32, #tpu.memory_space<vmem>>
      %dma_start3A_763 = tpu.memref_squeeze %dma_start3A_762 : memref<1x1x128xf32, #tpu.memory_space<vmem>> -> memref<128xf32, #tpu.memory_space<vmem>>
      %dma_start3A_764 = arith.constant 0 : i32
      %dma_start3A_765 = tpu.memref_slice %arg12[%rem3A_551, %dma_start3A_760, %dma_start3A_764] : memref<2x16x128xi32, #tpu.memory_space<vmem>> -> memref<1x1x128xi32, #tpu.memory_space<vmem>>
      %dma_start3A_766 = tpu.memref_squeeze %dma_start3A_765 : memref<1x1x128xi32, #tpu.memory_space<vmem>> -> memref<128xi32, #tpu.memory_space<vmem>>
      %dma_start3A_767 = arith.constant 0 : i32
      %dma_start3A_768 = tpu.memref_slice %arg15[%dma_start3A_767] : memref<100352xf32, #tpu.memory_space<vmem_shared>> -> memref<100352xf32, #tpu.memory_space<vmem_shared>>
      %dma_start3A_769 = tpu.memref_slice %arg17[%rem3A_551] : memref<2x!tpu.dma_semaphore, #tpu.memory_space<semaphore_mem>> -> memref<1x!tpu.dma_semaphore, #tpu.memory_space<semaphore_mem>>
      %dma_start3A_770 = tpu.memref_squeeze %dma_start3A_769 : memref<1x!tpu.dma_semaphore, #tpu.memory_space<semaphore_mem>> -> memref<!tpu.dma_semaphore, #tpu.memory_space<semaphore_mem>>
      tpu.enqueue_indirect_dma source(%dma_start3A_763 : memref<128xf32, #tpu.memory_space<vmem>>) target(%dma_start3A_768 : memref<100352xf32, #tpu.memory_space<vmem_shared>>) offsets(%dma_start3A_766 : memref<128xi32, #tpu.memory_space<vmem>>) semaphore(%dma_start3A_770 : memref<!tpu.dma_semaphore, #tpu.memory_space<semaphore_mem>>) {add = true}
      %dma_start3A_771 = arith.constant 15 : i32
      %dma_start3A_772 = arith.constant 15 : i32
      %dma_start3A_773 = arith.constant 0 : i32
      %dma_start3A_774 = tpu.memref_slice %arg13[%rem3A_551, %dma_start3A_771, %dma_start3A_773] : memref<2x16x128xf32, #tpu.memory_space<vmem>> -> memref<1x1x128xf32, #tpu.memory_space<vmem>>
      %dma_start3A_775 = tpu.memref_squeeze %dma_start3A_774 : memref<1x1x128xf32, #tpu.memory_space<vmem>> -> memref<128xf32, #tpu.memory_space<vmem>>
      %dma_start3A_776 = arith.constant 0 : i32
      %dma_start3A_777 = tpu.memref_slice %arg12[%rem3A_551, %dma_start3A_772, %dma_start3A_776] : memref<2x16x128xi32, #tpu.memory_space<vmem>> -> memref<1x1x128xi32, #tpu.memory_space<vmem>>
      %dma_start3A_778 = tpu.memref_squeeze %dma_start3A_777 : memref<1x1x128xi32, #tpu.memory_space<vmem>> -> memref<128xi32, #tpu.memory_space<vmem>>
      %dma_start3A_779 = arith.constant 0 : i32
      %dma_start3A_780 = tpu.memref_slice %arg15[%dma_start3A_779] : memref<100352xf32, #tpu.memory_space<vmem_shared>> -> memref<100352xf32, #tpu.memory_space<vmem_shared>>
      %dma_start3A_781 = tpu.memref_slice %arg17[%rem3A_551] : memref<2x!tpu.dma_semaphore, #tpu.memory_space<semaphore_mem>> -> memref<1x!tpu.dma_semaphore, #tpu.memory_space<semaphore_mem>>
      %dma_start3A_782 = tpu.memref_squeeze %dma_start3A_781 : memref<1x!tpu.dma_semaphore, #tpu.memory_space<semaphore_mem>> -> memref<!tpu.dma_semaphore, #tpu.memory_space<semaphore_mem>>
      tpu.enqueue_indirect_dma source(%dma_start3A_775 : memref<128xf32, #tpu.memory_space<vmem>>) target(%dma_start3A_780 : memref<100352xf32, #tpu.memory_space<vmem_shared>>) offsets(%dma_start3A_778 : memref<128xi32, #tpu.memory_space<vmem>>) semaphore(%dma_start3A_782 : memref<!tpu.dma_semaphore, #tpu.memory_space<semaphore_mem>>) {add = true}
    }
    %dma_wait3A = arith.constant 0 : i32
    %dma_wait3A_60 = arith.constant 0 : i32
    %dma_wait3A_61 = arith.constant 0 : i32
    %dma_wait3A_62 = arith.constant 0 : i32
    %dma_wait3A_63 = arith.constant 0 : i32
    %dma_wait3A_64 = arith.constant 0 : i32
    %dma_wait3A_65 = tpu.memref_slice %arg13[%dma_wait3A, %dma_wait3A_60, %dma_wait3A_64] : memref<2x16x128xf32, #tpu.memory_space<vmem>> -> memref<1x1x128xf32, #tpu.memory_space<vmem>>
    %dma_wait3A_66 = tpu.memref_squeeze %dma_wait3A_65 : memref<1x1x128xf32, #tpu.memory_space<vmem>> -> memref<128xf32, #tpu.memory_space<vmem>>
    %dma_wait3A_67 = arith.constant 0 : i32
    %dma_wait3A_68 = tpu.memref_slice %arg12[%dma_wait3A_61, %dma_wait3A_62, %dma_wait3A_67] : memref<2x16x128xi32, #tpu.memory_space<vmem>> -> memref<1x1x128xi32, #tpu.memory_space<vmem>>
    %dma_wait3A_69 = tpu.memref_squeeze %dma_wait3A_68 : memref<1x1x128xi32, #tpu.memory_space<vmem>> -> memref<128xi32, #tpu.memory_space<vmem>>
    %dma_wait3A_70 = arith.constant 0 : i32
    %dma_wait3A_71 = tpu.memref_slice %arg15[%dma_wait3A_70] : memref<100352xf32, #tpu.memory_space<vmem_shared>> -> memref<100352xf32, #tpu.memory_space<vmem_shared>>
    %dma_wait3A_72 = tpu.memref_slice %arg17[%dma_wait3A_63] : memref<2x!tpu.dma_semaphore, #tpu.memory_space<semaphore_mem>> -> memref<1x!tpu.dma_semaphore, #tpu.memory_space<semaphore_mem>>
    %dma_wait3A_73 = tpu.memref_squeeze %dma_wait3A_72 : memref<1x!tpu.dma_semaphore, #tpu.memory_space<semaphore_mem>> -> memref<!tpu.dma_semaphore, #tpu.memory_space<semaphore_mem>>
    tpu.wait_indirect_dma semaphore(%dma_wait3A_73 : memref<!tpu.dma_semaphore, #tpu.memory_space<semaphore_mem>>) src(%dma_wait3A_66 : memref<128xf32, #tpu.memory_space<vmem>>) dst(%dma_wait3A_71 : memref<100352xf32, #tpu.memory_space<vmem_shared>>)
    %dma_wait3A_74 = arith.constant 0 : i32
    %dma_wait3A_75 = arith.constant 1 : i32
    %dma_wait3A_76 = arith.constant 0 : i32
    %dma_wait3A_77 = arith.constant 1 : i32
    %dma_wait3A_78 = arith.constant 0 : i32
    %dma_wait3A_79 = arith.constant 0 : i32
    %dma_wait3A_80 = tpu.memref_slice %arg13[%dma_wait3A_74, %dma_wait3A_75, %dma_wait3A_79] : memref<2x16x128xf32, #tpu.memory_space<vmem>> -> memref<1x1x128xf32, #tpu.memory_space<vmem>>
    %dma_wait3A_81 = tpu.memref_squeeze %dma_wait3A_80 : memref<1x1x128xf32, #tpu.memory_space<vmem>> -> memref<128xf32, #tpu.memory_space<vmem>>
    %dma_wait3A_82 = arith.constant 0 : i32
    %dma_wait3A_83 = tpu.memref_slice %arg12[%dma_wait3A_76, %dma_wait3A_77, %dma_wait3A_82] : memref<2x16x128xi32, #tpu.memory_space<vmem>> -> memref<1x1x128xi32, #tpu.memory_space<vmem>>
    %dma_wait3A_84 = tpu.memref_squeeze %dma_wait3A_83 : memref<1x1x128xi32, #tpu.memory_space<vmem>> -> memref<128xi32, #tpu.memory_space<vmem>>
    %dma_wait3A_85 = arith.constant 0 : i32
    %dma_wait3A_86 = tpu.memref_slice %arg15[%dma_wait3A_85] : memref<100352xf32, #tpu.memory_space<vmem_shared>> -> memref<100352xf32, #tpu.memory_space<vmem_shared>>
    %dma_wait3A_87 = tpu.memref_slice %arg17[%dma_wait3A_78] : memref<2x!tpu.dma_semaphore, #tpu.memory_space<semaphore_mem>> -> memref<1x!tpu.dma_semaphore, #tpu.memory_space<semaphore_mem>>
    %dma_wait3A_88 = tpu.memref_squeeze %dma_wait3A_87 : memref<1x!tpu.dma_semaphore, #tpu.memory_space<semaphore_mem>> -> memref<!tpu.dma_semaphore, #tpu.memory_space<semaphore_mem>>
    tpu.wait_indirect_dma semaphore(%dma_wait3A_88 : memref<!tpu.dma_semaphore, #tpu.memory_space<semaphore_mem>>) src(%dma_wait3A_81 : memref<128xf32, #tpu.memory_space<vmem>>) dst(%dma_wait3A_86 : memref<100352xf32, #tpu.memory_space<vmem_shared>>)
    %dma_wait3A_89 = arith.constant 0 : i32
    %dma_wait3A_90 = arith.constant 2 : i32
    %dma_wait3A_91 = arith.constant 0 : i32
    %dma_wait3A_92 = arith.constant 2 : i32
    %dma_wait3A_93 = arith.constant 0 : i32
    %dma_wait3A_94 = arith.constant 0 : i32
    %dma_wait3A_95 = tpu.memref_slice %arg13[%dma_wait3A_89, %dma_wait3A_90, %dma_wait3A_94] : memref<2x16x128xf32, #tpu.memory_space<vmem>> -> memref<1x1x128xf32, #tpu.memory_space<vmem>>
    %dma_wait3A_96 = tpu.memref_squeeze %dma_wait3A_95 : memref<1x1x128xf32, #tpu.memory_space<vmem>> -> memref<128xf32, #tpu.memory_space<vmem>>
    %dma_wait3A_97 = arith.constant 0 : i32
    %dma_wait3A_98 = tpu.memref_slice %arg12[%dma_wait3A_91, %dma_wait3A_92, %dma_wait3A_97] : memref<2x16x128xi32, #tpu.memory_space<vmem>> -> memref<1x1x128xi32, #tpu.memory_space<vmem>>
    %dma_wait3A_99 = tpu.memref_squeeze %dma_wait3A_98 : memref<1x1x128xi32, #tpu.memory_space<vmem>> -> memref<128xi32, #tpu.memory_space<vmem>>
    %dma_wait3A_100 = arith.constant 0 : i32
    %dma_wait3A_101 = tpu.memref_slice %arg15[%dma_wait3A_100] : memref<100352xf32, #tpu.memory_space<vmem_shared>> -> memref<100352xf32, #tpu.memory_space<vmem_shared>>
    %dma_wait3A_102 = tpu.memref_slice %arg17[%dma_wait3A_93] : memref<2x!tpu.dma_semaphore, #tpu.memory_space<semaphore_mem>> -> memref<1x!tpu.dma_semaphore, #tpu.memory_space<semaphore_mem>>
    %dma_wait3A_103 = tpu.memref_squeeze %dma_wait3A_102 : memref<1x!tpu.dma_semaphore, #tpu.memory_space<semaphore_mem>> -> memref<!tpu.dma_semaphore, #tpu.memory_space<semaphore_mem>>
    tpu.wait_indirect_dma semaphore(%dma_wait3A_103 : memref<!tpu.dma_semaphore, #tpu.memory_space<semaphore_mem>>) src(%dma_wait3A_96 : memref<128xf32, #tpu.memory_space<vmem>>) dst(%dma_wait3A_101 : memref<100352xf32, #tpu.memory_space<vmem_shared>>)
    %dma_wait3A_104 = arith.constant 0 : i32
    %dma_wait3A_105 = arith.constant 3 : i32
    %dma_wait3A_106 = arith.constant 0 : i32
    %dma_wait3A_107 = arith.constant 3 : i32
    %dma_wait3A_108 = arith.constant 0 : i32
    %dma_wait3A_109 = arith.constant 0 : i32
    %dma_wait3A_110 = tpu.memref_slice %arg13[%dma_wait3A_104, %dma_wait3A_105, %dma_wait3A_109] : memref<2x16x128xf32, #tpu.memory_space<vmem>> -> memref<1x1x128xf32, #tpu.memory_space<vmem>>
    %dma_wait3A_111 = tpu.memref_squeeze %dma_wait3A_110 : memref<1x1x128xf32, #tpu.memory_space<vmem>> -> memref<128xf32, #tpu.memory_space<vmem>>
    %dma_wait3A_112 = arith.constant 0 : i32
    %dma_wait3A_113 = tpu.memref_slice %arg12[%dma_wait3A_106, %dma_wait3A_107, %dma_wait3A_112] : memref<2x16x128xi32, #tpu.memory_space<vmem>> -> memref<1x1x128xi32, #tpu.memory_space<vmem>>
    %dma_wait3A_114 = tpu.memref_squeeze %dma_wait3A_113 : memref<1x1x128xi32, #tpu.memory_space<vmem>> -> memref<128xi32, #tpu.memory_space<vmem>>
    %dma_wait3A_115 = arith.constant 0 : i32
    %dma_wait3A_116 = tpu.memref_slice %arg15[%dma_wait3A_115] : memref<100352xf32, #tpu.memory_space<vmem_shared>> -> memref<100352xf32, #tpu.memory_space<vmem_shared>>
    %dma_wait3A_117 = tpu.memref_slice %arg17[%dma_wait3A_108] : memref<2x!tpu.dma_semaphore, #tpu.memory_space<semaphore_mem>> -> memref<1x!tpu.dma_semaphore, #tpu.memory_space<semaphore_mem>>
    %dma_wait3A_118 = tpu.memref_squeeze %dma_wait3A_117 : memref<1x!tpu.dma_semaphore, #tpu.memory_space<semaphore_mem>> -> memref<!tpu.dma_semaphore, #tpu.memory_space<semaphore_mem>>
    tpu.wait_indirect_dma semaphore(%dma_wait3A_118 : memref<!tpu.dma_semaphore, #tpu.memory_space<semaphore_mem>>) src(%dma_wait3A_111 : memref<128xf32, #tpu.memory_space<vmem>>) dst(%dma_wait3A_116 : memref<100352xf32, #tpu.memory_space<vmem_shared>>)
    %dma_wait3A_119 = arith.constant 0 : i32
    %dma_wait3A_120 = arith.constant 4 : i32
    %dma_wait3A_121 = arith.constant 0 : i32
    %dma_wait3A_122 = arith.constant 4 : i32
    %dma_wait3A_123 = arith.constant 0 : i32
    %dma_wait3A_124 = arith.constant 0 : i32
    %dma_wait3A_125 = tpu.memref_slice %arg13[%dma_wait3A_119, %dma_wait3A_120, %dma_wait3A_124] : memref<2x16x128xf32, #tpu.memory_space<vmem>> -> memref<1x1x128xf32, #tpu.memory_space<vmem>>
    %dma_wait3A_126 = tpu.memref_squeeze %dma_wait3A_125 : memref<1x1x128xf32, #tpu.memory_space<vmem>> -> memref<128xf32, #tpu.memory_space<vmem>>
    %dma_wait3A_127 = arith.constant 0 : i32
    %dma_wait3A_128 = tpu.memref_slice %arg12[%dma_wait3A_121, %dma_wait3A_122, %dma_wait3A_127] : memref<2x16x128xi32, #tpu.memory_space<vmem>> -> memref<1x1x128xi32, #tpu.memory_space<vmem>>
    %dma_wait3A_129 = tpu.memref_squeeze %dma_wait3A_128 : memref<1x1x128xi32, #tpu.memory_space<vmem>> -> memref<128xi32, #tpu.memory_space<vmem>>
    %dma_wait3A_130 = arith.constant 0 : i32
    %dma_wait3A_131 = tpu.memref_slice %arg15[%dma_wait3A_130] : memref<100352xf32, #tpu.memory_space<vmem_shared>> -> memref<100352xf32, #tpu.memory_space<vmem_shared>>
    %dma_wait3A_132 = tpu.memref_slice %arg17[%dma_wait3A_123] : memref<2x!tpu.dma_semaphore, #tpu.memory_space<semaphore_mem>> -> memref<1x!tpu.dma_semaphore, #tpu.memory_space<semaphore_mem>>
    %dma_wait3A_133 = tpu.memref_squeeze %dma_wait3A_132 : memref<1x!tpu.dma_semaphore, #tpu.memory_space<semaphore_mem>> -> memref<!tpu.dma_semaphore, #tpu.memory_space<semaphore_mem>>
    tpu.wait_indirect_dma semaphore(%dma_wait3A_133 : memref<!tpu.dma_semaphore, #tpu.memory_space<semaphore_mem>>) src(%dma_wait3A_126 : memref<128xf32, #tpu.memory_space<vmem>>) dst(%dma_wait3A_131 : memref<100352xf32, #tpu.memory_space<vmem_shared>>)
    %dma_wait3A_134 = arith.constant 0 : i32
    %dma_wait3A_135 = arith.constant 5 : i32
    %dma_wait3A_136 = arith.constant 0 : i32
    %dma_wait3A_137 = arith.constant 5 : i32
    %dma_wait3A_138 = arith.constant 0 : i32
    %dma_wait3A_139 = arith.constant 0 : i32
    %dma_wait3A_140 = tpu.memref_slice %arg13[%dma_wait3A_134, %dma_wait3A_135, %dma_wait3A_139] : memref<2x16x128xf32, #tpu.memory_space<vmem>> -> memref<1x1x128xf32, #tpu.memory_space<vmem>>
    %dma_wait3A_141 = tpu.memref_squeeze %dma_wait3A_140 : memref<1x1x128xf32, #tpu.memory_space<vmem>> -> memref<128xf32, #tpu.memory_space<vmem>>
    %dma_wait3A_142 = arith.constant 0 : i32
    %dma_wait3A_143 = tpu.memref_slice %arg12[%dma_wait3A_136, %dma_wait3A_137, %dma_wait3A_142] : memref<2x16x128xi32, #tpu.memory_space<vmem>> -> memref<1x1x128xi32, #tpu.memory_space<vmem>>
    %dma_wait3A_144 = tpu.memref_squeeze %dma_wait3A_143 : memref<1x1x128xi32, #tpu.memory_space<vmem>> -> memref<128xi32, #tpu.memory_space<vmem>>
    %dma_wait3A_145 = arith.constant 0 : i32
    %dma_wait3A_146 = tpu.memref_slice %arg15[%dma_wait3A_145] : memref<100352xf32, #tpu.memory_space<vmem_shared>> -> memref<100352xf32, #tpu.memory_space<vmem_shared>>
    %dma_wait3A_147 = tpu.memref_slice %arg17[%dma_wait3A_138] : memref<2x!tpu.dma_semaphore, #tpu.memory_space<semaphore_mem>> -> memref<1x!tpu.dma_semaphore, #tpu.memory_space<semaphore_mem>>
    %dma_wait3A_148 = tpu.memref_squeeze %dma_wait3A_147 : memref<1x!tpu.dma_semaphore, #tpu.memory_space<semaphore_mem>> -> memref<!tpu.dma_semaphore, #tpu.memory_space<semaphore_mem>>
    tpu.wait_indirect_dma semaphore(%dma_wait3A_148 : memref<!tpu.dma_semaphore, #tpu.memory_space<semaphore_mem>>) src(%dma_wait3A_141 : memref<128xf32, #tpu.memory_space<vmem>>) dst(%dma_wait3A_146 : memref<100352xf32, #tpu.memory_space<vmem_shared>>)
    %dma_wait3A_149 = arith.constant 0 : i32
    %dma_wait3A_150 = arith.constant 6 : i32
    %dma_wait3A_151 = arith.constant 0 : i32
    %dma_wait3A_152 = arith.constant 6 : i32
    %dma_wait3A_153 = arith.constant 0 : i32
    %dma_wait3A_154 = arith.constant 0 : i32
    %dma_wait3A_155 = tpu.memref_slice %arg13[%dma_wait3A_149, %dma_wait3A_150, %dma_wait3A_154] : memref<2x16x128xf32, #tpu.memory_space<vmem>> -> memref<1x1x128xf32, #tpu.memory_space<vmem>>
    %dma_wait3A_156 = tpu.memref_squeeze %dma_wait3A_155 : memref<1x1x128xf32, #tpu.memory_space<vmem>> -> memref<128xf32, #tpu.memory_space<vmem>>
    %dma_wait3A_157 = arith.constant 0 : i32
    %dma_wait3A_158 = tpu.memref_slice %arg12[%dma_wait3A_151, %dma_wait3A_152, %dma_wait3A_157] : memref<2x16x128xi32, #tpu.memory_space<vmem>> -> memref<1x1x128xi32, #tpu.memory_space<vmem>>
    %dma_wait3A_159 = tpu.memref_squeeze %dma_wait3A_158 : memref<1x1x128xi32, #tpu.memory_space<vmem>> -> memref<128xi32, #tpu.memory_space<vmem>>
    %dma_wait3A_160 = arith.constant 0 : i32
    %dma_wait3A_161 = tpu.memref_slice %arg15[%dma_wait3A_160] : memref<100352xf32, #tpu.memory_space<vmem_shared>> -> memref<100352xf32, #tpu.memory_space<vmem_shared>>
    %dma_wait3A_162 = tpu.memref_slice %arg17[%dma_wait3A_153] : memref<2x!tpu.dma_semaphore, #tpu.memory_space<semaphore_mem>> -> memref<1x!tpu.dma_semaphore, #tpu.memory_space<semaphore_mem>>
    %dma_wait3A_163 = tpu.memref_squeeze %dma_wait3A_162 : memref<1x!tpu.dma_semaphore, #tpu.memory_space<semaphore_mem>> -> memref<!tpu.dma_semaphore, #tpu.memory_space<semaphore_mem>>
    tpu.wait_indirect_dma semaphore(%dma_wait3A_163 : memref<!tpu.dma_semaphore, #tpu.memory_space<semaphore_mem>>) src(%dma_wait3A_156 : memref<128xf32, #tpu.memory_space<vmem>>) dst(%dma_wait3A_161 : memref<100352xf32, #tpu.memory_space<vmem_shared>>)
    %dma_wait3A_164 = arith.constant 0 : i32
    %dma_wait3A_165 = arith.constant 7 : i32
    %dma_wait3A_166 = arith.constant 0 : i32
    %dma_wait3A_167 = arith.constant 7 : i32
    %dma_wait3A_168 = arith.constant 0 : i32
    %dma_wait3A_169 = arith.constant 0 : i32
    %dma_wait3A_170 = tpu.memref_slice %arg13[%dma_wait3A_164, %dma_wait3A_165, %dma_wait3A_169] : memref<2x16x128xf32, #tpu.memory_space<vmem>> -> memref<1x1x128xf32, #tpu.memory_space<vmem>>
    %dma_wait3A_171 = tpu.memref_squeeze %dma_wait3A_170 : memref<1x1x128xf32, #tpu.memory_space<vmem>> -> memref<128xf32, #tpu.memory_space<vmem>>
    %dma_wait3A_172 = arith.constant 0 : i32
    %dma_wait3A_173 = tpu.memref_slice %arg12[%dma_wait3A_166, %dma_wait3A_167, %dma_wait3A_172] : memref<2x16x128xi32, #tpu.memory_space<vmem>> -> memref<1x1x128xi32, #tpu.memory_space<vmem>>
    %dma_wait3A_174 = tpu.memref_squeeze %dma_wait3A_173 : memref<1x1x128xi32, #tpu.memory_space<vmem>> -> memref<128xi32, #tpu.memory_space<vmem>>
    %dma_wait3A_175 = arith.constant 0 : i32
    %dma_wait3A_176 = tpu.memref_slice %arg15[%dma_wait3A_175] : memref<100352xf32, #tpu.memory_space<vmem_shared>> -> memref<100352xf32, #tpu.memory_space<vmem_shared>>
    %dma_wait3A_177 = tpu.memref_slice %arg17[%dma_wait3A_168] : memref<2x!tpu.dma_semaphore, #tpu.memory_space<semaphore_mem>> -> memref<1x!tpu.dma_semaphore, #tpu.memory_space<semaphore_mem>>
    %dma_wait3A_178 = tpu.memref_squeeze %dma_wait3A_177 : memref<1x!tpu.dma_semaphore, #tpu.memory_space<semaphore_mem>> -> memref<!tpu.dma_semaphore, #tpu.memory_space<semaphore_mem>>
    tpu.wait_indirect_dma semaphore(%dma_wait3A_178 : memref<!tpu.dma_semaphore, #tpu.memory_space<semaphore_mem>>) src(%dma_wait3A_171 : memref<128xf32, #tpu.memory_space<vmem>>) dst(%dma_wait3A_176 : memref<100352xf32, #tpu.memory_space<vmem_shared>>)
    %dma_wait3A_179 = arith.constant 0 : i32
    %dma_wait3A_180 = arith.constant 8 : i32
    %dma_wait3A_181 = arith.constant 0 : i32
    %dma_wait3A_182 = arith.constant 8 : i32
    %dma_wait3A_183 = arith.constant 0 : i32
    %dma_wait3A_184 = arith.constant 0 : i32
    %dma_wait3A_185 = tpu.memref_slice %arg13[%dma_wait3A_179, %dma_wait3A_180, %dma_wait3A_184] : memref<2x16x128xf32, #tpu.memory_space<vmem>> -> memref<1x1x128xf32, #tpu.memory_space<vmem>>
    %dma_wait3A_186 = tpu.memref_squeeze %dma_wait3A_185 : memref<1x1x128xf32, #tpu.memory_space<vmem>> -> memref<128xf32, #tpu.memory_space<vmem>>
    %dma_wait3A_187 = arith.constant 0 : i32
    %dma_wait3A_188 = tpu.memref_slice %arg12[%dma_wait3A_181, %dma_wait3A_182, %dma_wait3A_187] : memref<2x16x128xi32, #tpu.memory_space<vmem>> -> memref<1x1x128xi32, #tpu.memory_space<vmem>>
    %dma_wait3A_189 = tpu.memref_squeeze %dma_wait3A_188 : memref<1x1x128xi32, #tpu.memory_space<vmem>> -> memref<128xi32, #tpu.memory_space<vmem>>
    %dma_wait3A_190 = arith.constant 0 : i32
    %dma_wait3A_191 = tpu.memref_slice %arg15[%dma_wait3A_190] : memref<100352xf32, #tpu.memory_space<vmem_shared>> -> memref<100352xf32, #tpu.memory_space<vmem_shared>>
    %dma_wait3A_192 = tpu.memref_slice %arg17[%dma_wait3A_183] : memref<2x!tpu.dma_semaphore, #tpu.memory_space<semaphore_mem>> -> memref<1x!tpu.dma_semaphore, #tpu.memory_space<semaphore_mem>>
    %dma_wait3A_193 = tpu.memref_squeeze %dma_wait3A_192 : memref<1x!tpu.dma_semaphore, #tpu.memory_space<semaphore_mem>> -> memref<!tpu.dma_semaphore, #tpu.memory_space<semaphore_mem>>
    tpu.wait_indirect_dma semaphore(%dma_wait3A_193 : memref<!tpu.dma_semaphore, #tpu.memory_space<semaphore_mem>>) src(%dma_wait3A_186 : memref<128xf32, #tpu.memory_space<vmem>>) dst(%dma_wait3A_191 : memref<100352xf32, #tpu.memory_space<vmem_shared>>)
    %dma_wait3A_194 = arith.constant 0 : i32
    %dma_wait3A_195 = arith.constant 9 : i32
    %dma_wait3A_196 = arith.constant 0 : i32
    %dma_wait3A_197 = arith.constant 9 : i32
    %dma_wait3A_198 = arith.constant 0 : i32
    %dma_wait3A_199 = arith.constant 0 : i32
    %dma_wait3A_200 = tpu.memref_slice %arg13[%dma_wait3A_194, %dma_wait3A_195, %dma_wait3A_199] : memref<2x16x128xf32, #tpu.memory_space<vmem>> -> memref<1x1x128xf32, #tpu.memory_space<vmem>>
    %dma_wait3A_201 = tpu.memref_squeeze %dma_wait3A_200 : memref<1x1x128xf32, #tpu.memory_space<vmem>> -> memref<128xf32, #tpu.memory_space<vmem>>
    %dma_wait3A_202 = arith.constant 0 : i32
    %dma_wait3A_203 = tpu.memref_slice %arg12[%dma_wait3A_196, %dma_wait3A_197, %dma_wait3A_202] : memref<2x16x128xi32, #tpu.memory_space<vmem>> -> memref<1x1x128xi32, #tpu.memory_space<vmem>>
    %dma_wait3A_204 = tpu.memref_squeeze %dma_wait3A_203 : memref<1x1x128xi32, #tpu.memory_space<vmem>> -> memref<128xi32, #tpu.memory_space<vmem>>
    %dma_wait3A_205 = arith.constant 0 : i32
    %dma_wait3A_206 = tpu.memref_slice %arg15[%dma_wait3A_205] : memref<100352xf32, #tpu.memory_space<vmem_shared>> -> memref<100352xf32, #tpu.memory_space<vmem_shared>>
    %dma_wait3A_207 = tpu.memref_slice %arg17[%dma_wait3A_198] : memref<2x!tpu.dma_semaphore, #tpu.memory_space<semaphore_mem>> -> memref<1x!tpu.dma_semaphore, #tpu.memory_space<semaphore_mem>>
    %dma_wait3A_208 = tpu.memref_squeeze %dma_wait3A_207 : memref<1x!tpu.dma_semaphore, #tpu.memory_space<semaphore_mem>> -> memref<!tpu.dma_semaphore, #tpu.memory_space<semaphore_mem>>
    tpu.wait_indirect_dma semaphore(%dma_wait3A_208 : memref<!tpu.dma_semaphore, #tpu.memory_space<semaphore_mem>>) src(%dma_wait3A_201 : memref<128xf32, #tpu.memory_space<vmem>>) dst(%dma_wait3A_206 : memref<100352xf32, #tpu.memory_space<vmem_shared>>)
    %dma_wait3A_209 = arith.constant 0 : i32
    %dma_wait3A_210 = arith.constant 10 : i32
    %dma_wait3A_211 = arith.constant 0 : i32
    %dma_wait3A_212 = arith.constant 10 : i32
    %dma_wait3A_213 = arith.constant 0 : i32
    %dma_wait3A_214 = arith.constant 0 : i32
    %dma_wait3A_215 = tpu.memref_slice %arg13[%dma_wait3A_209, %dma_wait3A_210, %dma_wait3A_214] : memref<2x16x128xf32, #tpu.memory_space<vmem>> -> memref<1x1x128xf32, #tpu.memory_space<vmem>>
    %dma_wait3A_216 = tpu.memref_squeeze %dma_wait3A_215 : memref<1x1x128xf32, #tpu.memory_space<vmem>> -> memref<128xf32, #tpu.memory_space<vmem>>
    %dma_wait3A_217 = arith.constant 0 : i32
    %dma_wait3A_218 = tpu.memref_slice %arg12[%dma_wait3A_211, %dma_wait3A_212, %dma_wait3A_217] : memref<2x16x128xi32, #tpu.memory_space<vmem>> -> memref<1x1x128xi32, #tpu.memory_space<vmem>>
    %dma_wait3A_219 = tpu.memref_squeeze %dma_wait3A_218 : memref<1x1x128xi32, #tpu.memory_space<vmem>> -> memref<128xi32, #tpu.memory_space<vmem>>
    %dma_wait3A_220 = arith.constant 0 : i32
    %dma_wait3A_221 = tpu.memref_slice %arg15[%dma_wait3A_220] : memref<100352xf32, #tpu.memory_space<vmem_shared>> -> memref<100352xf32, #tpu.memory_space<vmem_shared>>
    %dma_wait3A_222 = tpu.memref_slice %arg17[%dma_wait3A_213] : memref<2x!tpu.dma_semaphore, #tpu.memory_space<semaphore_mem>> -> memref<1x!tpu.dma_semaphore, #tpu.memory_space<semaphore_mem>>
    %dma_wait3A_223 = tpu.memref_squeeze %dma_wait3A_222 : memref<1x!tpu.dma_semaphore, #tpu.memory_space<semaphore_mem>> -> memref<!tpu.dma_semaphore, #tpu.memory_space<semaphore_mem>>
    tpu.wait_indirect_dma semaphore(%dma_wait3A_223 : memref<!tpu.dma_semaphore, #tpu.memory_space<semaphore_mem>>) src(%dma_wait3A_216 : memref<128xf32, #tpu.memory_space<vmem>>) dst(%dma_wait3A_221 : memref<100352xf32, #tpu.memory_space<vmem_shared>>)
    %dma_wait3A_224 = arith.constant 0 : i32
    %dma_wait3A_225 = arith.constant 11 : i32
    %dma_wait3A_226 = arith.constant 0 : i32
    %dma_wait3A_227 = arith.constant 11 : i32
    %dma_wait3A_228 = arith.constant 0 : i32
    %dma_wait3A_229 = arith.constant 0 : i32
    %dma_wait3A_230 = tpu.memref_slice %arg13[%dma_wait3A_224, %dma_wait3A_225, %dma_wait3A_229] : memref<2x16x128xf32, #tpu.memory_space<vmem>> -> memref<1x1x128xf32, #tpu.memory_space<vmem>>
    %dma_wait3A_231 = tpu.memref_squeeze %dma_wait3A_230 : memref<1x1x128xf32, #tpu.memory_space<vmem>> -> memref<128xf32, #tpu.memory_space<vmem>>
    %dma_wait3A_232 = arith.constant 0 : i32
    %dma_wait3A_233 = tpu.memref_slice %arg12[%dma_wait3A_226, %dma_wait3A_227, %dma_wait3A_232] : memref<2x16x128xi32, #tpu.memory_space<vmem>> -> memref<1x1x128xi32, #tpu.memory_space<vmem>>
    %dma_wait3A_234 = tpu.memref_squeeze %dma_wait3A_233 : memref<1x1x128xi32, #tpu.memory_space<vmem>> -> memref<128xi32, #tpu.memory_space<vmem>>
    %dma_wait3A_235 = arith.constant 0 : i32
    %dma_wait3A_236 = tpu.memref_slice %arg15[%dma_wait3A_235] : memref<100352xf32, #tpu.memory_space<vmem_shared>> -> memref<100352xf32, #tpu.memory_space<vmem_shared>>
    %dma_wait3A_237 = tpu.memref_slice %arg17[%dma_wait3A_228] : memref<2x!tpu.dma_semaphore, #tpu.memory_space<semaphore_mem>> -> memref<1x!tpu.dma_semaphore, #tpu.memory_space<semaphore_mem>>
    %dma_wait3A_238 = tpu.memref_squeeze %dma_wait3A_237 : memref<1x!tpu.dma_semaphore, #tpu.memory_space<semaphore_mem>> -> memref<!tpu.dma_semaphore, #tpu.memory_space<semaphore_mem>>
    tpu.wait_indirect_dma semaphore(%dma_wait3A_238 : memref<!tpu.dma_semaphore, #tpu.memory_space<semaphore_mem>>) src(%dma_wait3A_231 : memref<128xf32, #tpu.memory_space<vmem>>) dst(%dma_wait3A_236 : memref<100352xf32, #tpu.memory_space<vmem_shared>>)
    %dma_wait3A_239 = arith.constant 0 : i32
    %dma_wait3A_240 = arith.constant 12 : i32
    %dma_wait3A_241 = arith.constant 0 : i32
    %dma_wait3A_242 = arith.constant 12 : i32
    %dma_wait3A_243 = arith.constant 0 : i32
    %dma_wait3A_244 = arith.constant 0 : i32
    %dma_wait3A_245 = tpu.memref_slice %arg13[%dma_wait3A_239, %dma_wait3A_240, %dma_wait3A_244] : memref<2x16x128xf32, #tpu.memory_space<vmem>> -> memref<1x1x128xf32, #tpu.memory_space<vmem>>
    %dma_wait3A_246 = tpu.memref_squeeze %dma_wait3A_245 : memref<1x1x128xf32, #tpu.memory_space<vmem>> -> memref<128xf32, #tpu.memory_space<vmem>>
    %dma_wait3A_247 = arith.constant 0 : i32
    %dma_wait3A_248 = tpu.memref_slice %arg12[%dma_wait3A_241, %dma_wait3A_242, %dma_wait3A_247] : memref<2x16x128xi32, #tpu.memory_space<vmem>> -> memref<1x1x128xi32, #tpu.memory_space<vmem>>
    %dma_wait3A_249 = tpu.memref_squeeze %dma_wait3A_248 : memref<1x1x128xi32, #tpu.memory_space<vmem>> -> memref<128xi32, #tpu.memory_space<vmem>>
    %dma_wait3A_250 = arith.constant 0 : i32
    %dma_wait3A_251 = tpu.memref_slice %arg15[%dma_wait3A_250] : memref<100352xf32, #tpu.memory_space<vmem_shared>> -> memref<100352xf32, #tpu.memory_space<vmem_shared>>
    %dma_wait3A_252 = tpu.memref_slice %arg17[%dma_wait3A_243] : memref<2x!tpu.dma_semaphore, #tpu.memory_space<semaphore_mem>> -> memref<1x!tpu.dma_semaphore, #tpu.memory_space<semaphore_mem>>
    %dma_wait3A_253 = tpu.memref_squeeze %dma_wait3A_252 : memref<1x!tpu.dma_semaphore, #tpu.memory_space<semaphore_mem>> -> memref<!tpu.dma_semaphore, #tpu.memory_space<semaphore_mem>>
    tpu.wait_indirect_dma semaphore(%dma_wait3A_253 : memref<!tpu.dma_semaphore, #tpu.memory_space<semaphore_mem>>) src(%dma_wait3A_246 : memref<128xf32, #tpu.memory_space<vmem>>) dst(%dma_wait3A_251 : memref<100352xf32, #tpu.memory_space<vmem_shared>>)
    %dma_wait3A_254 = arith.constant 0 : i32
    %dma_wait3A_255 = arith.constant 13 : i32
    %dma_wait3A_256 = arith.constant 0 : i32
    %dma_wait3A_257 = arith.constant 13 : i32
    %dma_wait3A_258 = arith.constant 0 : i32
    %dma_wait3A_259 = arith.constant 0 : i32
    %dma_wait3A_260 = tpu.memref_slice %arg13[%dma_wait3A_254, %dma_wait3A_255, %dma_wait3A_259] : memref<2x16x128xf32, #tpu.memory_space<vmem>> -> memref<1x1x128xf32, #tpu.memory_space<vmem>>
    %dma_wait3A_261 = tpu.memref_squeeze %dma_wait3A_260 : memref<1x1x128xf32, #tpu.memory_space<vmem>> -> memref<128xf32, #tpu.memory_space<vmem>>
    %dma_wait3A_262 = arith.constant 0 : i32
    %dma_wait3A_263 = tpu.memref_slice %arg12[%dma_wait3A_256, %dma_wait3A_257, %dma_wait3A_262] : memref<2x16x128xi32, #tpu.memory_space<vmem>> -> memref<1x1x128xi32, #tpu.memory_space<vmem>>
    %dma_wait3A_264 = tpu.memref_squeeze %dma_wait3A_263 : memref<1x1x128xi32, #tpu.memory_space<vmem>> -> memref<128xi32, #tpu.memory_space<vmem>>
    %dma_wait3A_265 = arith.constant 0 : i32
    %dma_wait3A_266 = tpu.memref_slice %arg15[%dma_wait3A_265] : memref<100352xf32, #tpu.memory_space<vmem_shared>> -> memref<100352xf32, #tpu.memory_space<vmem_shared>>
    %dma_wait3A_267 = tpu.memref_slice %arg17[%dma_wait3A_258] : memref<2x!tpu.dma_semaphore, #tpu.memory_space<semaphore_mem>> -> memref<1x!tpu.dma_semaphore, #tpu.memory_space<semaphore_mem>>
    %dma_wait3A_268 = tpu.memref_squeeze %dma_wait3A_267 : memref<1x!tpu.dma_semaphore, #tpu.memory_space<semaphore_mem>> -> memref<!tpu.dma_semaphore, #tpu.memory_space<semaphore_mem>>
    tpu.wait_indirect_dma semaphore(%dma_wait3A_268 : memref<!tpu.dma_semaphore, #tpu.memory_space<semaphore_mem>>) src(%dma_wait3A_261 : memref<128xf32, #tpu.memory_space<vmem>>) dst(%dma_wait3A_266 : memref<100352xf32, #tpu.memory_space<vmem_shared>>)
    %dma_wait3A_269 = arith.constant 0 : i32
    %dma_wait3A_270 = arith.constant 14 : i32
    %dma_wait3A_271 = arith.constant 0 : i32
    %dma_wait3A_272 = arith.constant 14 : i32
    %dma_wait3A_273 = arith.constant 0 : i32
    %dma_wait3A_274 = arith.constant 0 : i32
    %dma_wait3A_275 = tpu.memref_slice %arg13[%dma_wait3A_269, %dma_wait3A_270, %dma_wait3A_274] : memref<2x16x128xf32, #tpu.memory_space<vmem>> -> memref<1x1x128xf32, #tpu.memory_space<vmem>>
    %dma_wait3A_276 = tpu.memref_squeeze %dma_wait3A_275 : memref<1x1x128xf32, #tpu.memory_space<vmem>> -> memref<128xf32, #tpu.memory_space<vmem>>
    %dma_wait3A_277 = arith.constant 0 : i32
    %dma_wait3A_278 = tpu.memref_slice %arg12[%dma_wait3A_271, %dma_wait3A_272, %dma_wait3A_277] : memref<2x16x128xi32, #tpu.memory_space<vmem>> -> memref<1x1x128xi32, #tpu.memory_space<vmem>>
    %dma_wait3A_279 = tpu.memref_squeeze %dma_wait3A_278 : memref<1x1x128xi32, #tpu.memory_space<vmem>> -> memref<128xi32, #tpu.memory_space<vmem>>
    %dma_wait3A_280 = arith.constant 0 : i32
    %dma_wait3A_281 = tpu.memref_slice %arg15[%dma_wait3A_280] : memref<100352xf32, #tpu.memory_space<vmem_shared>> -> memref<100352xf32, #tpu.memory_space<vmem_shared>>
    %dma_wait3A_282 = tpu.memref_slice %arg17[%dma_wait3A_273] : memref<2x!tpu.dma_semaphore, #tpu.memory_space<semaphore_mem>> -> memref<1x!tpu.dma_semaphore, #tpu.memory_space<semaphore_mem>>
    %dma_wait3A_283 = tpu.memref_squeeze %dma_wait3A_282 : memref<1x!tpu.dma_semaphore, #tpu.memory_space<semaphore_mem>> -> memref<!tpu.dma_semaphore, #tpu.memory_space<semaphore_mem>>
    tpu.wait_indirect_dma semaphore(%dma_wait3A_283 : memref<!tpu.dma_semaphore, #tpu.memory_space<semaphore_mem>>) src(%dma_wait3A_276 : memref<128xf32, #tpu.memory_space<vmem>>) dst(%dma_wait3A_281 : memref<100352xf32, #tpu.memory_space<vmem_shared>>)
    %dma_wait3A_284 = arith.constant 0 : i32
    %dma_wait3A_285 = arith.constant 15 : i32
    %dma_wait3A_286 = arith.constant 0 : i32
    %dma_wait3A_287 = arith.constant 15 : i32
    %dma_wait3A_288 = arith.constant 0 : i32
    %dma_wait3A_289 = arith.constant 0 : i32
    %dma_wait3A_290 = tpu.memref_slice %arg13[%dma_wait3A_284, %dma_wait3A_285, %dma_wait3A_289] : memref<2x16x128xf32, #tpu.memory_space<vmem>> -> memref<1x1x128xf32, #tpu.memory_space<vmem>>
    %dma_wait3A_291 = tpu.memref_squeeze %dma_wait3A_290 : memref<1x1x128xf32, #tpu.memory_space<vmem>> -> memref<128xf32, #tpu.memory_space<vmem>>
    %dma_wait3A_292 = arith.constant 0 : i32
    %dma_wait3A_293 = tpu.memref_slice %arg12[%dma_wait3A_286, %dma_wait3A_287, %dma_wait3A_292] : memref<2x16x128xi32, #tpu.memory_space<vmem>> -> memref<1x1x128xi32, #tpu.memory_space<vmem>>
    %dma_wait3A_294 = tpu.memref_squeeze %dma_wait3A_293 : memref<1x1x128xi32, #tpu.memory_space<vmem>> -> memref<128xi32, #tpu.memory_space<vmem>>
    %dma_wait3A_295 = arith.constant 0 : i32
    %dma_wait3A_296 = tpu.memref_slice %arg15[%dma_wait3A_295] : memref<100352xf32, #tpu.memory_space<vmem_shared>> -> memref<100352xf32, #tpu.memory_space<vmem_shared>>
    %dma_wait3A_297 = tpu.memref_slice %arg17[%dma_wait3A_288] : memref<2x!tpu.dma_semaphore, #tpu.memory_space<semaphore_mem>> -> memref<1x!tpu.dma_semaphore, #tpu.memory_space<semaphore_mem>>
    %dma_wait3A_298 = tpu.memref_squeeze %dma_wait3A_297 : memref<1x!tpu.dma_semaphore, #tpu.memory_space<semaphore_mem>> -> memref<!tpu.dma_semaphore, #tpu.memory_space<semaphore_mem>>
    tpu.wait_indirect_dma semaphore(%dma_wait3A_298 : memref<!tpu.dma_semaphore, #tpu.memory_space<semaphore_mem>>) src(%dma_wait3A_291 : memref<128xf32, #tpu.memory_space<vmem>>) dst(%dma_wait3A_296 : memref<100352xf32, #tpu.memory_space<vmem_shared>>)
    %dma_wait3A_299 = arith.constant 1 : i32
    %dma_wait3A_300 = arith.constant 0 : i32
    %dma_wait3A_301 = arith.constant 1 : i32
    %dma_wait3A_302 = arith.constant 0 : i32
    %dma_wait3A_303 = arith.constant 1 : i32
    %dma_wait3A_304 = arith.constant 0 : i32
    %dma_wait3A_305 = tpu.memref_slice %arg13[%dma_wait3A_299, %dma_wait3A_300, %dma_wait3A_304] : memref<2x16x128xf32, #tpu.memory_space<vmem>> -> memref<1x1x128xf32, #tpu.memory_space<vmem>>
    %dma_wait3A_306 = tpu.memref_squeeze %dma_wait3A_305 : memref<1x1x128xf32, #tpu.memory_space<vmem>> -> memref<128xf32, #tpu.memory_space<vmem>>
    %dma_wait3A_307 = arith.constant 0 : i32
    %dma_wait3A_308 = tpu.memref_slice %arg12[%dma_wait3A_301, %dma_wait3A_302, %dma_wait3A_307] : memref<2x16x128xi32, #tpu.memory_space<vmem>> -> memref<1x1x128xi32, #tpu.memory_space<vmem>>
    %dma_wait3A_309 = tpu.memref_squeeze %dma_wait3A_308 : memref<1x1x128xi32, #tpu.memory_space<vmem>> -> memref<128xi32, #tpu.memory_space<vmem>>
    %dma_wait3A_310 = arith.constant 0 : i32
    %dma_wait3A_311 = tpu.memref_slice %arg15[%dma_wait3A_310] : memref<100352xf32, #tpu.memory_space<vmem_shared>> -> memref<100352xf32, #tpu.memory_space<vmem_shared>>
    %dma_wait3A_312 = tpu.memref_slice %arg17[%dma_wait3A_303] : memref<2x!tpu.dma_semaphore, #tpu.memory_space<semaphore_mem>> -> memref<1x!tpu.dma_semaphore, #tpu.memory_space<semaphore_mem>>
    %dma_wait3A_313 = tpu.memref_squeeze %dma_wait3A_312 : memref<1x!tpu.dma_semaphore, #tpu.memory_space<semaphore_mem>> -> memref<!tpu.dma_semaphore, #tpu.memory_space<semaphore_mem>>
    tpu.wait_indirect_dma semaphore(%dma_wait3A_313 : memref<!tpu.dma_semaphore, #tpu.memory_space<semaphore_mem>>) src(%dma_wait3A_306 : memref<128xf32, #tpu.memory_space<vmem>>) dst(%dma_wait3A_311 : memref<100352xf32, #tpu.memory_space<vmem_shared>>)
    %dma_wait3A_314 = arith.constant 1 : i32
    %dma_wait3A_315 = arith.constant 1 : i32
    %dma_wait3A_316 = arith.constant 1 : i32
    %dma_wait3A_317 = arith.constant 1 : i32
    %dma_wait3A_318 = arith.constant 1 : i32
    %dma_wait3A_319 = arith.constant 0 : i32
    %dma_wait3A_320 = tpu.memref_slice %arg13[%dma_wait3A_314, %dma_wait3A_315, %dma_wait3A_319] : memref<2x16x128xf32, #tpu.memory_space<vmem>> -> memref<1x1x128xf32, #tpu.memory_space<vmem>>
    %dma_wait3A_321 = tpu.memref_squeeze %dma_wait3A_320 : memref<1x1x128xf32, #tpu.memory_space<vmem>> -> memref<128xf32, #tpu.memory_space<vmem>>
    %dma_wait3A_322 = arith.constant 0 : i32
    %dma_wait3A_323 = tpu.memref_slice %arg12[%dma_wait3A_316, %dma_wait3A_317, %dma_wait3A_322] : memref<2x16x128xi32, #tpu.memory_space<vmem>> -> memref<1x1x128xi32, #tpu.memory_space<vmem>>
    %dma_wait3A_324 = tpu.memref_squeeze %dma_wait3A_323 : memref<1x1x128xi32, #tpu.memory_space<vmem>> -> memref<128xi32, #tpu.memory_space<vmem>>
    %dma_wait3A_325 = arith.constant 0 : i32
    %dma_wait3A_326 = tpu.memref_slice %arg15[%dma_wait3A_325] : memref<100352xf32, #tpu.memory_space<vmem_shared>> -> memref<100352xf32, #tpu.memory_space<vmem_shared>>
    %dma_wait3A_327 = tpu.memref_slice %arg17[%dma_wait3A_318] : memref<2x!tpu.dma_semaphore, #tpu.memory_space<semaphore_mem>> -> memref<1x!tpu.dma_semaphore, #tpu.memory_space<semaphore_mem>>
    %dma_wait3A_328 = tpu.memref_squeeze %dma_wait3A_327 : memref<1x!tpu.dma_semaphore, #tpu.memory_space<semaphore_mem>> -> memref<!tpu.dma_semaphore, #tpu.memory_space<semaphore_mem>>
    tpu.wait_indirect_dma semaphore(%dma_wait3A_328 : memref<!tpu.dma_semaphore, #tpu.memory_space<semaphore_mem>>) src(%dma_wait3A_321 : memref<128xf32, #tpu.memory_space<vmem>>) dst(%dma_wait3A_326 : memref<100352xf32, #tpu.memory_space<vmem_shared>>)
    %dma_wait3A_329 = arith.constant 1 : i32
    %dma_wait3A_330 = arith.constant 2 : i32
    %dma_wait3A_331 = arith.constant 1 : i32
    %dma_wait3A_332 = arith.constant 2 : i32
    %dma_wait3A_333 = arith.constant 1 : i32
    %dma_wait3A_334 = arith.constant 0 : i32
    %dma_wait3A_335 = tpu.memref_slice %arg13[%dma_wait3A_329, %dma_wait3A_330, %dma_wait3A_334] : memref<2x16x128xf32, #tpu.memory_space<vmem>> -> memref<1x1x128xf32, #tpu.memory_space<vmem>>
    %dma_wait3A_336 = tpu.memref_squeeze %dma_wait3A_335 : memref<1x1x128xf32, #tpu.memory_space<vmem>> -> memref<128xf32, #tpu.memory_space<vmem>>
    %dma_wait3A_337 = arith.constant 0 : i32
    %dma_wait3A_338 = tpu.memref_slice %arg12[%dma_wait3A_331, %dma_wait3A_332, %dma_wait3A_337] : memref<2x16x128xi32, #tpu.memory_space<vmem>> -> memref<1x1x128xi32, #tpu.memory_space<vmem>>
    %dma_wait3A_339 = tpu.memref_squeeze %dma_wait3A_338 : memref<1x1x128xi32, #tpu.memory_space<vmem>> -> memref<128xi32, #tpu.memory_space<vmem>>
    %dma_wait3A_340 = arith.constant 0 : i32
    %dma_wait3A_341 = tpu.memref_slice %arg15[%dma_wait3A_340] : memref<100352xf32, #tpu.memory_space<vmem_shared>> -> memref<100352xf32, #tpu.memory_space<vmem_shared>>
    %dma_wait3A_342 = tpu.memref_slice %arg17[%dma_wait3A_333] : memref<2x!tpu.dma_semaphore, #tpu.memory_space<semaphore_mem>> -> memref<1x!tpu.dma_semaphore, #tpu.memory_space<semaphore_mem>>
    %dma_wait3A_343 = tpu.memref_squeeze %dma_wait3A_342 : memref<1x!tpu.dma_semaphore, #tpu.memory_space<semaphore_mem>> -> memref<!tpu.dma_semaphore, #tpu.memory_space<semaphore_mem>>
    tpu.wait_indirect_dma semaphore(%dma_wait3A_343 : memref<!tpu.dma_semaphore, #tpu.memory_space<semaphore_mem>>) src(%dma_wait3A_336 : memref<128xf32, #tpu.memory_space<vmem>>) dst(%dma_wait3A_341 : memref<100352xf32, #tpu.memory_space<vmem_shared>>)
    %dma_wait3A_344 = arith.constant 1 : i32
    %dma_wait3A_345 = arith.constant 3 : i32
    %dma_wait3A_346 = arith.constant 1 : i32
    %dma_wait3A_347 = arith.constant 3 : i32
    %dma_wait3A_348 = arith.constant 1 : i32
    %dma_wait3A_349 = arith.constant 0 : i32
    %dma_wait3A_350 = tpu.memref_slice %arg13[%dma_wait3A_344, %dma_wait3A_345, %dma_wait3A_349] : memref<2x16x128xf32, #tpu.memory_space<vmem>> -> memref<1x1x128xf32, #tpu.memory_space<vmem>>
    %dma_wait3A_351 = tpu.memref_squeeze %dma_wait3A_350 : memref<1x1x128xf32, #tpu.memory_space<vmem>> -> memref<128xf32, #tpu.memory_space<vmem>>
    %dma_wait3A_352 = arith.constant 0 : i32
    %dma_wait3A_353 = tpu.memref_slice %arg12[%dma_wait3A_346, %dma_wait3A_347, %dma_wait3A_352] : memref<2x16x128xi32, #tpu.memory_space<vmem>> -> memref<1x1x128xi32, #tpu.memory_space<vmem>>
    %dma_wait3A_354 = tpu.memref_squeeze %dma_wait3A_353 : memref<1x1x128xi32, #tpu.memory_space<vmem>> -> memref<128xi32, #tpu.memory_space<vmem>>
    %dma_wait3A_355 = arith.constant 0 : i32
    %dma_wait3A_356 = tpu.memref_slice %arg15[%dma_wait3A_355] : memref<100352xf32, #tpu.memory_space<vmem_shared>> -> memref<100352xf32, #tpu.memory_space<vmem_shared>>
    %dma_wait3A_357 = tpu.memref_slice %arg17[%dma_wait3A_348] : memref<2x!tpu.dma_semaphore, #tpu.memory_space<semaphore_mem>> -> memref<1x!tpu.dma_semaphore, #tpu.memory_space<semaphore_mem>>
    %dma_wait3A_358 = tpu.memref_squeeze %dma_wait3A_357 : memref<1x!tpu.dma_semaphore, #tpu.memory_space<semaphore_mem>> -> memref<!tpu.dma_semaphore, #tpu.memory_space<semaphore_mem>>
    tpu.wait_indirect_dma semaphore(%dma_wait3A_358 : memref<!tpu.dma_semaphore, #tpu.memory_space<semaphore_mem>>) src(%dma_wait3A_351 : memref<128xf32, #tpu.memory_space<vmem>>) dst(%dma_wait3A_356 : memref<100352xf32, #tpu.memory_space<vmem_shared>>)
    %dma_wait3A_359 = arith.constant 1 : i32
    %dma_wait3A_360 = arith.constant 4 : i32
    %dma_wait3A_361 = arith.constant 1 : i32
    %dma_wait3A_362 = arith.constant 4 : i32
    %dma_wait3A_363 = arith.constant 1 : i32
    %dma_wait3A_364 = arith.constant 0 : i32
    %dma_wait3A_365 = tpu.memref_slice %arg13[%dma_wait3A_359, %dma_wait3A_360, %dma_wait3A_364] : memref<2x16x128xf32, #tpu.memory_space<vmem>> -> memref<1x1x128xf32, #tpu.memory_space<vmem>>
    %dma_wait3A_366 = tpu.memref_squeeze %dma_wait3A_365 : memref<1x1x128xf32, #tpu.memory_space<vmem>> -> memref<128xf32, #tpu.memory_space<vmem>>
    %dma_wait3A_367 = arith.constant 0 : i32
    %dma_wait3A_368 = tpu.memref_slice %arg12[%dma_wait3A_361, %dma_wait3A_362, %dma_wait3A_367] : memref<2x16x128xi32, #tpu.memory_space<vmem>> -> memref<1x1x128xi32, #tpu.memory_space<vmem>>
    %dma_wait3A_369 = tpu.memref_squeeze %dma_wait3A_368 : memref<1x1x128xi32, #tpu.memory_space<vmem>> -> memref<128xi32, #tpu.memory_space<vmem>>
    %dma_wait3A_370 = arith.constant 0 : i32
    %dma_wait3A_371 = tpu.memref_slice %arg15[%dma_wait3A_370] : memref<100352xf32, #tpu.memory_space<vmem_shared>> -> memref<100352xf32, #tpu.memory_space<vmem_shared>>
    %dma_wait3A_372 = tpu.memref_slice %arg17[%dma_wait3A_363] : memref<2x!tpu.dma_semaphore, #tpu.memory_space<semaphore_mem>> -> memref<1x!tpu.dma_semaphore, #tpu.memory_space<semaphore_mem>>
    %dma_wait3A_373 = tpu.memref_squeeze %dma_wait3A_372 : memref<1x!tpu.dma_semaphore, #tpu.memory_space<semaphore_mem>> -> memref<!tpu.dma_semaphore, #tpu.memory_space<semaphore_mem>>
    tpu.wait_indirect_dma semaphore(%dma_wait3A_373 : memref<!tpu.dma_semaphore, #tpu.memory_space<semaphore_mem>>) src(%dma_wait3A_366 : memref<128xf32, #tpu.memory_space<vmem>>) dst(%dma_wait3A_371 : memref<100352xf32, #tpu.memory_space<vmem_shared>>)
    %dma_wait3A_374 = arith.constant 1 : i32
    %dma_wait3A_375 = arith.constant 5 : i32
    %dma_wait3A_376 = arith.constant 1 : i32
    %dma_wait3A_377 = arith.constant 5 : i32
    %dma_wait3A_378 = arith.constant 1 : i32
    %dma_wait3A_379 = arith.constant 0 : i32
    %dma_wait3A_380 = tpu.memref_slice %arg13[%dma_wait3A_374, %dma_wait3A_375, %dma_wait3A_379] : memref<2x16x128xf32, #tpu.memory_space<vmem>> -> memref<1x1x128xf32, #tpu.memory_space<vmem>>
    %dma_wait3A_381 = tpu.memref_squeeze %dma_wait3A_380 : memref<1x1x128xf32, #tpu.memory_space<vmem>> -> memref<128xf32, #tpu.memory_space<vmem>>
    %dma_wait3A_382 = arith.constant 0 : i32
    %dma_wait3A_383 = tpu.memref_slice %arg12[%dma_wait3A_376, %dma_wait3A_377, %dma_wait3A_382] : memref<2x16x128xi32, #tpu.memory_space<vmem>> -> memref<1x1x128xi32, #tpu.memory_space<vmem>>
    %dma_wait3A_384 = tpu.memref_squeeze %dma_wait3A_383 : memref<1x1x128xi32, #tpu.memory_space<vmem>> -> memref<128xi32, #tpu.memory_space<vmem>>
    %dma_wait3A_385 = arith.constant 0 : i32
    %dma_wait3A_386 = tpu.memref_slice %arg15[%dma_wait3A_385] : memref<100352xf32, #tpu.memory_space<vmem_shared>> -> memref<100352xf32, #tpu.memory_space<vmem_shared>>
    %dma_wait3A_387 = tpu.memref_slice %arg17[%dma_wait3A_378] : memref<2x!tpu.dma_semaphore, #tpu.memory_space<semaphore_mem>> -> memref<1x!tpu.dma_semaphore, #tpu.memory_space<semaphore_mem>>
    %dma_wait3A_388 = tpu.memref_squeeze %dma_wait3A_387 : memref<1x!tpu.dma_semaphore, #tpu.memory_space<semaphore_mem>> -> memref<!tpu.dma_semaphore, #tpu.memory_space<semaphore_mem>>
    tpu.wait_indirect_dma semaphore(%dma_wait3A_388 : memref<!tpu.dma_semaphore, #tpu.memory_space<semaphore_mem>>) src(%dma_wait3A_381 : memref<128xf32, #tpu.memory_space<vmem>>) dst(%dma_wait3A_386 : memref<100352xf32, #tpu.memory_space<vmem_shared>>)
    %dma_wait3A_389 = arith.constant 1 : i32
    %dma_wait3A_390 = arith.constant 6 : i32
    %dma_wait3A_391 = arith.constant 1 : i32
    %dma_wait3A_392 = arith.constant 6 : i32
    %dma_wait3A_393 = arith.constant 1 : i32
    %dma_wait3A_394 = arith.constant 0 : i32
    %dma_wait3A_395 = tpu.memref_slice %arg13[%dma_wait3A_389, %dma_wait3A_390, %dma_wait3A_394] : memref<2x16x128xf32, #tpu.memory_space<vmem>> -> memref<1x1x128xf32, #tpu.memory_space<vmem>>
    %dma_wait3A_396 = tpu.memref_squeeze %dma_wait3A_395 : memref<1x1x128xf32, #tpu.memory_space<vmem>> -> memref<128xf32, #tpu.memory_space<vmem>>
    %dma_wait3A_397 = arith.constant 0 : i32
    %dma_wait3A_398 = tpu.memref_slice %arg12[%dma_wait3A_391, %dma_wait3A_392, %dma_wait3A_397] : memref<2x16x128xi32, #tpu.memory_space<vmem>> -> memref<1x1x128xi32, #tpu.memory_space<vmem>>
    %dma_wait3A_399 = tpu.memref_squeeze %dma_wait3A_398 : memref<1x1x128xi32, #tpu.memory_space<vmem>> -> memref<128xi32, #tpu.memory_space<vmem>>
    %dma_wait3A_400 = arith.constant 0 : i32
    %dma_wait3A_401 = tpu.memref_slice %arg15[%dma_wait3A_400] : memref<100352xf32, #tpu.memory_space<vmem_shared>> -> memref<100352xf32, #tpu.memory_space<vmem_shared>>
    %dma_wait3A_402 = tpu.memref_slice %arg17[%dma_wait3A_393] : memref<2x!tpu.dma_semaphore, #tpu.memory_space<semaphore_mem>> -> memref<1x!tpu.dma_semaphore, #tpu.memory_space<semaphore_mem>>
    %dma_wait3A_403 = tpu.memref_squeeze %dma_wait3A_402 : memref<1x!tpu.dma_semaphore, #tpu.memory_space<semaphore_mem>> -> memref<!tpu.dma_semaphore, #tpu.memory_space<semaphore_mem>>
    tpu.wait_indirect_dma semaphore(%dma_wait3A_403 : memref<!tpu.dma_semaphore, #tpu.memory_space<semaphore_mem>>) src(%dma_wait3A_396 : memref<128xf32, #tpu.memory_space<vmem>>) dst(%dma_wait3A_401 : memref<100352xf32, #tpu.memory_space<vmem_shared>>)
    %dma_wait3A_404 = arith.constant 1 : i32
    %dma_wait3A_405 = arith.constant 7 : i32
    %dma_wait3A_406 = arith.constant 1 : i32
    %dma_wait3A_407 = arith.constant 7 : i32
    %dma_wait3A_408 = arith.constant 1 : i32
    %dma_wait3A_409 = arith.constant 0 : i32
    %dma_wait3A_410 = tpu.memref_slice %arg13[%dma_wait3A_404, %dma_wait3A_405, %dma_wait3A_409] : memref<2x16x128xf32, #tpu.memory_space<vmem>> -> memref<1x1x128xf32, #tpu.memory_space<vmem>>
    %dma_wait3A_411 = tpu.memref_squeeze %dma_wait3A_410 : memref<1x1x128xf32, #tpu.memory_space<vmem>> -> memref<128xf32, #tpu.memory_space<vmem>>
    %dma_wait3A_412 = arith.constant 0 : i32
    %dma_wait3A_413 = tpu.memref_slice %arg12[%dma_wait3A_406, %dma_wait3A_407, %dma_wait3A_412] : memref<2x16x128xi32, #tpu.memory_space<vmem>> -> memref<1x1x128xi32, #tpu.memory_space<vmem>>
    %dma_wait3A_414 = tpu.memref_squeeze %dma_wait3A_413 : memref<1x1x128xi32, #tpu.memory_space<vmem>> -> memref<128xi32, #tpu.memory_space<vmem>>
    %dma_wait3A_415 = arith.constant 0 : i32
    %dma_wait3A_416 = tpu.memref_slice %arg15[%dma_wait3A_415] : memref<100352xf32, #tpu.memory_space<vmem_shared>> -> memref<100352xf32, #tpu.memory_space<vmem_shared>>
    %dma_wait3A_417 = tpu.memref_slice %arg17[%dma_wait3A_408] : memref<2x!tpu.dma_semaphore, #tpu.memory_space<semaphore_mem>> -> memref<1x!tpu.dma_semaphore, #tpu.memory_space<semaphore_mem>>
    %dma_wait3A_418 = tpu.memref_squeeze %dma_wait3A_417 : memref<1x!tpu.dma_semaphore, #tpu.memory_space<semaphore_mem>> -> memref<!tpu.dma_semaphore, #tpu.memory_space<semaphore_mem>>
    tpu.wait_indirect_dma semaphore(%dma_wait3A_418 : memref<!tpu.dma_semaphore, #tpu.memory_space<semaphore_mem>>) src(%dma_wait3A_411 : memref<128xf32, #tpu.memory_space<vmem>>) dst(%dma_wait3A_416 : memref<100352xf32, #tpu.memory_space<vmem_shared>>)
    %dma_wait3A_419 = arith.constant 1 : i32
    %dma_wait3A_420 = arith.constant 8 : i32
    %dma_wait3A_421 = arith.constant 1 : i32
    %dma_wait3A_422 = arith.constant 8 : i32
    %dma_wait3A_423 = arith.constant 1 : i32
    %dma_wait3A_424 = arith.constant 0 : i32
    %dma_wait3A_425 = tpu.memref_slice %arg13[%dma_wait3A_419, %dma_wait3A_420, %dma_wait3A_424] : memref<2x16x128xf32, #tpu.memory_space<vmem>> -> memref<1x1x128xf32, #tpu.memory_space<vmem>>
    %dma_wait3A_426 = tpu.memref_squeeze %dma_wait3A_425 : memref<1x1x128xf32, #tpu.memory_space<vmem>> -> memref<128xf32, #tpu.memory_space<vmem>>
    %dma_wait3A_427 = arith.constant 0 : i32
    %dma_wait3A_428 = tpu.memref_slice %arg12[%dma_wait3A_421, %dma_wait3A_422, %dma_wait3A_427] : memref<2x16x128xi32, #tpu.memory_space<vmem>> -> memref<1x1x128xi32, #tpu.memory_space<vmem>>
    %dma_wait3A_429 = tpu.memref_squeeze %dma_wait3A_428 : memref<1x1x128xi32, #tpu.memory_space<vmem>> -> memref<128xi32, #tpu.memory_space<vmem>>
    %dma_wait3A_430 = arith.constant 0 : i32
    %dma_wait3A_431 = tpu.memref_slice %arg15[%dma_wait3A_430] : memref<100352xf32, #tpu.memory_space<vmem_shared>> -> memref<100352xf32, #tpu.memory_space<vmem_shared>>
    %dma_wait3A_432 = tpu.memref_slice %arg17[%dma_wait3A_423] : memref<2x!tpu.dma_semaphore, #tpu.memory_space<semaphore_mem>> -> memref<1x!tpu.dma_semaphore, #tpu.memory_space<semaphore_mem>>
    %dma_wait3A_433 = tpu.memref_squeeze %dma_wait3A_432 : memref<1x!tpu.dma_semaphore, #tpu.memory_space<semaphore_mem>> -> memref<!tpu.dma_semaphore, #tpu.memory_space<semaphore_mem>>
    tpu.wait_indirect_dma semaphore(%dma_wait3A_433 : memref<!tpu.dma_semaphore, #tpu.memory_space<semaphore_mem>>) src(%dma_wait3A_426 : memref<128xf32, #tpu.memory_space<vmem>>) dst(%dma_wait3A_431 : memref<100352xf32, #tpu.memory_space<vmem_shared>>)
    %dma_wait3A_434 = arith.constant 1 : i32
    %dma_wait3A_435 = arith.constant 9 : i32
    %dma_wait3A_436 = arith.constant 1 : i32
    %dma_wait3A_437 = arith.constant 9 : i32
    %dma_wait3A_438 = arith.constant 1 : i32
    %dma_wait3A_439 = arith.constant 0 : i32
    %dma_wait3A_440 = tpu.memref_slice %arg13[%dma_wait3A_434, %dma_wait3A_435, %dma_wait3A_439] : memref<2x16x128xf32, #tpu.memory_space<vmem>> -> memref<1x1x128xf32, #tpu.memory_space<vmem>>
    %dma_wait3A_441 = tpu.memref_squeeze %dma_wait3A_440 : memref<1x1x128xf32, #tpu.memory_space<vmem>> -> memref<128xf32, #tpu.memory_space<vmem>>
    %dma_wait3A_442 = arith.constant 0 : i32
    %dma_wait3A_443 = tpu.memref_slice %arg12[%dma_wait3A_436, %dma_wait3A_437, %dma_wait3A_442] : memref<2x16x128xi32, #tpu.memory_space<vmem>> -> memref<1x1x128xi32, #tpu.memory_space<vmem>>
    %dma_wait3A_444 = tpu.memref_squeeze %dma_wait3A_443 : memref<1x1x128xi32, #tpu.memory_space<vmem>> -> memref<128xi32, #tpu.memory_space<vmem>>
    %dma_wait3A_445 = arith.constant 0 : i32
    %dma_wait3A_446 = tpu.memref_slice %arg15[%dma_wait3A_445] : memref<100352xf32, #tpu.memory_space<vmem_shared>> -> memref<100352xf32, #tpu.memory_space<vmem_shared>>
    %dma_wait3A_447 = tpu.memref_slice %arg17[%dma_wait3A_438] : memref<2x!tpu.dma_semaphore, #tpu.memory_space<semaphore_mem>> -> memref<1x!tpu.dma_semaphore, #tpu.memory_space<semaphore_mem>>
    %dma_wait3A_448 = tpu.memref_squeeze %dma_wait3A_447 : memref<1x!tpu.dma_semaphore, #tpu.memory_space<semaphore_mem>> -> memref<!tpu.dma_semaphore, #tpu.memory_space<semaphore_mem>>
    tpu.wait_indirect_dma semaphore(%dma_wait3A_448 : memref<!tpu.dma_semaphore, #tpu.memory_space<semaphore_mem>>) src(%dma_wait3A_441 : memref<128xf32, #tpu.memory_space<vmem>>) dst(%dma_wait3A_446 : memref<100352xf32, #tpu.memory_space<vmem_shared>>)
    %dma_wait3A_449 = arith.constant 1 : i32
    %dma_wait3A_450 = arith.constant 10 : i32
    %dma_wait3A_451 = arith.constant 1 : i32
    %dma_wait3A_452 = arith.constant 10 : i32
    %dma_wait3A_453 = arith.constant 1 : i32
    %dma_wait3A_454 = arith.constant 0 : i32
    %dma_wait3A_455 = tpu.memref_slice %arg13[%dma_wait3A_449, %dma_wait3A_450, %dma_wait3A_454] : memref<2x16x128xf32, #tpu.memory_space<vmem>> -> memref<1x1x128xf32, #tpu.memory_space<vmem>>
    %dma_wait3A_456 = tpu.memref_squeeze %dma_wait3A_455 : memref<1x1x128xf32, #tpu.memory_space<vmem>> -> memref<128xf32, #tpu.memory_space<vmem>>
    %dma_wait3A_457 = arith.constant 0 : i32
    %dma_wait3A_458 = tpu.memref_slice %arg12[%dma_wait3A_451, %dma_wait3A_452, %dma_wait3A_457] : memref<2x16x128xi32, #tpu.memory_space<vmem>> -> memref<1x1x128xi32, #tpu.memory_space<vmem>>
    %dma_wait3A_459 = tpu.memref_squeeze %dma_wait3A_458 : memref<1x1x128xi32, #tpu.memory_space<vmem>> -> memref<128xi32, #tpu.memory_space<vmem>>
    %dma_wait3A_460 = arith.constant 0 : i32
    %dma_wait3A_461 = tpu.memref_slice %arg15[%dma_wait3A_460] : memref<100352xf32, #tpu.memory_space<vmem_shared>> -> memref<100352xf32, #tpu.memory_space<vmem_shared>>
    %dma_wait3A_462 = tpu.memref_slice %arg17[%dma_wait3A_453] : memref<2x!tpu.dma_semaphore, #tpu.memory_space<semaphore_mem>> -> memref<1x!tpu.dma_semaphore, #tpu.memory_space<semaphore_mem>>
    %dma_wait3A_463 = tpu.memref_squeeze %dma_wait3A_462 : memref<1x!tpu.dma_semaphore, #tpu.memory_space<semaphore_mem>> -> memref<!tpu.dma_semaphore, #tpu.memory_space<semaphore_mem>>
    tpu.wait_indirect_dma semaphore(%dma_wait3A_463 : memref<!tpu.dma_semaphore, #tpu.memory_space<semaphore_mem>>) src(%dma_wait3A_456 : memref<128xf32, #tpu.memory_space<vmem>>) dst(%dma_wait3A_461 : memref<100352xf32, #tpu.memory_space<vmem_shared>>)
    %dma_wait3A_464 = arith.constant 1 : i32
    %dma_wait3A_465 = arith.constant 11 : i32
    %dma_wait3A_466 = arith.constant 1 : i32
    %dma_wait3A_467 = arith.constant 11 : i32
    %dma_wait3A_468 = arith.constant 1 : i32
    %dma_wait3A_469 = arith.constant 0 : i32
    %dma_wait3A_470 = tpu.memref_slice %arg13[%dma_wait3A_464, %dma_wait3A_465, %dma_wait3A_469] : memref<2x16x128xf32, #tpu.memory_space<vmem>> -> memref<1x1x128xf32, #tpu.memory_space<vmem>>
    %dma_wait3A_471 = tpu.memref_squeeze %dma_wait3A_470 : memref<1x1x128xf32, #tpu.memory_space<vmem>> -> memref<128xf32, #tpu.memory_space<vmem>>
    %dma_wait3A_472 = arith.constant 0 : i32
    %dma_wait3A_473 = tpu.memref_slice %arg12[%dma_wait3A_466, %dma_wait3A_467, %dma_wait3A_472] : memref<2x16x128xi32, #tpu.memory_space<vmem>> -> memref<1x1x128xi32, #tpu.memory_space<vmem>>
    %dma_wait3A_474 = tpu.memref_squeeze %dma_wait3A_473 : memref<1x1x128xi32, #tpu.memory_space<vmem>> -> memref<128xi32, #tpu.memory_space<vmem>>
    %dma_wait3A_475 = arith.constant 0 : i32
    %dma_wait3A_476 = tpu.memref_slice %arg15[%dma_wait3A_475] : memref<100352xf32, #tpu.memory_space<vmem_shared>> -> memref<100352xf32, #tpu.memory_space<vmem_shared>>
    %dma_wait3A_477 = tpu.memref_slice %arg17[%dma_wait3A_468] : memref<2x!tpu.dma_semaphore, #tpu.memory_space<semaphore_mem>> -> memref<1x!tpu.dma_semaphore, #tpu.memory_space<semaphore_mem>>
    %dma_wait3A_478 = tpu.memref_squeeze %dma_wait3A_477 : memref<1x!tpu.dma_semaphore, #tpu.memory_space<semaphore_mem>> -> memref<!tpu.dma_semaphore, #tpu.memory_space<semaphore_mem>>
    tpu.wait_indirect_dma semaphore(%dma_wait3A_478 : memref<!tpu.dma_semaphore, #tpu.memory_space<semaphore_mem>>) src(%dma_wait3A_471 : memref<128xf32, #tpu.memory_space<vmem>>) dst(%dma_wait3A_476 : memref<100352xf32, #tpu.memory_space<vmem_shared>>)
    %dma_wait3A_479 = arith.constant 1 : i32
    %dma_wait3A_480 = arith.constant 12 : i32
    %dma_wait3A_481 = arith.constant 1 : i32
    %dma_wait3A_482 = arith.constant 12 : i32
    %dma_wait3A_483 = arith.constant 1 : i32
    %dma_wait3A_484 = arith.constant 0 : i32
    %dma_wait3A_485 = tpu.memref_slice %arg13[%dma_wait3A_479, %dma_wait3A_480, %dma_wait3A_484] : memref<2x16x128xf32, #tpu.memory_space<vmem>> -> memref<1x1x128xf32, #tpu.memory_space<vmem>>
    %dma_wait3A_486 = tpu.memref_squeeze %dma_wait3A_485 : memref<1x1x128xf32, #tpu.memory_space<vmem>> -> memref<128xf32, #tpu.memory_space<vmem>>
    %dma_wait3A_487 = arith.constant 0 : i32
    %dma_wait3A_488 = tpu.memref_slice %arg12[%dma_wait3A_481, %dma_wait3A_482, %dma_wait3A_487] : memref<2x16x128xi32, #tpu.memory_space<vmem>> -> memref<1x1x128xi32, #tpu.memory_space<vmem>>
    %dma_wait3A_489 = tpu.memref_squeeze %dma_wait3A_488 : memref<1x1x128xi32, #tpu.memory_space<vmem>> -> memref<128xi32, #tpu.memory_space<vmem>>
    %dma_wait3A_490 = arith.constant 0 : i32
    %dma_wait3A_491 = tpu.memref_slice %arg15[%dma_wait3A_490] : memref<100352xf32, #tpu.memory_space<vmem_shared>> -> memref<100352xf32, #tpu.memory_space<vmem_shared>>
    %dma_wait3A_492 = tpu.memref_slice %arg17[%dma_wait3A_483] : memref<2x!tpu.dma_semaphore, #tpu.memory_space<semaphore_mem>> -> memref<1x!tpu.dma_semaphore, #tpu.memory_space<semaphore_mem>>
    %dma_wait3A_493 = tpu.memref_squeeze %dma_wait3A_492 : memref<1x!tpu.dma_semaphore, #tpu.memory_space<semaphore_mem>> -> memref<!tpu.dma_semaphore, #tpu.memory_space<semaphore_mem>>
    tpu.wait_indirect_dma semaphore(%dma_wait3A_493 : memref<!tpu.dma_semaphore, #tpu.memory_space<semaphore_mem>>) src(%dma_wait3A_486 : memref<128xf32, #tpu.memory_space<vmem>>) dst(%dma_wait3A_491 : memref<100352xf32, #tpu.memory_space<vmem_shared>>)
    %dma_wait3A_494 = arith.constant 1 : i32
    %dma_wait3A_495 = arith.constant 13 : i32
    %dma_wait3A_496 = arith.constant 1 : i32
    %dma_wait3A_497 = arith.constant 13 : i32
    %dma_wait3A_498 = arith.constant 1 : i32
    %dma_wait3A_499 = arith.constant 0 : i32
    %dma_wait3A_500 = tpu.memref_slice %arg13[%dma_wait3A_494, %dma_wait3A_495, %dma_wait3A_499] : memref<2x16x128xf32, #tpu.memory_space<vmem>> -> memref<1x1x128xf32, #tpu.memory_space<vmem>>
    %dma_wait3A_501 = tpu.memref_squeeze %dma_wait3A_500 : memref<1x1x128xf32, #tpu.memory_space<vmem>> -> memref<128xf32, #tpu.memory_space<vmem>>
    %dma_wait3A_502 = arith.constant 0 : i32
    %dma_wait3A_503 = tpu.memref_slice %arg12[%dma_wait3A_496, %dma_wait3A_497, %dma_wait3A_502] : memref<2x16x128xi32, #tpu.memory_space<vmem>> -> memref<1x1x128xi32, #tpu.memory_space<vmem>>
    %dma_wait3A_504 = tpu.memref_squeeze %dma_wait3A_503 : memref<1x1x128xi32, #tpu.memory_space<vmem>> -> memref<128xi32, #tpu.memory_space<vmem>>
    %dma_wait3A_505 = arith.constant 0 : i32
    %dma_wait3A_506 = tpu.memref_slice %arg15[%dma_wait3A_505] : memref<100352xf32, #tpu.memory_space<vmem_shared>> -> memref<100352xf32, #tpu.memory_space<vmem_shared>>
    %dma_wait3A_507 = tpu.memref_slice %arg17[%dma_wait3A_498] : memref<2x!tpu.dma_semaphore, #tpu.memory_space<semaphore_mem>> -> memref<1x!tpu.dma_semaphore, #tpu.memory_space<semaphore_mem>>
    %dma_wait3A_508 = tpu.memref_squeeze %dma_wait3A_507 : memref<1x!tpu.dma_semaphore, #tpu.memory_space<semaphore_mem>> -> memref<!tpu.dma_semaphore, #tpu.memory_space<semaphore_mem>>
    tpu.wait_indirect_dma semaphore(%dma_wait3A_508 : memref<!tpu.dma_semaphore, #tpu.memory_space<semaphore_mem>>) src(%dma_wait3A_501 : memref<128xf32, #tpu.memory_space<vmem>>) dst(%dma_wait3A_506 : memref<100352xf32, #tpu.memory_space<vmem_shared>>)
    %dma_wait3A_509 = arith.constant 1 : i32
    %dma_wait3A_510 = arith.constant 14 : i32
    %dma_wait3A_511 = arith.constant 1 : i32
    %dma_wait3A_512 = arith.constant 14 : i32
    %dma_wait3A_513 = arith.constant 1 : i32
    %dma_wait3A_514 = arith.constant 0 : i32
    %dma_wait3A_515 = tpu.memref_slice %arg13[%dma_wait3A_509, %dma_wait3A_510, %dma_wait3A_514] : memref<2x16x128xf32, #tpu.memory_space<vmem>> -> memref<1x1x128xf32, #tpu.memory_space<vmem>>
    %dma_wait3A_516 = tpu.memref_squeeze %dma_wait3A_515 : memref<1x1x128xf32, #tpu.memory_space<vmem>> -> memref<128xf32, #tpu.memory_space<vmem>>
    %dma_wait3A_517 = arith.constant 0 : i32
    %dma_wait3A_518 = tpu.memref_slice %arg12[%dma_wait3A_511, %dma_wait3A_512, %dma_wait3A_517] : memref<2x16x128xi32, #tpu.memory_space<vmem>> -> memref<1x1x128xi32, #tpu.memory_space<vmem>>
    %dma_wait3A_519 = tpu.memref_squeeze %dma_wait3A_518 : memref<1x1x128xi32, #tpu.memory_space<vmem>> -> memref<128xi32, #tpu.memory_space<vmem>>
    %dma_wait3A_520 = arith.constant 0 : i32
    %dma_wait3A_521 = tpu.memref_slice %arg15[%dma_wait3A_520] : memref<100352xf32, #tpu.memory_space<vmem_shared>> -> memref<100352xf32, #tpu.memory_space<vmem_shared>>
    %dma_wait3A_522 = tpu.memref_slice %arg17[%dma_wait3A_513] : memref<2x!tpu.dma_semaphore, #tpu.memory_space<semaphore_mem>> -> memref<1x!tpu.dma_semaphore, #tpu.memory_space<semaphore_mem>>
    %dma_wait3A_523 = tpu.memref_squeeze %dma_wait3A_522 : memref<1x!tpu.dma_semaphore, #tpu.memory_space<semaphore_mem>> -> memref<!tpu.dma_semaphore, #tpu.memory_space<semaphore_mem>>
    tpu.wait_indirect_dma semaphore(%dma_wait3A_523 : memref<!tpu.dma_semaphore, #tpu.memory_space<semaphore_mem>>) src(%dma_wait3A_516 : memref<128xf32, #tpu.memory_space<vmem>>) dst(%dma_wait3A_521 : memref<100352xf32, #tpu.memory_space<vmem_shared>>)
    %dma_wait3A_524 = arith.constant 1 : i32
    %dma_wait3A_525 = arith.constant 15 : i32
    %dma_wait3A_526 = arith.constant 1 : i32
    %dma_wait3A_527 = arith.constant 15 : i32
    %dma_wait3A_528 = arith.constant 1 : i32
    %dma_wait3A_529 = arith.constant 0 : i32
    %dma_wait3A_530 = tpu.memref_slice %arg13[%dma_wait3A_524, %dma_wait3A_525, %dma_wait3A_529] : memref<2x16x128xf32, #tpu.memory_space<vmem>> -> memref<1x1x128xf32, #tpu.memory_space<vmem>>
    %dma_wait3A_531 = tpu.memref_squeeze %dma_wait3A_530 : memref<1x1x128xf32, #tpu.memory_space<vmem>> -> memref<128xf32, #tpu.memory_space<vmem>>
    %dma_wait3A_532 = arith.constant 0 : i32
    %dma_wait3A_533 = tpu.memref_slice %arg12[%dma_wait3A_526, %dma_wait3A_527, %dma_wait3A_532] : memref<2x16x128xi32, #tpu.memory_space<vmem>> -> memref<1x1x128xi32, #tpu.memory_space<vmem>>
    %dma_wait3A_534 = tpu.memref_squeeze %dma_wait3A_533 : memref<1x1x128xi32, #tpu.memory_space<vmem>> -> memref<128xi32, #tpu.memory_space<vmem>>
    %dma_wait3A_535 = arith.constant 0 : i32
    %dma_wait3A_536 = tpu.memref_slice %arg15[%dma_wait3A_535] : memref<100352xf32, #tpu.memory_space<vmem_shared>> -> memref<100352xf32, #tpu.memory_space<vmem_shared>>
    %dma_wait3A_537 = tpu.memref_slice %arg17[%dma_wait3A_528] : memref<2x!tpu.dma_semaphore, #tpu.memory_space<semaphore_mem>> -> memref<1x!tpu.dma_semaphore, #tpu.memory_space<semaphore_mem>>
    %dma_wait3A_538 = tpu.memref_squeeze %dma_wait3A_537 : memref<1x!tpu.dma_semaphore, #tpu.memory_space<semaphore_mem>> -> memref<!tpu.dma_semaphore, #tpu.memory_space<semaphore_mem>>
    tpu.wait_indirect_dma semaphore(%dma_wait3A_538 : memref<!tpu.dma_semaphore, #tpu.memory_space<semaphore_mem>>) src(%dma_wait3A_531 : memref<128xf32, #tpu.memory_space<vmem>>) dst(%dma_wait3A_536 : memref<100352xf32, #tpu.memory_space<vmem_shared>>)
    %barrier3A_539 = arith.constant 0 : index
    tpu.barrier barrier_id(%barrier3A_539)
    %lt3A_540 = arith.constant 15 : i32
    %lt3A_541 = arith.cmpi slt, %arg1, %lt3A_540 : i32
    %convert_element_type3A_542 = arith.extui %lt3A_541 : i1 to i32
    %cond3A_543 = arith.constant 0 : i32
    %cond3A_544 = arith.cmpi ne, %convert_element_type3A_542, %cond3A_543 : i32
    scf.if %cond3A_544 {
      %mul3A_550 = arith.constant 6400 : i32
      %mul3A_551 = arith.muli %arg1, %mul3A_550 : i32
      %mul3A_552 = arith.constant 6400 : i32
      %mul3A_553 = arith.muli %arg1, %mul3A_552 : i32
      "tpu.region"() ({
        %run_scoped3A = tpu.sem_alloc : memref<!tpu.dma_semaphore, #tpu.memory_space<semaphore_mem>>
        %dma_start3A_554 = tpu.memref_slice %arg7[%arg0, %mul3A_553] : memref<2x100352xf32, #tpu.memory_space<hbm>> -> memref<1x6400xf32, #tpu.memory_space<hbm>>
        %dma_start3A_555 = tpu.memref_squeeze %dma_start3A_554 : memref<1x6400xf32, #tpu.memory_space<hbm>> -> memref<6400xf32, #tpu.memory_space<hbm>>
        %dma_start3A_556 = tpu.memref_slice %arg15[%mul3A_551] : memref<100352xf32, #tpu.memory_space<vmem_shared>> -> memref<6400xf32, #tpu.memory_space<vmem_shared>>
        tpu.enqueue_dma source(%dma_start3A_556 : memref<6400xf32, #tpu.memory_space<vmem_shared>>) target(%dma_start3A_555 : memref<6400xf32, #tpu.memory_space<hbm>>) target_semaphore(%run_scoped3A : memref<!tpu.dma_semaphore, #tpu.memory_space<semaphore_mem>>)
        %dma_wait3A_557 = tpu.memref_slice %arg7[%arg0, %mul3A_553] : memref<2x100352xf32, #tpu.memory_space<hbm>> -> memref<1x6400xf32, #tpu.memory_space<hbm>>
        %dma_wait3A_558 = tpu.memref_squeeze %dma_wait3A_557 : memref<1x6400xf32, #tpu.memory_space<hbm>> -> memref<6400xf32, #tpu.memory_space<hbm>>
        %dma_wait3A_559 = tpu.memref_slice %arg15[%mul3A_551] : memref<100352xf32, #tpu.memory_space<vmem_shared>> -> memref<6400xf32, #tpu.memory_space<vmem_shared>>
        tpu.wait_dma2 semaphore(%run_scoped3A : memref<!tpu.dma_semaphore, #tpu.memory_space<semaphore_mem>>) src(%dma_wait3A_559 : memref<6400xf32, #tpu.memory_space<vmem_shared>>) dst(%dma_wait3A_558 : memref<6400xf32, #tpu.memory_space<hbm>>)
        tpu.yield
      }) : () -> ()
    } else {
    }
    %eq3A_545 = arith.constant 15 : i32
    %eq3A_546 = arith.cmpi eq, %arg1, %eq3A_545 : i32
    %convert_element_type3A_547 = arith.extui %eq3A_546 : i1 to i32
    %cond3A_548 = arith.constant 0 : i32
    %cond3A_549 = arith.cmpi ne, %convert_element_type3A_547, %cond3A_548 : i32
    scf.if %cond3A_549 {
      "tpu.region"() ({
        %run_scoped3A = tpu.sem_alloc : memref<!tpu.dma_semaphore, #tpu.memory_space<semaphore_mem>>
        %dma_start3A_550 = arith.constant 96000 : i32
        %dma_start3A_551 = tpu.memref_slice %arg7[%arg0, %dma_start3A_550] : memref<2x100352xf32, #tpu.memory_space<hbm>> -> memref<1x4352xf32, #tpu.memory_space<hbm>>
        %dma_start3A_552 = tpu.memref_squeeze %dma_start3A_551 : memref<1x4352xf32, #tpu.memory_space<hbm>> -> memref<4352xf32, #tpu.memory_space<hbm>>
        %dma_start3A_553 = arith.constant 96000 : i32
        %dma_start3A_554 = tpu.memref_slice %arg15[%dma_start3A_553] : memref<100352xf32, #tpu.memory_space<vmem_shared>> -> memref<4352xf32, #tpu.memory_space<vmem_shared>>
        tpu.enqueue_dma source(%dma_start3A_554 : memref<4352xf32, #tpu.memory_space<vmem_shared>>) target(%dma_start3A_552 : memref<4352xf32, #tpu.memory_space<hbm>>) target_semaphore(%run_scoped3A : memref<!tpu.dma_semaphore, #tpu.memory_space<semaphore_mem>>)
        %dma_wait3A_555 = arith.constant 96000 : i32
        %dma_wait3A_556 = tpu.memref_slice %arg7[%arg0, %dma_wait3A_555] : memref<2x100352xf32, #tpu.memory_space<hbm>> -> memref<1x4352xf32, #tpu.memory_space<hbm>>
        %dma_wait3A_557 = tpu.memref_squeeze %dma_wait3A_556 : memref<1x4352xf32, #tpu.memory_space<hbm>> -> memref<4352xf32, #tpu.memory_space<hbm>>
        %dma_wait3A_558 = arith.constant 96000 : i32
        %dma_wait3A_559 = tpu.memref_slice %arg15[%dma_wait3A_558] : memref<100352xf32, #tpu.memory_space<vmem_shared>> -> memref<4352xf32, #tpu.memory_space<vmem_shared>>
        tpu.wait_dma2 semaphore(%run_scoped3A : memref<!tpu.dma_semaphore, #tpu.memory_space<semaphore_mem>>) src(%dma_wait3A_559 : memref<4352xf32, #tpu.memory_space<vmem_shared>>) dst(%dma_wait3A_557 : memref<4352xf32, #tpu.memory_space<hbm>>)
        tpu.yield
      }) : () -> ()
    } else {
    }
    return
  }
}

module attributes {stable_mosaic.version = 14 : i64} {
  func.func @_tc_body(%arg0: memref<2x784x128xf32, #tpu.memory_space<vmem>>, %arg1: memref<784x128xf32, #tpu.memory_space<vmem>>, %arg2: memref<8x128xf32, #tpu.memory_space<vmem>>, %arg3: memref<1x1xf32, #tpu.memory_space<smem>>) attributes {dimension_semantics = [], scalar_prefetch = 0 : i64, scratch_operands = 0 : i64, tpu.core_type = #tpu.core_type<tc>} {
    %get3A = arith.constant 0 : index
    %get3A_0 = arith.constant 0 : index
    %get3A_1 = arith.constant 0 : index
    %get3A_2 = vector.load %arg0[%get3A, %get3A_0, %get3A_1] : memref<2x784x128xf32, #tpu.memory_space<vmem>>, vector<1x784x128xf32>
    %get3A_3 = vector.shape_cast %get3A_2 : vector<1x784x128xf32> to vector<784x128xf32>
    %get3A_4 = arith.constant 1 : index
    %get3A_5 = arith.constant 0 : index
    %get3A_6 = arith.constant 0 : index
    %get3A_7 = vector.load %arg0[%get3A_4, %get3A_5, %get3A_6] : memref<2x784x128xf32, #tpu.memory_space<vmem>>, vector<1x784x128xf32>
    %get3A_8 = vector.shape_cast %get3A_7 : vector<1x784x128xf32> to vector<784x128xf32>
    %add3A = arith.addf %get3A_3, %get3A_8 : vector<784x128xf32>
    %get3A_9 = arith.constant 0 : index
    %get3A_10 = arith.constant 0 : index
    %get3A_11 = vector.load %arg2[%get3A_9, %get3A_10] : memref<8x128xf32, #tpu.memory_space<vmem>>, vector<1x1xf32>
    %get3A_12 = vector.extract %get3A_11[0, 0] : f32 from vector<1x1xf32>
    %get3A_13 = arith.constant 1 : index
    %get3A_14 = arith.constant 0 : index
    %get3A_15 = vector.load %arg2[%get3A_13, %get3A_14] : memref<8x128xf32, #tpu.memory_space<vmem>>, vector<1x1xf32>
    %get3A_16 = vector.extract %get3A_15[0, 0] : f32 from vector<1x1xf32>
    %get3A_17 = arith.constant 2 : index
    %get3A_18 = arith.constant 0 : index
    %get3A_19 = vector.load %arg2[%get3A_17, %get3A_18] : memref<8x128xf32, #tpu.memory_space<vmem>>, vector<1x1xf32>
    %get3A_20 = vector.extract %get3A_19[0, 0] : f32 from vector<1x1xf32>
    %get3A_21 = arith.constant 3 : index
    %get3A_22 = arith.constant 0 : index
    %get3A_23 = vector.load %arg2[%get3A_21, %get3A_22] : memref<8x128xf32, #tpu.memory_space<vmem>>, vector<1x1xf32>
    %get3A_24 = vector.extract %get3A_23[0, 0] : f32 from vector<1x1xf32>
    %get3A_25 = arith.constant 4 : index
    %get3A_26 = arith.constant 0 : index
    %get3A_27 = vector.load %arg2[%get3A_25, %get3A_26] : memref<8x128xf32, #tpu.memory_space<vmem>>, vector<1x1xf32>
    %get3A_28 = vector.extract %get3A_27[0, 0] : f32 from vector<1x1xf32>
    %get3A_29 = arith.constant 0 : index
    %get3A_30 = arith.constant 0 : index
    %get3A_31 = vector.load %arg1[%get3A_29, %get3A_30] : memref<784x128xf32, #tpu.memory_space<vmem>>, vector<784x128xf32>
    %mul3A = vector.broadcast %get3A_12 : f32 to vector<784x128xf32>
    %mul3A_32 = arith.mulf %get3A_31, %mul3A : vector<784x128xf32>
    %mul3A_33 = vector.broadcast %get3A_16 : f32 to vector<784x128xf32>
    %mul3A_34 = arith.mulf %add3A, %mul3A_33 : vector<784x128xf32>
    %add3A_35 = arith.addf %mul3A_32, %mul3A_34 : vector<784x128xf32>
    %add3A_36 = vector.broadcast %get3A_20 : f32 to vector<784x128xf32>
    %add3A_37 = arith.addf %add3A_35, %add3A_36 : vector<784x128xf32>
    %max3A = arith.constant 0.000000e+00 : f32
    %max3A_38 = vector.broadcast %max3A : f32 to vector<784x128xf32>
    %max3A_39 = arith.maximumf %add3A_37, %max3A_38 : vector<784x128xf32>
    %mul3A_40 = vector.broadcast %get3A_24 : f32 to vector<784x128xf32>
    %mul3A_41 = arith.mulf %max3A_39, %mul3A_40 : vector<784x128xf32>
    %add3A_42 = vector.broadcast %get3A_28 : f32 to vector<784x128xf32>
    %add3A_43 = arith.addf %mul3A_41, %add3A_42 : vector<784x128xf32>
    %neg3A = arith.constant 0.000000e+00 : f32
    %neg3A_44 = vector.broadcast %neg3A : f32 to vector<784x128xf32>
    %neg3A_45 = arith.subf %neg3A_44, %add3A_43 : vector<784x128xf32>
    %exp3A = math.exp %neg3A_45 : vector<784x128xf32>
    %add3A_46 = arith.constant 1.000000e+00 : f32
    %add3A_47 = vector.broadcast %add3A_46 : f32 to vector<784x128xf32>
    %add3A_48 = arith.addf %add3A_47, %exp3A : vector<784x128xf32>
    %div3A = arith.constant 1.000000e+00 : f32
    %div3A_49 = vector.broadcast %div3A : f32 to vector<784x128xf32>
    %div3A_50 = arith.divf %div3A_49, %add3A_48 : vector<784x128xf32>
    %iota3A = tpu.iota {dimensions = array<i32: 0>} : vector<784x128xi32>
    %iota3A_51 = tpu.iota {dimensions = array<i32: 1>} : vector<784x128xi32>
    %mul3A_52 = arith.constant 128 : i32
    %mul3A_53 = vector.broadcast %mul3A_52 : i32 to vector<784x128xi32>
    %mul3A_54 = arith.muli %iota3A, %mul3A_53 : vector<784x128xi32>
    %add3A_55 = arith.addi %mul3A_54, %iota3A_51 : vector<784x128xi32>
    %lt3A = arith.constant 100000 : i32
    %lt3A_56 = vector.broadcast %lt3A : i32 to vector<784x128xi32>
    %lt3A_57 = arith.cmpi slt, %add3A_55, %lt3A_56 : vector<784x128xi32>
    %jit3A = arith.constant 0.000000e+00 : f32
    %broadcast_in_dim3A = vector.broadcast %jit3A : f32 to vector<784x128xf32>
    %select_n3A = arith.select %lt3A_57, %div3A_50, %broadcast_in_dim3A : vector<784x128xi1>, vector<784x128xf32>
    %reduce_sum3A = vector.shape_cast %select_n3A : vector<784x128xf32> to vector<1x784x128xf32>
    %reduce_sum3A_58 = arith.constant dense<0.000000e+00> : vector<1xf32>
    %reduce_sum3A_59 = vector.multi_reduction <add>, %reduce_sum3A, %reduce_sum3A_58 [1, 2] : vector<1x784x128xf32> to vector<1xf32>
    %reduce_sum3A_60 = vector.shape_cast %reduce_sum3A_59 : vector<1xf32> to vector<1x1x1xf32>
    %reduce_sum3A_61 = vector.extract %reduce_sum3A_60[0, 0, 0] : f32 from vector<1x1x1xf32>
    %neg3A_62 = arith.constant 0.000000e+00 : f32
    %neg3A_63 = arith.subf %neg3A_62, %reduce_sum3A_61 : f32
    %exp3A_64 = math.exp %neg3A_63 : f32
    %add3A_65 = arith.constant 1.000000e+00 : f32
    %add3A_66 = arith.addf %add3A_65, %exp3A_64 : f32
    %div3A_67 = arith.constant 1.000000e+00 : f32
    %div3A_68 = arith.divf %div3A_67, %add3A_66 : f32
    %swap3A = arith.constant 0 : index
    %swap3A_69 = arith.constant 0 : index
    %swap3A_70 = memref.load %arg3[%swap3A, %swap3A_69] : memref<1x1xf32, #tpu.memory_space<smem>>
    memref.store %div3A_68, %arg3[%swap3A, %swap3A_69] : memref<1x1xf32, #tpu.memory_space<smem>>
    return
  }
}

</mosaic_0001>

<sc_bundles>
// kernel: kernel.4.cloned.1.call-start
scs
__scs_entry_jumppad:
0x0: {  	(pc) =	sbr.rel $0x88, $3  }
0x1: {  	(tag) =	ssettag $0x0;
	lr =	simm.s32 $0x1  }
0x2: {  	[smem:$0x3F98] =	sst lr;
	_ =	strace $0xD0000000  }
0x3: {  	_ = 	snop  }
0x4: {  	_ = 	snop  }
0x5: {  	_ = 	snop  }
0x6: {  	_ = 	snop  }
0x7: {  	_ = 	snop  }
__scs_overlays_trampoline_lowered:
0x8: {  	[smem:$0x3FA7] =	sst s0  }
0x9: {  	[smem:$0x3FA8] =	sst s1  }
0xa: {  	[smem:$0x3FA9] =	sst s2  }
0xb: {  	[smem:$0x3FAA] =	sst s3  }
0xc: {  	[smem:$0x3FAB] =	sst s4  }
0xd: {  	[smem:$0x3FAC] =	sst s5  }
0xe: {  	[smem:$0x3FAD] =	sst s6  }
0xf: {  	[smem:$0x3FAE] =	sst s7  }
0x10: {  	[smem:$0x3FAF] =	sst s8  }
0x11: {  	[smem:$0x3FB0] =	sst s9;
	s0 =	simm.s32 @!p0 $0x0  }
0x12: {  	s1 =	sld [smem:$0x3F96];
	s0 =	simm.s32 @p0 $0x1  }
0x13: {  	[smem:$0x3FB1] =	sst s0;
	s0 =	simm.s32 @!p1 $0x0  }
0x14: {  	s2 =	sld [smem:$0x3F95];
	s0 =	simm.s32 @p1 $0x1  }
0x15: {  	[smem:$0x3FB2] =	sst s0;
	s0 =	simm.s32 @!p2 $0x0  }
0x16: {  	s3 =	sld [smem:$0x3FDB];
	s0 =	simm.s32 @p2 $0x1  }
0x17: {  	s4 =	simm.s32 $0x1BF5;
	[smem:$0x3FB4] =	sst s0  }
0x18: {  	s0 =	sld [smem:$0x3F97];
	_ =	swait.ge [sflag:s4], $0x0  }
0x19: {  	s7 =	sld [smem:$0x3F98]  }
0x1a: {  	s8 =	sadd.s32 $0xFFFFE003, lr  }
0x1b: {  	s9 =	sadd.s32 $0xFFFFFEF7, lr;
	s5 =	simm.s32 $0xFFFFFFFF;
	p2 =	slt.u32 s8, $0xFFFFF086  }
0x1c: {  	p1 =	slt.u32 s9, $0xF7A;
	s5 =	simm.s32 @!p2 $0x0  }
0x1d: {  	s5 =	simm.s32 @p1 $0x1;
	p0 =	seq.s32 s7, s2  }
0x1e: {  	s7 =	smul.u32 @!p0 $0xF7A, s2;
	p2 =	seq.s32 @!p0 s5, $0x0  }
0x1f: {  	s9 =	smul.u32 $0xF7A, s1;
	s8 =	simm.s32 @!p0 $0x1BF5;
	p2 =	por !p2, p0  }
0x20: {  	[sflag:s8] =	ssyncset.s32 @!p0 $0xFFFFF086;
	s6 =	sadd.s32 @!p0 s3, s7;
	s7 =	simm.s32 @!p0 $0x108  }
0x21: {  	s3 =	sadd.s32 s3, s9;
	s6 =	sadd.s32 @!p0 $0x88, s6;
	s7 =	simm.s32 @p2 $0x1082  }
0x22: {  	[simem:s7], [sflag:s8] =	dma.local @!p0 [hbm:s6], $0xF7A  }
0x23: {  	s9 =	sor.u32 $0xD0000000, s2;
	s6 =	simm.s32 $0x108;
	_ =	swait.ge @!p0 [sflag:s8], $0x0  }
0x24: {  	s3 =	sadd.s32 $0x88, s3;
	s6 =	simm.s32 @!p1 $0x1082;
	[sflag:s4] =	ssyncset.s32 $0xFFFFF086  }
0x25: {  	[simem:s6], [sflag:s4] =	dma.local [hbm:s3], $0xF7A  }
0x26: {  	[smem:$0x3F98] =	sst s1;
	(tag) =	ssettag s2;
	_ =	strace s9  }
0x27: {  	s1 =	sld [smem:$0x3FA8]  }
0x28: {  	s2 =	sld [smem:$0x3FA9]  }
0x29: {  	s4 =	sld [smem:$0x3FAB]  }
0x2a: {  	p0 =	seq.s32 s5, $0x0;
	s5 =	sld [smem:$0x3FAC]  }
0x2b: {  	s6 =	sld [smem:$0x3FAD]  }
0x2c: {  	s7 =	sld [smem:$0x3FAE]  }
0x2d: {  	s3 =	simm.s32 $0x108;
	s8 =	sld [smem:$0x3FAF]  }
0x2e: {  	s3 =	simm.s32 @!p0 $0x1082;
	s9 =	sld [smem:$0x3FB0]  }
0x2f: {  	lr =	sadd.s32 s0, s3;
	s0 =	sld [smem:$0x3FA7]  }
0x30: {  	s3 =	sld [smem:$0x3FAA]  }
0x31: {  	[smem:$0x3FB3] =	sst s10  }
0x32: {  	s10 =	sld [smem:$0x3FB1];
	_ =	sdelay $0x3  }
0x33: {  	p0 =	seq.s32 s10, $0x1;
	s10 =	sld [smem:$0x3FB3];
	_ =	sdelay $0x3  }
0x34: {  	[smem:$0x3FB3] =	sst s10  }
0x35: {  	s10 =	sld [smem:$0x3FB2];
	_ =	sdelay $0x3  }
0x36: {  	p1 =	seq.s32 s10, $0x1;
	s10 =	sld [smem:$0x3FB3];
	_ =	sdelay $0x3  }
0x37: {  	[smem:$0x3FB3] =	sst s10  }
0x38: {  	s10 =	sld [smem:$0x3FB4]  }
0x39: {  	_ = 	snop;
	(pc) =	sbr.ind lr, $3  }
0x3a: {  	_ = 	snop  }
0x3b: {  	_ = 	snop  }
0x3c: {  	p2 =	seq.s32 s10, $0x1;
	s10 =	sld [smem:$0x3FB3]  }
0x3d: {  	_ =	shalt  }
0x3e: {  	_ =	shalt  }
0x3f: {  	_ =	shalt  }
0x40: {  	_ =	shalt  }
0x41: {  	_ =	shalt  }
0x42: {  	_ =	shalt  }
0x43: {  	_ =	shalt  }
0x44: {  	_ =	shalt  }
0x45: {  	_ =	shalt  }
0x46: {  	_ =	shalt  }
0x47: {  	_ =	shalt  }
0x48: {  	_ =	shalt  }
0x49: {  	_ =	shalt  }
0x4a: {  	_ =	shalt  }
0x4b: {  	_ =	shalt  }
0x4c: {  	_ =	shalt  }
0x4d: {  	_ =	shalt  }
0x4e: {  	_ =	shalt  }
0x4f: {  	_ =	shalt  }
0x50: {  	_ =	shalt  }
0x51: {  	_ =	shalt  }
0x52: {  	_ =	shalt  }
0x53: {  	_ =	shalt  }
0x54: {  	_ =	shalt  }
0x55: {  	_ =	shalt  }
0x56: {  	_ =	shalt  }
0x57: {  	_ =	shalt  }
0x58: {  	_ =	shalt  }
0x59: {  	_ =	shalt  }
0x5a: {  	_ =	shalt  }
0x5b: {  	_ =	shalt  }
0x5c: {  	_ =	shalt  }
0x5d: {  	_ =	shalt  }
0x5e: {  	_ =	shalt  }
0x5f: {  	_ =	shalt  }
0x60: {  	_ =	shalt  }
0x61: {  	_ =	shalt  }
0x62: {  	_ =	shalt  }
0x63: {  	_ =	shalt  }
0x64: {  	_ =	shalt  }
0x65: {  	_ =	shalt  }
0x66: {  	_ =	shalt  }
0x67: {  	_ =	shalt  }
0x68: {  	_ =	shalt  }
0x69: {  	_ =	shalt  }
0x6a: {  	_ =	shalt  }
0x6b: {  	_ =	shalt  }
0x6c: {  	_ =	shalt  }
0x6d: {  	_ =	shalt  }
0x6e: {  	_ =	shalt  }
0x6f: {  	_ =	shalt  }
0x70: {  	_ =	shalt  }
0x71: {  	_ =	shalt  }
0x72: {  	_ =	shalt  }
0x73: {  	_ =	shalt  }
0x74: {  	_ =	shalt  }
0x75: {  	_ =	shalt  }
0x76: {  	_ =	shalt  }
0x77: {  	_ =	shalt  }
0x78: {  	_ =	shalt  }
0x79: {  	_ =	shalt  }
0x7a: {  	_ =	shalt  }
0x7b: {  	_ =	shalt  }
0x7c: {  	_ =	shalt  }
0x7d: {  	_ =	shalt  }
0x7e: {  	_ =	shalt  }
0x7f: {  	_ =	shalt  }
0x80: {  	_ =	shalt  }
0x81: {  	_ =	shalt  }
0x82: {  	_ =	shalt  }
0x83: {  	_ =	shalt  }
0x84: {  	_ =	shalt  }
0x85: {  	_ =	shalt  }
0x86: {  	_ =	shalt  }
0x87: {  	_ =	shalt  }
.Lfunc_end0:
.L_simem_size_0:
called_computation_lowered:
.L_overlay_start_0:
0x88: {  	s2 =	sld [smem:$0x3FD9]  }
0x89: {  	s3 =	sld [smem:$0x3FFE];
	_ =	sdelay $0x1  }
0x8a: {  	s1 =	srdreg.scid  }
0x8b: {  	s0 =	sand.u32 $0x1, s1  }
0x8c: {  	s17 =	sshll.u32 s0, $0xA;
	s2 =	sadd.s32 s3, s2  }
0x8d: {  	s2 =	sadd.s32 s2, s17  }
0x8e: {  	[smem:$0x3FBF] =	sst s2  }
0x8f: {  	_ = 	snop  }
0x90: {  	s2 =	sld [smem:$0x3FC8]  }
0x91: {  	s18 =	sld [smem:$0x3FC7];
	(tm) =	ssettm $0x1  }
0x92: {  	s4 =	sld [smem:$0x3FFB];
	_ =	sdelay $0x3  }
0x93: {  	_ =	strace s4  }
0x94: {  	s4 =	sld [smem:$0x3FFC];
	_ =	sdelay $0x3  }
0x95: {  	_ =	strace s4  }
0x96: {  	s4 =	sld [smem:$0x3FFD];
	_ =	sdelay $0x3  }
0x97: {  	_ =	strace s4  }
0x98: {  	_ =	strace $0x8FFFFFFF  }
0x99: {  	s19 =	sld [smem:$0x3FDB];
	_ =	sdelay $0x1  }
0x9a: {  	s5 =	simm.s32 $_scs_section_size  }
0x9b: {  	s6 =	simm.s32 $_size__tile_overlayer_lowered;
	s7 =	simm.s32 $_tile_overlayer_lowered  }
0x9c: {  	s22 =	simm.s32 $0x1BFF;
	s21 =	sshll.u32 s7, $0x1;
	s4 =	sadd.s32 s5, s19  }
0x9d: {  	s8 =	simm.s32 $0x0;
	s20 =	sshll.u32 s6, $0x1;
	s6 =	sadd.s32 s21, s4  }
0x9e: {  	[timem:s8], [sflag:s22] =	dma.local [hbm:s6], s20  }
0x9f: {  	_ =	swait.ge [sflag:s22], s20  }
0xa0: {  	s5 =	ssub.s32 $0x0, s20;
	[sflag:s22] =	ssyncset.done $0x0  }
0xa1: {  	[sflag:s22] =	ssyncadd.s32 s5;
	_ =	sdelay $0x1  }
0xa2: {  	s23 =	simm.s32 $0x1B8B  }
0xa3: {  	_ =	swait.ge [sflag:s23], $0x1  }
0xa4: {  	[sflag:s23] =	ssyncset.done $0x0  }
0xa5: {  	s25 =	simm.s32 $0x1B8E;
	s24 =	sld [smem:$0x3FFE];
	[sflag:s23] =	ssyncadd.s32 $0xFFFFFFFF  }
0xa6: {  	s26 =	simm.s32 $execute0_lowered;
	[smem:$0x3FD2] =	sst s25  }
0xa7: {  	s6 =	sshll.u32 s26, $0x1;
	_ =	strace $0x80000046;
	[dreg:$0x1] =	wrdreg $0xFFFFFFFF  }
0xa8: {  	s28 =	simm.s32 $_size_execute0_lowered;
	s4 =	sadd.s32 s4, s6;
	[dreg:$0x0] =	wrdreg $0x0  }
0xa9: {  	s6 =	sshll.u32 s28, $0x1;
	[dreg:$0x2] =	wrdreg s4  }
0xaa: {  	[dreg:$0x3] =	wrdreg s6  }
0xab: {  	[dreg:$0x4] =	wrdreg $0xC0  }
0xac: {  	_ =	task [dreg:s8], $0x5FFFF  }
0xad: {  	[dreg:$0x1] =	wrdreg $0xFFFFFFFF  }
0xae: {  	[dreg:$0x0] =	wrdreg $0x60  }
0xaf: {  	[dreg:$0x2] =	wrdreg s24  }
0xb0: {  	[dreg:$0x3] =	wrdreg s18  }
0xb1: {  	[dreg:$0x4] =	wrdreg s2  }
0xb2: {  	[dreg:$0x5] =	wrdreg $0x1D9000  }
0xb3: {  	[dreg:$0x6] =	wrdreg $0x9  }
0xb4: {  	_ =	task.clear_ibuf [dreg:s8], $0x7FFFF;
	_ =	strace $0x90000046  }
0xb5: {  	s29 =	simm.s32 $0x9;
	_ =	strace $0x80000048  }
0xb6: {  	_ =	swait.ge [sflag:s29], $0x1  }
0xb7: {  	[sflag:s29] =	ssyncadd.s32 $0xFFFFFFFF  }
0xb8: {  	_ =	strace $0x90000048  }
0xb9: {  	_ =	sfence  }
0xba: {  	s30 =	sld [smem:$0x0];
	_ =	sdelay $0x2  }
0xbb: {  	s31 =	sshll.u32 s1, $0xD;
	s1 =	sshrl.u32 s1, $0x2  }
0xbc: {  	s3 =	sand.u32 $0x4000, s31;
	s1 =	sadd.s32 s1, s30  }
0xbd: {  	s0 =	sor.u32 s3, s0;
	s1 =	sshll.u32 s1, $0x11  }
0xbe: {  	s0 =	sor.u32 s1, s0  }
0xbf: {  	s0 =	sadd.s32 $0x8F2B, s0  }
0xc0: {  	[sflag:s0] =	ssyncadd.remote.s32 $0x1  }
0xc1: {  	_ =	sfence.sel $0xFFFF  }
0xc2: {  	[dreg:$0x0] =	wrdreg $0xFFFFFFFF;
	(pc) =	sbr.abs _section_cstart, $3  }
0xc3: {  	[dreg:$0x1] =	wrdreg $0xFFFFFFFF  }
0xc4: {  	_ =	task.clear_ibuf [dreg:s8], $0x2FFFF;
	_ =	strace $0x9FFFFFFF  }
0xc5: {  	(tm) =	ssettm $0x7FFFFFFF  }
tec
execute0_lowered:
.L_overlay_start_1:
0x0: {  	(tag) =	ssettag $0x1  }
0x1: {  	s0 =	rddreg [dreg:$0x0]  }
0x2: {  	s1 =	rddreg [dreg:$0x1]  }
0x3: {  	s3 =	rddreg [dreg:$0x2]  }
0x4: {  	s4 =	rddreg [dreg:$0x3];
	s5 =	simm.s32 $0x0;
	s16 =	stileid.u32  }
0x5: {  	s6 =	srdreg.scid;
	s31 =	simm.s32 $0x1;
	[smem:$0x7FF] =	sst s5  }
0x6: {  	s2 =	smul.u32 $0x1900, s16;
	s7 =	sadd.s32 $0xC00, s0;
	s6 =	sand.u32 $0x1, s6  }
0x7: {  	s8 =	sadd.s32 $0x800, s0;
	s10 =	sadd.s32 $0x7000, s0;
	s11 =	sshll.u32 s16, $0x1  }
0x8: {  	s13 =	smul.u32 $0x3200, s16;
	_ =	strace $0x80000047;
	[dreg:$0x5] =	wrdreg s7  }
0x9: {  	s28 =	smul.u32 $0x6400, s16;
	[dreg:$0x6] =	wrdreg s8;
	s23 =	ssub.s32 $0x2, s6  }
0xa: {  	s12 =	sor.u32 s6, s11;
	s11 =	sadd.s32 $0x10, s1;
	s25 =	sshll.u32 s6, $0x7  }
0xb: {  	s6 =	sshll.u32 s6, $0x4;
	s22 =	sshrl.u32 s2, $0x3;
	s9 =	sshrl.u32 s23, $0x1  }
0xc: {  	s2 =	sadd.s32 s2, s4;
	p0 =	slt.u32 s12, $0x15;
	s24 =	sshll.u32 s12, $0x9  }
0xd: {  	s26 =	sshll.u32 s12, $0x8;
	s15 =	sshll.u32 s12, $0xB;
	s29 =	sshrl.u32 s28, $0x2  }
0xe: {  	s6 =	sadd.s32 s6, s10;
	s7 =	sadd.s32 s22, s0;
	s8 =	ssub.s32 s23, s9  }
0xf: {  	s9 =	simm.s32 $0x62;
	s0 =	sadd.s32 $0x6CE0, s0;
	s14 =	sadd.s32 s1, s24  }
0x10: {  	s6 =	sadd.s32 $0x5DC0, s6;
	s22 =	simm.s32 $0x4;
	[dreg:$0x8] =	wrdreg s0  }
0x11: {  	s23 =	simm.s32 $0x0;
	s7 =	sadd.s32 $0x3E00, s7;
	[dreg:$0x9] =	wrdreg s14  }
0x12: {  	s9 =	simm.s32 @!p0 $0x61;
	s0 =	sadd.s32 s24, s11;
	[dreg:$0xd] =	wrdreg s6  }
0x13: {  	s14 =	sadd.s32 s3, s26;
	p0 =	seq.s32 s16, $0xF;
	[dreg:$0x7] =	wrdreg s7  }
0x14: {  	s30 =	smax.u32 s8, $0x1;
	s24 =	simm.s32 $0x80;
	[dreg:$0xa] =	wrdreg s0  }
0x15: {  	s7 =	sadd.s32 $0x17700, s4;
	s0 =	sor.u32 s25, s13;
	[dreg:$0xb] =	wrdreg s14  }
0x16: {  	[dreg:$0xe] =	wrdreg s30;
	s6 =	sshll.u32 @!p0 s16, $0x6;
	s0 =	sshrl.u32 s0, $0x3  }
0x17: {  	s21 =	sshrl.u32 @!p0 s2, $0x3;
	s2 =	simm.s32 $0x3;
	s0 =	sadd.s32 s10, s0  }
0x18: {  	s19 =	sshrl.u32 @p0 s7, $0x3;
	[dreg:$0xc] =	wrdreg s0;
	s0 =	sadd.s32 s29, s4  }
0x19: {  	s20 =	sor.u32 @!p0 $0x1C04, s6;
	s25 =	sshrl.u32 @!p0 s0, $0x3;
	s0 =	simm.s32 $0x2  }
.LBB2_1:
0x1a: {  	s6 =	simm.s32 @p0 $0x1FC4;
	s7 =	rddreg [dreg:$0x8]  }
0x1b: {  	[spmem:s19], [sflag:s6] =	dma.local @p0 [hbm:s7], $0x220  }
0x1c: {  	s6 =	simm.s32 @p0 $0x4  }
0x1d: {  	_ =	swait.ge @p0 [sflag:s6], $0x220  }
0x1e: {  	[sflag:s6] =	ssyncset.done @p0 $0x0  }
0x1f: {  	[sflag:s6] =	ssyncadd.s32 @p0 $0xFFFFFDE0;
	s6 =	rddreg [dreg:$0x7]  }
0x20: {  	[spmem:s21], [sflag:s20] =	dma.local @!p0 [hbm:s6], $0x320  }
0x21: {  	s6 =	simm.s32 @!p0 $0x4  }
0x22: {  	_ =	swait.ge @!p0 [sflag:s6], $0x320  }
0x23: {  	[sflag:s6] =	ssyncset.done @!p0 $0x0  }
0x24: {  	s12 =	rddreg [dreg:$0x5];
	[sflag:s6] =	ssyncadd.s32 @!p0 $0xFFFFFCE0  }
0x25: {  	[tilespmem:s5], [sflag:$0x4] =	stream.linear.gather [hbm4b:s12+s5], $0x18700, $0x38;
	[tilespmem:$0x1F180] =	vst v63  }
0x26: {  	_ =	swait.ge [sflag:s22], $0x18700  }
0x27: {  	[sflag:s22] =	ssyncset.done $0x0  }
0x28: {  	s14 =	simm.s32 $0x1D700;
	s13 =	rddreg [dreg:$0x6];
	[sflag:s22] =	ssyncadd.s32 $0xFFFE7900  }
0x29: {  	[tilespmem:s14], [sflag:$0x4] =	stream.linear.gather [hbm4b:s13+s5], $0x200, $0x38;
	[tilespmem:$0x1F180] =	vst v63  }
0x2a: {  	_ =	swait.ge [sflag:s22], $0x200  }
0x2b: {  	s17 =	simm.s32 $0x100;
	[sflag:s22] =	ssyncset.done $0x0  }
0x2c: {  	s8 =	simm.s32 $0x18700;
	s16 =	rddreg [dreg:$0x9];
	[sflag:s22] =	ssyncadd.s32 $0xFFFFFE00  }
0x2d: {  	[tilespmem:s8], [sflag:$0x1] =	stream.strided.gather [hbm4b:s16+s24], $0x800, s17, s24, $0x38;
	[tilespmem:$0x1F180] =	vst v63  }
0x2e: {  	s26 =	simm.s32 $0x19700;
	s18 =	rddreg [dreg:$0xa]  }
0x2f: {  	[tilespmem:s26], [sflag:$0x1] =	stream.strided.gather [hbm4b:s18+s24], $0x800, s17, s24, $0x38;
	[tilespmem:$0x1F180] =	vst v63  }
0x30: {  	s30 =	simm.s32 $0x1A700;
	s29 =	rddreg [dreg:$0xb]  }
0x31: {  	[tilespmem:s30], [sflag:$0x1] =	stream.linear.gather [hbm4b:s29+s5], $0x800, $0x38;
	[tilespmem:$0x1F180] =	vst v63  }
0x32: {  	[bflag:$0x0] =	sbarrier.arrive $0xFFFF  }
0x33: {  	v0 =	vld [tilespmem:$0x1D700]  }
0x34: {  	v1 =	vld [tilespmem:$0x1D780]  }
0x35: {  	v2 =	vld [tilespmem:$0x1D800]  }
0x36: {  	v3 =	vld [tilespmem:$0x1D880];
	_ =	sdelay $0x2  }
0x37: {  	p1 =	por $0x0, $0x0;
	s28 =	simm.s32 $0x0  }
.LBB2_2:
0x38: {  	_ =	swait.ge [sflag:s31], $0x800  }
0x39: {  	[sflag:s31] =	ssyncset.done $0x0  }
0x3a: {  	[sflag:s31] =	ssyncadd.s32 $0xFFFFF800  }
0x3b: {  	s6 =	smov.u32 s28;
	s28 =	sadd.s32 $0x1, s28;
	_ =	swait.ge [sflag:s31], $0x800  }
0x3c: {  	p2 =	sge.u32 s28, s9;
	s30 =	sand.u32 $0x1, s6;
	[sflag:s31] =	ssyncset.done $0x0  }
0x3d: {  	s7 =	sshll.u32 @!p2 s28, $0x10;
	s29 =	sshll.u32 s30, $0xB;
	[sflag:s31] =	ssyncadd.s32 $0xFFFFF800  }
0x3e: {  	s13 =	simm.s32 @!p2 $0x80;
	s7 =	sor.u32 @!p2 s15, s7;
	_ =	swait.ge [sflag:s31], $0x800  }
0x3f: {  	s14 =	simm.s32 @!p2 $0x100;
	s10 =	sshrl.u32 @!p2 s7, $0x2;
	[sflag:s31] =	ssyncset.done $0x0  }
0x40: {  	s8 =	ssub.s32 @!p2 $0x18F00, s29;
	s12 =	sadd.s32 @!p2 s1, s10;
	[sflag:s31] =	ssyncadd.s32 $0xFFFFF800  }
0x41: {  	[tilespmem:s8], [sflag:$0x1] =	stream.strided.gather @!p2 [hbm4b:s12+s13], $0x800, s14, s13, $0x38;
	[tilespmem:$0x1F180] =	vst v63  }
0x42: {  	s7 =	sshrl.u32 @!p2 s7, $0x3;
	s10 =	sadd.s32 @!p2 s10, s11;
	s8 =	ssub.s32 @!p2 $0x19F00, s29  }
0x43: {  	[tilespmem:s8], [sflag:$0x1] =	stream.strided.gather @!p2 [hbm4b:s10+s13], $0x800, s14, s13, $0x38;
	[tilespmem:$0x1F180] =	vst v63  }
0x44: {  	s7 =	sadd.s32 @!p2 s3, s7;
	s8 =	ssub.s32 @!p2 $0x1AF00, s29;
	s10 =	simm.s32 @!p2 $0x0  }
0x45: {  	[tilespmem:s8], [sflag:$0x1] =	stream.linear.gather @!p2 [hbm4b:s7+s10], $0x800, $0x38;
	[tilespmem:$0x1F180] =	vst v63  }
0x46: {  	p2 =	slt.u32 s6, $0x2  }
0x47: {  	s6 =	sor.u32 @!p2 $0x2, s30  }
0x48: {  	_ =	swait.ge @!p2 [sflag:s6], $0x80  }
0x49: {  	[sflag:s6] =	ssyncset.done @!p2 $0x0  }
0x4a: {  	[sflag:s6] =	ssyncadd.s32 @!p2 $0xFFFFFF80  }
0x4b: {  	_ =	swait.ge @!p2 [sflag:s6], $0x80  }
0x4c: {  	[sflag:s6] =	ssyncset.done @!p2 $0x0  }
0x4d: {  	[sflag:s6] =	ssyncadd.s32 @!p2 $0xFFFFFF80  }
0x4e: {  	_ =	swait.ge @!p2 [sflag:s6], $0x80  }
0x4f: {  	[sflag:s6] =	ssyncset.done @!p2 $0x0  }
0x50: {  	[sflag:s6] =	ssyncadd.s32 @!p2 $0xFFFFFF80  }
0x51: {  	_ =	swait.ge @!p2 [sflag:s6], $0x80  }
0x52: {  	[sflag:s6] =	ssyncset.done @!p2 $0x0  }
0x53: {  	[sflag:s6] =	ssyncadd.s32 @!p2 $0xFFFFFF80  }
0x54: {  	_ =	swait.ge @!p2 [sflag:s6], $0x80  }
0x55: {  	[sflag:s6] =	ssyncset.done @!p2 $0x0  }
0x56: {  	[sflag:s6] =	ssyncadd.s32 @!p2 $0xFFFFFF80  }
0x57: {  	_ =	swait.ge @!p2 [sflag:s6], $0x80  }
0x58: {  	[sflag:s6] =	ssyncset.done @!p2 $0x0  }
0x59: {  	[sflag:s6] =	ssyncadd.s32 @!p2 $0xFFFFFF80  }
0x5a: {  	_ =	swait.ge @!p2 [sflag:s6], $0x80  }
0x5b: {  	[sflag:s6] =	ssyncset.done @!p2 $0x0  }
0x5c: {  	[sflag:s6] =	ssyncadd.s32 @!p2 $0xFFFFFF80  }
0x5d: {  	_ =	swait.ge @!p2 [sflag:s6], $0x80  }
0x5e: {  	[sflag:s6] =	ssyncset.done @!p2 $0x0  }
0x5f: {  	[sflag:s6] =	ssyncadd.s32 @!p2 $0xFFFFFF80  }
0x60: {  	_ =	swait.ge @!p2 [sflag:s6], $0x80  }
0x61: {  	[sflag:s6] =	ssyncset.done @!p2 $0x0  }
0x62: {  	[sflag:s6] =	ssyncadd.s32 @!p2 $0xFFFFFF80  }
0x63: {  	_ =	swait.ge @!p2 [sflag:s6], $0x80  }
0x64: {  	[sflag:s6] =	ssyncset.done @!p2 $0x0  }
0x65: {  	[sflag:s6] =	ssyncadd.s32 @!p2 $0xFFFFFF80  }
0x66: {  	_ =	swait.ge @!p2 [sflag:s6], $0x80  }
0x67: {  	[sflag:s6] =	ssyncset.done @!p2 $0x0  }
0x68: {  	[sflag:s6] =	ssyncadd.s32 @!p2 $0xFFFFFF80  }
0x69: {  	_ =	swait.ge @!p2 [sflag:s6], $0x80  }
0x6a: {  	[sflag:s6] =	ssyncset.done @!p2 $0x0  }
0x6b: {  	[sflag:s6] =	ssyncadd.s32 @!p2 $0xFFFFFF80  }
0x6c: {  	_ =	swait.ge @!p2 [sflag:s6], $0x80  }
0x6d: {  	[sflag:s6] =	ssyncset.done @!p2 $0x0  }
0x6e: {  	[sflag:s6] =	ssyncadd.s32 @!p2 $0xFFFFFF80  }
0x6f: {  	_ =	swait.ge @!p2 [sflag:s6], $0x80  }
0x70: {  	[sflag:s6] =	ssyncset.done @!p2 $0x0  }
0x71: {  	[sflag:s6] =	ssyncadd.s32 @!p2 $0xFFFFFF80  }
0x72: {  	_ =	swait.ge @!p2 [sflag:s6], $0x80  }
0x73: {  	[sflag:s6] =	ssyncset.done @!p2 $0x0  }
0x74: {  	s7 =	simm.s32 $0x1;
	[sflag:s6] =	ssyncadd.s32 @!p2 $0xFFFFFF80  }
0x75: {  	s7 =	simm.s32 @!p1 $0x0;
	_ =	swait.ge @!p2 [sflag:s6], $0x80  }
0x76: {  	s7 =	sshll.u32 s7, $0xB;
	[sflag:s6] =	ssyncset.done @!p2 $0x0  }
0x77: {  	s17 =	sadd.s32 $0x18800, s7;
	[sflag:s6] =	ssyncadd.s32 @!p2 $0xFFFFFF80  }
0x78: {  	s16 =	sadd.s32 $0x19800, s7;
	v4 =	vld [tilespmem:s17+$0x80]  }
0x79: {  	v5 =	vld [tilespmem:s16+$0x80];
	_ =	sdelay $0x3  }
0x7a: {  	v6 =	vld [tilespmem:s16+$0xFFFFFF00]  }
0x7b: {  	v7 =	vld [tilespmem:s17+$0xFFFFFF80]  }
0x7c: {  	v10 =	vld [tilespmem:s17+$0xFFFFFF00]  }
0x7d: {  	v4 =	vld.idx.msk [tilespmem:v4+s5+$0x0], $0xffff  }
0x7e: {  	v9 =	vld.idx.msk [tilespmem:v5+s5+$0x0], $0xffff  }
0x7f: {  	s14 =	sadd.s32 $0x1A800, s7;
	v13 =	vld [tilespmem:s16+$0x0]  }
0x80: {  	v11 =	vld [tilespmem:s14+$0x80]  }
0x81: {  	v12 =	vld [tilespmem:s17+$0x0];
	_ =	sdelay $0x1  }
0x82: {  	v8 =	vld [tilespmem:s16+$0xFFFFFF80];
	v4 =	vmul.f32 v4, v0;
	v9 =	vmul.f32 v9, v1;
	_ =	sdelay $0x1  }
0x83: {  	v14 =	vld.idx.msk [tilespmem:v6+s5+$0x0], $0xffff;
	v4 =	vadd.f32 v9, v4;
	v9 =	vmul.f32 v11, v2  }
0x84: {  	v7 =	vld.idx.msk [tilespmem:v7+s5+$0x0], $0xffff  }
0x85: {  	v15 =	vld.idx.msk [tilespmem:v13+s5+$0x0], $0xffff;
	v4 =	vadd.f32 v9, v4  }
0x86: {  	v9 =	vld.idx.msk [tilespmem:v10+s5+$0x0], $0xffff  }
0x87: {  	v10 =	vld.idx.msk [tilespmem:v12+s5+$0x0], $0xffff;
	v4 =	vadd.f32 v4, v3  }
0x88: {  	s18 =	sadd.s32 $0x1B800, s7;
	v12 =	vld [tilespmem:s14+$0xFFFFFF00]  }
0x89: {  	s6 =	sadd.s32 $0x1C800, s7;
	[tilespmem:s18+$0x80] =	vst v5;
	v11 =	vld.idx.msk [tilespmem:v8+s5+$0x0], $0xffff;
	v4 =	vmax.f32 v4, $0.0e+00  }
0x8a: {  	v5 =	vld [tilespmem:s14+$0xFFFFFF80];
	[tilespmem:s6+$0x80] =	vst v4  }
0x8b: {  	v4 =	vmul.f32 v14, v1;
	v9 =	vmul.f32 v9, v0;
	v14 =	vld [tilespmem:s17+$0x90]  }
0x8c: {  	v16 =	vld [tilespmem:s16+$0x90]  }
0x8d: {  	v17 =	vld [tilespmem:s14+$0x0];
	v12 =	vmul.f32 v12, v2;
	v4 =	vadd.f32 v4, v9  }
0x8e: {  	v7 =	vmul.f32 v7, v0;
	v9 =	vmul.f32 v11, v1  }
0x8f: {  	v5 =	vmul.f32 v5, v2;
	v4 =	vadd.f32 v12, v4  }
0x90: {  	v10 =	vmul.f32 v10, v0;
	v7 =	vadd.f32 v9, v7;
	v9 =	vmul.f32 v15, v1  }
0x91: {  	v4 =	vadd.f32 v4, v3  }
0x92: {  	v9 =	vadd.f32 v9, v10;
	v10 =	vmul.f32 v17, v2;
	v5 =	vadd.f32 v5, v7  }
0x93: {  	[tilespmem:s18+$0xFFFFFF00] =	vst v6;
	v4 =	vmax.f32 v4, $0.0e+00;
	v6 =	vld.idx.msk [tilespmem:v14+s5+$0x0], $0xffff  }
0x94: {  	v7 =	vadd.f32 v10, v9;
	v5 =	vadd.f32 v5, v3;
	[tilespmem:s6+$0xFFFFFF00] =	vst v4;
	v4 =	vld.idx.msk [tilespmem:v16+s5+$0x0], $0xffff  }
0x95: {  	v9 =	vld [tilespmem:s17+$0xFFFFFF10]  }
0x96: {  	[tilespmem:s18+$0xFFFFFF80] =	vst v8;
	v7 =	vadd.f32 v7, v3;
	v5 =	vmax.f32 v5, $0.0e+00;
	v8 =	vld [tilespmem:s16+$0xFFFFFF10]  }
0x97: {  	[tilespmem:s6+$0xFFFFFF80] =	vst v5;
	v5 =	vld [tilespmem:s14+$0x90]  }
0x98: {  	[tilespmem:s18+$0x0] =	vst v13;
	v7 =	vmax.f32 v7, $0.0e+00;
	v10 =	vld [tilespmem:s17+$0xFFFFFF90]  }
0x99: {  	[tilespmem:s6+$0x0] =	vst v7;
	v7 =	vld [tilespmem:s16+$0xFFFFFF90]  }
0x9a: {  	v11 =	vld [tilespmem:s17+$0x10];
	v6 =	vmul.f32 v6, v0;
	v4 =	vmul.f32 v4, v1  }
0x9b: {  	v12 =	vld [tilespmem:s16+$0x10]  }
0x9c: {  	v13 =	vld [tilespmem:s14+$0xFFFFFF10];
	v4 =	vadd.f32 v4, v6;
	v5 =	vmul.f32 v5, v2  }
0x9d: {  	v6 =	vld.idx.msk [tilespmem:v9+s5+$0x0], $0xffff  }
0x9e: {  	v9 =	vld.idx.msk [tilespmem:v8+s5+$0x0], $0xffff;
	v4 =	vadd.f32 v5, v4  }
0x9f: {  	v5 =	vld [tilespmem:s14+$0xFFFFFF90]  }
0xa0: {  	v10 =	vld.idx.msk [tilespmem:v10+s5+$0x0], $0xffff;
	v4 =	vadd.f32 v4, v3  }
0xa1: {  	v14 =	vld.idx.msk [tilespmem:v7+s5+$0x0], $0xffff  }
0xa2: {  	[tilespmem:s18+$0x90] =	vst v16;
	v11 =	vld.idx.msk [tilespmem:v11+s5+$0x0], $0xffff;
	v4 =	vmax.f32 v4, $0.0e+00  }
0xa3: {  	v15 =	vld.idx.msk [tilespmem:v12+s5+$0x0], $0xffff;
	[tilespmem:s6+$0x90] =	vst v4  }
0xa4: {  	v4 =	vmul.f32 v6, v0;
	v6 =	vmul.f32 v9, v1;
	v9 =	vld [tilespmem:s17+$0xA0]  }
0xa5: {  	v16 =	vld [tilespmem:s16+$0xA0]  }
0xa6: {  	v13 =	vmul.f32 v13, v2;
	v4 =	vadd.f32 v6, v4;
	v6 =	vld [tilespmem:s14+$0x10]  }
0xa7: {  	v10 =	vmul.f32 v10, v0;
	v14 =	vmul.f32 v14, v1  }
0xa8: {  	v5 =	vmul.f32 v5, v2;
	v4 =	vadd.f32 v13, v4  }
0xa9: {  	v11 =	vmul.f32 v11, v0;
	v13 =	vmul.f32 v15, v1;
	v10 =	vadd.f32 v14, v10  }
0xaa: {  	v4 =	vadd.f32 v4, v3  }
0xab: {  	v5 =	vadd.f32 v5, v10;
	v10 =	vadd.f32 v13, v11;
	v6 =	vmul.f32 v6, v2  }
0xac: {  	[tilespmem:s18+$0xFFFFFF10] =	vst v8;
	v4 =	vmax.f32 v4, $0.0e+00;
	v8 =	vld.idx.msk [tilespmem:v9+s5+$0x0], $0xffff  }
0xad: {  	[tilespmem:s6+$0xFFFFFF10] =	vst v4;
	v4 =	vadd.f32 v5, v3;
	v5 =	vadd.f32 v6, v10;
	v6 =	vld.idx.msk [tilespmem:v16+s5+$0x0], $0xffff  }
0xae: {  	v9 =	vld [tilespmem:s17+$0xFFFFFF20]  }
0xaf: {  	[tilespmem:s18+$0xFFFFFF90] =	vst v7;
	v7 =	vld [tilespmem:s16+$0xFFFFFF20];
	v4 =	vmax.f32 v4, $0.0e+00;
	v5 =	vadd.f32 v5, v3  }
0xb0: {  	[tilespmem:s6+$0xFFFFFF90] =	vst v4;
	v4 =	vld [tilespmem:s14+$0xA0]  }
0xb1: {  	[tilespmem:s18+$0x10] =	vst v12;
	v10 =	vld [tilespmem:s17+$0xFFFFFFA0];
	v5 =	vmax.f32 v5, $0.0e+00  }
0xb2: {  	v11 =	vld [tilespmem:s16+$0xFFFFFFA0];
	[tilespmem:s6+$0x10] =	vst v5  }
0xb3: {  	v8 =	vmul.f32 v8, v0;
	v6 =	vmul.f32 v6, v1;
	v5 =	vld [tilespmem:s17+$0x20]  }
0xb4: {  	v12 =	vld [tilespmem:s16+$0x20]  }
0xb5: {  	v13 =	vld [tilespmem:s14+$0xFFFFFF20];
	v6 =	vadd.f32 v6, v8;
	v4 =	vmul.f32 v4, v2  }
0xb6: {  	v8 =	vld.idx.msk [tilespmem:v9+s5+$0x0], $0xffff  }
0xb7: {  	v9 =	vld.idx.msk [tilespmem:v7+s5+$0x0], $0xffff;
	v4 =	vadd.f32 v4, v6  }
0xb8: {  	v6 =	vld [tilespmem:s14+$0xFFFFFFA0]  }
0xb9: {  	v10 =	vld.idx.msk [tilespmem:v10+s5+$0x0], $0xffff;
	v4 =	vadd.f32 v4, v3  }
0xba: {  	v14 =	vld.idx.msk [tilespmem:v11+s5+$0x0], $0xffff  }
0xbb: {  	[tilespmem:s18+$0xA0] =	vst v16;
	v5 =	vld.idx.msk [tilespmem:v5+s5+$0x0], $0xffff;
	v4 =	vmax.f32 v4, $0.0e+00  }
0xbc: {  	v15 =	vld.idx.msk [tilespmem:v12+s5+$0x0], $0xffff;
	[tilespmem:s6+$0xA0] =	vst v4  }
0xbd: {  	v4 =	vmul.f32 v8, v0;
	v8 =	vmul.f32 v9, v1;
	v9 =	vld [tilespmem:s17+$0xB0]  }
0xbe: {  	v16 =	vld [tilespmem:s16+$0xB0]  }
0xbf: {  	v13 =	vmul.f32 v13, v2;
	v4 =	vadd.f32 v8, v4;
	v8 =	vmul.f32 v10, v0;
	v10 =	vld [tilespmem:s14+$0x20]  }
0xc0: {  	v14 =	vmul.f32 v14, v1  }
0xc1: {  	v6 =	vmul.f32 v6, v2;
	v4 =	vadd.f32 v13, v4  }
0xc2: {  	s8 =	sadd.s32 $0x200, s17;
	v8 =	vadd.f32 v14, v8;
	v5 =	vmul.f32 v5, v0;
	v13 =	vmul.f32 v15, v1  }
0xc3: {  	s10 =	sadd.s32 $0x200, s16;
	v19 =	vld [tilespmem:s8+$0x80];
	v4 =	vadd.f32 v4, v3  }
0xc4: {  	v20 =	vld [tilespmem:s10+$0x80];
	[tilespmem:s18+$0xFFFFFF20] =	vst v7;
	v6 =	vadd.f32 v6, v8;
	v5 =	vadd.f32 v13, v5;
	v7 =	vmul.f32 v10, v2  }
0xc5: {  	v4 =	vmax.f32 v4, $0.0e+00;
	v8 =	vld.idx.msk [tilespmem:v9+s5+$0x0], $0xffff  }
0xc6: {  	v6 =	vadd.f32 v6, v3;
	[tilespmem:s6+$0xFFFFFF20] =	vst v4;
	v4 =	vld.idx.msk [tilespmem:v16+s5+$0x0], $0xffff;
	v5 =	vadd.f32 v7, v5  }
0xc7: {  	v10 =	vld [tilespmem:s14+$0xB0]  }
0xc8: {  	[tilespmem:s18+$0xFFFFFFA0] =	vst v11;
	v7 =	vld [tilespmem:s17+$0xFFFFFF30];
	v6 =	vmax.f32 v6, $0.0e+00;
	v5 =	vadd.f32 v5, v3  }
0xc9: {  	v9 =	vld [tilespmem:s16+$0xFFFFFF30];
	[tilespmem:s6+$0xFFFFFFA0] =	vst v6  }
0xca: {  	[tilespmem:s18+$0x20] =	vst v12;
	v6 =	vld [tilespmem:s17+$0xFFFFFFB0];
	v5 =	vmax.f32 v5, $0.0e+00  }
0xcb: {  	v11 =	vld [tilespmem:s16+$0xFFFFFFB0];
	[tilespmem:s6+$0x20] =	vst v5;
	v5 =	vmul.f32 v8, v0;
	v4 =	vmul.f32 v4, v1  }
0xcc: {  	v8 =	vld [tilespmem:s17+$0x30]  }
0xcd: {  	v13 =	vld [tilespmem:s14+$0xFFFFFFB0];
	v4 =	vadd.f32 v4, v5;
	v5 =	vmul.f32 v10, v2  }
0xce: {  	v12 =	vld [tilespmem:s16+$0x30]  }
0xcf: {  	v10 =	vld [tilespmem:s14+$0xFFFFFF30];
	v4 =	vadd.f32 v5, v4  }
0xd0: {  	v7 =	vld.idx.msk [tilespmem:v7+s5+$0x0], $0xffff  }
0xd1: {  	v5 =	vld.idx.msk [tilespmem:v9+s5+$0x0], $0xffff;
	v4 =	vadd.f32 v4, v3  }
0xd2: {  	v6 =	vld.idx.msk [tilespmem:v6+s5+$0x0], $0xffff  }
0xd3: {  	[tilespmem:s18+$0xB0] =	vst v16;
	v14 =	vld.idx.msk [tilespmem:v11+s5+$0x0], $0xffff;
	v4 =	vmax.f32 v4, $0.0e+00  }
0xd4: {  	v8 =	vld.idx.msk [tilespmem:v8+s5+$0x0], $0xffff;
	[tilespmem:s6+$0xB0] =	vst v4  }
0xd5: {  	v4 =	vld [tilespmem:s17+$0xC0]  }
0xd6: {  	v15 =	vld [tilespmem:s16+$0xC0]  }
0xd7: {  	v7 =	vmul.f32 v7, v0;
	v16 =	vld.idx.msk [tilespmem:v12+s5+$0x0], $0xffff;
	v5 =	vmul.f32 v5, v1  }
0xd8: {  	v22 =	vld [tilespmem:s10+$0xFFFFFF00]  }
0xd9: {  	v10 =	vmul.f32 v10, v2;
	v5 =	vadd.f32 v5, v7;
	v7 =	vld [tilespmem:s14+$0x30]  }
0xda: {  	v23 =	vld [tilespmem:s8+$0xFFFFFF80];
	v6 =	vmul.f32 v6, v0;
	v14 =	vmul.f32 v14, v1  }
0xdb: {  	v24 =	vld [tilespmem:s10+$0xFFFFFF80];
	v13 =	vmul.f32 v13, v2;
	v5 =	vadd.f32 v10, v5  }
0xdc: {  	v25 =	vld [tilespmem:s8+$0x0];
	v6 =	vadd.f32 v14, v6;
	v8 =	vmul.f32 v8, v0;
	v10 =	vmul.f32 v16, v1  }
0xdd: {  	v5 =	vadd.f32 v5, v3;
	v4 =	vld.idx.msk [tilespmem:v4+s5+$0x0], $0xffff  }
0xde: {  	v6 =	vadd.f32 v13, v6;
	v8 =	vadd.f32 v10, v8;
	v7 =	vmul.f32 v7, v2;
	v10 =	vld.idx.msk [tilespmem:v15+s5+$0x0], $0xffff  }
0xdf: {  	v26 =	vld [tilespmem:s10+$0x0];
	[tilespmem:s18+$0xFFFFFF30] =	vst v9;
	v5 =	vmax.f32 v5, $0.0e+00  }
0xe0: {  	[tilespmem:s6+$0xFFFFFF30] =	vst v5;
	v5 =	vadd.f32 v6, v3;
	v6 =	vadd.f32 v7, v8;
	v7 =	vld [tilespmem:s14+$0xC0]  }
0xe1: {  	v33 =	vld [tilespmem:s8+$0xFFFFFF00]  }
0xe2: {  	[tilespmem:s18+$0xFFFFFFB0] =	vst v11;
	v8 =	vld [tilespmem:s17+$0xFFFFFF40];
	v5 =	vmax.f32 v5, $0.0e+00  }
0xe3: {  	v9 =	vld [tilespmem:s16+$0xFFFFFF40];
	v6 =	vadd.f32 v6, v3;
	[tilespmem:s6+$0xFFFFFFB0] =	vst v5;
	v4 =	vmul.f32 v4, v0;
	v5 =	vmul.f32 v10, v1  }
0xe4: {  	v11 =	vld [tilespmem:s16+$0xFFFFFFC0]  }
0xe5: {  	[tilespmem:s18+$0x30] =	vst v12;
	v6 =	vmax.f32 v6, $0.0e+00;
	v13 =	vld [tilespmem:s14+$0xFFFFFFC0];
	v4 =	vadd.f32 v5, v4;
	v5 =	vmul.f32 v7, v2  }
0xe6: {  	v10 =	vld [tilespmem:s17+$0xFFFFFFC0];
	[tilespmem:s6+$0x30] =	vst v6  }
0xe7: {  	v6 =	vld [tilespmem:s17+$0x40];
	v4 =	vadd.f32 v5, v4  }
0xe8: {  	v7 =	vld [tilespmem:s16+$0x40]  }
0xe9: {  	v5 =	vld [tilespmem:s14+$0xFFFFFF40];
	v4 =	vadd.f32 v4, v3  }
0xea: {  	v8 =	vld.idx.msk [tilespmem:v8+s5+$0x0], $0xffff  }
0xeb: {  	[tilespmem:s18+$0xC0] =	vst v15;
	v12 =	vld.idx.msk [tilespmem:v9+s5+$0x0], $0xffff;
	v4 =	vmax.f32 v4, $0.0e+00  }
0xec: {  	v15 =	vld.idx.msk [tilespmem:v11+s5+$0x0], $0xffff;
	[tilespmem:s6+$0xC0] =	vst v4  }
0xed: {  	v4 =	vld [tilespmem:s17+$0xD0]  }
0xee: {  	v14 =	vld [tilespmem:s16+$0xD0]  }
0xef: {  	v10 =	vld.idx.msk [tilespmem:v10+s5+$0x0], $0xffff  }
0xf0: {  	v6 =	vld.idx.msk [tilespmem:v6+s5+$0x0], $0xffff  }
0xf1: {  	s26 =	sadd.s32 $0x200, s14;
	v8 =	vmul.f32 v8, v0;
	v12 =	vmul.f32 v12, v1;
	v16 =	vld.idx.msk [tilespmem:v7+s5+$0x0], $0xffff  }
0xf2: {  	v28 =	vld [tilespmem:s26+$0x80]  }
0xf3: {  	v5 =	vmul.f32 v5, v2;
	v8 =	vadd.f32 v12, v8;
	v12 =	vld [tilespmem:s14+$0x40]  }
0xf4: {  	v19 =	vld.idx.msk [tilespmem:v19+s5+$0x0], $0xffff;
	v15 =	vmul.f32 v15, v1;
	v10 =	vmul.f32 v10, v0  }
0xf5: {  	v13 =	vmul.f32 v13, v2;
	v5 =	vadd.f32 v5, v8;
	v4 =	vld.idx.msk [tilespmem:v4+s5+$0x0], $0xffff  }
0xf6: {  	v6 =	vmul.f32 v6, v0;
	v8 =	vadd.f32 v15, v10;
	v10 =	vmul.f32 v16, v1;
	v15 =	vld.idx.msk [tilespmem:v14+s5+$0x0], $0xffff  }
0xf7: {  	v32 =	vld.idx.msk [tilespmem:v20+s5+$0x0], $0xffff;
	v5 =	vadd.f32 v5, v3  }
0xf8: {  	v8 =	vadd.f32 v13, v8;
	v6 =	vadd.f32 v10, v6;
	v10 =	vmul.f32 v12, v2;
	v12 =	vld [tilespmem:s14+$0xD0]  }
0xf9: {  	v27 =	vld.idx.msk [tilespmem:v22+s5+$0x0], $0xffff;
	[tilespmem:s18+$0xFFFFFF40] =	vst v9;
	v5 =	vmax.f32 v5, $0.0e+00  }
0xfa: {  	v23 =	vld.idx.msk [tilespmem:v23+s5+$0x0], $0xffff;
	[tilespmem:s6+$0xFFFFFF40] =	vst v5;
	v5 =	vadd.f32 v8, v3;
	v6 =	vadd.f32 v10, v6  }
0xfb: {  	v8 =	vld [tilespmem:s17+$0xFFFFFF50];
	v4 =	vmul.f32 v4, v0;
	v9 =	vmul.f32 v15, v1  }
0xfc: {  	[tilespmem:s18+$0xFFFFFFC0] =	vst v11;
	v10 =	vld [tilespmem:s16+$0xFFFFFF50];
	v5 =	vmax.f32 v5, $0.0e+00;
	v6 =	vadd.f32 v6, v3  }
0xfd: {  	v25 =	vld.idx.msk [tilespmem:v25+s5+$0x0], $0xffff;
	[tilespmem:s6+$0xFFFFFFC0] =	vst v5;
	v5 =	vmul.f32 v12, v2;
	v4 =	vadd.f32 v9, v4  }
0xfe: {  	[tilespmem:s18+$0x40] =	vst v7;
	v7 =	vld [tilespmem:s17+$0xFFFFFFD0];
	v6 =	vmax.f32 v6, $0.0e+00  }
0xff: {  	[tilespmem:s6+$0x40] =	vst v6;
	v6 =	vld [tilespmem:s14+$0xFFFFFF50];
	v4 =	vadd.f32 v5, v4  }
0x100: {  	v9 =	vld [tilespmem:s16+$0xFFFFFFD0]  }
0x101: {  	v11 =	vld [tilespmem:s16+$0x50];
	v4 =	vadd.f32 v4, v3  }
0x102: {  	v5 =	vld [tilespmem:s17+$0x50]  }
0x103: {  	[tilespmem:s18+$0xD0] =	vst v14;
	v8 =	vld.idx.msk [tilespmem:v8+s5+$0x0], $0xffff;
	v4 =	vmax.f32 v4, $0.0e+00  }
0x104: {  	v12 =	vld.idx.msk [tilespmem:v10+s5+$0x0], $0xffff;
	[tilespmem:s6+$0xD0] =	vst v4  }
0x105: {  	v4 =	vld [tilespmem:s17+$0xE0]  }
0x106: {  	v13 =	vld [tilespmem:s16+$0xE0]  }
0x107: {  	v7 =	vld.idx.msk [tilespmem:v7+s5+$0x0], $0xffff  }
0x108: {  	v15 =	vld.idx.msk [tilespmem:v9+s5+$0x0], $0xffff  }
0x109: {  	v21 =	vld [tilespmem:s14+$0xE0]  }
0x10a: {  	v14 =	vld [tilespmem:s14+$0xFFFFFFD0];
	v8 =	vmul.f32 v8, v0;
	v12 =	vmul.f32 v12, v1  }
0x10b: {  	v16 =	vld.idx.msk [tilespmem:v11+s5+$0x0], $0xffff  }
0x10c: {  	v19 =	vmul.f32 v19, v0;
	v6 =	vmul.f32 v6, v2;
	v8 =	vadd.f32 v12, v8;
	v5 =	vld.idx.msk [tilespmem:v5+s5+$0x0], $0xffff  }
0x10d: {  	v7 =	vmul.f32 v7, v0;
	v12 =	vmul.f32 v15, v1;
	v4 =	vld.idx.msk [tilespmem:v4+s5+$0x0], $0xffff  }
0x10e: {  	v6 =	vadd.f32 v6, v8;
	v31 =	vmul.f32 v21, v2;
	v21 =	vmul.f32 v32, v1;
	v18 =	vld.idx.msk [tilespmem:v13+s5+$0x0], $0xffff  }
0x10f: {  	v17 =	vld [tilespmem:s14+$0x50];
	v14 =	vmul.f32 v14, v2;
	v7 =	vadd.f32 v12, v7  }
0x110: {  	v34 =	vmul.f32 v28, v2;
	v15 =	vld [tilespmem:s26+$0xFFFFFF00];
	v37 =	vadd.f32 v6, v3;
	v19 =	vadd.f32 v21, v19  }
0x111: {  	v16 =	vmul.f32 v16, v1;
	[tilespmem:s18+$0xE0] =	vst v13;
	v13 =	vld.idx.msk [tilespmem:v24+s5+$0x0], $0xffff;
	v7 =	vadd.f32 v14, v7  }
0x112: {  	s12 =	sadd.s32 $0x200, s18;
	v35 =	vld.idx.msk [tilespmem:v26+s5+$0x0], $0xffff;
	[tilespmem:s18+$0xFFFFFF50] =	vst v10;
	v5 =	vmul.f32 v5, v0;
	v10 =	vmax.f32 v37, $0.0e+00;
	v19 =	vadd.f32 v34, v19  }
0x113: {  	v36 =	vld [tilespmem:s26+$0xFFFFFF80];
	[tilespmem:s12+$0x80] =	vst v20;
	v38 =	vadd.f32 v7, v3;
	v4 =	vmul.f32 v4, v0;
	v18 =	vmul.f32 v18, v1  }
0x114: {  	[tilespmem:s18+$0xFFFFFFD0] =	vst v9;
	v12 =	vld [tilespmem:s26+$0x0];
	v8 =	vadd.f32 v16, v5;
	v16 =	vmul.f32 v17, v2;
	v19 =	vadd.f32 v19, v3  }
0x115: {  	[tilespmem:s6+$0xFFFFFF50] =	vst v10;
	v10 =	vmul.f32 v15, v2;
	v9 =	vmax.f32 v38, $0.0e+00;
	v4 =	vadd.f32 v18, v4;
	v18 =	vld.idx.msk [tilespmem:v33+s5+$0x0], $0xffff  }
0x116: {  	s7 =	sadd.s32 $0x200, s6;
	v15 =	vmul.f32 v23, v0;
	v17 =	vmax.f32 v19, $0.0e+00;
	v13 =	vmul.f32 v13, v1;
	[tilespmem:s6+$0xFFFFFFD0] =	vst v9;
	v9 =	vld [tilespmem:s16+$0xFFFFFF60]  }
0x117: {  	v34 =	vld [tilespmem:s14+$0xFFFFFF60];
	v8 =	vadd.f32 v16, v8;
	[tilespmem:s7+$0x80] =	vst v17  }
0x118: {  	v40 =	vmul.f32 v25, v0;
	[tilespmem:s18+$0x50] =	vst v11;
	v17 =	vld [tilespmem:s8+$0x90];
	v11 =	vadd.f32 v13, v15;
	v13 =	vmul.f32 v35, v1  }
0x119: {  	v14 =	vmul.f32 v27, v1;
	v8 =	vadd.f32 v8, v3;
	v39 =	vld [tilespmem:s10+$0x90];
	v4 =	vadd.f32 v31, v4  }
0x11a: {  	v12 =	vmul.f32 v12, v2;
	v15 =	vld [tilespmem:s17+$0xFFFFFFE0];
	v13 =	vadd.f32 v13, v40;
	v16 =	vmul.f32 v18, v0  }
0x11b: {  	v8 =	vmax.f32 v8, $0.0e+00;
	v35 =	vld [tilespmem:s14+$0xFFFFFFE0];
	v4 =	vadd.f32 v4, v3  }
0x11c: {  	[tilespmem:s6+$0x50] =	vst v8;
	v8 =	vld [tilespmem:s16+$0xFFFFFFE0];
	v12 =	vadd.f32 v12, v13;
	v14 =	vadd.f32 v14, v16  }
0x11d: {  	v4 =	vmax.f32 v4, $0.0e+00;
	v16 =	vld [tilespmem:s17+$0xFFFFFF60]  }
0x11e: {  	v12 =	vadd.f32 v12, v3;
	[tilespmem:s6+$0xE0] =	vst v4;
	v48 =	vld.idx.msk [tilespmem:v9+s5+$0x0], $0xffff;
	v10 =	vadd.f32 v10, v14  }
0x11f: {  	v29 =	vld [tilespmem:s17+$0xF0];
	v14 =	vmul.f32 v36, v2  }
0x120: {  	[tilespmem:s12+$0x0] =	vst v26;
	v4 =	vld [tilespmem:s16+$0xF0];
	v12 =	vmax.f32 v12, $0.0e+00;
	v10 =	vadd.f32 v10, v3  }
0x121: {  	v17 =	vld.idx.msk [tilespmem:v17+s5+$0x0], $0xffff;
	[tilespmem:s7+$0x0] =	vst v12;
	v11 =	vadd.f32 v14, v11  }
0x122: {  	[tilespmem:s12+$0xFFFFFF00] =	vst v22;
	v43 =	vld [tilespmem:s8+$0x10];
	v10 =	vmax.f32 v10, $0.0e+00  }
0x123: {  	v11 =	vadd.f32 v11, v3;
	[tilespmem:s7+$0xFFFFFF00] =	vst v10;
	v10 =	vld.idx.msk [tilespmem:v39+s5+$0x0], $0xffff  }
0x124: {  	v13 =	vld [tilespmem:s8+$0xFFFFFF10]  }
0x125: {  	[tilespmem:s12+$0xFFFFFF80] =	vst v24;
	v11 =	vmax.f32 v11, $0.0e+00;
	v41 =	vld [tilespmem:s10+$0xFFFFFF10]  }
0x126: {  	[tilespmem:s7+$0xFFFFFF80] =	vst v11;
	v11 =	vld [tilespmem:s26+$0x90]  }
0x127: {  	v44 =	vld [tilespmem:s10+$0x10]  }
0x128: {  	v42 =	vld [tilespmem:s8+$0xFFFFFF90]  }
0x129: {  	v17 =	vmul.f32 v17, v0;
	v12 =	vld [tilespmem:s10+$0xFFFFFF90];
	v10 =	vmul.f32 v10, v1  }
0x12a: {  	v7 =	vld [tilespmem:s14+$0xF0]  }
0x12b: {  	v45 =	vld [tilespmem:s26+$0xFFFFFF10];
	v10 =	vadd.f32 v10, v17;
	v11 =	vmul.f32 v11, v2  }
0x12c: {  	v21 =	vld.idx.msk [tilespmem:v43+s5+$0x0], $0xffff  }
0x12d: {  	v13 =	vld.idx.msk [tilespmem:v13+s5+$0x0], $0xffff;
	v10 =	vadd.f32 v11, v10  }
0x12e: {  	v17 =	vld.idx.msk [tilespmem:v41+s5+$0x0], $0xffff  }
0x12f: {  	v46 =	vld.idx.msk [tilespmem:v44+s5+$0x0], $0xffff;
	v10 =	vadd.f32 v10, v3  }
0x130: {  	v20 =	vld.idx.msk [tilespmem:v42+s5+$0x0], $0xffff  }
0x131: {  	[tilespmem:s12+$0x90] =	vst v39;
	v24 =	vld.idx.msk [tilespmem:v12+s5+$0x0], $0xffff;
	v10 =	vmax.f32 v10, $0.0e+00  }
0x132: {  	v11 =	vld [tilespmem:s26+$0xFFFFFF90];
	[tilespmem:s7+$0x90] =	vst v10  }
0x133: {  	v10 =	vmul.f32 v13, v0;
	v13 =	vmul.f32 v17, v1;
	v17 =	vld [tilespmem:s8+$0xA0]  }
0x134: {  	v47 =	vld [tilespmem:s10+$0xA0]  }
0x135: {  	v26 =	vld [tilespmem:s26+$0x10];
	v23 =	vmul.f32 v45, v2;
	v13 =	vadd.f32 v13, v10  }
0x136: {  	v15 =	vld.idx.msk [tilespmem:v15+s5+$0x0], $0xffff;
	v20 =	vmul.f32 v20, v0;
	v24 =	vmul.f32 v24, v1  }
0x137: {  	v50 =	vld.idx.msk [tilespmem:v8+s5+$0x0], $0xffff;
	v21 =	vmul.f32 v21, v0;
	v13 =	vadd.f32 v23, v13  }
0x138: {  	v14 =	vld [tilespmem:s17+$0x60];
	v19 =	vmul.f32 v46, v1;
	v11 =	vmul.f32 v11, v2;
	v20 =	vadd.f32 v24, v20  }
0x139: {  	v16 =	vld.idx.msk [tilespmem:v16+s5+$0x0], $0xffff;
	v13 =	vadd.f32 v13, v3  }
0x13a: {  	v49 =	vmul.f32 v26, v2;
	v19 =	vadd.f32 v19, v21;
	v10 =	vld [tilespmem:s16+$0x60];
	v11 =	vadd.f32 v11, v20  }
0x13b: {  	[tilespmem:s12+$0xFFFFFF10] =	vst v41;
	v13 =	vmax.f32 v13, $0.0e+00;
	v17 =	vld.idx.msk [tilespmem:v17+s5+$0x0], $0xffff  }
0x13c: {  	v11 =	vadd.f32 v11, v3;
	[tilespmem:s7+$0xFFFFFF10] =	vst v13;
	v13 =	vadd.f32 v49, v19;
	v51 =	vld.idx.msk [tilespmem:v47+s5+$0x0], $0xffff  }
0x13d: {  	v52 =	vld [tilespmem:s8+$0xFFFFFF20]  }
0x13e: {  	[tilespmem:s12+$0xFFFFFF90] =	vst v12;
	v12 =	vld [tilespmem:s10+$0xFFFFFF20];
	v11 =	vmax.f32 v11, $0.0e+00;
	v13 =	vadd.f32 v13, v3  }
0x13f: {  	[tilespmem:s7+$0xFFFFFF90] =	vst v11;
	v11 =	vld [tilespmem:s26+$0xA0]  }
0x140: {  	[tilespmem:s12+$0x10] =	vst v44;
	v53 =	vld [tilespmem:s8+$0xFFFFFFA0];
	v13 =	vmax.f32 v13, $0.0e+00  }
0x141: {  	v54 =	vld [tilespmem:s10+$0xFFFFFFA0];
	[tilespmem:s7+$0x10] =	vst v13  }
0x142: {  	v17 =	vmul.f32 v17, v0;
	v18 =	vmul.f32 v51, v1;
	v13 =	vld [tilespmem:s8+$0x20]  }
0x143: {  	v55 =	vld [tilespmem:s10+$0x20]  }
0x144: {  	v56 =	vld [tilespmem:s26+$0xFFFFFF20];
	v17 =	vadd.f32 v18, v17;
	v11 =	vmul.f32 v11, v2  }
0x145: {  	v57 =	vld.idx.msk [tilespmem:v52+s5+$0x0], $0xffff  }
0x146: {  	v58 =	vld.idx.msk [tilespmem:v12+s5+$0x0], $0xffff;
	v11 =	vadd.f32 v11, v17  }
0x147: {  	v17 =	vld [tilespmem:s26+$0xFFFFFFA0]  }
0x148: {  	v16 =	vmul.f32 v16, v0;
	v23 =	vmul.f32 v48, v1;
	v20 =	vld.idx.msk [tilespmem:v53+s5+$0x0], $0xffff;
	v11 =	vadd.f32 v11, v3  }
0x149: {  	v15 =	vmul.f32 v15, v0;
	v21 =	vmul.f32 v50, v1;
	v59 =	vld.idx.msk [tilespmem:v54+s5+$0x0], $0xffff  }
0x14a: {  	v41 =	vmul.f32 v34, v2;
	v16 =	vadd.f32 v23, v16;
	[tilespmem:s12+$0xA0] =	vst v47;
	v11 =	vmax.f32 v11, $0.0e+00;
	v13 =	vld.idx.msk [tilespmem:v13+s5+$0x0], $0xffff  }
0x14b: {  	v43 =	vmul.f32 v35, v2;
	v15 =	vadd.f32 v21, v15;
	v60 =	vld.idx.msk [tilespmem:v55+s5+$0x0], $0xffff;
	[tilespmem:s7+$0xA0] =	vst v11  }
0x14c: {  	v16 =	vadd.f32 v41, v16;
	v11 =	vmul.f32 v57, v0;
	v61 =	vmul.f32 v58, v1;
	v62 =	vld [tilespmem:s8+$0xB0]  }
0x14d: {  	v15 =	vadd.f32 v43, v15;
	v63 =	vld [tilespmem:s10+$0xB0]  }
0x14e: {  	v16 =	vadd.f32 v16, v3;
	v26 =	vmul.f32 v56, v2;
	v32 =	vld [tilespmem:s26+$0x20];
	v11 =	vadd.f32 v61, v11  }
0x14f: {  	v36 =	vld [tilespmem:s14+$0x60];
	[tilespmem:s18+$0xFFFFFF60] =	vst v9;
	v9 =	vadd.f32 v15, v3;
	v20 =	vmul.f32 v20, v0;
	v27 =	vmul.f32 v59, v1  }
0x150: {  	[tilespmem:s18+$0xFFFFFFE0] =	vst v8;
	v5 =	vld.idx.msk [tilespmem:v29+s5+$0x0], $0xffff;
	v15 =	vmax.f32 v16, $0.0e+00;
	v17 =	vmul.f32 v17, v2;
	v11 =	vadd.f32 v26, v11  }
0x151: {  	v14 =	vld.idx.msk [tilespmem:v14+s5+$0x0], $0xffff;
	v20 =	vadd.f32 v27, v20;
	v13 =	vmul.f32 v13, v0;
	v25 =	vmul.f32 v60, v1  }
0x152: {  	v8 =	vmax.f32 v9, $0.0e+00;
	v33 =	vld.idx.msk [tilespmem:v10+s5+$0x0], $0xffff;
	[tilespmem:s6+$0xFFFFFF60] =	vst v15;
	v11 =	vadd.f32 v11, v3  }
0x153: {  	v9 =	vld [tilespmem:s16+$0xFFFFFF70];
	v18 =	vmul.f32 v32, v2;
	v17 =	vadd.f32 v17, v20;
	v13 =	vadd.f32 v25, v13  }
0x154: {  	[tilespmem:s12+$0xFFFFFF20] =	vst v12;
	v11 =	vmax.f32 v11, $0.0e+00;
	v12 =	vld.idx.msk [tilespmem:v62+s5+$0x0], $0xffff  }
0x155: {  	[tilespmem:s7+$0xFFFFFF20] =	vst v11;
	v11 =	vadd.f32 v17, v3;
	v13 =	vadd.f32 v18, v13;
	v17 =	vld.idx.msk [tilespmem:v63+s5+$0x0], $0xffff  }
0x156: {  	v37 =	vld [tilespmem:s8+$0xFFFFFF30]  }
0x157: {  	[tilespmem:s12+$0xFFFFFFA0] =	vst v54;
	v38 =	vld [tilespmem:s10+$0xFFFFFF30];
	v11 =	vmax.f32 v11, $0.0e+00;
	v13 =	vadd.f32 v13, v3  }
0x158: {  	[tilespmem:s7+$0xFFFFFFA0] =	vst v11;
	v11 =	vld [tilespmem:s26+$0xB0]  }
0x159: {  	[tilespmem:s12+$0x20] =	vst v55;
	v22 =	vld [tilespmem:s8+$0xFFFFFFB0];
	v13 =	vmax.f32 v13, $0.0e+00  }
0x15a: {  	v39 =	vld [tilespmem:s10+$0xFFFFFFB0];
	[tilespmem:s7+$0x20] =	vst v13  }
0x15b: {  	v12 =	vmul.f32 v12, v0;
	v17 =	vmul.f32 v17, v1;
	v13 =	vld [tilespmem:s8+$0x30]  }
0x15c: {  	v40 =	vld [tilespmem:s10+$0x30]  }
0x15d: {  	v42 =	vld [tilespmem:s26+$0xFFFFFFB0];
	v12 =	vadd.f32 v17, v12;
	v11 =	vmul.f32 v11, v2  }
0x15e: {  	v17 =	vld [tilespmem:s26+$0xFFFFFF30]  }
0x15f: {  	v18 =	vld.idx.msk [tilespmem:v37+s5+$0x0], $0xffff;
	v11 =	vadd.f32 v11, v12  }
0x160: {  	v12 =	vld.idx.msk [tilespmem:v38+s5+$0x0], $0xffff  }
0x161: {  	v14 =	vmul.f32 v14, v0;
	v26 =	vmul.f32 v33, v1;
	v22 =	vld.idx.msk [tilespmem:v22+s5+$0x0], $0xffff;
	v11 =	vadd.f32 v11, v3  }
0x162: {  	v44 =	vld.idx.msk [tilespmem:v39+s5+$0x0], $0xffff  }
0x163: {  	v14 =	vadd.f32 v26, v14;
	v20 =	vmul.f32 v36, v2;
	[tilespmem:s12+$0xB0] =	vst v63;
	v13 =	vld.idx.msk [tilespmem:v13+s5+$0x0], $0xffff;
	v11 =	vmax.f32 v11, $0.0e+00  }
0x164: {  	v45 =	vld.idx.msk [tilespmem:v40+s5+$0x0], $0xffff;
	[tilespmem:s7+$0xB0] =	vst v11  }
0x165: {  	v11 =	vadd.f32 v20, v14;
	v14 =	vmul.f32 v18, v0;
	v12 =	vmul.f32 v12, v1;
	v46 =	vld [tilespmem:s8+$0xC0]  }
0x166: {  	v16 =	vld [tilespmem:s10+$0xC0]  }
0x167: {  	v15 =	vmul.f32 v17, v2;
	v11 =	vadd.f32 v11, v3;
	v12 =	vadd.f32 v12, v14;
	v14 =	vld [tilespmem:s26+$0x30]  }
0x168: {  	v6 =	vld.idx.msk [tilespmem:v4+s5+$0x0], $0xffff;
	[tilespmem:s6+$0xFFFFFFE0] =	vst v8;
	v17 =	vmul.f32 v22, v0;
	v47 =	vmul.f32 v44, v1  }
0x169: {  	v49 =	vld [tilespmem:s17+$0xFFFFFFF0];
	v8 =	vmul.f32 v42, v2;
	v11 =	vmax.f32 v11, $0.0e+00;
	v12 =	vadd.f32 v15, v12  }
0x16a: {  	[tilespmem:s18+$0x60] =	vst v10;
	v10 =	vld [tilespmem:s16+$0xFFFFFFF0];
	v13 =	vmul.f32 v13, v0;
	v15 =	vadd.f32 v47, v17;
	v17 =	vmul.f32 v45, v1  }
0x16b: {  	v48 =	vld [tilespmem:s17+$0xFFFFFF70];
	[tilespmem:s6+$0x60] =	vst v11;
	v11 =	vadd.f32 v12, v3  }
0x16c: {  	v56 =	vld.idx.msk [tilespmem:v9+s5+$0x0], $0xffff;
	v8 =	vadd.f32 v8, v15;
	v12 =	vadd.f32 v17, v13;
	v13 =	vmul.f32 v14, v2  }
0x16d: {  	[tilespmem:s12+$0xFFFFFF30] =	vst v38;
	v11 =	vmax.f32 v11, $0.0e+00;
	v15 =	vld.idx.msk [tilespmem:v46+s5+$0x0], $0xffff  }
0x16e: {  	v8 =	vadd.f32 v8, v3;
	[tilespmem:s7+$0xFFFFFF30] =	vst v11;
	v11 =	vadd.f32 v13, v12;
	v12 =	vld.idx.msk [tilespmem:v16+s5+$0x0], $0xffff  }
0x16f: {  	v13 =	vld [tilespmem:s8+$0xFFFFFF40]  }
0x170: {  	[tilespmem:s12+$0xFFFFFFB0] =	vst v39;
	v17 =	vld [tilespmem:s10+$0xFFFFFF40];
	v8 =	vmax.f32 v8, $0.0e+00;
	v11 =	vadd.f32 v11, v3  }
0x171: {  	[tilespmem:s7+$0xFFFFFFB0] =	vst v8;
	v8 =	vld [tilespmem:s26+$0xC0]  }
0x172: {  	[tilespmem:s12+$0x30] =	vst v40;
	v50 =	vld [tilespmem:s8+$0xFFFFFFC0];
	v11 =	vmax.f32 v11, $0.0e+00  }
0x173: {  	v51 =	vld [tilespmem:s10+$0xFFFFFFC0];
	[tilespmem:s7+$0x30] =	vst v11  }
0x174: {  	v15 =	vmul.f32 v15, v0;
	v12 =	vmul.f32 v12, v1;
	v11 =	vld [tilespmem:s8+$0x40]  }
0x175: {  	v52 =	vld [tilespmem:s10+$0x40]  }
0x176: {  	v53 =	vld [tilespmem:s26+$0xFFFFFF40];
	v12 =	vadd.f32 v12, v15;
	v8 =	vmul.f32 v8, v2  }
0x177: {  	v13 =	vld.idx.msk [tilespmem:v13+s5+$0x0], $0xffff  }
0x178: {  	v15 =	vld.idx.msk [tilespmem:v17+s5+$0x0], $0xffff;
	v8 =	vadd.f32 v8, v12  }
0x179: {  	v12 =	vld [tilespmem:s26+$0xFFFFFFC0]  }
0x17a: {  	v18 =	vld.idx.msk [tilespmem:v50+s5+$0x0], $0xffff;
	v8 =	vadd.f32 v8, v3  }
0x17b: {  	v24 =	vld.idx.msk [tilespmem:v51+s5+$0x0], $0xffff  }
0x17c: {  	[tilespmem:s12+$0xC0] =	vst v16;
	v8 =	vmax.f32 v8, $0.0e+00;
	v11 =	vld.idx.msk [tilespmem:v11+s5+$0x0], $0xffff  }
0x17d: {  	v16 =	vld.idx.msk [tilespmem:v52+s5+$0x0], $0xffff;
	[tilespmem:s7+$0xC0] =	vst v8  }
0x17e: {  	v8 =	vmul.f32 v13, v0;
	v13 =	vmul.f32 v15, v1;
	v15 =	vld [tilespmem:s8+$0xD0]  }
0x17f: {  	v54 =	vld [tilespmem:s10+$0xD0]  }
0x180: {  	v23 =	vmul.f32 v53, v2;
	v8 =	vadd.f32 v13, v8;
	v13 =	vld [tilespmem:s26+$0x40]  }
0x181: {  	v20 =	vld.idx.msk [tilespmem:v49+s5+$0x0], $0xffff;
	v18 =	vmul.f32 v18, v0;
	v24 =	vmul.f32 v24, v1  }
0x182: {  	v22 =	vld.idx.msk [tilespmem:v48+s5+$0x0], $0xffff;
	v12 =	vmul.f32 v12, v2;
	v8 =	vadd.f32 v23, v8  }
0x183: {  	v55 =	vld [tilespmem:s16+$0x70];
	v18 =	vadd.f32 v24, v18;
	v11 =	vmul.f32 v11, v0;
	v16 =	vmul.f32 v16, v1  }
0x184: {  	v14 =	vld [tilespmem:s17+$0x70];
	v8 =	vadd.f32 v8, v3  }
0x185: {  	v12 =	vadd.f32 v12, v18;
	v11 =	vadd.f32 v16, v11;
	v13 =	vmul.f32 v13, v2;
	v16 =	vld.idx.msk [tilespmem:v10+s5+$0x0], $0xffff  }
0x186: {  	[tilespmem:s12+$0xFFFFFF40] =	vst v17;
	v8 =	vmax.f32 v8, $0.0e+00;
	v15 =	vld.idx.msk [tilespmem:v15+s5+$0x0], $0xffff  }
0x187: {  	[tilespmem:s7+$0xFFFFFF40] =	vst v8;
	v8 =	vadd.f32 v12, v3;
	v11 =	vadd.f32 v13, v11;
	v12 =	vld.idx.msk [tilespmem:v54+s5+$0x0], $0xffff  }
0x188: {  	v13 =	vld [tilespmem:s8+$0xFFFFFF50]  }
0x189: {  	[tilespmem:s12+$0xFFFFFFC0] =	vst v51;
	v17 =	vld [tilespmem:s10+$0xFFFFFF50];
	v8 =	vmax.f32 v8, $0.0e+00;
	v11 =	vadd.f32 v11, v3  }
0x18a: {  	[tilespmem:s7+$0xFFFFFFC0] =	vst v8;
	v8 =	vld [tilespmem:s26+$0xD0]  }
0x18b: {  	[tilespmem:s12+$0x40] =	vst v52;
	v57 =	vld [tilespmem:s8+$0xFFFFFFD0];
	v11 =	vmax.f32 v11, $0.0e+00  }
0x18c: {  	v19 =	vld [tilespmem:s10+$0xFFFFFFD0];
	[tilespmem:s7+$0x40] =	vst v11  }
0x18d: {  	v15 =	vmul.f32 v15, v0;
	v12 =	vmul.f32 v12, v1;
	v11 =	vld [tilespmem:s8+$0x50]  }
0x18e: {  	v5 =	vmul.f32 v5, v0;
	v21 =	vld [tilespmem:s10+$0x50]  }
0x18f: {  	v6 =	vmul.f32 v6, v1;
	v12 =	vadd.f32 v12, v15;
	v15 =	vld [tilespmem:s26+$0xFFFFFF50];
	v8 =	vmul.f32 v8, v2  }
0x190: {  	v13 =	vld.idx.msk [tilespmem:v13+s5+$0x0], $0xffff  }
0x191: {  	v5 =	vadd.f32 v6, v5;
	v6 =	vmul.f32 v7, v2;
	v7 =	vld.idx.msk [tilespmem:v17+s5+$0x0], $0xffff;
	v8 =	vadd.f32 v8, v12  }
0x192: {  	v12 =	vld [tilespmem:s26+$0xFFFFFFD0]  }
0x193: {  	v5 =	vadd.f32 v6, v5;
	v6 =	vld.idx.msk [tilespmem:v57+s5+$0x0], $0xffff;
	v8 =	vadd.f32 v8, v3  }
0x194: {  	v58 =	vld.idx.msk [tilespmem:v19+s5+$0x0], $0xffff  }
0x195: {  	[tilespmem:s12+$0xD0] =	vst v54;
	v59 =	vld.idx.msk [tilespmem:v11+s5+$0x0], $0xffff;
	v8 =	vmax.f32 v8, $0.0e+00  }
0x196: {  	v5 =	vadd.f32 v5, v3;
	v60 =	vld.idx.msk [tilespmem:v21+s5+$0x0], $0xffff;
	[tilespmem:s7+$0xD0] =	vst v8  }
0x197: {  	[tilespmem:s18+$0xF0] =	vst v4;
	v4 =	vmul.f32 v13, v0;
	v7 =	vmul.f32 v7, v1;
	v61 =	vld [tilespmem:s8+$0xE0]  }
0x198: {  	v5 =	vmax.f32 v5, $0.0e+00;
	v20 =	vmul.f32 v20, v0;
	v8 =	vld [tilespmem:s10+$0xE0]  }
0x199: {  	[tilespmem:s6+$0xF0] =	vst v5;
	v5 =	vmul.f32 v22, v0;
	v13 =	vmul.f32 v15, v2;
	v4 =	vadd.f32 v7, v4;
	v7 =	vld [tilespmem:s26+$0x50]  }
0x19a: {  	[tilespmem:s12+$0xFFFFFF50] =	vst v17;
	v11 =	vld.idx.msk [tilespmem:v14+s5+$0x0], $0xffff;
	v6 =	vmul.f32 v6, v0;
	v15 =	vmul.f32 v58, v1  }
0x19b: {  	[tilespmem:s12+$0xFFFFFFD0] =	vst v19;
	v17 =	vmul.f32 v12, v2;
	v12 =	vld.idx.msk [tilespmem:v55+s5+$0x0], $0xffff;
	v4 =	vadd.f32 v13, v4  }
0x19c: {  	[tilespmem:s12+$0x50] =	vst v21;
	v13 =	vld [tilespmem:s14+$0xFFFFFF70];
	v62 =	vmul.f32 v59, v0;
	v15 =	vadd.f32 v15, v6;
	v63 =	vmul.f32 v60, v1  }
0x19d: {  	v16 =	vmul.f32 v16, v1;
	v14 =	vmul.f32 v56, v1;
	[tilespmem:s18+$0xFFFFFF70] =	vst v9;
	v6 =	vld [tilespmem:s14+$0xFFFFFFF0];
	v9 =	vadd.f32 v4, v3  }
0x19e: {  	[tilespmem:s18+$0xFFFFFFF0] =	vst v10;
	v10 =	vadd.f32 v17, v15;
	v15 =	vadd.f32 v63, v62;
	v17 =	vmul.f32 v7, v2;
	v7 =	vld [tilespmem:s14+$0x70]  }
0x19f: {  	s13 =	smov.u32 s12;
	s16 =	smov.u32 s10;
	v4 =	vadd.f32 v14, v5;
	v5 =	vadd.f32 v16, v20;
	[tilespmem:s18+$0x70] =	vst v55;
	v14 =	vmax.f32 v9, $0.0e+00;
	v9 =	vld.idx.msk [tilespmem:v61+s5+$0x0], $0xffff  }
0x1a0: {  	s17 =	simm.s32 $0x4;
	s18 =	sadd.s32 $0x200, s8;
	s14 =	smov.u32 s26;
	[tilespmem:s7+$0xFFFFFF50] =	vst v14;
	v14 =	vadd.f32 v10, v3;
	v15 =	vadd.f32 v17, v15;
	v10 =	vld.idx.msk [tilespmem:v8+s5+$0x0], $0xffff  }
.LBB2_3:
0x1a1: {  	v16 =	vld [tilespmem:s18+$0x80];
	s10 =	sadd.s32 $0x200, s10;
	v11 =	vmul.f32 v11, v0;
	v12 =	vmul.f32 v12, v1  }
0x1a2: {  	v13 =	vmul.f32 v13, v2;
	v17 =	vld [tilespmem:s10+$0x80];
	v14 =	vmax.f32 v14, $0.0e+00;
	v15 =	vadd.f32 v15, v3  }
0x1a3: {  	v6 =	vmul.f32 v6, v2;
	[tilespmem:s7+$0xFFFFFFD0] =	vst v14;
	v14 =	vld [tilespmem:s26+$0xE0];
	v11 =	vadd.f32 v12, v11;
	v7 =	vmul.f32 v7, v2  }
0x1a4: {  	v4 =	vadd.f32 v13, v4;
	v12 =	vld [tilespmem:s10+$0xFFFFFF00];
	v15 =	vmax.f32 v15, $0.0e+00  }
0x1a5: {  	v5 =	vadd.f32 v6, v5;
	v13 =	vld [tilespmem:s18+$0xFFFFFF80];
	[tilespmem:s7+$0x50] =	vst v15;
	v6 =	vadd.f32 v7, v11  }
0x1a6: {  	v9 =	vmul.f32 v9, v0;
	v10 =	vmul.f32 v10, v1;
	v4 =	vadd.f32 v4, v3;
	v7 =	vld [tilespmem:s10+$0xFFFFFF80]  }
0x1a7: {  	v5 =	vadd.f32 v5, v3;
	v11 =	vld [tilespmem:s18+$0x0];
	v6 =	vadd.f32 v6, v3  }
0x1a8: {  	v9 =	vadd.f32 v10, v9;
	v4 =	vmax.f32 v4, $0.0e+00;
	v15 =	vld [tilespmem:s10+$0x0];
	v10 =	vmul.f32 v14, v2  }
0x1a9: {  	s17 =	sadd.s32 $0x4, s17;
	v14 =	vld.idx.msk [tilespmem:v16+s5+$0x0], $0xffff;
	[tilespmem:s6+$0xFFFFFF70] =	vst v4;
	v4 =	vmax.f32 v5, $0.0e+00;
	v5 =	vmax.f32 v6, $0.0e+00  }
0x1aa: {  	p2 =	slt.u32 s17, $0xC;
	v6 =	vld.idx.msk [tilespmem:v17+s5+$0x0], $0xffff;
	v9 =	vadd.f32 v10, v9;
	[tilespmem:s6+$0xFFFFFFF0] =	vst v4  }
0x1ab: {  	v4 =	vld [tilespmem:s18+$0xFFFFFF00];
	[tilespmem:s6+$0x70] =	vst v5;
	s6 =	smov.u32 s7  }
0x1ac: {  	s26 =	sadd.s32 $0x200, s26;
	v5 =	vld.idx.msk [tilespmem:v12+s5+$0x0], $0xffff;
	v9 =	vadd.f32 v9, v3  }
0x1ad: {  	v10 =	vld [tilespmem:s26+$0x80]  }
0x1ae: {  	v13 =	vld.idx.msk [tilespmem:v13+s5+$0x0], $0xffff;
	v9 =	vmax.f32 v9, $0.0e+00;
	[tilespmem:s12+$0xE0] =	vst v8  }
0x1af: {  	v8 =	vld.idx.msk [tilespmem:v7+s5+$0x0], $0xffff;
	[tilespmem:s7+$0xE0] =	vst v9  }
0x1b0: {  	v9 =	vmul.f32 v14, v0;
	v6 =	vmul.f32 v6, v1;
	v14 =	vld [tilespmem:s8+$0xF0]  }
0x1b1: {  	v16 =	vld [tilespmem:s16+$0xF0]  }
0x1b2: {  	v5 =	vmul.f32 v5, v1;
	v6 =	vadd.f32 v6, v9;
	v11 =	vld.idx.msk [tilespmem:v11+s5+$0x0], $0xffff;
	v9 =	vmul.f32 v10, v2  }
0x1b3: {  	v4 =	vld.idx.msk [tilespmem:v4+s5+$0x0], $0xffff  }
0x1b4: {  	v10 =	vmul.f32 v13, v0;
	v13 =	vld.idx.msk [tilespmem:v15+s5+$0x0], $0xffff;
	v6 =	vadd.f32 v9, v6  }
0x1b5: {  	v8 =	vmul.f32 v8, v1;
	v9 =	vld [tilespmem:s26+$0xFFFFFF00]  }
0x1b6: {  	v18 =	vld [tilespmem:s26+$0xFFFFFF80];
	v6 =	vadd.f32 v6, v3  }
0x1b7: {  	s12 =	sadd.s32 $0x200, s12;
	v8 =	vadd.f32 v8, v10;
	v10 =	vld [tilespmem:s26+$0x0]  }
0x1b8: {  	s7 =	sadd.s32 $0x200, s7;
	v11 =	vmul.f32 v11, v0;
	v6 =	vmax.f32 v6, $0.0e+00;
	[tilespmem:s12+$0x80] =	vst v17;
	v14 =	vld.idx.msk [tilespmem:v14+s5+$0x0], $0xffff  }
0x1b9: {  	v4 =	vmul.f32 v4, v0;
	[tilespmem:s7+$0x80] =	vst v6;
	v6 =	vld.idx.msk [tilespmem:v16+s5+$0x0], $0xffff  }
0x1ba: {  	v13 =	vmul.f32 v13, v1;
	v9 =	vmul.f32 v9, v2;
	[tilespmem:s12+$0x0] =	vst v15;
	v15 =	vld [tilespmem:s18+$0x90]  }
0x1bb: {  	v4 =	vadd.f32 v5, v4;
	[tilespmem:s12+$0xFFFFFF00] =	vst v12;
	v5 =	vmul.f32 v18, v2;
	v12 =	vld [tilespmem:s10+$0x90]  }
0x1bc: {  	[tilespmem:s12+$0xFFFFFF80] =	vst v7;
	v7 =	vadd.f32 v13, v11;
	v10 =	vmul.f32 v10, v2;
	v11 =	vld [tilespmem:s14+$0xF0]  }
0x1bd: {  	v9 =	vadd.f32 v9, v4;
	v5 =	vadd.f32 v5, v8;
	v8 =	vld [tilespmem:s8+$0xFFFFFF60]  }
0x1be: {  	v7 =	vadd.f32 v10, v7;
	v4 =	vld [tilespmem:s16+$0xFFFFFF60]  }
0x1bf: {  	v13 =	vmul.f32 v14, v0;
	v9 =	vadd.f32 v9, v3;
	v14 =	vmul.f32 v6, v1;
	v10 =	vld [tilespmem:s8+$0xFFFFFFE0]  }
0x1c0: {  	v17 =	vadd.f32 v5, v3;
	v7 =	vadd.f32 v7, v3;
	v5 =	vld [tilespmem:s16+$0xFFFFFFE0]  }
0x1c1: {  	v9 =	vmax.f32 v9, $0.0e+00;
	v13 =	vadd.f32 v14, v13;
	v6 =	vld [tilespmem:s8+$0x60];
	v11 =	vmul.f32 v11, v2  }
0x1c2: {  	[tilespmem:s7+$0xFFFFFF00] =	vst v9;
	v9 =	vmax.f32 v17, $0.0e+00;
	v7 =	vmax.f32 v7, $0.0e+00;
	v14 =	vld.idx.msk [tilespmem:v15+s5+$0x0], $0xffff  }
0x1c3: {  	[tilespmem:s7+$0xFFFFFF80] =	vst v9;
	v9 =	vld.idx.msk [tilespmem:v12+s5+$0x0], $0xffff;
	v11 =	vadd.f32 v11, v13  }
0x1c4: {  	v13 =	vld [tilespmem:s18+$0xFFFFFF10];
	[tilespmem:s7+$0x0] =	vst v7  }
0x1c5: {  	v7 =	vld [tilespmem:s10+$0xFFFFFF10];
	v11 =	vadd.f32 v11, v3  }
0x1c6: {  	v15 =	vld [tilespmem:s26+$0x90]  }
0x1c7: {  	v17 =	vld [tilespmem:s18+$0xFFFFFF90];
	v11 =	vmax.f32 v11, $0.0e+00;
	[tilespmem:s13+$0xF0] =	vst v16  }
0x1c8: {  	v16 =	vld [tilespmem:s10+$0xFFFFFF90];
	[tilespmem:s6+$0xF0] =	vst v11  }
0x1c9: {  	v14 =	vmul.f32 v14, v0;
	v9 =	vmul.f32 v9, v1;
	v11 =	vld [tilespmem:s18+$0x10]  }
0x1ca: {  	v18 =	vld [tilespmem:s10+$0x10]  }
0x1cb: {  	v9 =	vadd.f32 v9, v14;
	v19 =	vld [tilespmem:s26+$0xFFFFFF10];
	v14 =	vmul.f32 v15, v2  }
0x1cc: {  	v13 =	vld.idx.msk [tilespmem:v13+s5+$0x0], $0xffff  }
0x1cd: {  	v15 =	vld.idx.msk [tilespmem:v7+s5+$0x0], $0xffff;
	[tilespmem:s12+$0xFFFFFF10] =	vst v7;
	v7 =	vadd.f32 v14, v9  }
0x1ce: {  	v9 =	vld [tilespmem:s26+$0xFFFFFF90]  }
0x1cf: {  	v14 =	vld.idx.msk [tilespmem:v17+s5+$0x0], $0xffff;
	v7 =	vadd.f32 v7, v3  }
0x1d0: {  	v17 =	vmul.f32 v19, v2;
	v19 =	vld.idx.msk [tilespmem:v16+s5+$0x0], $0xffff;
	[tilespmem:s12+$0xFFFFFF90] =	vst v16  }
0x1d1: {  	v11 =	vld.idx.msk [tilespmem:v11+s5+$0x0], $0xffff;
	v7 =	vmax.f32 v7, $0.0e+00;
	[tilespmem:s12+$0x90] =	vst v12  }
0x1d2: {  	v12 =	vmul.f32 v13, v0;
	v13 =	vld.idx.msk [tilespmem:v18+s5+$0x0], $0xffff;
	[tilespmem:s7+$0x90] =	vst v7  }
0x1d3: {  	v7 =	vmul.f32 v15, v1;
	v9 =	vmul.f32 v9, v2;
	v15 =	vld [tilespmem:s18+$0xA0]  }
0x1d4: {  	v16 =	vld [tilespmem:s10+$0xA0]  }
0x1d5: {  	v7 =	vadd.f32 v7, v12;
	v12 =	vmul.f32 v14, v0;
	v14 =	vld [tilespmem:s26+$0x10];
	[tilespmem:s12+$0x10] =	vst v18  }
0x1d6: {  	v18 =	vmul.f32 v19, v1;
	v19 =	vld [tilespmem:s16+$0x60]  }
0x1d7: {  	v7 =	vadd.f32 v17, v7;
	v11 =	vmul.f32 v11, v0;
	v8 =	vld.idx.msk [tilespmem:v8+s5+$0x0], $0xffff  }
0x1d8: {  	v12 =	vadd.f32 v18, v12;
	v13 =	vmul.f32 v13, v1;
	v17 =	vld.idx.msk [tilespmem:v4+s5+$0x0], $0xffff  }
0x1d9: {  	v7 =	vadd.f32 v7, v3;
	v10 =	vld.idx.msk [tilespmem:v10+s5+$0x0], $0xffff  }
0x1da: {  	v9 =	vadd.f32 v9, v12;
	v11 =	vadd.f32 v13, v11;
	v12 =	vmul.f32 v14, v2;
	v13 =	vld.idx.msk [tilespmem:v5+s5+$0x0], $0xffff  }
0x1db: {  	v7 =	vmax.f32 v7, $0.0e+00;
	v14 =	vld.idx.msk [tilespmem:v15+s5+$0x0], $0xffff  }
0x1dc: {  	[tilespmem:s7+$0xFFFFFF10] =	vst v7;
	v7 =	vadd.f32 v9, v3;
	v9 =	vadd.f32 v12, v11;
	v11 =	vld.idx.msk [tilespmem:v16+s5+$0x0], $0xffff  }
0x1dd: {  	v8 =	vmul.f32 v8, v0;
	v12 =	vld [tilespmem:s18+$0xFFFFFF20]  }
0x1de: {  	v17 =	vmul.f32 v17, v1;
	v15 =	vld [tilespmem:s10+$0xFFFFFF20];
	v7 =	vmax.f32 v7, $0.0e+00;
	v9 =	vadd.f32 v9, v3  }
0x1df: {  	v10 =	vmul.f32 v10, v0;
	[tilespmem:s7+$0xFFFFFF90] =	vst v7;
	v7 =	vld [tilespmem:s26+$0xA0]  }
0x1e0: {  	v8 =	vadd.f32 v17, v8;
	v13 =	vmul.f32 v13, v1;
	v18 =	vld [tilespmem:s18+$0xFFFFFFA0];
	v9 =	vmax.f32 v9, $0.0e+00  }
0x1e1: {  	v17 =	vld [tilespmem:s10+$0xFFFFFFA0];
	[tilespmem:s7+$0x10] =	vst v9  }
0x1e2: {  	v14 =	vmul.f32 v14, v0;
	v11 =	vmul.f32 v11, v1;
	v10 =	vadd.f32 v13, v10;
	v9 =	vld [tilespmem:s18+$0x20]  }
0x1e3: {  	v13 =	vld [tilespmem:s10+$0x20]  }
0x1e4: {  	v11 =	vadd.f32 v11, v14;
	v20 =	vld [tilespmem:s26+$0xFFFFFF20];
	v7 =	vmul.f32 v7, v2  }
0x1e5: {  	v12 =	vld.idx.msk [tilespmem:v12+s5+$0x0], $0xffff  }
0x1e6: {  	v14 =	vld.idx.msk [tilespmem:v15+s5+$0x0], $0xffff;
	[tilespmem:s12+$0xFFFFFF20] =	vst v15;
	v7 =	vadd.f32 v7, v11  }
0x1e7: {  	v11 =	vld [tilespmem:s26+$0xFFFFFFA0]  }
0x1e8: {  	v15 =	vld.idx.msk [tilespmem:v18+s5+$0x0], $0xffff;
	v7 =	vadd.f32 v7, v3  }
0x1e9: {  	v18 =	vmul.f32 v20, v2;
	v20 =	vld.idx.msk [tilespmem:v17+s5+$0x0], $0xffff;
	[tilespmem:s12+$0xFFFFFFA0] =	vst v17  }
0x1ea: {  	v9 =	vld.idx.msk [tilespmem:v9+s5+$0x0], $0xffff;
	v7 =	vmax.f32 v7, $0.0e+00;
	[tilespmem:s12+$0xA0] =	vst v16  }
0x1eb: {  	v12 =	vmul.f32 v12, v0;
	v16 =	vld.idx.msk [tilespmem:v13+s5+$0x0], $0xffff;
	[tilespmem:s7+$0xA0] =	vst v7  }
0x1ec: {  	v7 =	vmul.f32 v14, v1;
	v11 =	vmul.f32 v11, v2;
	v14 =	vld [tilespmem:s18+$0xB0]  }
0x1ed: {  	v17 =	vld [tilespmem:s10+$0xB0]  }
0x1ee: {  	v7 =	vadd.f32 v7, v12;
	v12 =	vmul.f32 v15, v0;
	v15 =	vld [tilespmem:s26+$0x20];
	[tilespmem:s12+$0x20] =	vst v13  }
0x1ef: {  	v13 =	vmul.f32 v20, v1;
	v6 =	vld.idx.msk [tilespmem:v6+s5+$0x0], $0xffff  }
0x1f0: {  	v7 =	vadd.f32 v18, v7;
	v9 =	vmul.f32 v9, v0;
	v18 =	vld.idx.msk [tilespmem:v19+s5+$0x0], $0xffff  }
0x1f1: {  	v12 =	vadd.f32 v13, v12;
	v13 =	vmul.f32 v16, v1;
	v16 =	vld [tilespmem:s14+$0xFFFFFF60];
	[tilespmem:s13+$0xFFFFFF60] =	vst v4  }
0x1f2: {  	v4 =	vadd.f32 v7, v3;
	v7 =	vld [tilespmem:s14+$0xFFFFFFE0];
	[tilespmem:s13+$0xFFFFFFE0] =	vst v5  }
0x1f3: {  	v5 =	vadd.f32 v11, v12;
	v9 =	vadd.f32 v13, v9;
	v11 =	vmul.f32 v15, v2;
	v12 =	vld [tilespmem:s14+$0x60];
	[tilespmem:s13+$0x60] =	vst v19  }
0x1f4: {  	v4 =	vmax.f32 v4, $0.0e+00;
	v13 =	vld.idx.msk [tilespmem:v14+s5+$0x0], $0xffff  }
0x1f5: {  	[tilespmem:s7+$0xFFFFFF20] =	vst v4;
	v4 =	vadd.f32 v5, v3;
	v5 =	vadd.f32 v11, v9;
	v9 =	vld.idx.msk [tilespmem:v17+s5+$0x0], $0xffff  }
0x1f6: {  	v6 =	vmul.f32 v6, v0;
	v14 =	vmul.f32 v18, v1;
	v11 =	vld [tilespmem:s18+$0xFFFFFF30]  }
0x1f7: {  	v16 =	vmul.f32 v16, v2;
	v15 =	vld [tilespmem:s10+$0xFFFFFF30];
	v4 =	vmax.f32 v4, $0.0e+00;
	v5 =	vadd.f32 v5, v3  }
0x1f8: {  	v7 =	vmul.f32 v7, v2;
	v6 =	vadd.f32 v14, v6;
	[tilespmem:s7+$0xFFFFFFA0] =	vst v4;
	v4 =	vld [tilespmem:s26+$0xB0];
	v12 =	vmul.f32 v12, v2  }
0x1f9: {  	v8 =	vadd.f32 v16, v8;
	v14 =	vld [tilespmem:s18+$0xFFFFFFB0];
	v5 =	vmax.f32 v5, $0.0e+00  }
0x1fa: {  	v16 =	vld [tilespmem:s10+$0xFFFFFFB0];
	[tilespmem:s7+$0x20] =	vst v5;
	v5 =	vadd.f32 v7, v10;
	v6 =	vadd.f32 v12, v6  }
0x1fb: {  	v10 =	vmul.f32 v13, v0;
	v9 =	vmul.f32 v9, v1;
	v8 =	vadd.f32 v8, v3;
	v7 =	vld [tilespmem:s18+$0x30]  }
0x1fc: {  	v12 =	vld [tilespmem:s10+$0x30];
	v5 =	vadd.f32 v5, v3;
	v6 =	vadd.f32 v6, v3  }
0x1fd: {  	v9 =	vadd.f32 v9, v10;
	v8 =	vmax.f32 v8, $0.0e+00;
	v13 =	vld [tilespmem:s26+$0xFFFFFF30];
	v4 =	vmul.f32 v4, v2  }
0x1fe: {  	v10 =	vld.idx.msk [tilespmem:v11+s5+$0x0], $0xffff;
	[tilespmem:s6+$0xFFFFFF60] =	vst v8;
	v5 =	vmax.f32 v5, $0.0e+00;
	v6 =	vmax.f32 v6, $0.0e+00  }
0x1ff: {  	v8 =	vld.idx.msk [tilespmem:v15+s5+$0x0], $0xffff;
	[tilespmem:s12+$0xFFFFFF30] =	vst v15;
	v4 =	vadd.f32 v4, v9  }
0x200: {  	v9 =	vld [tilespmem:s26+$0xFFFFFFB0];
	[tilespmem:s6+$0xFFFFFFE0] =	vst v5  }
0x201: {  	v5 =	vld.idx.msk [tilespmem:v14+s5+$0x0], $0xffff;
	v4 =	vadd.f32 v4, v3;
	[tilespmem:s6+$0x60] =	vst v6  }
0x202: {  	v6 =	vmul.f32 v13, v2;
	v11 =	vld.idx.msk [tilespmem:v16+s5+$0x0], $0xffff;
	[tilespmem:s12+$0xFFFFFFB0] =	vst v16  }
0x203: {  	v7 =	vld.idx.msk [tilespmem:v7+s5+$0x0], $0xffff;
	v4 =	vmax.f32 v4, $0.0e+00;
	[tilespmem:s12+$0xB0] =	vst v17  }
0x204: {  	v10 =	vmul.f32 v10, v0;
	v13 =	vld.idx.msk [tilespmem:v12+s5+$0x0], $0xffff;
	[tilespmem:s7+$0xB0] =	vst v4  }
0x205: {  	v4 =	vmul.f32 v8, v1;
	v8 =	vmul.f32 v9, v2;
	v14 =	vld [tilespmem:s18+$0xC0]  }
0x206: {  	v15 =	vld [tilespmem:s10+$0xC0]  }
0x207: {  	v4 =	vadd.f32 v4, v10;
	v5 =	vmul.f32 v5, v0;
	v9 =	vld [tilespmem:s26+$0x30];
	[tilespmem:s12+$0x30] =	vst v12  }
0x208: {  	v10 =	vmul.f32 v11, v1;
	v11 =	vld [tilespmem:s8+$0xFFFFFF70]  }
0x209: {  	v4 =	vadd.f32 v6, v4;
	v12 =	vmul.f32 v7, v0;
	v6 =	vld [tilespmem:s16+$0xFFFFFF70]  }
0x20a: {  	v5 =	vadd.f32 v10, v5;
	v10 =	vmul.f32 v13, v1;
	v13 =	vld [tilespmem:s8+$0xFFFFFFF0]  }
0x20b: {  	v4 =	vadd.f32 v4, v3;
	v7 =	vld [tilespmem:s16+$0xFFFFFFF0]  }
0x20c: {  	v5 =	vadd.f32 v8, v5;
	v8 =	vadd.f32 v10, v12;
	v10 =	vmul.f32 v9, v2;
	v9 =	vld [tilespmem:s8+$0x70];
	s8 =	smov.u32 s18  }
0x20d: {  	v4 =	vmax.f32 v4, $0.0e+00;
	v12 =	vld.idx.msk [tilespmem:v14+s5+$0x0], $0xffff  }
0x20e: {  	[tilespmem:s7+$0xFFFFFF30] =	vst v4;
	v4 =	vadd.f32 v5, v3;
	v5 =	vadd.f32 v10, v8;
	v8 =	vld.idx.msk [tilespmem:v15+s5+$0x0], $0xffff  }
0x20f: {  	v10 =	vld [tilespmem:s18+$0xFFFFFF40]  }
0x210: {  	v14 =	vld [tilespmem:s10+$0xFFFFFF40];
	v4 =	vmax.f32 v4, $0.0e+00;
	v5 =	vadd.f32 v5, v3  }
0x211: {  	[tilespmem:s7+$0xFFFFFFB0] =	vst v4;
	v4 =	vld [tilespmem:s26+$0xC0]  }
0x212: {  	v16 =	vld [tilespmem:s18+$0xFFFFFFC0];
	v5 =	vmax.f32 v5, $0.0e+00  }
0x213: {  	v17 =	vld [tilespmem:s10+$0xFFFFFFC0];
	[tilespmem:s7+$0x30] =	vst v5  }
0x214: {  	v12 =	vmul.f32 v12, v0;
	v8 =	vmul.f32 v8, v1;
	v5 =	vld [tilespmem:s18+$0x40]  }
0x215: {  	v18 =	vld [tilespmem:s10+$0x40]  }
0x216: {  	v8 =	vadd.f32 v8, v12;
	v19 =	vld [tilespmem:s26+$0xFFFFFF40];
	v4 =	vmul.f32 v4, v2  }
0x217: {  	v10 =	vld.idx.msk [tilespmem:v10+s5+$0x0], $0xffff  }
0x218: {  	v12 =	vld.idx.msk [tilespmem:v14+s5+$0x0], $0xffff;
	[tilespmem:s12+$0xFFFFFF40] =	vst v14;
	v4 =	vadd.f32 v4, v8  }
0x219: {  	v8 =	vld [tilespmem:s26+$0xFFFFFFC0]  }
0x21a: {  	v14 =	vld.idx.msk [tilespmem:v16+s5+$0x0], $0xffff;
	v4 =	vadd.f32 v4, v3  }
0x21b: {  	v16 =	vmul.f32 v19, v2;
	v19 =	vld.idx.msk [tilespmem:v17+s5+$0x0], $0xffff;
	[tilespmem:s12+$0xFFFFFFC0] =	vst v17  }
0x21c: {  	v5 =	vld.idx.msk [tilespmem:v5+s5+$0x0], $0xffff;
	v4 =	vmax.f32 v4, $0.0e+00;
	[tilespmem:s12+$0xC0] =	vst v15  }
0x21d: {  	v10 =	vmul.f32 v10, v0;
	v15 =	vld.idx.msk [tilespmem:v18+s5+$0x0], $0xffff;
	[tilespmem:s7+$0xC0] =	vst v4  }
0x21e: {  	v4 =	vmul.f32 v12, v1;
	v8 =	vmul.f32 v8, v2;
	v12 =	vld [tilespmem:s18+$0xD0]  }
0x21f: {  	v17 =	vld [tilespmem:s10+$0xD0]  }
0x220: {  	v4 =	vadd.f32 v4, v10;
	v10 =	vmul.f32 v14, v0;
	v14 =	vld [tilespmem:s26+$0x40];
	[tilespmem:s12+$0x40] =	vst v18  }
0x221: {  	v18 =	vmul.f32 v19, v1;
	v19 =	vld [tilespmem:s16+$0x70];
	s16 =	smov.u32 s10  }
0x222: {  	v4 =	vadd.f32 v16, v4;
	v5 =	vmul.f32 v5, v0;
	v11 =	vld.idx.msk [tilespmem:v11+s5+$0x0], $0xffff  }
0x223: {  	v10 =	vadd.f32 v18, v10;
	v15 =	vmul.f32 v15, v1;
	v16 =	vld.idx.msk [tilespmem:v6+s5+$0x0], $0xffff  }
0x224: {  	v4 =	vadd.f32 v4, v3;
	v13 =	vld.idx.msk [tilespmem:v13+s5+$0x0], $0xffff  }
0x225: {  	v8 =	vadd.f32 v8, v10;
	v5 =	vadd.f32 v15, v5;
	v10 =	vmul.f32 v14, v2;
	v14 =	vld.idx.msk [tilespmem:v7+s5+$0x0], $0xffff  }
0x226: {  	v4 =	vmax.f32 v4, $0.0e+00;
	v12 =	vld.idx.msk [tilespmem:v12+s5+$0x0], $0xffff  }
0x227: {  	[tilespmem:s7+$0xFFFFFF40] =	vst v4;
	v4 =	vadd.f32 v8, v3;
	v5 =	vadd.f32 v10, v5;
	v8 =	vld.idx.msk [tilespmem:v17+s5+$0x0], $0xffff  }
0x228: {  	v11 =	vmul.f32 v11, v0;
	v10 =	vld [tilespmem:s18+$0xFFFFFF50]  }
0x229: {  	v16 =	vmul.f32 v16, v1;
	v15 =	vld [tilespmem:s10+$0xFFFFFF50];
	v4 =	vmax.f32 v4, $0.0e+00;
	v5 =	vadd.f32 v5, v3  }
0x22a: {  	v13 =	vmul.f32 v13, v0;
	[tilespmem:s7+$0xFFFFFFC0] =	vst v4;
	v18 =	vld [tilespmem:s26+$0xD0]  }
0x22b: {  	v4 =	vadd.f32 v16, v11;
	v11 =	vmul.f32 v14, v1;
	v20 =	vld [tilespmem:s18+$0xFFFFFFD0];
	v5 =	vmax.f32 v5, $0.0e+00  }
0x22c: {  	v14 =	vld [tilespmem:s10+$0xFFFFFFD0];
	[tilespmem:s7+$0x40] =	vst v5  }
0x22d: {  	v12 =	vmul.f32 v12, v0;
	v8 =	vmul.f32 v8, v1;
	v5 =	vadd.f32 v11, v13;
	v16 =	vld [tilespmem:s18+$0x50]  }
0x22e: {  	v11 =	vld [tilespmem:s10+$0x50]  }
0x22f: {  	v8 =	vadd.f32 v8, v12;
	v13 =	vld [tilespmem:s26+$0xFFFFFF50];
	v12 =	vmul.f32 v18, v2  }
0x230: {  	v10 =	vld.idx.msk [tilespmem:v10+s5+$0x0], $0xffff  }
0x231: {  	v18 =	vld.idx.msk [tilespmem:v15+s5+$0x0], $0xffff;
	[tilespmem:s12+$0xFFFFFF50] =	vst v15;
	v8 =	vadd.f32 v12, v8  }
0x232: {  	v12 =	vld [tilespmem:s26+$0xFFFFFFD0]  }
0x233: {  	v15 =	vld.idx.msk [tilespmem:v20+s5+$0x0], $0xffff;
	v8 =	vadd.f32 v8, v3  }
0x234: {  	v13 =	vmul.f32 v13, v2;
	v20 =	vld.idx.msk [tilespmem:v14+s5+$0x0], $0xffff;
	[tilespmem:s12+$0xFFFFFFD0] =	vst v14  }
0x235: {  	v14 =	vld.idx.msk [tilespmem:v16+s5+$0x0], $0xffff;
	v8 =	vmax.f32 v8, $0.0e+00;
	[tilespmem:s12+$0xD0] =	vst v17  }
0x236: {  	v10 =	vmul.f32 v10, v0;
	v16 =	vld.idx.msk [tilespmem:v11+s5+$0x0], $0xffff;
	[tilespmem:s7+$0xD0] =	vst v8  }
0x237: {  	v17 =	vmul.f32 v18, v1;
	v18 =	vmul.f32 v12, v2;
	v21 =	vld [tilespmem:s18+$0xE0]  }
0x238: {  	v8 =	vld [tilespmem:s10+$0xE0]  }
0x239: {  	v10 =	vadd.f32 v17, v10;
	v15 =	vmul.f32 v15, v0;
	v17 =	vld [tilespmem:s26+$0x50];
	[tilespmem:s12+$0x50] =	vst v11  }
0x23a: {  	v20 =	vmul.f32 v20, v1;
	v11 =	vld.idx.msk [tilespmem:v9+s5+$0x0], $0xffff  }
0x23b: {  	v9 =	vadd.f32 v13, v10;
	v10 =	vmul.f32 v14, v0;
	v12 =	vld.idx.msk [tilespmem:v19+s5+$0x0], $0xffff  }
.Ltmp0:
0x23c: {  	v14 =	vadd.f32 v20, v15;
	v15 =	vmul.f32 v16, v1;
	v13 =	vld [tilespmem:s14+$0xFFFFFF70];
	[tilespmem:s13+$0xFFFFFF70] =	vst v6;
	(pc) =	sbr.rel @p2 .LBB2_3-.Ltmp0, $4  }
0x23d: {  	v9 =	vadd.f32 v9, v3;
	v6 =	vld [tilespmem:s14+$0xFFFFFFF0];
	[tilespmem:s13+$0xFFFFFFF0] =	vst v7  }
0x23e: {  	v14 =	vadd.f32 v18, v14;
	v10 =	vadd.f32 v15, v10;
	v15 =	vmul.f32 v17, v2;
	v7 =	vld [tilespmem:s14+$0x70];
	[tilespmem:s13+$0x70] =	vst v19;
	s14 =	smov.u32 s26;
	s13 =	smov.u32 s12  }
0x23f: {  	v16 =	vmax.f32 v9, $0.0e+00;
	v9 =	vld.idx.msk [tilespmem:v21+s5+$0x0], $0xffff  }
0x240: {  	s18 =	sadd.s32 $0x200, s18;
	v14 =	vadd.f32 v14, v3;
	[tilespmem:s7+$0xFFFFFF50] =	vst v16;
	v15 =	vadd.f32 v15, v10;
	v10 =	vld.idx.msk [tilespmem:v8+s5+$0x0], $0xffff  }
0x241: {  	v16 =	vld [tilespmem:s26+$0xE0]  }
0x242: {  	v17 =	vld [tilespmem:s8+$0xFFFFFF60]  }
0x243: {  	v25 =	vld [tilespmem:s16+$0xFFFFFF60];
	v14 =	vmax.f32 v14, $0.0e+00;
	v15 =	vadd.f32 v15, v3  }
0x244: {  	v21 =	vld [tilespmem:s14+$0xFFFFFF60];
	[tilespmem:s7+$0xFFFFFFD0] =	vst v14  }
0x245: {  	v15 =	vmax.f32 v15, $0.0e+00;
	v18 =	vld [tilespmem:s8+$0xFFFFFFE0]  }
0x246: {  	v26 =	vld [tilespmem:s16+$0xFFFFFFE0];
	[tilespmem:s7+$0x50] =	vst v15  }
0x247: {  	v9 =	vmul.f32 v9, v0;
	v10 =	vmul.f32 v10, v1;
	v19 =	vld [tilespmem:s8+$0x60]  }
0x248: {  	v20 =	vld [tilespmem:s16+$0x60]  }
0x249: {  	v33 =	vld [tilespmem:s14+$0xFFFFFFE0];
	v27 =	vmul.f32 v16, v2;
	v9 =	vadd.f32 v10, v9  }
0x24a: {  	v28 =	vld.idx.msk [tilespmem:v17+s5+$0x0], $0xffff  }
0x24b: {  	v29 =	vld.idx.msk [tilespmem:v25+s5+$0x0], $0xffff;
	v9 =	vadd.f32 v27, v9  }
0x24c: {  	v23 =	vld [tilespmem:s14+$0x60]  }
0x24d: {  	v9 =	vadd.f32 v9, v3;
	v30 =	vld.idx.msk [tilespmem:v18+s5+$0x0], $0xffff  }
0x24e: {  	v31 =	vld.idx.msk [tilespmem:v26+s5+$0x0], $0xffff  }
0x24f: {  	[tilespmem:s12+$0xE0] =	vst v8;
	v9 =	vmax.f32 v9, $0.0e+00;
	v19 =	vld.idx.msk [tilespmem:v19+s5+$0x0], $0xffff  }
0x250: {  	v32 =	vld.idx.msk [tilespmem:v20+s5+$0x0], $0xffff;
	[tilespmem:s7+$0xE0] =	vst v9;
	v16 =	vmul.f32 v28, v0;
	v17 =	vmul.f32 v29, v1  }
0x251: {  	v22 =	vld [tilespmem:s8+$0xF0]  }
0x252: {  	v35 =	vmul.f32 v21, v2;
	v38 =	vld [tilespmem:s16+$0xF0];
	v16 =	vadd.f32 v17, v16  }
0x253: {  	v10 =	vmul.f32 v30, v0;
	v34 =	vmul.f32 v31, v1  }
0x254: {  	v9 =	vmul.f32 v33, v2;
	v16 =	vadd.f32 v35, v16  }
0x255: {  	v19 =	vmul.f32 v19, v0;
	v8 =	vmul.f32 v32, v1;
	v10 =	vadd.f32 v34, v10  }
0x256: {  	v37 =	vadd.f32 v16, v3  }
0x257: {  	v36 =	vmul.f32 v23, v2;
	v8 =	vadd.f32 v8, v19;
	v9 =	vadd.f32 v9, v10  }
0x258: {  	v45 =	vld [tilespmem:s14+$0xF0]  }
0x259: {  	[tilespmem:s13+$0xFFFFFF60] =	vst v25;
	v10 =	vmax.f32 v37, $0.0e+00;
	v8 =	vadd.f32 v36, v8;
	v9 =	vadd.f32 v9, v3;
	v39 =	vld.idx.msk [tilespmem:v22+s5+$0x0], $0xffff  }
0x25a: {  	[tilespmem:s7+$0xFFFFFF60] =	vst v10;
	v44 =	vld.idx.msk [tilespmem:v38+s5+$0x0], $0xffff  }
0x25b: {  	[tilespmem:s13+$0xFFFFFFE0] =	vst v26;
	v10 =	vld [tilespmem:s8+$0xFFFFFF70];
	v8 =	vadd.f32 v8, v3;
	v9 =	vmax.f32 v9, $0.0e+00  }
0x25c: {  	v40 =	vld [tilespmem:s16+$0xFFFFFF70];
	[tilespmem:s7+$0xFFFFFFE0] =	vst v9  }
0x25d: {  	[tilespmem:s13+$0x60] =	vst v20;
	v8 =	vmax.f32 v8, $0.0e+00;
	v15 =	vld [tilespmem:s8+$0xFFFFFFF0]  }
0x25e: {  	v41 =	vld [tilespmem:s16+$0xFFFFFFF0];
	[tilespmem:s7+$0x60] =	vst v8  }
0x25f: {  	v42 =	vld [tilespmem:s8+$0x70]  }
0x260: {  	v43 =	vld [tilespmem:s16+$0x70]  }
0x261: {  	v55 =	vld [tilespmem:s14+$0xFFFFFF70]  }
0x262: {  	v11 =	vmul.f32 v11, v0;
	v56 =	vld [tilespmem:s14+$0xFFFFFFF0]  }
0x263: {  	v12 =	vmul.f32 v12, v1;
	v13 =	vmul.f32 v13, v2;
	v10 =	vld.idx.msk [tilespmem:v10+s5+$0x0], $0xffff  }
0x264: {  	v6 =	vmul.f32 v6, v2;
	v46 =	vld.idx.msk [tilespmem:v40+s5+$0x0], $0xffff  }
0x265: {  	v7 =	vmul.f32 v7, v2;
	v11 =	vadd.f32 v12, v11;
	v4 =	vadd.f32 v13, v4;
	v15 =	vld.idx.msk [tilespmem:v15+s5+$0x0], $0xffff  }
0x266: {  	v5 =	vadd.f32 v6, v5;
	v47 =	vmul.f32 v39, v0;
	v48 =	vmul.f32 v44, v1;
	v49 =	vld.idx.msk [tilespmem:v41+s5+$0x0], $0xffff  }
0x267: {  	v7 =	vadd.f32 v7, v11;
	v4 =	vadd.f32 v4, v3;
	v50 =	vld.idx.msk [tilespmem:v42+s5+$0x0], $0xffff  }
0x268: {  	v5 =	vadd.f32 v5, v3;
	v52 =	vmul.f32 v45, v2;
	v51 =	vadd.f32 v48, v47;
	v53 =	vld.idx.msk [tilespmem:v43+s5+$0x0], $0xffff  }
0x269: {  	v7 =	vadd.f32 v7, v3;
	v4 =	vmax.f32 v4, $0.0e+00;
	v57 =	vld [tilespmem:s14+$0x70]  }
0x26a: {  	v5 =	vmax.f32 v5, $0.0e+00;
	v60 =	vmul.f32 v55, v2;
	v11 =	vadd.f32 v52, v51  }
0x26b: {  	[tilespmem:s6+$0xFFFFFFF0] =	vst v5;
	v5 =	vmax.f32 v7, $0.0e+00;
	v10 =	vmul.f32 v10, v0;
	v54 =	vmul.f32 v46, v1  }
0x26c: {  	[tilespmem:s6+$0xFFFFFF70] =	vst v4;
	v4 =	vadd.f32 v11, v3;
	v15 =	vmul.f32 v15, v0;
	v58 =	vmul.f32 v49, v1  }
0x26d: {  	v10 =	vadd.f32 v54, v10;
	v6 =	vmul.f32 v50, v0;
	v59 =	vmul.f32 v53, v1  }
0x26e: {  	[tilespmem:s6+$0x70] =	vst v5;
	v61 =	vmul.f32 v56, v2;
	v62 =	vmul.f32 v57, v2;
	v5 =	vadd.f32 v58, v15  }
0x26f: {  	[tilespmem:s13+$0xF0] =	vst v38;
	v4 =	vmax.f32 v4, $0.0e+00;
	v10 =	vadd.f32 v60, v10;
	v6 =	vadd.f32 v59, v6  }
0x270: {  	[tilespmem:s7+$0xF0] =	vst v4;
	v4 =	vadd.f32 v61, v5  }
0x271: {  	[tilespmem:s13+$0xFFFFFF70] =	vst v40;
	v63 =	vadd.f32 v10, v3;
	v5 =	vadd.f32 v62, v6  }
0x272: {  	[tilespmem:s13+$0xFFFFFFF0] =	vst v41;
	v4 =	vadd.f32 v4, v3  }
0x273: {  	[tilespmem:s13+$0x70] =	vst v43;
	v6 =	vmax.f32 v63, $0.0e+00;
	v5 =	vadd.f32 v5, v3  }
0x274: {  	[tilespmem:s7+$0xFFFFFF70] =	vst v6;
	v4 =	vmax.f32 v4, $0.0e+00  }
0x275: {  	[tilespmem:s7+$0xFFFFFFF0] =	vst v4;
	v5 =	vmax.f32 v5, $0.0e+00  }
0x276: {  	s18 =	sadd.s32 $0x1C700, s29;
	s26 =	sadd.s32 $0x1B700, s29;
	s8 =	sor.u32 $0x2, s30;
	[tilespmem:s7+$0x70] =	vst v5  }
0x277: {  	[spmem:s4] =	stream.indirect.scatter.add.f32 [tilespmem:s18], [sflag:s8], $0x1, s26, s24, $0xb8;
	[tilespmem:$0x1F180] =	vst v63  }
0x278: {  	s10 =	sadd.s32 $0x1B780, s29;
	s7 =	sadd.s32 $0x1C780, s29  }
0x279: {  	[spmem:s4] =	stream.indirect.scatter.add.f32 [tilespmem:s7], [sflag:s8], $0x1, s10, s24, $0xb8;
	[tilespmem:$0x1F180] =	vst v63  }
0x27a: {  	s12 =	sadd.s32 $0x1C800, s29;
	s13 =	sadd.s32 $0x1B800, s29  }
0x27b: {  	[spmem:s4] =	stream.indirect.scatter.add.f32 [tilespmem:s12], [sflag:s8], $0x1, s13, s24, $0xb8;
	[tilespmem:$0x1F180] =	vst v63  }
0x27c: {  	s14 =	sadd.s32 $0x1C880, s29;
	s16 =	sadd.s32 $0x1B880, s29  }
0x27d: {  	[spmem:s4] =	stream.indirect.scatter.add.f32 [tilespmem:s14], [sflag:s8], $0x1, s16, s24, $0xb8;
	[tilespmem:$0x1F180] =	vst v63  }
0x27e: {  	s17 =	sadd.s32 $0x1C900, s29;
	s18 =	sadd.s32 $0x1B900, s29  }
0x27f: {  	[spmem:s4] =	stream.indirect.scatter.add.f32 [tilespmem:s17], [sflag:s8], $0x1, s18, s24, $0xb8;
	[tilespmem:$0x1F180] =	vst v63  }
0x280: {  	s30 =	sadd.s32 $0x1B980, s29;
	s26 =	sadd.s32 $0x1C980, s29  }
0x281: {  	[spmem:s4] =	stream.indirect.scatter.add.f32 [tilespmem:s26], [sflag:s8], $0x1, s30, s24, $0xb8;
	[tilespmem:$0x1F180] =	vst v63  }
0x282: {  	s7 =	sadd.s32 $0x1CA00, s29;
	s10 =	sadd.s32 $0x1BA00, s29  }
0x283: {  	[spmem:s4] =	stream.indirect.scatter.add.f32 [tilespmem:s7], [sflag:s8], $0x1, s10, s24, $0xb8;
	[tilespmem:$0x1F180] =	vst v63  }
0x284: {  	s12 =	sadd.s32 $0x1CA80, s29;
	s13 =	sadd.s32 $0x1BA80, s29  }
0x285: {  	[spmem:s4] =	stream.indirect.scatter.add.f32 [tilespmem:s12], [sflag:s8], $0x1, s13, s24, $0xb8;
	[tilespmem:$0x1F180] =	vst v63  }
0x286: {  	s14 =	sadd.s32 $0x1CB00, s29;
	s16 =	sadd.s32 $0x1BB00, s29  }
0x287: {  	[spmem:s4] =	stream.indirect.scatter.add.f32 [tilespmem:s14], [sflag:s8], $0x1, s16, s24, $0xb8;
	[tilespmem:$0x1F180] =	vst v63  }
0x288: {  	s17 =	sadd.s32 $0x1CB80, s29;
	s18 =	sadd.s32 $0x1BB80, s29  }
0x289: {  	[spmem:s4] =	stream.indirect.scatter.add.f32 [tilespmem:s17], [sflag:s8], $0x1, s18, s24, $0xb8;
	[tilespmem:$0x1F180] =	vst v63  }
0x28a: {  	s26 =	sadd.s32 $0x1CC00, s29;
	s30 =	sadd.s32 $0x1BC00, s29  }
0x28b: {  	[spmem:s4] =	stream.indirect.scatter.add.f32 [tilespmem:s26], [sflag:s8], $0x1, s30, s24, $0xb8;
	[tilespmem:$0x1F180] =	vst v63  }
0x28c: {  	s7 =	sadd.s32 $0x1CC80, s29;
	s10 =	sadd.s32 $0x1BC80, s29  }
0x28d: {  	[spmem:s4] =	stream.indirect.scatter.add.f32 [tilespmem:s7], [sflag:s8], $0x1, s10, s24, $0xb8;
	[tilespmem:$0x1F180] =	vst v63  }
0x28e: {  	s12 =	sadd.s32 $0x1CD00, s29;
	s13 =	sadd.s32 $0x1BD00, s29  }
0x28f: {  	[spmem:s4] =	stream.indirect.scatter.add.f32 [tilespmem:s12], [sflag:s8], $0x1, s13, s24, $0xb8;
	[tilespmem:$0x1F180] =	vst v63  }
0x290: {  	p2 =	sne.s32 s28, s9;
	s14 =	sadd.s32 $0x1CD80, s29;
	s16 =	sadd.s32 $0x1BD80, s29  }
0x291: {  	[spmem:s4] =	stream.indirect.scatter.add.f32 [tilespmem:s14], [sflag:s8], $0x1, s16, s24, $0xb8;
	[tilespmem:$0x1F180] =	vst v63  }
.Ltmp1:
0x292: {  	_ = 	snop;
	(pc) =	sbr.rel @p2 .LBB2_2-.Ltmp1, $4  }
0x293: {  	s17 =	sadd.s32 $0x1CE00, s29;
	s18 =	sadd.s32 $0x1BE00, s29  }
0x294: {  	[spmem:s4] =	stream.indirect.scatter.add.f32 [tilespmem:s17], [sflag:s8], $0x1, s18, s24, $0xb8;
	[tilespmem:$0x1F180] =	vst v63  }
0x295: {  	p1 =	por !p1, !p1;
	s26 =	sadd.s32 $0x1CE80, s29;
	s30 =	sadd.s32 $0x1BE80, s29  }
0x296: {  	[spmem:s4] =	stream.indirect.scatter.add.f32 [tilespmem:s26], [sflag:s8], $0x1, s30, s24, $0xb8;
	[tilespmem:$0x1F180] =	vst v63  }
0x297: {  	_ =	swait.ge [sflag:s0], $0x80  }
0x298: {  	[sflag:s0] =	ssyncset.done $0x0  }
0x299: {  	[sflag:s0] =	ssyncadd.s32 $0xFFFFFF80  }
0x29a: {  	_ =	swait.ge [sflag:s0], $0x80  }
0x29b: {  	[sflag:s0] =	ssyncset.done $0x0  }
0x29c: {  	[sflag:s0] =	ssyncadd.s32 $0xFFFFFF80  }
0x29d: {  	_ =	swait.ge [sflag:s0], $0x80  }
0x29e: {  	[sflag:s0] =	ssyncset.done $0x0  }
0x29f: {  	[sflag:s0] =	ssyncadd.s32 $0xFFFFFF80  }
0x2a0: {  	_ =	swait.ge [sflag:s0], $0x80  }
0x2a1: {  	[sflag:s0] =	ssyncset.done $0x0  }
0x2a2: {  	[sflag:s0] =	ssyncadd.s32 $0xFFFFFF80  }
0x2a3: {  	_ =	swait.ge [sflag:s0], $0x80  }
0x2a4: {  	[sflag:s0] =	ssyncset.done $0x0  }
0x2a5: {  	[sflag:s0] =	ssyncadd.s32 $0xFFFFFF80  }
0x2a6: {  	_ =	swait.ge [sflag:s0], $0x80  }
0x2a7: {  	[sflag:s0] =	ssyncset.done $0x0  }
0x2a8: {  	[sflag:s0] =	ssyncadd.s32 $0xFFFFFF80  }
0x2a9: {  	_ =	swait.ge [sflag:s0], $0x80  }
0x2aa: {  	[sflag:s0] =	ssyncset.done $0x0  }
0x2ab: {  	[sflag:s0] =	ssyncadd.s32 $0xFFFFFF80  }
0x2ac: {  	_ =	swait.ge [sflag:s0], $0x80  }
0x2ad: {  	[sflag:s0] =	ssyncset.done $0x0  }
0x2ae: {  	[sflag:s0] =	ssyncadd.s32 $0xFFFFFF80  }
0x2af: {  	_ =	swait.ge [sflag:s0], $0x80  }
0x2b0: {  	[sflag:s0] =	ssyncset.done $0x0  }
0x2b1: {  	[sflag:s0] =	ssyncadd.s32 $0xFFFFFF80  }
0x2b2: {  	_ =	swait.ge [sflag:s0], $0x80  }
0x2b3: {  	[sflag:s0] =	ssyncset.done $0x0  }
0x2b4: {  	[sflag:s0] =	ssyncadd.s32 $0xFFFFFF80  }
0x2b5: {  	_ =	swait.ge [sflag:s0], $0x80  }
0x2b6: {  	[sflag:s0] =	ssyncset.done $0x0  }
0x2b7: {  	[sflag:s0] =	ssyncadd.s32 $0xFFFFFF80  }
0x2b8: {  	_ =	swait.ge [sflag:s0], $0x80  }
0x2b9: {  	[sflag:s0] =	ssyncset.done $0x0  }
0x2ba: {  	[sflag:s0] =	ssyncadd.s32 $0xFFFFFF80  }
0x2bb: {  	_ =	swait.ge [sflag:s0], $0x80  }
0x2bc: {  	[sflag:s0] =	ssyncset.done $0x0  }
0x2bd: {  	[sflag:s0] =	ssyncadd.s32 $0xFFFFFF80  }
0x2be: {  	_ =	swait.ge [sflag:s0], $0x80  }
0x2bf: {  	[sflag:s0] =	ssyncset.done $0x0  }
0x2c0: {  	[sflag:s0] =	ssyncadd.s32 $0xFFFFFF80  }
0x2c1: {  	_ =	swait.ge [sflag:s0], $0x80  }
0x2c2: {  	[sflag:s0] =	ssyncset.done $0x0  }
0x2c3: {  	[sflag:s0] =	ssyncadd.s32 $0xFFFFFF80  }
0x2c4: {  	_ =	swait.ge [sflag:s0], $0x80  }
0x2c5: {  	[sflag:s0] =	ssyncset.done $0x0  }
0x2c6: {  	[sflag:s0] =	ssyncadd.s32 $0xFFFFFF80  }
0x2c7: {  	_ =	swait.ge [sflag:s2], $0x80  }
0x2c8: {  	[sflag:s2] =	ssyncset.done $0x0  }
0x2c9: {  	[sflag:s2] =	ssyncadd.s32 $0xFFFFFF80  }
0x2ca: {  	_ =	swait.ge [sflag:s2], $0x80  }
0x2cb: {  	[sflag:s2] =	ssyncset.done $0x0  }
0x2cc: {  	[sflag:s2] =	ssyncadd.s32 $0xFFFFFF80  }
0x2cd: {  	_ =	swait.ge [sflag:s2], $0x80  }
0x2ce: {  	[sflag:s2] =	ssyncset.done $0x0  }
0x2cf: {  	[sflag:s2] =	ssyncadd.s32 $0xFFFFFF80  }
0x2d0: {  	_ =	swait.ge [sflag:s2], $0x80  }
0x2d1: {  	[sflag:s2] =	ssyncset.done $0x0  }
0x2d2: {  	[sflag:s2] =	ssyncadd.s32 $0xFFFFFF80  }
0x2d3: {  	_ =	swait.ge [sflag:s2], $0x80  }
0x2d4: {  	[sflag:s2] =	ssyncset.done $0x0  }
0x2d5: {  	[sflag:s2] =	ssyncadd.s32 $0xFFFFFF80  }
0x2d6: {  	_ =	swait.ge [sflag:s2], $0x80  }
0x2d7: {  	[sflag:s2] =	ssyncset.done $0x0  }
0x2d8: {  	[sflag:s2] =	ssyncadd.s32 $0xFFFFFF80  }
0x2d9: {  	_ =	swait.ge [sflag:s2], $0x80  }
0x2da: {  	[sflag:s2] =	ssyncset.done $0x0  }
0x2db: {  	[sflag:s2] =	ssyncadd.s32 $0xFFFFFF80  }
0x2dc: {  	_ =	swait.ge [sflag:s2], $0x80  }
0x2dd: {  	[sflag:s2] =	ssyncset.done $0x0  }
0x2de: {  	[sflag:s2] =	ssyncadd.s32 $0xFFFFFF80  }
0x2df: {  	_ =	swait.ge [sflag:s2], $0x80  }
0x2e0: {  	[sflag:s2] =	ssyncset.done $0x0  }
0x2e1: {  	[sflag:s2] =	ssyncadd.s32 $0xFFFFFF80  }
0x2e2: {  	_ =	swait.ge [sflag:s2], $0x80  }
0x2e3: {  	[sflag:s2] =	ssyncset.done $0x0  }
0x2e4: {  	[sflag:s2] =	ssyncadd.s32 $0xFFFFFF80  }
0x2e5: {  	_ =	swait.ge [sflag:s2], $0x80  }
0x2e6: {  	[sflag:s2] =	ssyncset.done $0x0  }
0x2e7: {  	[sflag:s2] =	ssyncadd.s32 $0xFFFFFF80  }
0x2e8: {  	_ =	swait.ge [sflag:s2], $0x80  }
0x2e9: {  	[sflag:s2] =	ssyncset.done $0x0  }
0x2ea: {  	[sflag:s2] =	ssyncadd.s32 $0xFFFFFF80  }
0x2eb: {  	_ =	swait.ge [sflag:s2], $0x80  }
0x2ec: {  	[sflag:s2] =	ssyncset.done $0x0  }
0x2ed: {  	[sflag:s2] =	ssyncadd.s32 $0xFFFFFF80  }
0x2ee: {  	_ =	swait.ge [sflag:s2], $0x80  }
0x2ef: {  	[sflag:s2] =	ssyncset.done $0x0  }
0x2f0: {  	[sflag:s2] =	ssyncadd.s32 $0xFFFFFF80  }
0x2f1: {  	_ =	swait.ge [sflag:s2], $0x80  }
0x2f2: {  	[sflag:s2] =	ssyncset.done $0x0  }
0x2f3: {  	[sflag:s2] =	ssyncadd.s32 $0xFFFFFF80  }
0x2f4: {  	_ =	swait.ge [sflag:s2], $0x80  }
0x2f5: {  	[sflag:s2] =	ssyncset.done $0x0  }
0x2f6: {  	[sflag:s2] =	ssyncadd.s32 $0xFFFFFF80  }
0x2f7: {  	s6 =	simm.s32 @p0 $0x1;
	s7 =	simm.s32 @p0 $0x20;
	[bflag:$0x0] =	sbarrier.arrive $0xFFFF  }
0x2f8: {  	s8 =	simm.s32 @p0 $0x10;
	s10 =	simm.s32 @p0 $0x1FC4;
	s12 =	rddreg [dreg:$0xd]  }
0x2f9: {  	[hbm:s12@s7], [sflag:s10] =	dma.strided @p0 [spmem:s19@s8], $0x220, s6, $0x10   }
0x2fa: {  	s6 =	simm.s32 @p0 $0x4  }
0x2fb: {  	_ =	swait.ge @p0 [sflag:s6], $0x220  }
0x2fc: {  	s7 =	simm.s32 @!p0 $0x20;
	s8 =	simm.s32 @!p0 $0x10;
	[sflag:s6] =	ssyncset.done @p0 $0x0  }
0x2fd: {  	s10 =	rddreg [dreg:$0xc];
	[sflag:s6] =	ssyncadd.s32 @p0 $0xFFFFFDE0;
	s6 =	simm.s32 @!p0 $0x1  }
0x2fe: {  	[hbm:s10@s7], [sflag:s20] =	dma.strided @!p0 [spmem:s25@s8], $0x320, s6, $0x10   }
0x2ff: {  	s6 =	simm.s32 @!p0 $0x4  }
0x300: {  	_ =	swait.ge @!p0 [sflag:s6], $0x320  }
0x301: {  	s23 =	sadd.s32 $0x1, s23;
	s30 =	rddreg [dreg:$0xe]  }
0x302: {  	p1 =	sne.s32 s23, s30  }
.Ltmp2:
0x303: {  	_ = 	snop;
	(pc) =	sbr.rel @p1 .LBB2_1-.Ltmp2, $3  }
0x304: {  	_ =	sdelay $0x1  }
0x305: {  	[sflag:s6] =	ssyncset.done @!p0 $0x0  }
0x306: {  	[sflag:s6] =	ssyncadd.s32 @!p0 $0xFFFFFCE0  }
0x307: {  	_ =	sfence.sel $0x180000  }
0x308: {  	[bflag:$0x0] =	sbarrier.arrive $0xFFFF  }
0x309: {  	_ =	strace $0x90000047  }
0x30a: {  	s0 =	stileid.u32;
	[bflag:$0x2] =	sbarrier.arrive $0xFFFF  }
0x30b: {  	p0 =	sne.s32 s0, $0x0;
	s0 =	rddreg [dreg:$0x4]  }
0x30c: {  	s0 =	sadd.s32 @!p0 $0x100000, s0  }
0x30d: {  	[sflag:s0] =	ssyncadd.tile.s32 @!p0 $0x1;
	_ =	shalt  }
.Lfunc_end2:
_tile_overlayer_lowered:
.L_overlay_start_2:
0x30e: {  	(tag) =	ssettag $0x2  }
0x30f: {  	s0 =	rddreg [dreg:$0x0];
	s2 =	stileid.u32  }
0x310: {  	s1 =	rddreg [dreg:$0x1];
	p0 =	sne.s32 s2, $0x0  }
0x311: {  	s3 =	rddreg [dreg:$0x2];
	[bflag:$0x3] =	sbarrier.arrive $0xFFFF;
	s2 =	simm.s32 @!p0 $0x1C04  }
0x312: {  	[timem:s3], [sflag:s2] =	dma.local @!p0 [hbm:s0], s1  }
0x313: {  	s0 =	simm.s32 @!p0 $0x4  }
0x314: {  	_ =	swait.ge @!p0 [sflag:s0], s1  }
0x315: {  	s1 =	ssub.s32 @!p0 $0x0, s1;
	[sflag:s0] =	ssyncset.done @!p0 $0x0  }
0x316: {  	[sflag:s0] =	ssyncadd.s32 @!p0 s1  }
0x317: {  	[bflag:$0x3] =	sbarrier.arrive $0xFFFF  }
0x318: {  	_ =	shalt  }

</sc_bundles>
